<compile_context>
chip_gen: v7x
topology: tpu7x:2x2x1
jax: 0.10.2.dev20260603
libtpu: 0.0.44.dev20260713+nightly
codegen_flags: <defaults>
</compile_context>

<pallas_src>
import functools

import jax
import jax.numpy as jnp
from jax import lax
from jax.experimental import pallas as pl
from jax.experimental.pallas import tpu as pltpu
from jax.experimental.pallas import tpu_sc as plsc

NC = 2
NS = 16
K = 128
HP = jax.lax.Precision.HIGHEST
SC_PARAMS = pltpu.CompilerParams(
    needs_layout_passes=False, use_tc_tiling_on_sc=False)


def _cdiv(a, b):
    return (a + b - 1) // b


def _prep1_body(x_ref, cs_ref, cd_ref, recs_ref, drecs_ref, init_ref):
    xb = x_ref[...]
    cs = cs_ref[...]
    cd = cd_ref[...]
    x0 = xb[:, 0:1]
    x1 = xb[:, 1:2]
    asrc = x0 * cs[0:1, :] + x1 * cs[1:2, :]
    adst = x0 * cd[0:1, :] + x1 * cd[1:2, :]
    ps = jnp.exp(asrc)
    qs = jnp.exp(0.2 * asrc)
    pd = jnp.exp(adst)
    qd = jnp.exp(0.2 * adst)
    z6 = jnp.zeros((xb.shape[0], 6), jnp.float32)
    recs_ref[...] = jnp.concatenate([ps, qs, xb, z6], axis=1)
    drecs_ref[...] = jnp.concatenate([pd, qd], axis=1)
    e = asrc + adst
    ex = jnp.exp(jnp.maximum(e, 0.2 * e))
    z4 = jnp.zeros_like(asrc)
    init_ref[...] = jnp.concatenate([ex * x0, ex * x1, ex, z4], axis=1)


def _prep1(x_p, cs, cd, NPAD, BA):
    grid = (NPAD // BA,)
    return pl.pallas_call(
        _prep1_body,
        grid=grid,
        in_specs=[
            pl.BlockSpec((BA, 2), lambda i: (i, 0)),
            pl.BlockSpec((2, 4), lambda i: (0, 0)),
            pl.BlockSpec((2, 4), lambda i: (0, 0)),
        ],
        out_specs=[
            pl.BlockSpec((BA, 16), lambda i: (i, 0)),
            pl.BlockSpec((BA, 8), lambda i: (i, 0)),
            pl.BlockSpec((BA, 16), lambda i: (i, 0)),
        ],
        out_shape=[
            jax.ShapeDtypeStruct((NPAD, 16), jnp.float32),
            jax.ShapeDtypeStruct((NPAD, 8), jnp.float32),
            jax.ShapeDtypeStruct((NPAD, 16), jnp.float32),
        ],
    )(x_p, cs, cd)


def _edges1(src_p, dst_p, recs, drecs, initp, NPAD, EP):
    mesh = plsc.VectorSubcoreMesh(
        core_axis_name="c", subcore_axis_name="s", num_cores=NC,
        num_subcores=NS)
    npt = NPAD // NS
    ept = EP // (NC * NS)
    nchunks = ept // K

    @functools.partial(
        pl.kernel,
        out_type=jax.ShapeDtypeStruct((NC, NPAD, 16), jnp.float32),
        mesh=mesh,
        compiler_params=SC_PARAMS,
        scratch_types=[
            pltpu.VMEM_SHARED((NPAD, 16), jnp.float32),
            pltpu.VMEM((K,), jnp.int32),
            pltpu.VMEM((K,), jnp.int32),
            pltpu.VMEM((K, 16), jnp.float32),
            pltpu.VMEM((K, 8), jnp.float32),
            pltpu.VMEM((K, 16), jnp.float32),
        ],
    )
    def k(src_ref, dst_ref, recs_ref, drecs_ref, initp_ref, accp_ref,
          acc_sh, srcv, dstv, recsv, drecsv, msgv):
        c = lax.axis_index("c")
        s = lax.axis_index("s")
        n0 = s * npt
        ids16 = jnp.arange(16, dtype=jnp.int32)
        zf16 = jnp.zeros((16,), jnp.float32)

        def stage(r, carry):
            o = n0 + r * K
            pltpu.sync_copy(initp_ref.at[c, pl.ds(o, K)], msgv)
            pltpu.sync_copy(msgv, acc_sh.at[pl.ds(o, K)])
            return carry

        lax.fori_loop(0, npt // K, stage, 0)
        plsc.subcore_barrier()

        for g in range(K // 16):
            eids = ids16 + (g * 16)
            for j in range(12, 16):
                plsc.store_scatter(
                    msgv, [eids, jnp.full((16,), j, jnp.int32)], zf16)

        e_base = (c * NS + s) * ept

        def body(i, carry):
            base = e_base + i * K
            pltpu.sync_copy(src_ref.at[pl.ds(base, K)], srcv)
            pltpu.sync_copy(dst_ref.at[pl.ds(base, K)], dstv)
            pltpu.sync_copy(recs_ref.at[srcv], recsv)
            pltpu.sync_copy(drecs_ref.at[dstv], drecsv)
            for g in range(K // 16):
                eids = ids16 + (g * 16)
                x0 = plsc.load_gather(
                    recsv, [eids, jnp.full((16,), 8, jnp.int32)])
                x1 = plsc.load_gather(
                    recsv, [eids, jnp.full((16,), 9, jnp.int32)])
                for h in range(4):
                    hh = jnp.full((16,), h, jnp.int32)
                    h4 = jnp.full((16,), 4 + h, jnp.int32)
                    p = (plsc.load_gather(recsv, [eids, hh])
                         * plsc.load_gather(drecsv, [eids, hh]))
                    q = (plsc.load_gather(recsv, [eids, h4])
                         * plsc.load_gather(drecsv, [eids, h4]))
                    ex = jnp.where(p > 1.0, p, q)
                    plsc.store_scatter(msgv, [eids, hh], ex * x0)
                    plsc.store_scatter(
                        msgv, [eids, jnp.full((16,), 4 + h, jnp.int32)],
                        ex * x1)
                    plsc.store_scatter(
                        msgv, [eids, jnp.full((16,), 8 + h, jnp.int32)], ex)
            pltpu.sync_copy(msgv, acc_sh.at[dstv], add=True)
            return carry

        lax.fori_loop(0, nchunks, body, 0)
        plsc.subcore_barrier()

        def unstage(r, carry):
            o = n0 + r * K
            pltpu.sync_copy(acc_sh.at[pl.ds(o, K)], msgv)
            pltpu.sync_copy(msgv, accp_ref.at[c, pl.ds(o, K)])
            return carry

        lax.fori_loop(0, npt // K, unstage, 0)

    return k(src_p, dst_p, recs, drecs, initp)


def _mid_body(a0_ref, a1_ref, wt_ref, b1_ref, w2_ref, as2_ref, ad2_ref,
              h2_ref, arecs_ref, init2_ref, den0_ref):
    acc = a0_ref[...] + a1_ref[...]
    den = acc[:, 8:12] + 1e-16
    r0 = acc[:, 0:4] / den
    r1 = acc[:, 4:8] / den
    u = jnp.concatenate([r0, r1], axis=1)
    out1 = jnp.dot(u, wt_ref[...], precision=HP) + b1_ref[...]
    h1r = jnp.maximum(out1, 0.0)
    h2 = jnp.dot(h1r, w2_ref[...], precision=HP)
    h2_ref[...] = h2
    asrc2 = jnp.sum(h2 * as2_ref[...], axis=1, keepdims=True)
    adst2 = jnp.sum(h2 * ad2_ref[...], axis=1, keepdims=True)
    z4 = jnp.zeros((asrc2.shape[0], 4), jnp.float32)
    arecs_ref[...] = jnp.concatenate(
        [jnp.exp(asrc2), jnp.exp(0.2 * asrc2),
         jnp.exp(adst2), jnp.exp(0.2 * adst2), z4], axis=1)
    e = asrc2 + adst2
    ex = jnp.exp(jnp.maximum(e, 0.2 * e))
    init2_ref[...] = h2 * ex
    z7 = jnp.zeros((asrc2.shape[0], 7), jnp.float32)
    den0_ref[...] = jnp.concatenate([ex, z7], axis=1)


def _mid(acc0, acc1, wt, b1r, W2, as2r, ad2r, NPAD, BC):
    grid = (NPAD // BC,)
    full = lambda r, c: pl.BlockSpec((r, c), lambda i: (0, 0))
    blk = lambda c: pl.BlockSpec((BC, c), lambda i: (i, 0))
    return pl.pallas_call(
        _mid_body,
        grid=grid,
        in_specs=[blk(16), blk(16), full(8, 64), full(1, 64), full(64, 16),
                  full(1, 16), full(1, 16)],
        out_specs=[blk(16), blk(8), blk(16), blk(8)],
        out_shape=[
            jax.ShapeDtypeStruct((NPAD, 16), jnp.float32),
            jax.ShapeDtypeStruct((NPAD, 8), jnp.float32),
            jax.ShapeDtypeStruct((NPAD, 16), jnp.float32),
            jax.ShapeDtypeStruct((NPAD, 8), jnp.float32),
        ],
    )(acc0, acc1, wt, b1r, W2, as2r, ad2r)


def _edges2(src_p, dst_p, h2, arecs, initp2, dinitp2, NACC2, EP, HALF):
    mesh = plsc.VectorSubcoreMesh(
        core_axis_name="c", subcore_axis_name="s", num_cores=NC,
        num_subcores=NS)
    npt = NACC2 // NS
    epts = EP // NS
    nchunks = epts // K

    @functools.partial(
        pl.kernel,
        out_type=[
            jax.ShapeDtypeStruct((NC, NACC2, 16), jnp.float32),
            jax.ShapeDtypeStruct((NC, NACC2, 8), jnp.float32),
        ],
        mesh=mesh,
        compiler_params=SC_PARAMS,
        scratch_types=[
            pltpu.VMEM_SHARED((NACC2, 16), jnp.float32),
            pltpu.VMEM_SHARED((NACC2, 8), jnp.float32),
            pltpu.VMEM((K,), jnp.int32),
            pltpu.VMEM((K,), jnp.int32),
            pltpu.VMEM((K,), jnp.int32),
            pltpu.VMEM((K, 16), jnp.float32),
            pltpu.VMEM((K, 8), jnp.float32),
            pltpu.VMEM((K, 8), jnp.float32),
            pltpu.VMEM((K,), jnp.float32),
            pltpu.VMEM((K, 8), jnp.float32),
        ],
    )
    def k(src_ref, dst_ref, h2_ref, arecs_ref, initp_ref, dinitp_ref,
          accp_ref, denp_ref,
          acc_sh, den_sh, srcv, dstv, dlocv, rowsv, srecv, drecv, exv, denv):
        c = lax.axis_index("c")
        s = lax.axis_index("s")
        n0 = s * npt
        ids16 = jnp.arange(16, dtype=jnp.int32)
        zf16 = jnp.zeros((16,), jnp.float32)

        def stage(r, carry):
            o = n0 + r * K
            pltpu.sync_copy(initp_ref.at[c, pl.ds(o, K)], rowsv)
            pltpu.sync_copy(rowsv, acc_sh.at[pl.ds(o, K)])
            pltpu.sync_copy(dinitp_ref.at[c, pl.ds(o, K)], denv)
            pltpu.sync_copy(denv, den_sh.at[pl.ds(o, K)])
            return carry

        lax.fori_loop(0, npt // K, stage, 0)
        plsc.subcore_barrier()

        for g in range(K // 16):
            eids = ids16 + (g * 16)
            for j in range(1, 8):
                plsc.store_scatter(
                    denv, [eids, jnp.full((16,), j, jnp.int32)], zf16)

        coff = jnp.zeros((16,), jnp.int32) + c * HALF
        dummy16 = jnp.full((16,), HALF, jnp.int32)
        z16i = jnp.zeros((16,), jnp.int32)
        one16i = jnp.full((16,), 1, jnp.int32)
        two16i = jnp.full((16,), 2, jnp.int32)
        three16i = jnp.full((16,), 3, jnp.int32)

        def body(i, carry):
            base = s * epts + i * K
            pltpu.sync_copy(src_ref.at[pl.ds(base, K)], srcv)
            pltpu.sync_copy(dst_ref.at[pl.ds(base, K)], dstv)
            pltpu.sync_copy(h2_ref.at[srcv], rowsv)
            pltpu.sync_copy(arecs_ref.at[srcv], srecv)
            pltpu.sync_copy(arecs_ref.at[dstv], drecv)
            for g in range(K // 16):
                eids = ids16 + (g * 16)
                d16 = plsc.load_gather(dstv, [eids])
                dl = d16 - coff
                ok = jnp.logical_and(dl >= 0, dl < HALF)
                sel = jnp.where(ok, dl, dummy16)
                plsc.store_scatter(dlocv, [eids], sel)
                p = (plsc.load_gather(srecv, [eids, z16i])
                     * plsc.load_gather(drecv, [eids, two16i]))
                q = (plsc.load_gather(srecv, [eids, one16i])
                     * plsc.load_gather(drecv, [eids, three16i]))
                ex = jnp.where(p > 1.0, p, q)
                plsc.store_scatter(exv, [eids], ex)
                plsc.store_scatter(denv, [eids, z16i], ex)
            for kk in range(K):
                exk = plsc.load_gather(exv, [jnp.full((16,), kk, jnp.int32)])
                rowsv[kk, :] = rowsv[kk, :] * exk
            pltpu.sync_copy(rowsv, acc_sh.at[dlocv], add=True)
            pltpu.sync_copy(denv, den_sh.at[dlocv], add=True)
            return carry

        lax.fori_loop(0, nchunks, body, 0)
        plsc.subcore_barrier()

        def unstage(r, carry):
            o = n0 + r * K
            pltpu.sync_copy(acc_sh.at[pl.ds(o, K)], rowsv)
            pltpu.sync_copy(rowsv, accp_ref.at[c, pl.ds(o, K)])
            pltpu.sync_copy(den_sh.at[pl.ds(o, K)], denv)
            pltpu.sync_copy(denv, denp_ref.at[c, pl.ds(o, K)])
            return carry

        lax.fori_loop(0, npt // K, unstage, 0)

    return k(src_p, dst_p, h2, arecs, initp2, dinitp2)


def _fin_body(acc_ref, den_ref, b2_ref, wo_ref, bo_ref, out_ref):
    acc = acc_ref[...]
    den = den_ref[...][:, 0:1] + 1e-16
    out2 = acc / den + b2_ref[...]
    h = jnp.maximum(out2, 0.0)
    out_ref[...] = jnp.dot(h, wo_ref[...], precision=HP) + bo_ref[...]


def _fin(acc2, den2, b2r, Wout, boutr, NPAD, BC):
    grid = (NPAD // BC,)
    full = lambda r, c: pl.BlockSpec((r, c), lambda i: (0, 0))
    blk = lambda c: pl.BlockSpec((BC, c), lambda i: (i, 0))
    return pl.pallas_call(
        _fin_body,
        grid=grid,
        in_specs=[blk(16), blk(8), full(1, 16), full(16, 1), full(1, 1)],
        out_specs=blk(1),
        out_shape=jax.ShapeDtypeStruct((NPAD, 1), jnp.float32),
    )(acc2, den2, b2r, Wout, boutr)


def kernel(x, edge_index, W1, a_src1, a_dst1, b1, W2, a_src2, a_dst2, b2,
           Wout, bout):
    N = x.shape[0]
    E = edge_index.shape[1]
    NT = NC * NS

    BA = 2048
    NPAD = _cdiv(N + 1, BA) * BA
    HALF = NPAD // 2
    NACC2 = _cdiv(HALF + 1, BA) * BA

    ept = _cdiv(E, NT * K) * K
    EP = ept * NT
    pad_e = EP - E

    src = edge_index[0].astype(jnp.int32)
    dst = edge_index[1].astype(jnp.int32)
    src_p = jnp.concatenate([src, jnp.full((pad_e,), N, jnp.int32)])
    dst_p = jnp.concatenate([dst, jnp.full((pad_e,), N, jnp.int32)])
    x_p = jnp.concatenate(
        [x, jnp.zeros((NPAD - N, 2), jnp.float32)], axis=0)

    W1r = W1.reshape(2, 4, 16)
    cs = jnp.einsum('iho,ho->ih', W1r, a_src1)
    cd = jnp.einsum('iho,ho->ih', W1r, a_dst1)
    eye4 = jnp.eye(4, dtype=jnp.float32)
    bd0 = (eye4[:, :, None] * W1r[0][None]).reshape(4, 64)
    bd1 = (eye4[:, :, None] * W1r[1][None]).reshape(4, 64)
    wt = jnp.concatenate([bd0, bd1], axis=0)
    b1r = b1.reshape(1, 64)
    as2r = a_src2.reshape(1, 16)
    ad2r = a_dst2.reshape(1, 16)
    b2r = b2.reshape(1, 16)
    boutr = bout.reshape(1, 1)

    recs, drecs, init1 = _prep1(x_p, cs, cd, NPAD, BA)
    initp = jnp.stack([init1, jnp.zeros_like(init1)])
    accp = _edges1(src_p, dst_p, recs, drecs, initp, NPAD, EP)

    h2, arecs, init2, den0 = _mid(
        accp[0], accp[1], wt, b1r, W2, as2r, ad2r, NPAD, BA)

    initp2 = jnp.zeros((NC, NACC2, 16), jnp.float32)
    initp2 = initp2.at[0, :HALF].set(init2[:HALF])
    initp2 = initp2.at[1, :NPAD - HALF].set(init2[HALF:])
    dinitp2 = jnp.zeros((NC, NACC2, 8), jnp.float32)
    dinitp2 = dinitp2.at[0, :HALF].set(den0[:HALF])
    dinitp2 = dinitp2.at[1, :NPAD - HALF].set(den0[HALF:])

    acch, denh = _edges2(
        src_p, dst_p, h2, arecs, initp2, dinitp2, NACC2, EP, HALF)
    acc2 = jnp.concatenate([acch[0, :HALF], acch[1, :NPAD - HALF]], axis=0)
    den2 = jnp.concatenate([denh[0, :HALF], denh[1, :NPAD - HALF]], axis=0)

    out = _fin(acc2, den2, b2r, Wout, boutr, NPAD, BA)
    return out[:N]

# --- scband reference (transcript-rebuilt; emitter-appended) ---
"""Pipeline reference for scband-gatmodel-88613765251622 (READ-ONLY COPY).

The authoritative reference and input builder live on the scoring server;
editing this copy changes nothing except your own understanding.
"""

import jax, jax.numpy as jnp
import numpy as np

N_NODES = 100000
N_EDGES = 1600000


def gat_conv(x, src, dst, W, a_src, a_dst, b, heads, outc, concat):
    N = x.shape[0]
    h = (x @ W).reshape(N, heads, outc)
    alpha_src = (h * a_src).sum(-1)  # [N, heads]
    alpha_dst = (h * a_dst).sum(-1)  # [N, heads]
    e = alpha_src[src] + alpha_dst[dst]  # [E, heads]
    e = jax.nn.leaky_relu(e, negative_slope=0.2)
    emax = jax.ops.segment_max(e, dst, num_segments=N)
    emax = jnp.where(jnp.isfinite(emax), emax, 0.0)
    ex = jnp.exp(e - emax[dst])
    denom = jax.ops.segment_sum(ex, dst, num_segments=N)
    alpha = ex / (denom[dst] + 1e-16)  # softmax over incoming edges per dst
    msg = h[src] * alpha[:, :, None]  # [E, heads, outc]
    out = jax.ops.segment_sum(msg, dst, num_segments=N)  # [N, heads, outc]
    if concat:
        out = out.reshape(N, heads * outc)
    else:
        out = out.mean(axis=1)
    return out + b


def setup_inputs(seed: int = 0) -> dict:
    key = jax.random.key(seed)
    ks = jax.random.split(key, 16)
    x = jax.random.normal(ks[0], (N_NODES, 2), dtype=jnp.float32)
    edge_index = jax.random.randint(ks[1], (2, N_EDGES), 0, N_NODES, dtype=jnp.int64 if jax.config.read('jax_enable_x64') else jnp.int32).astype(jnp.int32)
    # GATConv(2, 16, heads=4)
    W1 = jax.random.normal(ks[2], (2, 4 * 16), dtype=jnp.float32) * 0.5
    a_src1 = jax.random.normal(ks[3], (4, 16), dtype=jnp.float32) * 0.5
    a_dst1 = jax.random.normal(ks[4], (4, 16), dtype=jnp.float32) * 0.5
    b1 = jnp.zeros((64,), dtype=jnp.float32)
    # GATConv(64, 16) heads=1
    W2 = jax.random.normal(ks[5], (64, 16), dtype=jnp.float32) * 0.125
    a_src2 = jax.random.normal(ks[6], (1, 16), dtype=jnp.float32) * 0.5
    a_dst2 = jax.random.normal(ks[7], (1, 16), dtype=jnp.float32) * 0.5
    b2 = jnp.zeros((16,), dtype=jnp.float32)
    # Linear(16, 1)
    Wout = jax.random.normal(ks[8], (16, 1), dtype=jnp.float32) * 0.25
    bout = jnp.zeros((1,), dtype=jnp.float32)
    return {"x": x, "edge_index": edge_index, "W1": W1, "a_src1": a_src1, "a_dst1": a_dst1, "b1": b1, "W2": W2, "a_src2": a_src2, "a_dst2": a_dst2, "b2": b2, "Wout": Wout, "bout": bout}


def reference(x, edge_index, W1, a_src1, a_dst1, b1, W2, a_src2, a_dst2, b2, Wout, bout):
    N = x.shape[0]
    loop = jnp.arange(N, dtype=edge_index.dtype)
    src = jnp.concatenate([edge_index[0], loop])  # PyG add_self_loops=True
    dst = jnp.concatenate([edge_index[1], loop])
    h = gat_conv(x, src, dst, W1, a_src1, a_dst1, b1, heads=4, outc=16, concat=True)
    h = jax.nn.relu(h)
    h = gat_conv(h, src, dst, W2, a_src2, a_dst2, b2, heads=1, outc=16, concat=False)
    h = jax.nn.relu(h)
    out = h @ Wout + bout
    return out

if __name__ == "__main__":
    import jax
    _d = setup_inputs()
    print(jax.jit(kernel)(*tuple(_d.values())))

</pallas_src>

<mosaic_0001>
#map = affine_map<(d0, d1) -> (0)>
#map1 = affine_map<(d0, d1) -> (0, 0)>
#map2 = affine_map<(d0, d1) -> (0, 0, 0)>
module attributes {stable_mosaic.version = 14 : i64} {
  func.func @k(%arg0: i32, %arg1: i32, %arg2: memref<1601536xi32, #tpu.memory_space<hbm>>, %arg3: memref<1601536xi32, #tpu.memory_space<hbm>>, %arg4: memref<100352x16xf32, #tpu.memory_space<hbm>>, %arg5: memref<100352x8xf32, #tpu.memory_space<hbm>>, %arg6: memref<2x51200x16xf32, #tpu.memory_space<hbm>>, %arg7: memref<2x51200x8xf32, #tpu.memory_space<hbm>>, %arg8: memref<2x51200x16xf32, #tpu.memory_space<hbm>>, %arg9: memref<2x51200x8xf32, #tpu.memory_space<hbm>>, %arg10: memref<51200x16xf32, #tpu.memory_space<vmem_shared>>, %arg11: memref<51200x8xf32, #tpu.memory_space<vmem_shared>>, %arg12: memref<128xi32, #tpu.memory_space<vmem>>, %arg13: memref<128xi32, #tpu.memory_space<vmem>>, %arg14: memref<128xi32, #tpu.memory_space<vmem>>, %arg15: memref<128x16xf32, #tpu.memory_space<vmem>>, %arg16: memref<128x8xf32, #tpu.memory_space<vmem>>, %arg17: memref<128x8xf32, #tpu.memory_space<vmem>>, %arg18: memref<128xf32, #tpu.memory_space<vmem>>, %arg19: memref<128x8xf32, #tpu.memory_space<vmem>>) attributes {dimension_semantics = [#tpu.dimension_semantics<core_parallel>, #tpu.dimension_semantics<subcore_parallel>], iteration_bounds = array<i64: 2, 16>, scalar_prefetch = 0 : i64, scratch_operands = 10 : i64, tpu.core_type = #tpu.core_type<sc_vector_subcore>, window_params = [{transform_indices = #map}, {transform_indices = #map}, {transform_indices = #map1}, {transform_indices = #map1}, {transform_indices = #map2}, {transform_indices = #map2}, {transform_indices = #map2}, {transform_indices = #map2}]} {
    %mul3A = arith.constant 3200 : i32
    %mul3A_0 = arith.muli %arg1, %mul3A : i32
    %iota3A = tpu.iota {dimensions = array<i32: 0>} : vector<16xi32>
    %broadcast_in_dim3A = arith.constant 0.000000e+00 : f32
    %broadcast_in_dim3A_1 = vector.broadcast %broadcast_in_dim3A : f32 to vector<16xf32>
    %scan3A = arith.constant 0 : i32
    %scan3A_2 = arith.constant 0 : i32
    %scan3A_3 = arith.constant 25 : i32
    %scan3A_4 = arith.addi %scan3A_2, %scan3A_3 : i32
    %scan3A_5 = arith.constant 1 : i32
    scf.for %scan3A_171 = %scan3A_2 to %scan3A_4 step %scan3A_5  : i32 {
      %mul3A_172 = arith.constant 128 : i32
      %mul3A_173 = arith.muli %scan3A_171, %mul3A_172 : i32
      %add3A_174 = arith.addi %mul3A_0, %mul3A_173 : i32
      "tpu.region"() ({
        %run_scoped3A = tpu.sem_alloc : memref<!tpu.dma_semaphore, #tpu.memory_space<semaphore_mem>>
        %dma_start3A = arith.constant 0 : i32
        %dma_start3A_175 = tpu.memref_slice %arg6[%arg0, %add3A_174, %dma_start3A] : memref<2x51200x16xf32, #tpu.memory_space<hbm>> -> memref<1x128x16xf32, #tpu.memory_space<hbm>>
        %dma_start3A_176 = tpu.memref_squeeze %dma_start3A_175 : memref<1x128x16xf32, #tpu.memory_space<hbm>> -> memref<128x16xf32, #tpu.memory_space<hbm>>
        %dma_start3A_177 = arith.constant 0 : i32
        %dma_start3A_178 = tpu.memref_slice %arg6[%arg0, %add3A_174, %dma_start3A_177] : memref<2x51200x16xf32, #tpu.memory_space<hbm>> -> memref<1x128x16xf32, #tpu.memory_space<hbm>>
        %dma_start3A_179 = tpu.memref_squeeze %dma_start3A_178 : memref<1x128x16xf32, #tpu.memory_space<hbm>> -> memref<128x16xf32, #tpu.memory_space<hbm>>
        tpu.enqueue_dma source(%dma_start3A_179 : memref<128x16xf32, #tpu.memory_space<hbm>>) target(%arg15 : memref<128x16xf32, #tpu.memory_space<vmem>>) target_semaphore(%run_scoped3A : memref<!tpu.dma_semaphore, #tpu.memory_space<semaphore_mem>>)
        %dma_wait3A = arith.constant 0 : i32
        %dma_wait3A_180 = tpu.memref_slice %arg6[%arg0, %add3A_174, %dma_wait3A] : memref<2x51200x16xf32, #tpu.memory_space<hbm>> -> memref<1x128x16xf32, #tpu.memory_space<hbm>>
        %dma_wait3A_181 = tpu.memref_squeeze %dma_wait3A_180 : memref<1x128x16xf32, #tpu.memory_space<hbm>> -> memref<128x16xf32, #tpu.memory_space<hbm>>
        %dma_wait3A_182 = arith.constant 0 : i32
        %dma_wait3A_183 = tpu.memref_slice %arg6[%arg0, %add3A_174, %dma_wait3A_182] : memref<2x51200x16xf32, #tpu.memory_space<hbm>> -> memref<1x128x16xf32, #tpu.memory_space<hbm>>
        %dma_wait3A_184 = tpu.memref_squeeze %dma_wait3A_183 : memref<1x128x16xf32, #tpu.memory_space<hbm>> -> memref<128x16xf32, #tpu.memory_space<hbm>>
        tpu.wait_dma2 semaphore(%run_scoped3A : memref<!tpu.dma_semaphore, #tpu.memory_space<semaphore_mem>>) src(%dma_wait3A_184 : memref<128x16xf32, #tpu.memory_space<hbm>>) dst(%arg15 : memref<128x16xf32, #tpu.memory_space<vmem>>)
        tpu.yield
      }) : () -> ()
      "tpu.region"() ({
        %run_scoped3A = tpu.sem_alloc : memref<!tpu.dma_semaphore, #tpu.memory_space<semaphore_mem>>
        %dma_start3A = arith.constant 0 : i32
        %dma_start3A_175 = tpu.memref_slice %arg10[%add3A_174, %dma_start3A] : memref<51200x16xf32, #tpu.memory_space<vmem_shared>> -> memref<128x16xf32, #tpu.memory_space<vmem_shared>>
        %dma_start3A_176 = arith.constant 0 : i32
        %dma_start3A_177 = tpu.memref_slice %arg10[%add3A_174, %dma_start3A_176] : memref<51200x16xf32, #tpu.memory_space<vmem_shared>> -> memref<128x16xf32, #tpu.memory_space<vmem_shared>>
        tpu.enqueue_dma source(%arg15 : memref<128x16xf32, #tpu.memory_space<vmem>>) target(%dma_start3A_177 : memref<128x16xf32, #tpu.memory_space<vmem_shared>>) target_semaphore(%run_scoped3A : memref<!tpu.dma_semaphore, #tpu.memory_space<semaphore_mem>>)
        %dma_wait3A = arith.constant 0 : i32
        %dma_wait3A_178 = tpu.memref_slice %arg10[%add3A_174, %dma_wait3A] : memref<51200x16xf32, #tpu.memory_space<vmem_shared>> -> memref<128x16xf32, #tpu.memory_space<vmem_shared>>
        %dma_wait3A_179 = arith.constant 0 : i32
        %dma_wait3A_180 = tpu.memref_slice %arg10[%add3A_174, %dma_wait3A_179] : memref<51200x16xf32, #tpu.memory_space<vmem_shared>> -> memref<128x16xf32, #tpu.memory_space<vmem_shared>>
        tpu.wait_dma2 semaphore(%run_scoped3A : memref<!tpu.dma_semaphore, #tpu.memory_space<semaphore_mem>>) src(%arg15 : memref<128x16xf32, #tpu.memory_space<vmem>>) dst(%dma_wait3A_180 : memref<128x16xf32, #tpu.memory_space<vmem_shared>>)
        tpu.yield
      }) : () -> ()
      "tpu.region"() ({
        %run_scoped3A = tpu.sem_alloc : memref<!tpu.dma_semaphore, #tpu.memory_space<semaphore_mem>>
        %dma_start3A = arith.constant 0 : i32
        %dma_start3A_175 = tpu.memref_slice %arg7[%arg0, %add3A_174, %dma_start3A] : memref<2x51200x8xf32, #tpu.memory_space<hbm>> -> memref<1x128x8xf32, #tpu.memory_space<hbm>>
        %dma_start3A_176 = tpu.memref_squeeze %dma_start3A_175 : memref<1x128x8xf32, #tpu.memory_space<hbm>> -> memref<128x8xf32, #tpu.memory_space<hbm>>
        %dma_start3A_177 = arith.constant 0 : i32
        %dma_start3A_178 = tpu.memref_slice %arg7[%arg0, %add3A_174, %dma_start3A_177] : memref<2x51200x8xf32, #tpu.memory_space<hbm>> -> memref<1x128x8xf32, #tpu.memory_space<hbm>>
        %dma_start3A_179 = tpu.memref_squeeze %dma_start3A_178 : memref<1x128x8xf32, #tpu.memory_space<hbm>> -> memref<128x8xf32, #tpu.memory_space<hbm>>
        tpu.enqueue_dma source(%dma_start3A_179 : memref<128x8xf32, #tpu.memory_space<hbm>>) target(%arg19 : memref<128x8xf32, #tpu.memory_space<vmem>>) target_semaphore(%run_scoped3A : memref<!tpu.dma_semaphore, #tpu.memory_space<semaphore_mem>>)
        %dma_wait3A = arith.constant 0 : i32
        %dma_wait3A_180 = tpu.memref_slice %arg7[%arg0, %add3A_174, %dma_wait3A] : memref<2x51200x8xf32, #tpu.memory_space<hbm>> -> memref<1x128x8xf32, #tpu.memory_space<hbm>>
        %dma_wait3A_181 = tpu.memref_squeeze %dma_wait3A_180 : memref<1x128x8xf32, #tpu.memory_space<hbm>> -> memref<128x8xf32, #tpu.memory_space<hbm>>
        %dma_wait3A_182 = arith.constant 0 : i32
        %dma_wait3A_183 = tpu.memref_slice %arg7[%arg0, %add3A_174, %dma_wait3A_182] : memref<2x51200x8xf32, #tpu.memory_space<hbm>> -> memref<1x128x8xf32, #tpu.memory_space<hbm>>
        %dma_wait3A_184 = tpu.memref_squeeze %dma_wait3A_183 : memref<1x128x8xf32, #tpu.memory_space<hbm>> -> memref<128x8xf32, #tpu.memory_space<hbm>>
        tpu.wait_dma2 semaphore(%run_scoped3A : memref<!tpu.dma_semaphore, #tpu.memory_space<semaphore_mem>>) src(%dma_wait3A_184 : memref<128x8xf32, #tpu.memory_space<hbm>>) dst(%arg19 : memref<128x8xf32, #tpu.memory_space<vmem>>)
        tpu.yield
      }) : () -> ()
      "tpu.region"() ({
        %run_scoped3A = tpu.sem_alloc : memref<!tpu.dma_semaphore, #tpu.memory_space<semaphore_mem>>
        %dma_start3A = arith.constant 0 : i32
        %dma_start3A_175 = tpu.memref_slice %arg11[%add3A_174, %dma_start3A] : memref<51200x8xf32, #tpu.memory_space<vmem_shared>> -> memref<128x8xf32, #tpu.memory_space<vmem_shared>>
        %dma_start3A_176 = arith.constant 0 : i32
        %dma_start3A_177 = tpu.memref_slice %arg11[%add3A_174, %dma_start3A_176] : memref<51200x8xf32, #tpu.memory_space<vmem_shared>> -> memref<128x8xf32, #tpu.memory_space<vmem_shared>>
        tpu.enqueue_dma source(%arg19 : memref<128x8xf32, #tpu.memory_space<vmem>>) target(%dma_start3A_177 : memref<128x8xf32, #tpu.memory_space<vmem_shared>>) target_semaphore(%run_scoped3A : memref<!tpu.dma_semaphore, #tpu.memory_space<semaphore_mem>>)
        %dma_wait3A = arith.constant 0 : i32
        %dma_wait3A_178 = tpu.memref_slice %arg11[%add3A_174, %dma_wait3A] : memref<51200x8xf32, #tpu.memory_space<vmem_shared>> -> memref<128x8xf32, #tpu.memory_space<vmem_shared>>
        %dma_wait3A_179 = arith.constant 0 : i32
        %dma_wait3A_180 = tpu.memref_slice %arg11[%add3A_174, %dma_wait3A_179] : memref<51200x8xf32, #tpu.memory_space<vmem_shared>> -> memref<128x8xf32, #tpu.memory_space<vmem_shared>>
        tpu.wait_dma2 semaphore(%run_scoped3A : memref<!tpu.dma_semaphore, #tpu.memory_space<semaphore_mem>>) src(%arg19 : memref<128x8xf32, #tpu.memory_space<vmem>>) dst(%dma_wait3A_180 : memref<128x8xf32, #tpu.memory_space<vmem_shared>>)
        tpu.yield
      }) : () -> ()
    }
    %scan3A_6 = arith.constant 25 : i32
    %barrier3A = arith.constant 0 : index
    tpu.barrier barrier_id(%barrier3A)
    %add3A = arith.constant 0 : i32
    %add3A_7 = vector.broadcast %add3A : i32 to vector<16xi32>
    %add3A_8 = arith.addi %iota3A, %add3A_7 : vector<16xi32>
    %broadcast_in_dim3A_9 = arith.constant 1 : i32
    %broadcast_in_dim3A_10 = vector.broadcast %broadcast_in_dim3A_9 : i32 to vector<16xi32>
    tpu.vector_store_idx %arg19[%add3A_8, %broadcast_in_dim3A_10], %broadcast_in_dim3A_1 : memref<128x8xf32, #tpu.memory_space<vmem>>[vector<16xi32>, vector<16xi32>], vector<16xf32>,
    %broadcast_in_dim3A_11 = arith.constant 2 : i32
    %broadcast_in_dim3A_12 = vector.broadcast %broadcast_in_dim3A_11 : i32 to vector<16xi32>
    tpu.vector_store_idx %arg19[%add3A_8, %broadcast_in_dim3A_12], %broadcast_in_dim3A_1 : memref<128x8xf32, #tpu.memory_space<vmem>>[vector<16xi32>, vector<16xi32>], vector<16xf32>,
    %broadcast_in_dim3A_13 = arith.constant 3 : i32
    %broadcast_in_dim3A_14 = vector.broadcast %broadcast_in_dim3A_13 : i32 to vector<16xi32>
    tpu.vector_store_idx %arg19[%add3A_8, %broadcast_in_dim3A_14], %broadcast_in_dim3A_1 : memref<128x8xf32, #tpu.memory_space<vmem>>[vector<16xi32>, vector<16xi32>], vector<16xf32>,
    %broadcast_in_dim3A_15 = arith.constant 4 : i32
    %broadcast_in_dim3A_16 = vector.broadcast %broadcast_in_dim3A_15 : i32 to vector<16xi32>
    tpu.vector_store_idx %arg19[%add3A_8, %broadcast_in_dim3A_16], %broadcast_in_dim3A_1 : memref<128x8xf32, #tpu.memory_space<vmem>>[vector<16xi32>, vector<16xi32>], vector<16xf32>,
    %broadcast_in_dim3A_17 = arith.constant 5 : i32
    %broadcast_in_dim3A_18 = vector.broadcast %broadcast_in_dim3A_17 : i32 to vector<16xi32>
    tpu.vector_store_idx %arg19[%add3A_8, %broadcast_in_dim3A_18], %broadcast_in_dim3A_1 : memref<128x8xf32, #tpu.memory_space<vmem>>[vector<16xi32>, vector<16xi32>], vector<16xf32>,
    %broadcast_in_dim3A_19 = arith.constant 6 : i32
    %broadcast_in_dim3A_20 = vector.broadcast %broadcast_in_dim3A_19 : i32 to vector<16xi32>
    tpu.vector_store_idx %arg19[%add3A_8, %broadcast_in_dim3A_20], %broadcast_in_dim3A_1 : memref<128x8xf32, #tpu.memory_space<vmem>>[vector<16xi32>, vector<16xi32>], vector<16xf32>,
    %broadcast_in_dim3A_21 = arith.constant 7 : i32
    %broadcast_in_dim3A_22 = vector.broadcast %broadcast_in_dim3A_21 : i32 to vector<16xi32>
    tpu.vector_store_idx %arg19[%add3A_8, %broadcast_in_dim3A_22], %broadcast_in_dim3A_1 : memref<128x8xf32, #tpu.memory_space<vmem>>[vector<16xi32>, vector<16xi32>], vector<16xf32>,
    %add3A_23 = arith.constant 16 : i32
    %add3A_24 = vector.broadcast %add3A_23 : i32 to vector<16xi32>
    %add3A_25 = arith.addi %iota3A, %add3A_24 : vector<16xi32>
    %broadcast_in_dim3A_26 = arith.constant 1 : i32
    %broadcast_in_dim3A_27 = vector.broadcast %broadcast_in_dim3A_26 : i32 to vector<16xi32>
    tpu.vector_store_idx %arg19[%add3A_25, %broadcast_in_dim3A_27], %broadcast_in_dim3A_1 : memref<128x8xf32, #tpu.memory_space<vmem>>[vector<16xi32>, vector<16xi32>], vector<16xf32>,
    %broadcast_in_dim3A_28 = arith.constant 2 : i32
    %broadcast_in_dim3A_29 = vector.broadcast %broadcast_in_dim3A_28 : i32 to vector<16xi32>
    tpu.vector_store_idx %arg19[%add3A_25, %broadcast_in_dim3A_29], %broadcast_in_dim3A_1 : memref<128x8xf32, #tpu.memory_space<vmem>>[vector<16xi32>, vector<16xi32>], vector<16xf32>,
    %broadcast_in_dim3A_30 = arith.constant 3 : i32
    %broadcast_in_dim3A_31 = vector.broadcast %broadcast_in_dim3A_30 : i32 to vector<16xi32>
    tpu.vector_store_idx %arg19[%add3A_25, %broadcast_in_dim3A_31], %broadcast_in_dim3A_1 : memref<128x8xf32, #tpu.memory_space<vmem>>[vector<16xi32>, vector<16xi32>], vector<16xf32>,
    %broadcast_in_dim3A_32 = arith.constant 4 : i32
    %broadcast_in_dim3A_33 = vector.broadcast %broadcast_in_dim3A_32 : i32 to vector<16xi32>
    tpu.vector_store_idx %arg19[%add3A_25, %broadcast_in_dim3A_33], %broadcast_in_dim3A_1 : memref<128x8xf32, #tpu.memory_space<vmem>>[vector<16xi32>, vector<16xi32>], vector<16xf32>,
    %broadcast_in_dim3A_34 = arith.constant 5 : i32
    %broadcast_in_dim3A_35 = vector.broadcast %broadcast_in_dim3A_34 : i32 to vector<16xi32>
    tpu.vector_store_idx %arg19[%add3A_25, %broadcast_in_dim3A_35], %broadcast_in_dim3A_1 : memref<128x8xf32, #tpu.memory_space<vmem>>[vector<16xi32>, vector<16xi32>], vector<16xf32>,
    %broadcast_in_dim3A_36 = arith.constant 6 : i32
    %broadcast_in_dim3A_37 = vector.broadcast %broadcast_in_dim3A_36 : i32 to vector<16xi32>
    tpu.vector_store_idx %arg19[%add3A_25, %broadcast_in_dim3A_37], %broadcast_in_dim3A_1 : memref<128x8xf32, #tpu.memory_space<vmem>>[vector<16xi32>, vector<16xi32>], vector<16xf32>,
    %broadcast_in_dim3A_38 = arith.constant 7 : i32
    %broadcast_in_dim3A_39 = vector.broadcast %broadcast_in_dim3A_38 : i32 to vector<16xi32>
    tpu.vector_store_idx %arg19[%add3A_25, %broadcast_in_dim3A_39], %broadcast_in_dim3A_1 : memref<128x8xf32, #tpu.memory_space<vmem>>[vector<16xi32>, vector<16xi32>], vector<16xf32>,
    %add3A_40 = arith.constant 32 : i32
    %add3A_41 = vector.broadcast %add3A_40 : i32 to vector<16xi32>
    %add3A_42 = arith.addi %iota3A, %add3A_41 : vector<16xi32>
    %broadcast_in_dim3A_43 = arith.constant 1 : i32
    %broadcast_in_dim3A_44 = vector.broadcast %broadcast_in_dim3A_43 : i32 to vector<16xi32>
    tpu.vector_store_idx %arg19[%add3A_42, %broadcast_in_dim3A_44], %broadcast_in_dim3A_1 : memref<128x8xf32, #tpu.memory_space<vmem>>[vector<16xi32>, vector<16xi32>], vector<16xf32>,
    %broadcast_in_dim3A_45 = arith.constant 2 : i32
    %broadcast_in_dim3A_46 = vector.broadcast %broadcast_in_dim3A_45 : i32 to vector<16xi32>
    tpu.vector_store_idx %arg19[%add3A_42, %broadcast_in_dim3A_46], %broadcast_in_dim3A_1 : memref<128x8xf32, #tpu.memory_space<vmem>>[vector<16xi32>, vector<16xi32>], vector<16xf32>,
    %broadcast_in_dim3A_47 = arith.constant 3 : i32
    %broadcast_in_dim3A_48 = vector.broadcast %broadcast_in_dim3A_47 : i32 to vector<16xi32>
    tpu.vector_store_idx %arg19[%add3A_42, %broadcast_in_dim3A_48], %broadcast_in_dim3A_1 : memref<128x8xf32, #tpu.memory_space<vmem>>[vector<16xi32>, vector<16xi32>], vector<16xf32>,
    %broadcast_in_dim3A_49 = arith.constant 4 : i32
    %broadcast_in_dim3A_50 = vector.broadcast %broadcast_in_dim3A_49 : i32 to vector<16xi32>
    tpu.vector_store_idx %arg19[%add3A_42, %broadcast_in_dim3A_50], %broadcast_in_dim3A_1 : memref<128x8xf32, #tpu.memory_space<vmem>>[vector<16xi32>, vector<16xi32>], vector<16xf32>,
    %broadcast_in_dim3A_51 = arith.constant 5 : i32
    %broadcast_in_dim3A_52 = vector.broadcast %broadcast_in_dim3A_51 : i32 to vector<16xi32>
    tpu.vector_store_idx %arg19[%add3A_42, %broadcast_in_dim3A_52], %broadcast_in_dim3A_1 : memref<128x8xf32, #tpu.memory_space<vmem>>[vector<16xi32>, vector<16xi32>], vector<16xf32>,
    %broadcast_in_dim3A_53 = arith.constant 6 : i32
    %broadcast_in_dim3A_54 = vector.broadcast %broadcast_in_dim3A_53 : i32 to vector<16xi32>
    tpu.vector_store_idx %arg19[%add3A_42, %broadcast_in_dim3A_54], %broadcast_in_dim3A_1 : memref<128x8xf32, #tpu.memory_space<vmem>>[vector<16xi32>, vector<16xi32>], vector<16xf32>,
    %broadcast_in_dim3A_55 = arith.constant 7 : i32
    %broadcast_in_dim3A_56 = vector.broadcast %broadcast_in_dim3A_55 : i32 to vector<16xi32>
    tpu.vector_store_idx %arg19[%add3A_42, %broadcast_in_dim3A_56], %broadcast_in_dim3A_1 : memref<128x8xf32, #tpu.memory_space<vmem>>[vector<16xi32>, vector<16xi32>], vector<16xf32>,
    %add3A_57 = arith.constant 48 : i32
    %add3A_58 = vector.broadcast %add3A_57 : i32 to vector<16xi32>
    %add3A_59 = arith.addi %iota3A, %add3A_58 : vector<16xi32>
    %broadcast_in_dim3A_60 = arith.constant 1 : i32
    %broadcast_in_dim3A_61 = vector.broadcast %broadcast_in_dim3A_60 : i32 to vector<16xi32>
    tpu.vector_store_idx %arg19[%add3A_59, %broadcast_in_dim3A_61], %broadcast_in_dim3A_1 : memref<128x8xf32, #tpu.memory_space<vmem>>[vector<16xi32>, vector<16xi32>], vector<16xf32>,
    %broadcast_in_dim3A_62 = arith.constant 2 : i32
    %broadcast_in_dim3A_63 = vector.broadcast %broadcast_in_dim3A_62 : i32 to vector<16xi32>
    tpu.vector_store_idx %arg19[%add3A_59, %broadcast_in_dim3A_63], %broadcast_in_dim3A_1 : memref<128x8xf32, #tpu.memory_space<vmem>>[vector<16xi32>, vector<16xi32>], vector<16xf32>,
    %broadcast_in_dim3A_64 = arith.constant 3 : i32
    %broadcast_in_dim3A_65 = vector.broadcast %broadcast_in_dim3A_64 : i32 to vector<16xi32>
    tpu.vector_store_idx %arg19[%add3A_59, %broadcast_in_dim3A_65], %broadcast_in_dim3A_1 : memref<128x8xf32, #tpu.memory_space<vmem>>[vector<16xi32>, vector<16xi32>], vector<16xf32>,
    %broadcast_in_dim3A_66 = arith.constant 4 : i32
    %broadcast_in_dim3A_67 = vector.broadcast %broadcast_in_dim3A_66 : i32 to vector<16xi32>
    tpu.vector_store_idx %arg19[%add3A_59, %broadcast_in_dim3A_67], %broadcast_in_dim3A_1 : memref<128x8xf32, #tpu.memory_space<vmem>>[vector<16xi32>, vector<16xi32>], vector<16xf32>,
    %broadcast_in_dim3A_68 = arith.constant 5 : i32
    %broadcast_in_dim3A_69 = vector.broadcast %broadcast_in_dim3A_68 : i32 to vector<16xi32>
    tpu.vector_store_idx %arg19[%add3A_59, %broadcast_in_dim3A_69], %broadcast_in_dim3A_1 : memref<128x8xf32, #tpu.memory_space<vmem>>[vector<16xi32>, vector<16xi32>], vector<16xf32>,
    %broadcast_in_dim3A_70 = arith.constant 6 : i32
    %broadcast_in_dim3A_71 = vector.broadcast %broadcast_in_dim3A_70 : i32 to vector<16xi32>
    tpu.vector_store_idx %arg19[%add3A_59, %broadcast_in_dim3A_71], %broadcast_in_dim3A_1 : memref<128x8xf32, #tpu.memory_space<vmem>>[vector<16xi32>, vector<16xi32>], vector<16xf32>,
    %broadcast_in_dim3A_72 = arith.constant 7 : i32
    %broadcast_in_dim3A_73 = vector.broadcast %broadcast_in_dim3A_72 : i32 to vector<16xi32>
    tpu.vector_store_idx %arg19[%add3A_59, %broadcast_in_dim3A_73], %broadcast_in_dim3A_1 : memref<128x8xf32, #tpu.memory_space<vmem>>[vector<16xi32>, vector<16xi32>], vector<16xf32>,
    %add3A_74 = arith.constant 64 : i32
    %add3A_75 = vector.broadcast %add3A_74 : i32 to vector<16xi32>
    %add3A_76 = arith.addi %iota3A, %add3A_75 : vector<16xi32>
    %broadcast_in_dim3A_77 = arith.constant 1 : i32
    %broadcast_in_dim3A_78 = vector.broadcast %broadcast_in_dim3A_77 : i32 to vector<16xi32>
    tpu.vector_store_idx %arg19[%add3A_76, %broadcast_in_dim3A_78], %broadcast_in_dim3A_1 : memref<128x8xf32, #tpu.memory_space<vmem>>[vector<16xi32>, vector<16xi32>], vector<16xf32>,
    %broadcast_in_dim3A_79 = arith.constant 2 : i32
    %broadcast_in_dim3A_80 = vector.broadcast %broadcast_in_dim3A_79 : i32 to vector<16xi32>
    tpu.vector_store_idx %arg19[%add3A_76, %broadcast_in_dim3A_80], %broadcast_in_dim3A_1 : memref<128x8xf32, #tpu.memory_space<vmem>>[vector<16xi32>, vector<16xi32>], vector<16xf32>,
    %broadcast_in_dim3A_81 = arith.constant 3 : i32
    %broadcast_in_dim3A_82 = vector.broadcast %broadcast_in_dim3A_81 : i32 to vector<16xi32>
    tpu.vector_store_idx %arg19[%add3A_76, %broadcast_in_dim3A_82], %broadcast_in_dim3A_1 : memref<128x8xf32, #tpu.memory_space<vmem>>[vector<16xi32>, vector<16xi32>], vector<16xf32>,
    %broadcast_in_dim3A_83 = arith.constant 4 : i32
    %broadcast_in_dim3A_84 = vector.broadcast %broadcast_in_dim3A_83 : i32 to vector<16xi32>
    tpu.vector_store_idx %arg19[%add3A_76, %broadcast_in_dim3A_84], %broadcast_in_dim3A_1 : memref<128x8xf32, #tpu.memory_space<vmem>>[vector<16xi32>, vector<16xi32>], vector<16xf32>,
    %broadcast_in_dim3A_85 = arith.constant 5 : i32
    %broadcast_in_dim3A_86 = vector.broadcast %broadcast_in_dim3A_85 : i32 to vector<16xi32>
    tpu.vector_store_idx %arg19[%add3A_76, %broadcast_in_dim3A_86], %broadcast_in_dim3A_1 : memref<128x8xf32, #tpu.memory_space<vmem>>[vector<16xi32>, vector<16xi32>], vector<16xf32>,
    %broadcast_in_dim3A_87 = arith.constant 6 : i32
    %broadcast_in_dim3A_88 = vector.broadcast %broadcast_in_dim3A_87 : i32 to vector<16xi32>
    tpu.vector_store_idx %arg19[%add3A_76, %broadcast_in_dim3A_88], %broadcast_in_dim3A_1 : memref<128x8xf32, #tpu.memory_space<vmem>>[vector<16xi32>, vector<16xi32>], vector<16xf32>,
    %broadcast_in_dim3A_89 = arith.constant 7 : i32
    %broadcast_in_dim3A_90 = vector.broadcast %broadcast_in_dim3A_89 : i32 to vector<16xi32>
    tpu.vector_store_idx %arg19[%add3A_76, %broadcast_in_dim3A_90], %broadcast_in_dim3A_1 : memref<128x8xf32, #tpu.memory_space<vmem>>[vector<16xi32>, vector<16xi32>], vector<16xf32>,
    %add3A_91 = arith.constant 80 : i32
    %add3A_92 = vector.broadcast %add3A_91 : i32 to vector<16xi32>
    %add3A_93 = arith.addi %iota3A, %add3A_92 : vector<16xi32>
    %broadcast_in_dim3A_94 = arith.constant 1 : i32
    %broadcast_in_dim3A_95 = vector.broadcast %broadcast_in_dim3A_94 : i32 to vector<16xi32>
    tpu.vector_store_idx %arg19[%add3A_93, %broadcast_in_dim3A_95], %broadcast_in_dim3A_1 : memref<128x8xf32, #tpu.memory_space<vmem>>[vector<16xi32>, vector<16xi32>], vector<16xf32>,
    %broadcast_in_dim3A_96 = arith.constant 2 : i32
    %broadcast_in_dim3A_97 = vector.broadcast %broadcast_in_dim3A_96 : i32 to vector<16xi32>
    tpu.vector_store_idx %arg19[%add3A_93, %broadcast_in_dim3A_97], %broadcast_in_dim3A_1 : memref<128x8xf32, #tpu.memory_space<vmem>>[vector<16xi32>, vector<16xi32>], vector<16xf32>,
    %broadcast_in_dim3A_98 = arith.constant 3 : i32
    %broadcast_in_dim3A_99 = vector.broadcast %broadcast_in_dim3A_98 : i32 to vector<16xi32>
    tpu.vector_store_idx %arg19[%add3A_93, %broadcast_in_dim3A_99], %broadcast_in_dim3A_1 : memref<128x8xf32, #tpu.memory_space<vmem>>[vector<16xi32>, vector<16xi32>], vector<16xf32>,
    %broadcast_in_dim3A_100 = arith.constant 4 : i32
    %broadcast_in_dim3A_101 = vector.broadcast %broadcast_in_dim3A_100 : i32 to vector<16xi32>
    tpu.vector_store_idx %arg19[%add3A_93, %broadcast_in_dim3A_101], %broadcast_in_dim3A_1 : memref<128x8xf32, #tpu.memory_space<vmem>>[vector<16xi32>, vector<16xi32>], vector<16xf32>,
    %broadcast_in_dim3A_102 = arith.constant 5 : i32
    %broadcast_in_dim3A_103 = vector.broadcast %broadcast_in_dim3A_102 : i32 to vector<16xi32>
    tpu.vector_store_idx %arg19[%add3A_93, %broadcast_in_dim3A_103], %broadcast_in_dim3A_1 : memref<128x8xf32, #tpu.memory_space<vmem>>[vector<16xi32>, vector<16xi32>], vector<16xf32>,
    %broadcast_in_dim3A_104 = arith.constant 6 : i32
    %broadcast_in_dim3A_105 = vector.broadcast %broadcast_in_dim3A_104 : i32 to vector<16xi32>
    tpu.vector_store_idx %arg19[%add3A_93, %broadcast_in_dim3A_105], %broadcast_in_dim3A_1 : memref<128x8xf32, #tpu.memory_space<vmem>>[vector<16xi32>, vector<16xi32>], vector<16xf32>,
    %broadcast_in_dim3A_106 = arith.constant 7 : i32
    %broadcast_in_dim3A_107 = vector.broadcast %broadcast_in_dim3A_106 : i32 to vector<16xi32>
    tpu.vector_store_idx %arg19[%add3A_93, %broadcast_in_dim3A_107], %broadcast_in_dim3A_1 : memref<128x8xf32, #tpu.memory_space<vmem>>[vector<16xi32>, vector<16xi32>], vector<16xf32>,
    %add3A_108 = arith.constant 96 : i32
    %add3A_109 = vector.broadcast %add3A_108 : i32 to vector<16xi32>
    %add3A_110 = arith.addi %iota3A, %add3A_109 : vector<16xi32>
    %broadcast_in_dim3A_111 = arith.constant 1 : i32
    %broadcast_in_dim3A_112 = vector.broadcast %broadcast_in_dim3A_111 : i32 to vector<16xi32>
    tpu.vector_store_idx %arg19[%add3A_110, %broadcast_in_dim3A_112], %broadcast_in_dim3A_1 : memref<128x8xf32, #tpu.memory_space<vmem>>[vector<16xi32>, vector<16xi32>], vector<16xf32>,
    %broadcast_in_dim3A_113 = arith.constant 2 : i32
    %broadcast_in_dim3A_114 = vector.broadcast %broadcast_in_dim3A_113 : i32 to vector<16xi32>
    tpu.vector_store_idx %arg19[%add3A_110, %broadcast_in_dim3A_114], %broadcast_in_dim3A_1 : memref<128x8xf32, #tpu.memory_space<vmem>>[vector<16xi32>, vector<16xi32>], vector<16xf32>,
    %broadcast_in_dim3A_115 = arith.constant 3 : i32
    %broadcast_in_dim3A_116 = vector.broadcast %broadcast_in_dim3A_115 : i32 to vector<16xi32>
    tpu.vector_store_idx %arg19[%add3A_110, %broadcast_in_dim3A_116], %broadcast_in_dim3A_1 : memref<128x8xf32, #tpu.memory_space<vmem>>[vector<16xi32>, vector<16xi32>], vector<16xf32>,
    %broadcast_in_dim3A_117 = arith.constant 4 : i32
    %broadcast_in_dim3A_118 = vector.broadcast %broadcast_in_dim3A_117 : i32 to vector<16xi32>
    tpu.vector_store_idx %arg19[%add3A_110, %broadcast_in_dim3A_118], %broadcast_in_dim3A_1 : memref<128x8xf32, #tpu.memory_space<vmem>>[vector<16xi32>, vector<16xi32>], vector<16xf32>,
    %broadcast_in_dim3A_119 = arith.constant 5 : i32
    %broadcast_in_dim3A_120 = vector.broadcast %broadcast_in_dim3A_119 : i32 to vector<16xi32>
    tpu.vector_store_idx %arg19[%add3A_110, %broadcast_in_dim3A_120], %broadcast_in_dim3A_1 : memref<128x8xf32, #tpu.memory_space<vmem>>[vector<16xi32>, vector<16xi32>], vector<16xf32>,
    %broadcast_in_dim3A_121 = arith.constant 6 : i32
    %broadcast_in_dim3A_122 = vector.broadcast %broadcast_in_dim3A_121 : i32 to vector<16xi32>
    tpu.vector_store_idx %arg19[%add3A_110, %broadcast_in_dim3A_122], %broadcast_in_dim3A_1 : memref<128x8xf32, #tpu.memory_space<vmem>>[vector<16xi32>, vector<16xi32>], vector<16xf32>,
    %broadcast_in_dim3A_123 = arith.constant 7 : i32
    %broadcast_in_dim3A_124 = vector.broadcast %broadcast_in_dim3A_123 : i32 to vector<16xi32>
    tpu.vector_store_idx %arg19[%add3A_110, %broadcast_in_dim3A_124], %broadcast_in_dim3A_1 : memref<128x8xf32, #tpu.memory_space<vmem>>[vector<16xi32>, vector<16xi32>], vector<16xf32>,
    %add3A_125 = arith.constant 112 : i32
    %add3A_126 = vector.broadcast %add3A_125 : i32 to vector<16xi32>
    %add3A_127 = arith.addi %iota3A, %add3A_126 : vector<16xi32>
    %broadcast_in_dim3A_128 = arith.constant 1 : i32
    %broadcast_in_dim3A_129 = vector.broadcast %broadcast_in_dim3A_128 : i32 to vector<16xi32>
    tpu.vector_store_idx %arg19[%add3A_127, %broadcast_in_dim3A_129], %broadcast_in_dim3A_1 : memref<128x8xf32, #tpu.memory_space<vmem>>[vector<16xi32>, vector<16xi32>], vector<16xf32>,
    %broadcast_in_dim3A_130 = arith.constant 2 : i32
    %broadcast_in_dim3A_131 = vector.broadcast %broadcast_in_dim3A_130 : i32 to vector<16xi32>
    tpu.vector_store_idx %arg19[%add3A_127, %broadcast_in_dim3A_131], %broadcast_in_dim3A_1 : memref<128x8xf32, #tpu.memory_space<vmem>>[vector<16xi32>, vector<16xi32>], vector<16xf32>,
    %broadcast_in_dim3A_132 = arith.constant 3 : i32
    %broadcast_in_dim3A_133 = vector.broadcast %broadcast_in_dim3A_132 : i32 to vector<16xi32>
    tpu.vector_store_idx %arg19[%add3A_127, %broadcast_in_dim3A_133], %broadcast_in_dim3A_1 : memref<128x8xf32, #tpu.memory_space<vmem>>[vector<16xi32>, vector<16xi32>], vector<16xf32>,
    %broadcast_in_dim3A_134 = arith.constant 4 : i32
    %broadcast_in_dim3A_135 = vector.broadcast %broadcast_in_dim3A_134 : i32 to vector<16xi32>
    tpu.vector_store_idx %arg19[%add3A_127, %broadcast_in_dim3A_135], %broadcast_in_dim3A_1 : memref<128x8xf32, #tpu.memory_space<vmem>>[vector<16xi32>, vector<16xi32>], vector<16xf32>,
    %broadcast_in_dim3A_136 = arith.constant 5 : i32
    %broadcast_in_dim3A_137 = vector.broadcast %broadcast_in_dim3A_136 : i32 to vector<16xi32>
    tpu.vector_store_idx %arg19[%add3A_127, %broadcast_in_dim3A_137], %broadcast_in_dim3A_1 : memref<128x8xf32, #tpu.memory_space<vmem>>[vector<16xi32>, vector<16xi32>], vector<16xf32>,
    %broadcast_in_dim3A_138 = arith.constant 6 : i32
    %broadcast_in_dim3A_139 = vector.broadcast %broadcast_in_dim3A_138 : i32 to vector<16xi32>
    tpu.vector_store_idx %arg19[%add3A_127, %broadcast_in_dim3A_139], %broadcast_in_dim3A_1 : memref<128x8xf32, #tpu.memory_space<vmem>>[vector<16xi32>, vector<16xi32>], vector<16xf32>,
    %broadcast_in_dim3A_140 = arith.constant 7 : i32
    %broadcast_in_dim3A_141 = vector.broadcast %broadcast_in_dim3A_140 : i32 to vector<16xi32>
    tpu.vector_store_idx %arg19[%add3A_127, %broadcast_in_dim3A_141], %broadcast_in_dim3A_1 : memref<128x8xf32, #tpu.memory_space<vmem>>[vector<16xi32>, vector<16xi32>], vector<16xf32>,
    %broadcast_in_dim3A_142 = arith.constant 0 : i32
    %broadcast_in_dim3A_143 = vector.broadcast %broadcast_in_dim3A_142 : i32 to vector<16xi32>
    %mul3A_144 = arith.constant 50176 : i32
    %mul3A_145 = arith.muli %arg0, %mul3A_144 : i32
    %add3A_146 = vector.broadcast %mul3A_145 : i32 to vector<16xi32>
    %add3A_147 = arith.addi %broadcast_in_dim3A_143, %add3A_146 : vector<16xi32>
    %broadcast_in_dim3A_148 = arith.constant 50176 : i32
    %broadcast_in_dim3A_149 = vector.broadcast %broadcast_in_dim3A_148 : i32 to vector<16xi32>
    %broadcast_in_dim3A_150 = arith.constant 0 : i32
    %broadcast_in_dim3A_151 = vector.broadcast %broadcast_in_dim3A_150 : i32 to vector<16xi32>
    %broadcast_in_dim3A_152 = arith.constant 1 : i32
    %broadcast_in_dim3A_153 = vector.broadcast %broadcast_in_dim3A_152 : i32 to vector<16xi32>
    %broadcast_in_dim3A_154 = arith.constant 2 : i32
    %broadcast_in_dim3A_155 = vector.broadcast %broadcast_in_dim3A_154 : i32 to vector<16xi32>
    %broadcast_in_dim3A_156 = arith.constant 3 : i32
    %broadcast_in_dim3A_157 = vector.broadcast %broadcast_in_dim3A_156 : i32 to vector<16xi32>
    %scan3A_158 = arith.constant 0 : i32
    %scan3A_159 = arith.constant 0 : i32
    %scan3A_160 = arith.constant 782 : i32
    %scan3A_161 = arith.addi %scan3A_159, %scan3A_160 : i32
    %scan3A_162 = arith.constant 1 : i32
    scf.for %scan3A_171 = %scan3A_159 to %scan3A_161 step %scan3A_162  : i32 {
      %mul3A_172 = arith.constant 100096 : i32
      %mul3A_173 = arith.muli %arg1, %mul3A_172 : i32
      %mul3A_174 = arith.constant 128 : i32
      %mul3A_175 = arith.muli %scan3A_171, %mul3A_174 : i32
      %add3A_176 = arith.addi %mul3A_173, %mul3A_175 : i32
      "tpu.region"() ({
        %run_scoped3A = tpu.sem_alloc : memref<!tpu.dma_semaphore, #tpu.memory_space<semaphore_mem>>
        %dma_start3A = tpu.memref_slice %arg2[%add3A_176] : memref<1601536xi32, #tpu.memory_space<hbm>> -> memref<128xi32, #tpu.memory_space<hbm>>
        %dma_start3A_1888 = tpu.memref_slice %arg2[%add3A_176] : memref<1601536xi32, #tpu.memory_space<hbm>> -> memref<128xi32, #tpu.memory_space<hbm>>
        tpu.enqueue_dma source(%dma_start3A_1888 : memref<128xi32, #tpu.memory_space<hbm>>) target(%arg12 : memref<128xi32, #tpu.memory_space<vmem>>) target_semaphore(%run_scoped3A : memref<!tpu.dma_semaphore, #tpu.memory_space<semaphore_mem>>)
        %dma_wait3A = tpu.memref_slice %arg2[%add3A_176] : memref<1601536xi32, #tpu.memory_space<hbm>> -> memref<128xi32, #tpu.memory_space<hbm>>
        %dma_wait3A_1889 = tpu.memref_slice %arg2[%add3A_176] : memref<1601536xi32, #tpu.memory_space<hbm>> -> memref<128xi32, #tpu.memory_space<hbm>>
        tpu.wait_dma2 semaphore(%run_scoped3A : memref<!tpu.dma_semaphore, #tpu.memory_space<semaphore_mem>>) src(%dma_wait3A_1889 : memref<128xi32, #tpu.memory_space<hbm>>) dst(%arg12 : memref<128xi32, #tpu.memory_space<vmem>>)
        tpu.yield
      }) : () -> ()
      "tpu.region"() ({
        %run_scoped3A = tpu.sem_alloc : memref<!tpu.dma_semaphore, #tpu.memory_space<semaphore_mem>>
        %dma_start3A = tpu.memref_slice %arg3[%add3A_176] : memref<1601536xi32, #tpu.memory_space<hbm>> -> memref<128xi32, #tpu.memory_space<hbm>>
        %dma_start3A_1888 = tpu.memref_slice %arg3[%add3A_176] : memref<1601536xi32, #tpu.memory_space<hbm>> -> memref<128xi32, #tpu.memory_space<hbm>>
        tpu.enqueue_dma source(%dma_start3A_1888 : memref<128xi32, #tpu.memory_space<hbm>>) target(%arg13 : memref<128xi32, #tpu.memory_space<vmem>>) target_semaphore(%run_scoped3A : memref<!tpu.dma_semaphore, #tpu.memory_space<semaphore_mem>>)
        %dma_wait3A = tpu.memref_slice %arg3[%add3A_176] : memref<1601536xi32, #tpu.memory_space<hbm>> -> memref<128xi32, #tpu.memory_space<hbm>>
        %dma_wait3A_1889 = tpu.memref_slice %arg3[%add3A_176] : memref<1601536xi32, #tpu.memory_space<hbm>> -> memref<128xi32, #tpu.memory_space<hbm>>
        tpu.wait_dma2 semaphore(%run_scoped3A : memref<!tpu.dma_semaphore, #tpu.memory_space<semaphore_mem>>) src(%dma_wait3A_1889 : memref<128xi32, #tpu.memory_space<hbm>>) dst(%arg13 : memref<128xi32, #tpu.memory_space<vmem>>)
        tpu.yield
      }) : () -> ()
      "tpu.region"() ({
        %run_scoped3A = tpu.sem_alloc : memref<!tpu.dma_semaphore, #tpu.memory_space<semaphore_mem>>
        %dma_start3A = arith.constant 0 : i32
        %dma_start3A_1888 = arith.constant 0 : i32
        %dma_start3A_1889 = tpu.memref_slice %arg4[%dma_start3A, %dma_start3A_1888] : memref<100352x16xf32, #tpu.memory_space<hbm>> -> memref<100352x16xf32, #tpu.memory_space<hbm>>
        tpu.enqueue_indirect_dma source(%dma_start3A_1889 : memref<100352x16xf32, #tpu.memory_space<hbm>>) target(%arg15 : memref<128x16xf32, #tpu.memory_space<vmem>>) offsets(%arg12 : memref<128xi32, #tpu.memory_space<vmem>>) semaphore(%run_scoped3A : memref<!tpu.dma_semaphore, #tpu.memory_space<semaphore_mem>>)
        %dma_wait3A = arith.constant 0 : i32
        %dma_wait3A_1890 = arith.constant 0 : i32
        %dma_wait3A_1891 = tpu.memref_slice %arg4[%dma_wait3A, %dma_wait3A_1890] : memref<100352x16xf32, #tpu.memory_space<hbm>> -> memref<100352x16xf32, #tpu.memory_space<hbm>>
        tpu.wait_indirect_dma semaphore(%run_scoped3A : memref<!tpu.dma_semaphore, #tpu.memory_space<semaphore_mem>>) src(%dma_wait3A_1891 : memref<100352x16xf32, #tpu.memory_space<hbm>>) dst(%arg15 : memref<128x16xf32, #tpu.memory_space<vmem>>)
        tpu.yield
      }) : () -> ()
      "tpu.region"() ({
        %run_scoped3A = tpu.sem_alloc : memref<!tpu.dma_semaphore, #tpu.memory_space<semaphore_mem>>
        %dma_start3A = arith.constant 0 : i32
        %dma_start3A_1888 = arith.constant 0 : i32
        %dma_start3A_1889 = tpu.memref_slice %arg5[%dma_start3A, %dma_start3A_1888] : memref<100352x8xf32, #tpu.memory_space<hbm>> -> memref<100352x8xf32, #tpu.memory_space<hbm>>
        tpu.enqueue_indirect_dma source(%dma_start3A_1889 : memref<100352x8xf32, #tpu.memory_space<hbm>>) target(%arg16 : memref<128x8xf32, #tpu.memory_space<vmem>>) offsets(%arg12 : memref<128xi32, #tpu.memory_space<vmem>>) semaphore(%run_scoped3A : memref<!tpu.dma_semaphore, #tpu.memory_space<semaphore_mem>>)
        %dma_wait3A = arith.constant 0 : i32
        %dma_wait3A_1890 = arith.constant 0 : i32
        %dma_wait3A_1891 = tpu.memref_slice %arg5[%dma_wait3A, %dma_wait3A_1890] : memref<100352x8xf32, #tpu.memory_space<hbm>> -> memref<100352x8xf32, #tpu.memory_space<hbm>>
        tpu.wait_indirect_dma semaphore(%run_scoped3A : memref<!tpu.dma_semaphore, #tpu.memory_space<semaphore_mem>>) src(%dma_wait3A_1891 : memref<100352x8xf32, #tpu.memory_space<hbm>>) dst(%arg16 : memref<128x8xf32, #tpu.memory_space<vmem>>)
        tpu.yield
      }) : () -> ()
      "tpu.region"() ({
        %run_scoped3A = tpu.sem_alloc : memref<!tpu.dma_semaphore, #tpu.memory_space<semaphore_mem>>
        %dma_start3A = arith.constant 0 : i32
        %dma_start3A_1888 = arith.constant 0 : i32
        %dma_start3A_1889 = tpu.memref_slice %arg5[%dma_start3A, %dma_start3A_1888] : memref<100352x8xf32, #tpu.memory_space<hbm>> -> memref<100352x8xf32, #tpu.memory_space<hbm>>
        tpu.enqueue_indirect_dma source(%dma_start3A_1889 : memref<100352x8xf32, #tpu.memory_space<hbm>>) target(%arg17 : memref<128x8xf32, #tpu.memory_space<vmem>>) offsets(%arg13 : memref<128xi32, #tpu.memory_space<vmem>>) semaphore(%run_scoped3A : memref<!tpu.dma_semaphore, #tpu.memory_space<semaphore_mem>>)
        %dma_wait3A = arith.constant 0 : i32
        %dma_wait3A_1890 = arith.constant 0 : i32
        %dma_wait3A_1891 = tpu.memref_slice %arg5[%dma_wait3A, %dma_wait3A_1890] : memref<100352x8xf32, #tpu.memory_space<hbm>> -> memref<100352x8xf32, #tpu.memory_space<hbm>>
        tpu.wait_indirect_dma semaphore(%run_scoped3A : memref<!tpu.dma_semaphore, #tpu.memory_space<semaphore_mem>>) src(%dma_wait3A_1891 : memref<100352x8xf32, #tpu.memory_space<hbm>>) dst(%arg17 : memref<128x8xf32, #tpu.memory_space<vmem>>)
        tpu.yield
      }) : () -> ()
      %add3A_177 = arith.constant 0 : i32
      %add3A_178 = vector.broadcast %add3A_177 : i32 to vector<16xi32>
      %add3A_179 = arith.addi %iota3A, %add3A_178 : vector<16xi32>
      %gather3A = tpu.vector_load_idx %arg13[%add3A_179] : memref<128xi32, #tpu.memory_space<vmem>>[vector<16xi32>], vector<16xi32>,
      %sub3A = arith.subi %gather3A, %add3A_147 : vector<16xi32>
      %ge3A = arith.constant 0 : i32
      %ge3A_180 = vector.broadcast %ge3A : i32 to vector<16xi32>
      %ge3A_181 = arith.cmpi sge, %sub3A, %ge3A_180 : vector<16xi32>
      %lt3A = arith.constant 50176 : i32
      %lt3A_182 = vector.broadcast %lt3A : i32 to vector<16xi32>
      %lt3A_183 = arith.cmpi slt, %sub3A, %lt3A_182 : vector<16xi32>
      %and3A = arith.andi %ge3A_181, %lt3A_183 : vector<16xi1>
      %select_n3A = arith.select %and3A, %sub3A, %broadcast_in_dim3A_149 : vector<16xi1>, vector<16xi32>
      tpu.vector_store_idx %arg14[%add3A_179], %select_n3A : memref<128xi32, #tpu.memory_space<vmem>>[vector<16xi32>], vector<16xi32>,
      %gather3A_184 = tpu.vector_load_idx %arg16[%add3A_179, %broadcast_in_dim3A_151] : memref<128x8xf32, #tpu.memory_space<vmem>>[vector<16xi32>, vector<16xi32>], vector<16xf32>,
      %gather3A_185 = tpu.vector_load_idx %arg17[%add3A_179, %broadcast_in_dim3A_155] : memref<128x8xf32, #tpu.memory_space<vmem>>[vector<16xi32>, vector<16xi32>], vector<16xf32>,
      %mul3A_186 = arith.mulf %gather3A_184, %gather3A_185 : vector<16xf32>
      %gather3A_187 = tpu.vector_load_idx %arg16[%add3A_179, %broadcast_in_dim3A_153] : memref<128x8xf32, #tpu.memory_space<vmem>>[vector<16xi32>, vector<16xi32>], vector<16xf32>,
      %gather3A_188 = tpu.vector_load_idx %arg17[%add3A_179, %broadcast_in_dim3A_157] : memref<128x8xf32, #tpu.memory_space<vmem>>[vector<16xi32>, vector<16xi32>], vector<16xf32>,
      %mul3A_189 = arith.mulf %gather3A_187, %gather3A_188 : vector<16xf32>
      %gt3A = arith.constant 1.000000e+00 : f32
      %gt3A_190 = vector.broadcast %gt3A : f32 to vector<16xf32>
      %gt3A_191 = arith.cmpf ogt, %mul3A_186, %gt3A_190 : vector<16xf32>
      %select_n3A_192 = arith.select %gt3A_191, %mul3A_186, %mul3A_189 : vector<16xi1>, vector<16xf32>
      tpu.vector_store_idx %arg18[%add3A_179], %select_n3A_192 : memref<128xf32, #tpu.memory_space<vmem>>[vector<16xi32>], vector<16xf32>,
      tpu.vector_store_idx %arg19[%add3A_179, %broadcast_in_dim3A_151], %select_n3A_192 : memref<128x8xf32, #tpu.memory_space<vmem>>[vector<16xi32>, vector<16xi32>], vector<16xf32>,
      %add3A_193 = arith.constant 16 : i32
      %add3A_194 = vector.broadcast %add3A_193 : i32 to vector<16xi32>
      %add3A_195 = arith.addi %iota3A, %add3A_194 : vector<16xi32>
      %gather3A_196 = tpu.vector_load_idx %arg13[%add3A_195] : memref<128xi32, #tpu.memory_space<vmem>>[vector<16xi32>], vector<16xi32>,
      %sub3A_197 = arith.subi %gather3A_196, %add3A_147 : vector<16xi32>
      %ge3A_198 = arith.constant 0 : i32
      %ge3A_199 = vector.broadcast %ge3A_198 : i32 to vector<16xi32>
      %ge3A_200 = arith.cmpi sge, %sub3A_197, %ge3A_199 : vector<16xi32>
      %lt3A_201 = arith.constant 50176 : i32
      %lt3A_202 = vector.broadcast %lt3A_201 : i32 to vector<16xi32>
      %lt3A_203 = arith.cmpi slt, %sub3A_197, %lt3A_202 : vector<16xi32>
      %and3A_204 = arith.andi %ge3A_200, %lt3A_203 : vector<16xi1>
      %select_n3A_205 = arith.select %and3A_204, %sub3A_197, %broadcast_in_dim3A_149 : vector<16xi1>, vector<16xi32>
      tpu.vector_store_idx %arg14[%add3A_195], %select_n3A_205 : memref<128xi32, #tpu.memory_space<vmem>>[vector<16xi32>], vector<16xi32>,
      %gather3A_206 = tpu.vector_load_idx %arg16[%add3A_195, %broadcast_in_dim3A_151] : memref<128x8xf32, #tpu.memory_space<vmem>>[vector<16xi32>, vector<16xi32>], vector<16xf32>,
      %gather3A_207 = tpu.vector_load_idx %arg17[%add3A_195, %broadcast_in_dim3A_155] : memref<128x8xf32, #tpu.memory_space<vmem>>[vector<16xi32>, vector<16xi32>], vector<16xf32>,
      %mul3A_208 = arith.mulf %gather3A_206, %gather3A_207 : vector<16xf32>
      %gather3A_209 = tpu.vector_load_idx %arg16[%add3A_195, %broadcast_in_dim3A_153] : memref<128x8xf32, #tpu.memory_space<vmem>>[vector<16xi32>, vector<16xi32>], vector<16xf32>,
      %gather3A_210 = tpu.vector_load_idx %arg17[%add3A_195, %broadcast_in_dim3A_157] : memref<128x8xf32, #tpu.memory_space<vmem>>[vector<16xi32>, vector<16xi32>], vector<16xf32>,
      %mul3A_211 = arith.mulf %gather3A_209, %gather3A_210 : vector<16xf32>
      %gt3A_212 = arith.constant 1.000000e+00 : f32
      %gt3A_213 = vector.broadcast %gt3A_212 : f32 to vector<16xf32>
      %gt3A_214 = arith.cmpf ogt, %mul3A_208, %gt3A_213 : vector<16xf32>
      %select_n3A_215 = arith.select %gt3A_214, %mul3A_208, %mul3A_211 : vector<16xi1>, vector<16xf32>
      tpu.vector_store_idx %arg18[%add3A_195], %select_n3A_215 : memref<128xf32, #tpu.memory_space<vmem>>[vector<16xi32>], vector<16xf32>,
      tpu.vector_store_idx %arg19[%add3A_195, %broadcast_in_dim3A_151], %select_n3A_215 : memref<128x8xf32, #tpu.memory_space<vmem>>[vector<16xi32>, vector<16xi32>], vector<16xf32>,
      %add3A_216 = arith.constant 32 : i32
      %add3A_217 = vector.broadcast %add3A_216 : i32 to vector<16xi32>
      %add3A_218 = arith.addi %iota3A, %add3A_217 : vector<16xi32>
      %gather3A_219 = tpu.vector_load_idx %arg13[%add3A_218] : memref<128xi32, #tpu.memory_space<vmem>>[vector<16xi32>], vector<16xi32>,
      %sub3A_220 = arith.subi %gather3A_219, %add3A_147 : vector<16xi32>
      %ge3A_221 = arith.constant 0 : i32
      %ge3A_222 = vector.broadcast %ge3A_221 : i32 to vector<16xi32>
      %ge3A_223 = arith.cmpi sge, %sub3A_220, %ge3A_222 : vector<16xi32>
      %lt3A_224 = arith.constant 50176 : i32
      %lt3A_225 = vector.broadcast %lt3A_224 : i32 to vector<16xi32>
      %lt3A_226 = arith.cmpi slt, %sub3A_220, %lt3A_225 : vector<16xi32>
      %and3A_227 = arith.andi %ge3A_223, %lt3A_226 : vector<16xi1>
      %select_n3A_228 = arith.select %and3A_227, %sub3A_220, %broadcast_in_dim3A_149 : vector<16xi1>, vector<16xi32>
      tpu.vector_store_idx %arg14[%add3A_218], %select_n3A_228 : memref<128xi32, #tpu.memory_space<vmem>>[vector<16xi32>], vector<16xi32>,
      %gather3A_229 = tpu.vector_load_idx %arg16[%add3A_218, %broadcast_in_dim3A_151] : memref<128x8xf32, #tpu.memory_space<vmem>>[vector<16xi32>, vector<16xi32>], vector<16xf32>,
      %gather3A_230 = tpu.vector_load_idx %arg17[%add3A_218, %broadcast_in_dim3A_155] : memref<128x8xf32, #tpu.memory_space<vmem>>[vector<16xi32>, vector<16xi32>], vector<16xf32>,
      %mul3A_231 = arith.mulf %gather3A_229, %gather3A_230 : vector<16xf32>
      %gather3A_232 = tpu.vector_load_idx %arg16[%add3A_218, %broadcast_in_dim3A_153] : memref<128x8xf32, #tpu.memory_space<vmem>>[vector<16xi32>, vector<16xi32>], vector<16xf32>,
      %gather3A_233 = tpu.vector_load_idx %arg17[%add3A_218, %broadcast_in_dim3A_157] : memref<128x8xf32, #tpu.memory_space<vmem>>[vector<16xi32>, vector<16xi32>], vector<16xf32>,
      %mul3A_234 = arith.mulf %gather3A_232, %gather3A_233 : vector<16xf32>
      %gt3A_235 = arith.constant 1.000000e+00 : f32
      %gt3A_236 = vector.broadcast %gt3A_235 : f32 to vector<16xf32>
      %gt3A_237 = arith.cmpf ogt, %mul3A_231, %gt3A_236 : vector<16xf32>
      %select_n3A_238 = arith.select %gt3A_237, %mul3A_231, %mul3A_234 : vector<16xi1>, vector<16xf32>
      tpu.vector_store_idx %arg18[%add3A_218], %select_n3A_238 : memref<128xf32, #tpu.memory_space<vmem>>[vector<16xi32>], vector<16xf32>,
      tpu.vector_store_idx %arg19[%add3A_218, %broadcast_in_dim3A_151], %select_n3A_238 : memref<128x8xf32, #tpu.memory_space<vmem>>[vector<16xi32>, vector<16xi32>], vector<16xf32>,
      %add3A_239 = arith.constant 48 : i32
      %add3A_240 = vector.broadcast %add3A_239 : i32 to vector<16xi32>
      %add3A_241 = arith.addi %iota3A, %add3A_240 : vector<16xi32>
      %gather3A_242 = tpu.vector_load_idx %arg13[%add3A_241] : memref<128xi32, #tpu.memory_space<vmem>>[vector<16xi32>], vector<16xi32>,
      %sub3A_243 = arith.subi %gather3A_242, %add3A_147 : vector<16xi32>
      %ge3A_244 = arith.constant 0 : i32
      %ge3A_245 = vector.broadcast %ge3A_244 : i32 to vector<16xi32>
      %ge3A_246 = arith.cmpi sge, %sub3A_243, %ge3A_245 : vector<16xi32>
      %lt3A_247 = arith.constant 50176 : i32
      %lt3A_248 = vector.broadcast %lt3A_247 : i32 to vector<16xi32>
      %lt3A_249 = arith.cmpi slt, %sub3A_243, %lt3A_248 : vector<16xi32>
      %and3A_250 = arith.andi %ge3A_246, %lt3A_249 : vector<16xi1>
      %select_n3A_251 = arith.select %and3A_250, %sub3A_243, %broadcast_in_dim3A_149 : vector<16xi1>, vector<16xi32>
      tpu.vector_store_idx %arg14[%add3A_241], %select_n3A_251 : memref<128xi32, #tpu.memory_space<vmem>>[vector<16xi32>], vector<16xi32>,
      %gather3A_252 = tpu.vector_load_idx %arg16[%add3A_241, %broadcast_in_dim3A_151] : memref<128x8xf32, #tpu.memory_space<vmem>>[vector<16xi32>, vector<16xi32>], vector<16xf32>,
      %gather3A_253 = tpu.vector_load_idx %arg17[%add3A_241, %broadcast_in_dim3A_155] : memref<128x8xf32, #tpu.memory_space<vmem>>[vector<16xi32>, vector<16xi32>], vector<16xf32>,
      %mul3A_254 = arith.mulf %gather3A_252, %gather3A_253 : vector<16xf32>
      %gather3A_255 = tpu.vector_load_idx %arg16[%add3A_241, %broadcast_in_dim3A_153] : memref<128x8xf32, #tpu.memory_space<vmem>>[vector<16xi32>, vector<16xi32>], vector<16xf32>,
      %gather3A_256 = tpu.vector_load_idx %arg17[%add3A_241, %broadcast_in_dim3A_157] : memref<128x8xf32, #tpu.memory_space<vmem>>[vector<16xi32>, vector<16xi32>], vector<16xf32>,
      %mul3A_257 = arith.mulf %gather3A_255, %gather3A_256 : vector<16xf32>
      %gt3A_258 = arith.constant 1.000000e+00 : f32
      %gt3A_259 = vector.broadcast %gt3A_258 : f32 to vector<16xf32>
      %gt3A_260 = arith.cmpf ogt, %mul3A_254, %gt3A_259 : vector<16xf32>
      %select_n3A_261 = arith.select %gt3A_260, %mul3A_254, %mul3A_257 : vector<16xi1>, vector<16xf32>
      tpu.vector_store_idx %arg18[%add3A_241], %select_n3A_261 : memref<128xf32, #tpu.memory_space<vmem>>[vector<16xi32>], vector<16xf32>,
      tpu.vector_store_idx %arg19[%add3A_241, %broadcast_in_dim3A_151], %select_n3A_261 : memref<128x8xf32, #tpu.memory_space<vmem>>[vector<16xi32>, vector<16xi32>], vector<16xf32>,
      %add3A_262 = arith.constant 64 : i32
      %add3A_263 = vector.broadcast %add3A_262 : i32 to vector<16xi32>
      %add3A_264 = arith.addi %iota3A, %add3A_263 : vector<16xi32>
      %gather3A_265 = tpu.vector_load_idx %arg13[%add3A_264] : memref<128xi32, #tpu.memory_space<vmem>>[vector<16xi32>], vector<16xi32>,
      %sub3A_266 = arith.subi %gather3A_265, %add3A_147 : vector<16xi32>
      %ge3A_267 = arith.constant 0 : i32
      %ge3A_268 = vector.broadcast %ge3A_267 : i32 to vector<16xi32>
      %ge3A_269 = arith.cmpi sge, %sub3A_266, %ge3A_268 : vector<16xi32>
      %lt3A_270 = arith.constant 50176 : i32
      %lt3A_271 = vector.broadcast %lt3A_270 : i32 to vector<16xi32>
      %lt3A_272 = arith.cmpi slt, %sub3A_266, %lt3A_271 : vector<16xi32>
      %and3A_273 = arith.andi %ge3A_269, %lt3A_272 : vector<16xi1>
      %select_n3A_274 = arith.select %and3A_273, %sub3A_266, %broadcast_in_dim3A_149 : vector<16xi1>, vector<16xi32>
      tpu.vector_store_idx %arg14[%add3A_264], %select_n3A_274 : memref<128xi32, #tpu.memory_space<vmem>>[vector<16xi32>], vector<16xi32>,
      %gather3A_275 = tpu.vector_load_idx %arg16[%add3A_264, %broadcast_in_dim3A_151] : memref<128x8xf32, #tpu.memory_space<vmem>>[vector<16xi32>, vector<16xi32>], vector<16xf32>,
      %gather3A_276 = tpu.vector_load_idx %arg17[%add3A_264, %broadcast_in_dim3A_155] : memref<128x8xf32, #tpu.memory_space<vmem>>[vector<16xi32>, vector<16xi32>], vector<16xf32>,
      %mul3A_277 = arith.mulf %gather3A_275, %gather3A_276 : vector<16xf32>
      %gather3A_278 = tpu.vector_load_idx %arg16[%add3A_264, %broadcast_in_dim3A_153] : memref<128x8xf32, #tpu.memory_space<vmem>>[vector<16xi32>, vector<16xi32>], vector<16xf32>,
      %gather3A_279 = tpu.vector_load_idx %arg17[%add3A_264, %broadcast_in_dim3A_157] : memref<128x8xf32, #tpu.memory_space<vmem>>[vector<16xi32>, vector<16xi32>], vector<16xf32>,
      %mul3A_280 = arith.mulf %gather3A_278, %gather3A_279 : vector<16xf32>
      %gt3A_281 = arith.constant 1.000000e+00 : f32
      %gt3A_282 = vector.broadcast %gt3A_281 : f32 to vector<16xf32>
      %gt3A_283 = arith.cmpf ogt, %mul3A_277, %gt3A_282 : vector<16xf32>
      %select_n3A_284 = arith.select %gt3A_283, %mul3A_277, %mul3A_280 : vector<16xi1>, vector<16xf32>
      tpu.vector_store_idx %arg18[%add3A_264], %select_n3A_284 : memref<128xf32, #tpu.memory_space<vmem>>[vector<16xi32>], vector<16xf32>,
      tpu.vector_store_idx %arg19[%add3A_264, %broadcast_in_dim3A_151], %select_n3A_284 : memref<128x8xf32, #tpu.memory_space<vmem>>[vector<16xi32>, vector<16xi32>], vector<16xf32>,
      %add3A_285 = arith.constant 80 : i32
      %add3A_286 = vector.broadcast %add3A_285 : i32 to vector<16xi32>
      %add3A_287 = arith.addi %iota3A, %add3A_286 : vector<16xi32>
      %gather3A_288 = tpu.vector_load_idx %arg13[%add3A_287] : memref<128xi32, #tpu.memory_space<vmem>>[vector<16xi32>], vector<16xi32>,
      %sub3A_289 = arith.subi %gather3A_288, %add3A_147 : vector<16xi32>
      %ge3A_290 = arith.constant 0 : i32
      %ge3A_291 = vector.broadcast %ge3A_290 : i32 to vector<16xi32>
      %ge3A_292 = arith.cmpi sge, %sub3A_289, %ge3A_291 : vector<16xi32>
      %lt3A_293 = arith.constant 50176 : i32
      %lt3A_294 = vector.broadcast %lt3A_293 : i32 to vector<16xi32>
      %lt3A_295 = arith.cmpi slt, %sub3A_289, %lt3A_294 : vector<16xi32>
      %and3A_296 = arith.andi %ge3A_292, %lt3A_295 : vector<16xi1>
      %select_n3A_297 = arith.select %and3A_296, %sub3A_289, %broadcast_in_dim3A_149 : vector<16xi1>, vector<16xi32>
      tpu.vector_store_idx %arg14[%add3A_287], %select_n3A_297 : memref<128xi32, #tpu.memory_space<vmem>>[vector<16xi32>], vector<16xi32>,
      %gather3A_298 = tpu.vector_load_idx %arg16[%add3A_287, %broadcast_in_dim3A_151] : memref<128x8xf32, #tpu.memory_space<vmem>>[vector<16xi32>, vector<16xi32>], vector<16xf32>,
      %gather3A_299 = tpu.vector_load_idx %arg17[%add3A_287, %broadcast_in_dim3A_155] : memref<128x8xf32, #tpu.memory_space<vmem>>[vector<16xi32>, vector<16xi32>], vector<16xf32>,
      %mul3A_300 = arith.mulf %gather3A_298, %gather3A_299 : vector<16xf32>
      %gather3A_301 = tpu.vector_load_idx %arg16[%add3A_287, %broadcast_in_dim3A_153] : memref<128x8xf32, #tpu.memory_space<vmem>>[vector<16xi32>, vector<16xi32>], vector<16xf32>,
      %gather3A_302 = tpu.vector_load_idx %arg17[%add3A_287, %broadcast_in_dim3A_157] : memref<128x8xf32, #tpu.memory_space<vmem>>[vector<16xi32>, vector<16xi32>], vector<16xf32>,
      %mul3A_303 = arith.mulf %gather3A_301, %gather3A_302 : vector<16xf32>
      %gt3A_304 = arith.constant 1.000000e+00 : f32
      %gt3A_305 = vector.broadcast %gt3A_304 : f32 to vector<16xf32>
      %gt3A_306 = arith.cmpf ogt, %mul3A_300, %gt3A_305 : vector<16xf32>
      %select_n3A_307 = arith.select %gt3A_306, %mul3A_300, %mul3A_303 : vector<16xi1>, vector<16xf32>
      tpu.vector_store_idx %arg18[%add3A_287], %select_n3A_307 : memref<128xf32, #tpu.memory_space<vmem>>[vector<16xi32>], vector<16xf32>,
      tpu.vector_store_idx %arg19[%add3A_287, %broadcast_in_dim3A_151], %select_n3A_307 : memref<128x8xf32, #tpu.memory_space<vmem>>[vector<16xi32>, vector<16xi32>], vector<16xf32>,
      %add3A_308 = arith.constant 96 : i32
      %add3A_309 = vector.broadcast %add3A_308 : i32 to vector<16xi32>
      %add3A_310 = arith.addi %iota3A, %add3A_309 : vector<16xi32>
      %gather3A_311 = tpu.vector_load_idx %arg13[%add3A_310] : memref<128xi32, #tpu.memory_space<vmem>>[vector<16xi32>], vector<16xi32>,
      %sub3A_312 = arith.subi %gather3A_311, %add3A_147 : vector<16xi32>
      %ge3A_313 = arith.constant 0 : i32
      %ge3A_314 = vector.broadcast %ge3A_313 : i32 to vector<16xi32>
      %ge3A_315 = arith.cmpi sge, %sub3A_312, %ge3A_314 : vector<16xi32>
      %lt3A_316 = arith.constant 50176 : i32
      %lt3A_317 = vector.broadcast %lt3A_316 : i32 to vector<16xi32>
      %lt3A_318 = arith.cmpi slt, %sub3A_312, %lt3A_317 : vector<16xi32>
      %and3A_319 = arith.andi %ge3A_315, %lt3A_318 : vector<16xi1>
      %select_n3A_320 = arith.select %and3A_319, %sub3A_312, %broadcast_in_dim3A_149 : vector<16xi1>, vector<16xi32>
      tpu.vector_store_idx %arg14[%add3A_310], %select_n3A_320 : memref<128xi32, #tpu.memory_space<vmem>>[vector<16xi32>], vector<16xi32>,
      %gather3A_321 = tpu.vector_load_idx %arg16[%add3A_310, %broadcast_in_dim3A_151] : memref<128x8xf32, #tpu.memory_space<vmem>>[vector<16xi32>, vector<16xi32>], vector<16xf32>,
      %gather3A_322 = tpu.vector_load_idx %arg17[%add3A_310, %broadcast_in_dim3A_155] : memref<128x8xf32, #tpu.memory_space<vmem>>[vector<16xi32>, vector<16xi32>], vector<16xf32>,
      %mul3A_323 = arith.mulf %gather3A_321, %gather3A_322 : vector<16xf32>
      %gather3A_324 = tpu.vector_load_idx %arg16[%add3A_310, %broadcast_in_dim3A_153] : memref<128x8xf32, #tpu.memory_space<vmem>>[vector<16xi32>, vector<16xi32>], vector<16xf32>,
      %gather3A_325 = tpu.vector_load_idx %arg17[%add3A_310, %broadcast_in_dim3A_157] : memref<128x8xf32, #tpu.memory_space<vmem>>[vector<16xi32>, vector<16xi32>], vector<16xf32>,
      %mul3A_326 = arith.mulf %gather3A_324, %gather3A_325 : vector<16xf32>
      %gt3A_327 = arith.constant 1.000000e+00 : f32
      %gt3A_328 = vector.broadcast %gt3A_327 : f32 to vector<16xf32>
      %gt3A_329 = arith.cmpf ogt, %mul3A_323, %gt3A_328 : vector<16xf32>
      %select_n3A_330 = arith.select %gt3A_329, %mul3A_323, %mul3A_326 : vector<16xi1>, vector<16xf32>
      tpu.vector_store_idx %arg18[%add3A_310], %select_n3A_330 : memref<128xf32, #tpu.memory_space<vmem>>[vector<16xi32>], vector<16xf32>,
      tpu.vector_store_idx %arg19[%add3A_310, %broadcast_in_dim3A_151], %select_n3A_330 : memref<128x8xf32, #tpu.memory_space<vmem>>[vector<16xi32>, vector<16xi32>], vector<16xf32>,
      %add3A_331 = arith.constant 112 : i32
      %add3A_332 = vector.broadcast %add3A_331 : i32 to vector<16xi32>
      %add3A_333 = arith.addi %iota3A, %add3A_332 : vector<16xi32>
      %gather3A_334 = tpu.vector_load_idx %arg13[%add3A_333] : memref<128xi32, #tpu.memory_space<vmem>>[vector<16xi32>], vector<16xi32>,
      %sub3A_335 = arith.subi %gather3A_334, %add3A_147 : vector<16xi32>
      %ge3A_336 = arith.constant 0 : i32
      %ge3A_337 = vector.broadcast %ge3A_336 : i32 to vector<16xi32>
      %ge3A_338 = arith.cmpi sge, %sub3A_335, %ge3A_337 : vector<16xi32>
      %lt3A_339 = arith.constant 50176 : i32
      %lt3A_340 = vector.broadcast %lt3A_339 : i32 to vector<16xi32>
      %lt3A_341 = arith.cmpi slt, %sub3A_335, %lt3A_340 : vector<16xi32>
      %and3A_342 = arith.andi %ge3A_338, %lt3A_341 : vector<16xi1>
      %select_n3A_343 = arith.select %and3A_342, %sub3A_335, %broadcast_in_dim3A_149 : vector<16xi1>, vector<16xi32>
      tpu.vector_store_idx %arg14[%add3A_333], %select_n3A_343 : memref<128xi32, #tpu.memory_space<vmem>>[vector<16xi32>], vector<16xi32>,
      %gather3A_344 = tpu.vector_load_idx %arg16[%add3A_333, %broadcast_in_dim3A_151] : memref<128x8xf32, #tpu.memory_space<vmem>>[vector<16xi32>, vector<16xi32>], vector<16xf32>,
      %gather3A_345 = tpu.vector_load_idx %arg17[%add3A_333, %broadcast_in_dim3A_155] : memref<128x8xf32, #tpu.memory_space<vmem>>[vector<16xi32>, vector<16xi32>], vector<16xf32>,
      %mul3A_346 = arith.mulf %gather3A_344, %gather3A_345 : vector<16xf32>
      %gather3A_347 = tpu.vector_load_idx %arg16[%add3A_333, %broadcast_in_dim3A_153] : memref<128x8xf32, #tpu.memory_space<vmem>>[vector<16xi32>, vector<16xi32>], vector<16xf32>,
      %gather3A_348 = tpu.vector_load_idx %arg17[%add3A_333, %broadcast_in_dim3A_157] : memref<128x8xf32, #tpu.memory_space<vmem>>[vector<16xi32>, vector<16xi32>], vector<16xf32>,
      %mul3A_349 = arith.mulf %gather3A_347, %gather3A_348 : vector<16xf32>
      %gt3A_350 = arith.constant 1.000000e+00 : f32
      %gt3A_351 = vector.broadcast %gt3A_350 : f32 to vector<16xf32>
      %gt3A_352 = arith.cmpf ogt, %mul3A_346, %gt3A_351 : vector<16xf32>
      %select_n3A_353 = arith.select %gt3A_352, %mul3A_346, %mul3A_349 : vector<16xi1>, vector<16xf32>
      tpu.vector_store_idx %arg18[%add3A_333], %select_n3A_353 : memref<128xf32, #tpu.memory_space<vmem>>[vector<16xi32>], vector<16xf32>,
      tpu.vector_store_idx %arg19[%add3A_333, %broadcast_in_dim3A_151], %select_n3A_353 : memref<128x8xf32, #tpu.memory_space<vmem>>[vector<16xi32>, vector<16xi32>], vector<16xf32>,
      %broadcast_in_dim3A_354 = arith.constant 0 : i32
      %broadcast_in_dim3A_355 = vector.broadcast %broadcast_in_dim3A_354 : i32 to vector<16xi32>
      %gather3A_356 = tpu.vector_load_idx %arg18[%broadcast_in_dim3A_355] : memref<128xf32, #tpu.memory_space<vmem>>[vector<16xi32>], vector<16xf32>,
      %get3A = arith.constant 0 : i32
      %get3A_357 = arith.index_cast %get3A : i32 to index
      %get3A_358 = arith.constant 0 : index
      %get3A_359 = tpu.vector_load %arg15[%get3A_357, %get3A_358] {strides = array<i32>} : memref<128x16xf32, #tpu.memory_space<vmem>>, vector<16xf32>,
      %mul3A_360 = arith.mulf %get3A_359, %gather3A_356 : vector<16xf32>
      %swap3A = arith.constant 0 : i32
      %swap3A_361 = arith.index_cast %swap3A : i32 to index
      %swap3A_362 = arith.constant 0 : index
      %swap3A_363 = tpu.vector_load %arg15[%swap3A_361, %swap3A_362] {strides = array<i32>} : memref<128x16xf32, #tpu.memory_space<vmem>>, vector<16xf32>,
      tpu.vector_store %arg15[%swap3A_361, %swap3A_362], %mul3A_360 {strides = array<i32>} : memref<128x16xf32, #tpu.memory_space<vmem>>, vector<16xf32>,
      %broadcast_in_dim3A_364 = arith.constant 1 : i32
      %broadcast_in_dim3A_365 = vector.broadcast %broadcast_in_dim3A_364 : i32 to vector<16xi32>
      %gather3A_366 = tpu.vector_load_idx %arg18[%broadcast_in_dim3A_365] : memref<128xf32, #tpu.memory_space<vmem>>[vector<16xi32>], vector<16xf32>,
      %get3A_367 = arith.constant 1 : i32
      %get3A_368 = arith.index_cast %get3A_367 : i32 to index
      %get3A_369 = arith.constant 0 : index
      %get3A_370 = tpu.vector_load %arg15[%get3A_368, %get3A_369] {strides = array<i32>} : memref<128x16xf32, #tpu.memory_space<vmem>>, vector<16xf32>,
      %mul3A_371 = arith.mulf %get3A_370, %gather3A_366 : vector<16xf32>
      %swap3A_372 = arith.constant 1 : i32
      %swap3A_373 = arith.index_cast %swap3A_372 : i32 to index
      %swap3A_374 = arith.constant 0 : index
      %swap3A_375 = tpu.vector_load %arg15[%swap3A_373, %swap3A_374] {strides = array<i32>} : memref<128x16xf32, #tpu.memory_space<vmem>>, vector<16xf32>,
      tpu.vector_store %arg15[%swap3A_373, %swap3A_374], %mul3A_371 {strides = array<i32>} : memref<128x16xf32, #tpu.memory_space<vmem>>, vector<16xf32>,
      %broadcast_in_dim3A_376 = arith.constant 2 : i32
      %broadcast_in_dim3A_377 = vector.broadcast %broadcast_in_dim3A_376 : i32 to vector<16xi32>
      %gather3A_378 = tpu.vector_load_idx %arg18[%broadcast_in_dim3A_377] : memref<128xf32, #tpu.memory_space<vmem>>[vector<16xi32>], vector<16xf32>,
      %get3A_379 = arith.constant 2 : i32
      %get3A_380 = arith.index_cast %get3A_379 : i32 to index
      %get3A_381 = arith.constant 0 : index
      %get3A_382 = tpu.vector_load %arg15[%get3A_380, %get3A_381] {strides = array<i32>} : memref<128x16xf32, #tpu.memory_space<vmem>>, vector<16xf32>,
      %mul3A_383 = arith.mulf %get3A_382, %gather3A_378 : vector<16xf32>
      %swap3A_384 = arith.constant 2 : i32
      %swap3A_385 = arith.index_cast %swap3A_384 : i32 to index
      %swap3A_386 = arith.constant 0 : index
      %swap3A_387 = tpu.vector_load %arg15[%swap3A_385, %swap3A_386] {strides = array<i32>} : memref<128x16xf32, #tpu.memory_space<vmem>>, vector<16xf32>,
      tpu.vector_store %arg15[%swap3A_385, %swap3A_386], %mul3A_383 {strides = array<i32>} : memref<128x16xf32, #tpu.memory_space<vmem>>, vector<16xf32>,
      %broadcast_in_dim3A_388 = arith.constant 3 : i32
      %broadcast_in_dim3A_389 = vector.broadcast %broadcast_in_dim3A_388 : i32 to vector<16xi32>
      %gather3A_390 = tpu.vector_load_idx %arg18[%broadcast_in_dim3A_389] : memref<128xf32, #tpu.memory_space<vmem>>[vector<16xi32>], vector<16xf32>,
      %get3A_391 = arith.constant 3 : i32
      %get3A_392 = arith.index_cast %get3A_391 : i32 to index
      %get3A_393 = arith.constant 0 : index
      %get3A_394 = tpu.vector_load %arg15[%get3A_392, %get3A_393] {strides = array<i32>} : memref<128x16xf32, #tpu.memory_space<vmem>>, vector<16xf32>,
      %mul3A_395 = arith.mulf %get3A_394, %gather3A_390 : vector<16xf32>
      %swap3A_396 = arith.constant 3 : i32
      %swap3A_397 = arith.index_cast %swap3A_396 : i32 to index
      %swap3A_398 = arith.constant 0 : index
      %swap3A_399 = tpu.vector_load %arg15[%swap3A_397, %swap3A_398] {strides = array<i32>} : memref<128x16xf32, #tpu.memory_space<vmem>>, vector<16xf32>,
      tpu.vector_store %arg15[%swap3A_397, %swap3A_398], %mul3A_395 {strides = array<i32>} : memref<128x16xf32, #tpu.memory_space<vmem>>, vector<16xf32>,
      %broadcast_in_dim3A_400 = arith.constant 4 : i32
      %broadcast_in_dim3A_401 = vector.broadcast %broadcast_in_dim3A_400 : i32 to vector<16xi32>
      %gather3A_402 = tpu.vector_load_idx %arg18[%broadcast_in_dim3A_401] : memref<128xf32, #tpu.memory_space<vmem>>[vector<16xi32>], vector<16xf32>,
      %get3A_403 = arith.constant 4 : i32
      %get3A_404 = arith.index_cast %get3A_403 : i32 to index
      %get3A_405 = arith.constant 0 : index
      %get3A_406 = tpu.vector_load %arg15[%get3A_404, %get3A_405] {strides = array<i32>} : memref<128x16xf32, #tpu.memory_space<vmem>>, vector<16xf32>,
      %mul3A_407 = arith.mulf %get3A_406, %gather3A_402 : vector<16xf32>
      %swap3A_408 = arith.constant 4 : i32
      %swap3A_409 = arith.index_cast %swap3A_408 : i32 to index
      %swap3A_410 = arith.constant 0 : index
      %swap3A_411 = tpu.vector_load %arg15[%swap3A_409, %swap3A_410] {strides = array<i32>} : memref<128x16xf32, #tpu.memory_space<vmem>>, vector<16xf32>,
      tpu.vector_store %arg15[%swap3A_409, %swap3A_410], %mul3A_407 {strides = array<i32>} : memref<128x16xf32, #tpu.memory_space<vmem>>, vector<16xf32>,
      %broadcast_in_dim3A_412 = arith.constant 5 : i32
      %broadcast_in_dim3A_413 = vector.broadcast %broadcast_in_dim3A_412 : i32 to vector<16xi32>
      %gather3A_414 = tpu.vector_load_idx %arg18[%broadcast_in_dim3A_413] : memref<128xf32, #tpu.memory_space<vmem>>[vector<16xi32>], vector<16xf32>,
      %get3A_415 = arith.constant 5 : i32
      %get3A_416 = arith.index_cast %get3A_415 : i32 to index
      %get3A_417 = arith.constant 0 : index
      %get3A_418 = tpu.vector_load %arg15[%get3A_416, %get3A_417] {strides = array<i32>} : memref<128x16xf32, #tpu.memory_space<vmem>>, vector<16xf32>,
      %mul3A_419 = arith.mulf %get3A_418, %gather3A_414 : vector<16xf32>
      %swap3A_420 = arith.constant 5 : i32
      %swap3A_421 = arith.index_cast %swap3A_420 : i32 to index
      %swap3A_422 = arith.constant 0 : index
      %swap3A_423 = tpu.vector_load %arg15[%swap3A_421, %swap3A_422] {strides = array<i32>} : memref<128x16xf32, #tpu.memory_space<vmem>>, vector<16xf32>,
      tpu.vector_store %arg15[%swap3A_421, %swap3A_422], %mul3A_419 {strides = array<i32>} : memref<128x16xf32, #tpu.memory_space<vmem>>, vector<16xf32>,
      %broadcast_in_dim3A_424 = arith.constant 6 : i32
      %broadcast_in_dim3A_425 = vector.broadcast %broadcast_in_dim3A_424 : i32 to vector<16xi32>
      %gather3A_426 = tpu.vector_load_idx %arg18[%broadcast_in_dim3A_425] : memref<128xf32, #tpu.memory_space<vmem>>[vector<16xi32>], vector<16xf32>,
      %get3A_427 = arith.constant 6 : i32
      %get3A_428 = arith.index_cast %get3A_427 : i32 to index
      %get3A_429 = arith.constant 0 : index
      %get3A_430 = tpu.vector_load %arg15[%get3A_428, %get3A_429] {strides = array<i32>} : memref<128x16xf32, #tpu.memory_space<vmem>>, vector<16xf32>,
      %mul3A_431 = arith.mulf %get3A_430, %gather3A_426 : vector<16xf32>
      %swap3A_432 = arith.constant 6 : i32
      %swap3A_433 = arith.index_cast %swap3A_432 : i32 to index
      %swap3A_434 = arith.constant 0 : index
      %swap3A_435 = tpu.vector_load %arg15[%swap3A_433, %swap3A_434] {strides = array<i32>} : memref<128x16xf32, #tpu.memory_space<vmem>>, vector<16xf32>,
      tpu.vector_store %arg15[%swap3A_433, %swap3A_434], %mul3A_431 {strides = array<i32>} : memref<128x16xf32, #tpu.memory_space<vmem>>, vector<16xf32>,
      %broadcast_in_dim3A_436 = arith.constant 7 : i32
      %broadcast_in_dim3A_437 = vector.broadcast %broadcast_in_dim3A_436 : i32 to vector<16xi32>
      %gather3A_438 = tpu.vector_load_idx %arg18[%broadcast_in_dim3A_437] : memref<128xf32, #tpu.memory_space<vmem>>[vector<16xi32>], vector<16xf32>,
      %get3A_439 = arith.constant 7 : i32
      %get3A_440 = arith.index_cast %get3A_439 : i32 to index
      %get3A_441 = arith.constant 0 : index
      %get3A_442 = tpu.vector_load %arg15[%get3A_440, %get3A_441] {strides = array<i32>} : memref<128x16xf32, #tpu.memory_space<vmem>>, vector<16xf32>,
      %mul3A_443 = arith.mulf %get3A_442, %gather3A_438 : vector<16xf32>
      %swap3A_444 = arith.constant 7 : i32
      %swap3A_445 = arith.index_cast %swap3A_444 : i32 to index
      %swap3A_446 = arith.constant 0 : index
      %swap3A_447 = tpu.vector_load %arg15[%swap3A_445, %swap3A_446] {strides = array<i32>} : memref<128x16xf32, #tpu.memory_space<vmem>>, vector<16xf32>,
      tpu.vector_store %arg15[%swap3A_445, %swap3A_446], %mul3A_443 {strides = array<i32>} : memref<128x16xf32, #tpu.memory_space<vmem>>, vector<16xf32>,
      %broadcast_in_dim3A_448 = arith.constant 8 : i32
      %broadcast_in_dim3A_449 = vector.broadcast %broadcast_in_dim3A_448 : i32 to vector<16xi32>
      %gather3A_450 = tpu.vector_load_idx %arg18[%broadcast_in_dim3A_449] : memref<128xf32, #tpu.memory_space<vmem>>[vector<16xi32>], vector<16xf32>,
      %get3A_451 = arith.constant 8 : i32
      %get3A_452 = arith.index_cast %get3A_451 : i32 to index
      %get3A_453 = arith.constant 0 : index
      %get3A_454 = tpu.vector_load %arg15[%get3A_452, %get3A_453] {strides = array<i32>} : memref<128x16xf32, #tpu.memory_space<vmem>>, vector<16xf32>,
      %mul3A_455 = arith.mulf %get3A_454, %gather3A_450 : vector<16xf32>
      %swap3A_456 = arith.constant 8 : i32
      %swap3A_457 = arith.index_cast %swap3A_456 : i32 to index
      %swap3A_458 = arith.constant 0 : index
      %swap3A_459 = tpu.vector_load %arg15[%swap3A_457, %swap3A_458] {strides = array<i32>} : memref<128x16xf32, #tpu.memory_space<vmem>>, vector<16xf32>,
      tpu.vector_store %arg15[%swap3A_457, %swap3A_458], %mul3A_455 {strides = array<i32>} : memref<128x16xf32, #tpu.memory_space<vmem>>, vector<16xf32>,
      %broadcast_in_dim3A_460 = arith.constant 9 : i32
      %broadcast_in_dim3A_461 = vector.broadcast %broadcast_in_dim3A_460 : i32 to vector<16xi32>
      %gather3A_462 = tpu.vector_load_idx %arg18[%broadcast_in_dim3A_461] : memref<128xf32, #tpu.memory_space<vmem>>[vector<16xi32>], vector<16xf32>,
      %get3A_463 = arith.constant 9 : i32
      %get3A_464 = arith.index_cast %get3A_463 : i32 to index
      %get3A_465 = arith.constant 0 : index
      %get3A_466 = tpu.vector_load %arg15[%get3A_464, %get3A_465] {strides = array<i32>} : memref<128x16xf32, #tpu.memory_space<vmem>>, vector<16xf32>,
      %mul3A_467 = arith.mulf %get3A_466, %gather3A_462 : vector<16xf32>
      %swap3A_468 = arith.constant 9 : i32
      %swap3A_469 = arith.index_cast %swap3A_468 : i32 to index
      %swap3A_470 = arith.constant 0 : index
      %swap3A_471 = tpu.vector_load %arg15[%swap3A_469, %swap3A_470] {strides = array<i32>} : memref<128x16xf32, #tpu.memory_space<vmem>>, vector<16xf32>,
      tpu.vector_store %arg15[%swap3A_469, %swap3A_470], %mul3A_467 {strides = array<i32>} : memref<128x16xf32, #tpu.memory_space<vmem>>, vector<16xf32>,
      %broadcast_in_dim3A_472 = arith.constant 10 : i32
      %broadcast_in_dim3A_473 = vector.broadcast %broadcast_in_dim3A_472 : i32 to vector<16xi32>
      %gather3A_474 = tpu.vector_load_idx %arg18[%broadcast_in_dim3A_473] : memref<128xf32, #tpu.memory_space<vmem>>[vector<16xi32>], vector<16xf32>,
      %get3A_475 = arith.constant 10 : i32
      %get3A_476 = arith.index_cast %get3A_475 : i32 to index
      %get3A_477 = arith.constant 0 : index
      %get3A_478 = tpu.vector_load %arg15[%get3A_476, %get3A_477] {strides = array<i32>} : memref<128x16xf32, #tpu.memory_space<vmem>>, vector<16xf32>,
      %mul3A_479 = arith.mulf %get3A_478, %gather3A_474 : vector<16xf32>
      %swap3A_480 = arith.constant 10 : i32
      %swap3A_481 = arith.index_cast %swap3A_480 : i32 to index
      %swap3A_482 = arith.constant 0 : index
      %swap3A_483 = tpu.vector_load %arg15[%swap3A_481, %swap3A_482] {strides = array<i32>} : memref<128x16xf32, #tpu.memory_space<vmem>>, vector<16xf32>,
      tpu.vector_store %arg15[%swap3A_481, %swap3A_482], %mul3A_479 {strides = array<i32>} : memref<128x16xf32, #tpu.memory_space<vmem>>, vector<16xf32>,
      %broadcast_in_dim3A_484 = arith.constant 11 : i32
      %broadcast_in_dim3A_485 = vector.broadcast %broadcast_in_dim3A_484 : i32 to vector<16xi32>
      %gather3A_486 = tpu.vector_load_idx %arg18[%broadcast_in_dim3A_485] : memref<128xf32, #tpu.memory_space<vmem>>[vector<16xi32>], vector<16xf32>,
      %get3A_487 = arith.constant 11 : i32
      %get3A_488 = arith.index_cast %get3A_487 : i32 to index
      %get3A_489 = arith.constant 0 : index
      %get3A_490 = tpu.vector_load %arg15[%get3A_488, %get3A_489] {strides = array<i32>} : memref<128x16xf32, #tpu.memory_space<vmem>>, vector<16xf32>,
      %mul3A_491 = arith.mulf %get3A_490, %gather3A_486 : vector<16xf32>
      %swap3A_492 = arith.constant 11 : i32
      %swap3A_493 = arith.index_cast %swap3A_492 : i32 to index
      %swap3A_494 = arith.constant 0 : index
      %swap3A_495 = tpu.vector_load %arg15[%swap3A_493, %swap3A_494] {strides = array<i32>} : memref<128x16xf32, #tpu.memory_space<vmem>>, vector<16xf32>,
      tpu.vector_store %arg15[%swap3A_493, %swap3A_494], %mul3A_491 {strides = array<i32>} : memref<128x16xf32, #tpu.memory_space<vmem>>, vector<16xf32>,
      %broadcast_in_dim3A_496 = arith.constant 12 : i32
      %broadcast_in_dim3A_497 = vector.broadcast %broadcast_in_dim3A_496 : i32 to vector<16xi32>
      %gather3A_498 = tpu.vector_load_idx %arg18[%broadcast_in_dim3A_497] : memref<128xf32, #tpu.memory_space<vmem>>[vector<16xi32>], vector<16xf32>,
      %get3A_499 = arith.constant 12 : i32
      %get3A_500 = arith.index_cast %get3A_499 : i32 to index
      %get3A_501 = arith.constant 0 : index
      %get3A_502 = tpu.vector_load %arg15[%get3A_500, %get3A_501] {strides = array<i32>} : memref<128x16xf32, #tpu.memory_space<vmem>>, vector<16xf32>,
      %mul3A_503 = arith.mulf %get3A_502, %gather3A_498 : vector<16xf32>
      %swap3A_504 = arith.constant 12 : i32
      %swap3A_505 = arith.index_cast %swap3A_504 : i32 to index
      %swap3A_506 = arith.constant 0 : index
      %swap3A_507 = tpu.vector_load %arg15[%swap3A_505, %swap3A_506] {strides = array<i32>} : memref<128x16xf32, #tpu.memory_space<vmem>>, vector<16xf32>,
      tpu.vector_store %arg15[%swap3A_505, %swap3A_506], %mul3A_503 {strides = array<i32>} : memref<128x16xf32, #tpu.memory_space<vmem>>, vector<16xf32>,
      %broadcast_in_dim3A_508 = arith.constant 13 : i32
      %broadcast_in_dim3A_509 = vector.broadcast %broadcast_in_dim3A_508 : i32 to vector<16xi32>
      %gather3A_510 = tpu.vector_load_idx %arg18[%broadcast_in_dim3A_509] : memref<128xf32, #tpu.memory_space<vmem>>[vector<16xi32>], vector<16xf32>,
      %get3A_511 = arith.constant 13 : i32
      %get3A_512 = arith.index_cast %get3A_511 : i32 to index
      %get3A_513 = arith.constant 0 : index
      %get3A_514 = tpu.vector_load %arg15[%get3A_512, %get3A_513] {strides = array<i32>} : memref<128x16xf32, #tpu.memory_space<vmem>>, vector<16xf32>,
      %mul3A_515 = arith.mulf %get3A_514, %gather3A_510 : vector<16xf32>
      %swap3A_516 = arith.constant 13 : i32
      %swap3A_517 = arith.index_cast %swap3A_516 : i32 to index
      %swap3A_518 = arith.constant 0 : index
      %swap3A_519 = tpu.vector_load %arg15[%swap3A_517, %swap3A_518] {strides = array<i32>} : memref<128x16xf32, #tpu.memory_space<vmem>>, vector<16xf32>,
      tpu.vector_store %arg15[%swap3A_517, %swap3A_518], %mul3A_515 {strides = array<i32>} : memref<128x16xf32, #tpu.memory_space<vmem>>, vector<16xf32>,
      %broadcast_in_dim3A_520 = arith.constant 14 : i32
      %broadcast_in_dim3A_521 = vector.broadcast %broadcast_in_dim3A_520 : i32 to vector<16xi32>
      %gather3A_522 = tpu.vector_load_idx %arg18[%broadcast_in_dim3A_521] : memref<128xf32, #tpu.memory_space<vmem>>[vector<16xi32>], vector<16xf32>,
      %get3A_523 = arith.constant 14 : i32
      %get3A_524 = arith.index_cast %get3A_523 : i32 to index
      %get3A_525 = arith.constant 0 : index
      %get3A_526 = tpu.vector_load %arg15[%get3A_524, %get3A_525] {strides = array<i32>} : memref<128x16xf32, #tpu.memory_space<vmem>>, vector<16xf32>,
      %mul3A_527 = arith.mulf %get3A_526, %gather3A_522 : vector<16xf32>
      %swap3A_528 = arith.constant 14 : i32
      %swap3A_529 = arith.index_cast %swap3A_528 : i32 to index
      %swap3A_530 = arith.constant 0 : index
      %swap3A_531 = tpu.vector_load %arg15[%swap3A_529, %swap3A_530] {strides = array<i32>} : memref<128x16xf32, #tpu.memory_space<vmem>>, vector<16xf32>,
      tpu.vector_store %arg15[%swap3A_529, %swap3A_530], %mul3A_527 {strides = array<i32>} : memref<128x16xf32, #tpu.memory_space<vmem>>, vector<16xf32>,
      %broadcast_in_dim3A_532 = arith.constant 15 : i32
      %broadcast_in_dim3A_533 = vector.broadcast %broadcast_in_dim3A_532 : i32 to vector<16xi32>
      %gather3A_534 = tpu.vector_load_idx %arg18[%broadcast_in_dim3A_533] : memref<128xf32, #tpu.memory_space<vmem>>[vector<16xi32>], vector<16xf32>,
      %get3A_535 = arith.constant 15 : i32
      %get3A_536 = arith.index_cast %get3A_535 : i32 to index
      %get3A_537 = arith.constant 0 : index
      %get3A_538 = tpu.vector_load %arg15[%get3A_536, %get3A_537] {strides = array<i32>} : memref<128x16xf32, #tpu.memory_space<vmem>>, vector<16xf32>,
      %mul3A_539 = arith.mulf %get3A_538, %gather3A_534 : vector<16xf32>
      %swap3A_540 = arith.constant 15 : i32
      %swap3A_541 = arith.index_cast %swap3A_540 : i32 to index
      %swap3A_542 = arith.constant 0 : index
      %swap3A_543 = tpu.vector_load %arg15[%swap3A_541, %swap3A_542] {strides = array<i32>} : memref<128x16xf32, #tpu.memory_space<vmem>>, vector<16xf32>,
      tpu.vector_store %arg15[%swap3A_541, %swap3A_542], %mul3A_539 {strides = array<i32>} : memref<128x16xf32, #tpu.memory_space<vmem>>, vector<16xf32>,
      %broadcast_in_dim3A_544 = arith.constant 16 : i32
      %broadcast_in_dim3A_545 = vector.broadcast %broadcast_in_dim3A_544 : i32 to vector<16xi32>
      %gather3A_546 = tpu.vector_load_idx %arg18[%broadcast_in_dim3A_545] : memref<128xf32, #tpu.memory_space<vmem>>[vector<16xi32>], vector<16xf32>,
      %get3A_547 = arith.constant 16 : i32
      %get3A_548 = arith.index_cast %get3A_547 : i32 to index
      %get3A_549 = arith.constant 0 : index
      %get3A_550 = tpu.vector_load %arg15[%get3A_548, %get3A_549] {strides = array<i32>} : memref<128x16xf32, #tpu.memory_space<vmem>>, vector<16xf32>,
      %mul3A_551 = arith.mulf %get3A_550, %gather3A_546 : vector<16xf32>
      %swap3A_552 = arith.constant 16 : i32
      %swap3A_553 = arith.index_cast %swap3A_552 : i32 to index
      %swap3A_554 = arith.constant 0 : index
      %swap3A_555 = tpu.vector_load %arg15[%swap3A_553, %swap3A_554] {strides = array<i32>} : memref<128x16xf32, #tpu.memory_space<vmem>>, vector<16xf32>,
      tpu.vector_store %arg15[%swap3A_553, %swap3A_554], %mul3A_551 {strides = array<i32>} : memref<128x16xf32, #tpu.memory_space<vmem>>, vector<16xf32>,
      %broadcast_in_dim3A_556 = arith.constant 17 : i32
      %broadcast_in_dim3A_557 = vector.broadcast %broadcast_in_dim3A_556 : i32 to vector<16xi32>
      %gather3A_558 = tpu.vector_load_idx %arg18[%broadcast_in_dim3A_557] : memref<128xf32, #tpu.memory_space<vmem>>[vector<16xi32>], vector<16xf32>,
      %get3A_559 = arith.constant 17 : i32
      %get3A_560 = arith.index_cast %get3A_559 : i32 to index
      %get3A_561 = arith.constant 0 : index
      %get3A_562 = tpu.vector_load %arg15[%get3A_560, %get3A_561] {strides = array<i32>} : memref<128x16xf32, #tpu.memory_space<vmem>>, vector<16xf32>,
      %mul3A_563 = arith.mulf %get3A_562, %gather3A_558 : vector<16xf32>
      %swap3A_564 = arith.constant 17 : i32
      %swap3A_565 = arith.index_cast %swap3A_564 : i32 to index
      %swap3A_566 = arith.constant 0 : index
      %swap3A_567 = tpu.vector_load %arg15[%swap3A_565, %swap3A_566] {strides = array<i32>} : memref<128x16xf32, #tpu.memory_space<vmem>>, vector<16xf32>,
      tpu.vector_store %arg15[%swap3A_565, %swap3A_566], %mul3A_563 {strides = array<i32>} : memref<128x16xf32, #tpu.memory_space<vmem>>, vector<16xf32>,
      %broadcast_in_dim3A_568 = arith.constant 18 : i32
      %broadcast_in_dim3A_569 = vector.broadcast %broadcast_in_dim3A_568 : i32 to vector<16xi32>
      %gather3A_570 = tpu.vector_load_idx %arg18[%broadcast_in_dim3A_569] : memref<128xf32, #tpu.memory_space<vmem>>[vector<16xi32>], vector<16xf32>,
      %get3A_571 = arith.constant 18 : i32
      %get3A_572 = arith.index_cast %get3A_571 : i32 to index
      %get3A_573 = arith.constant 0 : index
      %get3A_574 = tpu.vector_load %arg15[%get3A_572, %get3A_573] {strides = array<i32>} : memref<128x16xf32, #tpu.memory_space<vmem>>, vector<16xf32>,
      %mul3A_575 = arith.mulf %get3A_574, %gather3A_570 : vector<16xf32>
      %swap3A_576 = arith.constant 18 : i32
      %swap3A_577 = arith.index_cast %swap3A_576 : i32 to index
      %swap3A_578 = arith.constant 0 : index
      %swap3A_579 = tpu.vector_load %arg15[%swap3A_577, %swap3A_578] {strides = array<i32>} : memref<128x16xf32, #tpu.memory_space<vmem>>, vector<16xf32>,
      tpu.vector_store %arg15[%swap3A_577, %swap3A_578], %mul3A_575 {strides = array<i32>} : memref<128x16xf32, #tpu.memory_space<vmem>>, vector<16xf32>,
      %broadcast_in_dim3A_580 = arith.constant 19 : i32
      %broadcast_in_dim3A_581 = vector.broadcast %broadcast_in_dim3A_580 : i32 to vector<16xi32>
      %gather3A_582 = tpu.vector_load_idx %arg18[%broadcast_in_dim3A_581] : memref<128xf32, #tpu.memory_space<vmem>>[vector<16xi32>], vector<16xf32>,
      %get3A_583 = arith.constant 19 : i32
      %get3A_584 = arith.index_cast %get3A_583 : i32 to index
      %get3A_585 = arith.constant 0 : index
      %get3A_586 = tpu.vector_load %arg15[%get3A_584, %get3A_585] {strides = array<i32>} : memref<128x16xf32, #tpu.memory_space<vmem>>, vector<16xf32>,
      %mul3A_587 = arith.mulf %get3A_586, %gather3A_582 : vector<16xf32>
      %swap3A_588 = arith.constant 19 : i32
      %swap3A_589 = arith.index_cast %swap3A_588 : i32 to index
      %swap3A_590 = arith.constant 0 : index
      %swap3A_591 = tpu.vector_load %arg15[%swap3A_589, %swap3A_590] {strides = array<i32>} : memref<128x16xf32, #tpu.memory_space<vmem>>, vector<16xf32>,
      tpu.vector_store %arg15[%swap3A_589, %swap3A_590], %mul3A_587 {strides = array<i32>} : memref<128x16xf32, #tpu.memory_space<vmem>>, vector<16xf32>,
      %broadcast_in_dim3A_592 = arith.constant 20 : i32
      %broadcast_in_dim3A_593 = vector.broadcast %broadcast_in_dim3A_592 : i32 to vector<16xi32>
      %gather3A_594 = tpu.vector_load_idx %arg18[%broadcast_in_dim3A_593] : memref<128xf32, #tpu.memory_space<vmem>>[vector<16xi32>], vector<16xf32>,
      %get3A_595 = arith.constant 20 : i32
      %get3A_596 = arith.index_cast %get3A_595 : i32 to index
      %get3A_597 = arith.constant 0 : index
      %get3A_598 = tpu.vector_load %arg15[%get3A_596, %get3A_597] {strides = array<i32>} : memref<128x16xf32, #tpu.memory_space<vmem>>, vector<16xf32>,
      %mul3A_599 = arith.mulf %get3A_598, %gather3A_594 : vector<16xf32>
      %swap3A_600 = arith.constant 20 : i32
      %swap3A_601 = arith.index_cast %swap3A_600 : i32 to index
      %swap3A_602 = arith.constant 0 : index
      %swap3A_603 = tpu.vector_load %arg15[%swap3A_601, %swap3A_602] {strides = array<i32>} : memref<128x16xf32, #tpu.memory_space<vmem>>, vector<16xf32>,
      tpu.vector_store %arg15[%swap3A_601, %swap3A_602], %mul3A_599 {strides = array<i32>} : memref<128x16xf32, #tpu.memory_space<vmem>>, vector<16xf32>,
      %broadcast_in_dim3A_604 = arith.constant 21 : i32
      %broadcast_in_dim3A_605 = vector.broadcast %broadcast_in_dim3A_604 : i32 to vector<16xi32>
      %gather3A_606 = tpu.vector_load_idx %arg18[%broadcast_in_dim3A_605] : memref<128xf32, #tpu.memory_space<vmem>>[vector<16xi32>], vector<16xf32>,
      %get3A_607 = arith.constant 21 : i32
      %get3A_608 = arith.index_cast %get3A_607 : i32 to index
      %get3A_609 = arith.constant 0 : index
      %get3A_610 = tpu.vector_load %arg15[%get3A_608, %get3A_609] {strides = array<i32>} : memref<128x16xf32, #tpu.memory_space<vmem>>, vector<16xf32>,
      %mul3A_611 = arith.mulf %get3A_610, %gather3A_606 : vector<16xf32>
      %swap3A_612 = arith.constant 21 : i32
      %swap3A_613 = arith.index_cast %swap3A_612 : i32 to index
      %swap3A_614 = arith.constant 0 : index
      %swap3A_615 = tpu.vector_load %arg15[%swap3A_613, %swap3A_614] {strides = array<i32>} : memref<128x16xf32, #tpu.memory_space<vmem>>, vector<16xf32>,
      tpu.vector_store %arg15[%swap3A_613, %swap3A_614], %mul3A_611 {strides = array<i32>} : memref<128x16xf32, #tpu.memory_space<vmem>>, vector<16xf32>,
      %broadcast_in_dim3A_616 = arith.constant 22 : i32
      %broadcast_in_dim3A_617 = vector.broadcast %broadcast_in_dim3A_616 : i32 to vector<16xi32>
      %gather3A_618 = tpu.vector_load_idx %arg18[%broadcast_in_dim3A_617] : memref<128xf32, #tpu.memory_space<vmem>>[vector<16xi32>], vector<16xf32>,
      %get3A_619 = arith.constant 22 : i32
      %get3A_620 = arith.index_cast %get3A_619 : i32 to index
      %get3A_621 = arith.constant 0 : index
      %get3A_622 = tpu.vector_load %arg15[%get3A_620, %get3A_621] {strides = array<i32>} : memref<128x16xf32, #tpu.memory_space<vmem>>, vector<16xf32>,
      %mul3A_623 = arith.mulf %get3A_622, %gather3A_618 : vector<16xf32>
      %swap3A_624 = arith.constant 22 : i32
      %swap3A_625 = arith.index_cast %swap3A_624 : i32 to index
      %swap3A_626 = arith.constant 0 : index
      %swap3A_627 = tpu.vector_load %arg15[%swap3A_625, %swap3A_626] {strides = array<i32>} : memref<128x16xf32, #tpu.memory_space<vmem>>, vector<16xf32>,
      tpu.vector_store %arg15[%swap3A_625, %swap3A_626], %mul3A_623 {strides = array<i32>} : memref<128x16xf32, #tpu.memory_space<vmem>>, vector<16xf32>,
      %broadcast_in_dim3A_628 = arith.constant 23 : i32
      %broadcast_in_dim3A_629 = vector.broadcast %broadcast_in_dim3A_628 : i32 to vector<16xi32>
      %gather3A_630 = tpu.vector_load_idx %arg18[%broadcast_in_dim3A_629] : memref<128xf32, #tpu.memory_space<vmem>>[vector<16xi32>], vector<16xf32>,
      %get3A_631 = arith.constant 23 : i32
      %get3A_632 = arith.index_cast %get3A_631 : i32 to index
      %get3A_633 = arith.constant 0 : index
      %get3A_634 = tpu.vector_load %arg15[%get3A_632, %get3A_633] {strides = array<i32>} : memref<128x16xf32, #tpu.memory_space<vmem>>, vector<16xf32>,
      %mul3A_635 = arith.mulf %get3A_634, %gather3A_630 : vector<16xf32>
      %swap3A_636 = arith.constant 23 : i32
      %swap3A_637 = arith.index_cast %swap3A_636 : i32 to index
      %swap3A_638 = arith.constant 0 : index
      %swap3A_639 = tpu.vector_load %arg15[%swap3A_637, %swap3A_638] {strides = array<i32>} : memref<128x16xf32, #tpu.memory_space<vmem>>, vector<16xf32>,
      tpu.vector_store %arg15[%swap3A_637, %swap3A_638], %mul3A_635 {strides = array<i32>} : memref<128x16xf32, #tpu.memory_space<vmem>>, vector<16xf32>,
      %broadcast_in_dim3A_640 = arith.constant 24 : i32
      %broadcast_in_dim3A_641 = vector.broadcast %broadcast_in_dim3A_640 : i32 to vector<16xi32>
      %gather3A_642 = tpu.vector_load_idx %arg18[%broadcast_in_dim3A_641] : memref<128xf32, #tpu.memory_space<vmem>>[vector<16xi32>], vector<16xf32>,
      %get3A_643 = arith.constant 24 : i32
      %get3A_644 = arith.index_cast %get3A_643 : i32 to index
      %get3A_645 = arith.constant 0 : index
      %get3A_646 = tpu.vector_load %arg15[%get3A_644, %get3A_645] {strides = array<i32>} : memref<128x16xf32, #tpu.memory_space<vmem>>, vector<16xf32>,
      %mul3A_647 = arith.mulf %get3A_646, %gather3A_642 : vector<16xf32>
      %swap3A_648 = arith.constant 24 : i32
      %swap3A_649 = arith.index_cast %swap3A_648 : i32 to index
      %swap3A_650 = arith.constant 0 : index
      %swap3A_651 = tpu.vector_load %arg15[%swap3A_649, %swap3A_650] {strides = array<i32>} : memref<128x16xf32, #tpu.memory_space<vmem>>, vector<16xf32>,
      tpu.vector_store %arg15[%swap3A_649, %swap3A_650], %mul3A_647 {strides = array<i32>} : memref<128x16xf32, #tpu.memory_space<vmem>>, vector<16xf32>,
      %broadcast_in_dim3A_652 = arith.constant 25 : i32
      %broadcast_in_dim3A_653 = vector.broadcast %broadcast_in_dim3A_652 : i32 to vector<16xi32>
      %gather3A_654 = tpu.vector_load_idx %arg18[%broadcast_in_dim3A_653] : memref<128xf32, #tpu.memory_space<vmem>>[vector<16xi32>], vector<16xf32>,
      %get3A_655 = arith.constant 25 : i32
      %get3A_656 = arith.index_cast %get3A_655 : i32 to index
      %get3A_657 = arith.constant 0 : index
      %get3A_658 = tpu.vector_load %arg15[%get3A_656, %get3A_657] {strides = array<i32>} : memref<128x16xf32, #tpu.memory_space<vmem>>, vector<16xf32>,
      %mul3A_659 = arith.mulf %get3A_658, %gather3A_654 : vector<16xf32>
      %swap3A_660 = arith.constant 25 : i32
      %swap3A_661 = arith.index_cast %swap3A_660 : i32 to index
      %swap3A_662 = arith.constant 0 : index
      %swap3A_663 = tpu.vector_load %arg15[%swap3A_661, %swap3A_662] {strides = array<i32>} : memref<128x16xf32, #tpu.memory_space<vmem>>, vector<16xf32>,
      tpu.vector_store %arg15[%swap3A_661, %swap3A_662], %mul3A_659 {strides = array<i32>} : memref<128x16xf32, #tpu.memory_space<vmem>>, vector<16xf32>,
      %broadcast_in_dim3A_664 = arith.constant 26 : i32
      %broadcast_in_dim3A_665 = vector.broadcast %broadcast_in_dim3A_664 : i32 to vector<16xi32>
      %gather3A_666 = tpu.vector_load_idx %arg18[%broadcast_in_dim3A_665] : memref<128xf32, #tpu.memory_space<vmem>>[vector<16xi32>], vector<16xf32>,
      %get3A_667 = arith.constant 26 : i32
      %get3A_668 = arith.index_cast %get3A_667 : i32 to index
      %get3A_669 = arith.constant 0 : index
      %get3A_670 = tpu.vector_load %arg15[%get3A_668, %get3A_669] {strides = array<i32>} : memref<128x16xf32, #tpu.memory_space<vmem>>, vector<16xf32>,
      %mul3A_671 = arith.mulf %get3A_670, %gather3A_666 : vector<16xf32>
      %swap3A_672 = arith.constant 26 : i32
      %swap3A_673 = arith.index_cast %swap3A_672 : i32 to index
      %swap3A_674 = arith.constant 0 : index
      %swap3A_675 = tpu.vector_load %arg15[%swap3A_673, %swap3A_674] {strides = array<i32>} : memref<128x16xf32, #tpu.memory_space<vmem>>, vector<16xf32>,
      tpu.vector_store %arg15[%swap3A_673, %swap3A_674], %mul3A_671 {strides = array<i32>} : memref<128x16xf32, #tpu.memory_space<vmem>>, vector<16xf32>,
      %broadcast_in_dim3A_676 = arith.constant 27 : i32
      %broadcast_in_dim3A_677 = vector.broadcast %broadcast_in_dim3A_676 : i32 to vector<16xi32>
      %gather3A_678 = tpu.vector_load_idx %arg18[%broadcast_in_dim3A_677] : memref<128xf32, #tpu.memory_space<vmem>>[vector<16xi32>], vector<16xf32>,
      %get3A_679 = arith.constant 27 : i32
      %get3A_680 = arith.index_cast %get3A_679 : i32 to index
      %get3A_681 = arith.constant 0 : index
      %get3A_682 = tpu.vector_load %arg15[%get3A_680, %get3A_681] {strides = array<i32>} : memref<128x16xf32, #tpu.memory_space<vmem>>, vector<16xf32>,
      %mul3A_683 = arith.mulf %get3A_682, %gather3A_678 : vector<16xf32>
      %swap3A_684 = arith.constant 27 : i32
      %swap3A_685 = arith.index_cast %swap3A_684 : i32 to index
      %swap3A_686 = arith.constant 0 : index
      %swap3A_687 = tpu.vector_load %arg15[%swap3A_685, %swap3A_686] {strides = array<i32>} : memref<128x16xf32, #tpu.memory_space<vmem>>, vector<16xf32>,
      tpu.vector_store %arg15[%swap3A_685, %swap3A_686], %mul3A_683 {strides = array<i32>} : memref<128x16xf32, #tpu.memory_space<vmem>>, vector<16xf32>,
      %broadcast_in_dim3A_688 = arith.constant 28 : i32
      %broadcast_in_dim3A_689 = vector.broadcast %broadcast_in_dim3A_688 : i32 to vector<16xi32>
      %gather3A_690 = tpu.vector_load_idx %arg18[%broadcast_in_dim3A_689] : memref<128xf32, #tpu.memory_space<vmem>>[vector<16xi32>], vector<16xf32>,
      %get3A_691 = arith.constant 28 : i32
      %get3A_692 = arith.index_cast %get3A_691 : i32 to index
      %get3A_693 = arith.constant 0 : index
      %get3A_694 = tpu.vector_load %arg15[%get3A_692, %get3A_693] {strides = array<i32>} : memref<128x16xf32, #tpu.memory_space<vmem>>, vector<16xf32>,
      %mul3A_695 = arith.mulf %get3A_694, %gather3A_690 : vector<16xf32>
      %swap3A_696 = arith.constant 28 : i32
      %swap3A_697 = arith.index_cast %swap3A_696 : i32 to index
      %swap3A_698 = arith.constant 0 : index
      %swap3A_699 = tpu.vector_load %arg15[%swap3A_697, %swap3A_698] {strides = array<i32>} : memref<128x16xf32, #tpu.memory_space<vmem>>, vector<16xf32>,
      tpu.vector_store %arg15[%swap3A_697, %swap3A_698], %mul3A_695 {strides = array<i32>} : memref<128x16xf32, #tpu.memory_space<vmem>>, vector<16xf32>,
      %broadcast_in_dim3A_700 = arith.constant 29 : i32
      %broadcast_in_dim3A_701 = vector.broadcast %broadcast_in_dim3A_700 : i32 to vector<16xi32>
      %gather3A_702 = tpu.vector_load_idx %arg18[%broadcast_in_dim3A_701] : memref<128xf32, #tpu.memory_space<vmem>>[vector<16xi32>], vector<16xf32>,
      %get3A_703 = arith.constant 29 : i32
      %get3A_704 = arith.index_cast %get3A_703 : i32 to index
      %get3A_705 = arith.constant 0 : index
      %get3A_706 = tpu.vector_load %arg15[%get3A_704, %get3A_705] {strides = array<i32>} : memref<128x16xf32, #tpu.memory_space<vmem>>, vector<16xf32>,
      %mul3A_707 = arith.mulf %get3A_706, %gather3A_702 : vector<16xf32>
      %swap3A_708 = arith.constant 29 : i32
      %swap3A_709 = arith.index_cast %swap3A_708 : i32 to index
      %swap3A_710 = arith.constant 0 : index
      %swap3A_711 = tpu.vector_load %arg15[%swap3A_709, %swap3A_710] {strides = array<i32>} : memref<128x16xf32, #tpu.memory_space<vmem>>, vector<16xf32>,
      tpu.vector_store %arg15[%swap3A_709, %swap3A_710], %mul3A_707 {strides = array<i32>} : memref<128x16xf32, #tpu.memory_space<vmem>>, vector<16xf32>,
      %broadcast_in_dim3A_712 = arith.constant 30 : i32
      %broadcast_in_dim3A_713 = vector.broadcast %broadcast_in_dim3A_712 : i32 to vector<16xi32>
      %gather3A_714 = tpu.vector_load_idx %arg18[%broadcast_in_dim3A_713] : memref<128xf32, #tpu.memory_space<vmem>>[vector<16xi32>], vector<16xf32>,
      %get3A_715 = arith.constant 30 : i32
      %get3A_716 = arith.index_cast %get3A_715 : i32 to index
      %get3A_717 = arith.constant 0 : index
      %get3A_718 = tpu.vector_load %arg15[%get3A_716, %get3A_717] {strides = array<i32>} : memref<128x16xf32, #tpu.memory_space<vmem>>, vector<16xf32>,
      %mul3A_719 = arith.mulf %get3A_718, %gather3A_714 : vector<16xf32>
      %swap3A_720 = arith.constant 30 : i32
      %swap3A_721 = arith.index_cast %swap3A_720 : i32 to index
      %swap3A_722 = arith.constant 0 : index
      %swap3A_723 = tpu.vector_load %arg15[%swap3A_721, %swap3A_722] {strides = array<i32>} : memref<128x16xf32, #tpu.memory_space<vmem>>, vector<16xf32>,
      tpu.vector_store %arg15[%swap3A_721, %swap3A_722], %mul3A_719 {strides = array<i32>} : memref<128x16xf32, #tpu.memory_space<vmem>>, vector<16xf32>,
      %broadcast_in_dim3A_724 = arith.constant 31 : i32
      %broadcast_in_dim3A_725 = vector.broadcast %broadcast_in_dim3A_724 : i32 to vector<16xi32>
      %gather3A_726 = tpu.vector_load_idx %arg18[%broadcast_in_dim3A_725] : memref<128xf32, #tpu.memory_space<vmem>>[vector<16xi32>], vector<16xf32>,
      %get3A_727 = arith.constant 31 : i32
      %get3A_728 = arith.index_cast %get3A_727 : i32 to index
      %get3A_729 = arith.constant 0 : index
      %get3A_730 = tpu.vector_load %arg15[%get3A_728, %get3A_729] {strides = array<i32>} : memref<128x16xf32, #tpu.memory_space<vmem>>, vector<16xf32>,
      %mul3A_731 = arith.mulf %get3A_730, %gather3A_726 : vector<16xf32>
      %swap3A_732 = arith.constant 31 : i32
      %swap3A_733 = arith.index_cast %swap3A_732 : i32 to index
      %swap3A_734 = arith.constant 0 : index
      %swap3A_735 = tpu.vector_load %arg15[%swap3A_733, %swap3A_734] {strides = array<i32>} : memref<128x16xf32, #tpu.memory_space<vmem>>, vector<16xf32>,
      tpu.vector_store %arg15[%swap3A_733, %swap3A_734], %mul3A_731 {strides = array<i32>} : memref<128x16xf32, #tpu.memory_space<vmem>>, vector<16xf32>,
      %broadcast_in_dim3A_736 = arith.constant 32 : i32
      %broadcast_in_dim3A_737 = vector.broadcast %broadcast_in_dim3A_736 : i32 to vector<16xi32>
      %gather3A_738 = tpu.vector_load_idx %arg18[%broadcast_in_dim3A_737] : memref<128xf32, #tpu.memory_space<vmem>>[vector<16xi32>], vector<16xf32>,
      %get3A_739 = arith.constant 32 : i32
      %get3A_740 = arith.index_cast %get3A_739 : i32 to index
      %get3A_741 = arith.constant 0 : index
      %get3A_742 = tpu.vector_load %arg15[%get3A_740, %get3A_741] {strides = array<i32>} : memref<128x16xf32, #tpu.memory_space<vmem>>, vector<16xf32>,
      %mul3A_743 = arith.mulf %get3A_742, %gather3A_738 : vector<16xf32>
      %swap3A_744 = arith.constant 32 : i32
      %swap3A_745 = arith.index_cast %swap3A_744 : i32 to index
      %swap3A_746 = arith.constant 0 : index
      %swap3A_747 = tpu.vector_load %arg15[%swap3A_745, %swap3A_746] {strides = array<i32>} : memref<128x16xf32, #tpu.memory_space<vmem>>, vector<16xf32>,
      tpu.vector_store %arg15[%swap3A_745, %swap3A_746], %mul3A_743 {strides = array<i32>} : memref<128x16xf32, #tpu.memory_space<vmem>>, vector<16xf32>,
      %broadcast_in_dim3A_748 = arith.constant 33 : i32
      %broadcast_in_dim3A_749 = vector.broadcast %broadcast_in_dim3A_748 : i32 to vector<16xi32>
      %gather3A_750 = tpu.vector_load_idx %arg18[%broadcast_in_dim3A_749] : memref<128xf32, #tpu.memory_space<vmem>>[vector<16xi32>], vector<16xf32>,
      %get3A_751 = arith.constant 33 : i32
      %get3A_752 = arith.index_cast %get3A_751 : i32 to index
      %get3A_753 = arith.constant 0 : index
      %get3A_754 = tpu.vector_load %arg15[%get3A_752, %get3A_753] {strides = array<i32>} : memref<128x16xf32, #tpu.memory_space<vmem>>, vector<16xf32>,
      %mul3A_755 = arith.mulf %get3A_754, %gather3A_750 : vector<16xf32>
      %swap3A_756 = arith.constant 33 : i32
      %swap3A_757 = arith.index_cast %swap3A_756 : i32 to index
      %swap3A_758 = arith.constant 0 : index
      %swap3A_759 = tpu.vector_load %arg15[%swap3A_757, %swap3A_758] {strides = array<i32>} : memref<128x16xf32, #tpu.memory_space<vmem>>, vector<16xf32>,
      tpu.vector_store %arg15[%swap3A_757, %swap3A_758], %mul3A_755 {strides = array<i32>} : memref<128x16xf32, #tpu.memory_space<vmem>>, vector<16xf32>,
      %broadcast_in_dim3A_760 = arith.constant 34 : i32
      %broadcast_in_dim3A_761 = vector.broadcast %broadcast_in_dim3A_760 : i32 to vector<16xi32>
      %gather3A_762 = tpu.vector_load_idx %arg18[%broadcast_in_dim3A_761] : memref<128xf32, #tpu.memory_space<vmem>>[vector<16xi32>], vector<16xf32>,
      %get3A_763 = arith.constant 34 : i32
      %get3A_764 = arith.index_cast %get3A_763 : i32 to index
      %get3A_765 = arith.constant 0 : index
      %get3A_766 = tpu.vector_load %arg15[%get3A_764, %get3A_765] {strides = array<i32>} : memref<128x16xf32, #tpu.memory_space<vmem>>, vector<16xf32>,
      %mul3A_767 = arith.mulf %get3A_766, %gather3A_762 : vector<16xf32>
      %swap3A_768 = arith.constant 34 : i32
      %swap3A_769 = arith.index_cast %swap3A_768 : i32 to index
      %swap3A_770 = arith.constant 0 : index
      %swap3A_771 = tpu.vector_load %arg15[%swap3A_769, %swap3A_770] {strides = array<i32>} : memref<128x16xf32, #tpu.memory_space<vmem>>, vector<16xf32>,
      tpu.vector_store %arg15[%swap3A_769, %swap3A_770], %mul3A_767 {strides = array<i32>} : memref<128x16xf32, #tpu.memory_space<vmem>>, vector<16xf32>,
      %broadcast_in_dim3A_772 = arith.constant 35 : i32
      %broadcast_in_dim3A_773 = vector.broadcast %broadcast_in_dim3A_772 : i32 to vector<16xi32>
      %gather3A_774 = tpu.vector_load_idx %arg18[%broadcast_in_dim3A_773] : memref<128xf32, #tpu.memory_space<vmem>>[vector<16xi32>], vector<16xf32>,
      %get3A_775 = arith.constant 35 : i32
      %get3A_776 = arith.index_cast %get3A_775 : i32 to index
      %get3A_777 = arith.constant 0 : index
      %get3A_778 = tpu.vector_load %arg15[%get3A_776, %get3A_777] {strides = array<i32>} : memref<128x16xf32, #tpu.memory_space<vmem>>, vector<16xf32>,
      %mul3A_779 = arith.mulf %get3A_778, %gather3A_774 : vector<16xf32>
      %swap3A_780 = arith.constant 35 : i32
      %swap3A_781 = arith.index_cast %swap3A_780 : i32 to index
      %swap3A_782 = arith.constant 0 : index
      %swap3A_783 = tpu.vector_load %arg15[%swap3A_781, %swap3A_782] {strides = array<i32>} : memref<128x16xf32, #tpu.memory_space<vmem>>, vector<16xf32>,
      tpu.vector_store %arg15[%swap3A_781, %swap3A_782], %mul3A_779 {strides = array<i32>} : memref<128x16xf32, #tpu.memory_space<vmem>>, vector<16xf32>,
      %broadcast_in_dim3A_784 = arith.constant 36 : i32
      %broadcast_in_dim3A_785 = vector.broadcast %broadcast_in_dim3A_784 : i32 to vector<16xi32>
      %gather3A_786 = tpu.vector_load_idx %arg18[%broadcast_in_dim3A_785] : memref<128xf32, #tpu.memory_space<vmem>>[vector<16xi32>], vector<16xf32>,
      %get3A_787 = arith.constant 36 : i32
      %get3A_788 = arith.index_cast %get3A_787 : i32 to index
      %get3A_789 = arith.constant 0 : index
      %get3A_790 = tpu.vector_load %arg15[%get3A_788, %get3A_789] {strides = array<i32>} : memref<128x16xf32, #tpu.memory_space<vmem>>, vector<16xf32>,
      %mul3A_791 = arith.mulf %get3A_790, %gather3A_786 : vector<16xf32>
      %swap3A_792 = arith.constant 36 : i32
      %swap3A_793 = arith.index_cast %swap3A_792 : i32 to index
      %swap3A_794 = arith.constant 0 : index
      %swap3A_795 = tpu.vector_load %arg15[%swap3A_793, %swap3A_794] {strides = array<i32>} : memref<128x16xf32, #tpu.memory_space<vmem>>, vector<16xf32>,
      tpu.vector_store %arg15[%swap3A_793, %swap3A_794], %mul3A_791 {strides = array<i32>} : memref<128x16xf32, #tpu.memory_space<vmem>>, vector<16xf32>,
      %broadcast_in_dim3A_796 = arith.constant 37 : i32
      %broadcast_in_dim3A_797 = vector.broadcast %broadcast_in_dim3A_796 : i32 to vector<16xi32>
      %gather3A_798 = tpu.vector_load_idx %arg18[%broadcast_in_dim3A_797] : memref<128xf32, #tpu.memory_space<vmem>>[vector<16xi32>], vector<16xf32>,
      %get3A_799 = arith.constant 37 : i32
      %get3A_800 = arith.index_cast %get3A_799 : i32 to index
      %get3A_801 = arith.constant 0 : index
      %get3A_802 = tpu.vector_load %arg15[%get3A_800, %get3A_801] {strides = array<i32>} : memref<128x16xf32, #tpu.memory_space<vmem>>, vector<16xf32>,
      %mul3A_803 = arith.mulf %get3A_802, %gather3A_798 : vector<16xf32>
      %swap3A_804 = arith.constant 37 : i32
      %swap3A_805 = arith.index_cast %swap3A_804 : i32 to index
      %swap3A_806 = arith.constant 0 : index
      %swap3A_807 = tpu.vector_load %arg15[%swap3A_805, %swap3A_806] {strides = array<i32>} : memref<128x16xf32, #tpu.memory_space<vmem>>, vector<16xf32>,
      tpu.vector_store %arg15[%swap3A_805, %swap3A_806], %mul3A_803 {strides = array<i32>} : memref<128x16xf32, #tpu.memory_space<vmem>>, vector<16xf32>,
      %broadcast_in_dim3A_808 = arith.constant 38 : i32
      %broadcast_in_dim3A_809 = vector.broadcast %broadcast_in_dim3A_808 : i32 to vector<16xi32>
      %gather3A_810 = tpu.vector_load_idx %arg18[%broadcast_in_dim3A_809] : memref<128xf32, #tpu.memory_space<vmem>>[vector<16xi32>], vector<16xf32>,
      %get3A_811 = arith.constant 38 : i32
      %get3A_812 = arith.index_cast %get3A_811 : i32 to index
      %get3A_813 = arith.constant 0 : index
      %get3A_814 = tpu.vector_load %arg15[%get3A_812, %get3A_813] {strides = array<i32>} : memref<128x16xf32, #tpu.memory_space<vmem>>, vector<16xf32>,
      %mul3A_815 = arith.mulf %get3A_814, %gather3A_810 : vector<16xf32>
      %swap3A_816 = arith.constant 38 : i32
      %swap3A_817 = arith.index_cast %swap3A_816 : i32 to index
      %swap3A_818 = arith.constant 0 : index
      %swap3A_819 = tpu.vector_load %arg15[%swap3A_817, %swap3A_818] {strides = array<i32>} : memref<128x16xf32, #tpu.memory_space<vmem>>, vector<16xf32>,
      tpu.vector_store %arg15[%swap3A_817, %swap3A_818], %mul3A_815 {strides = array<i32>} : memref<128x16xf32, #tpu.memory_space<vmem>>, vector<16xf32>,
      %broadcast_in_dim3A_820 = arith.constant 39 : i32
      %broadcast_in_dim3A_821 = vector.broadcast %broadcast_in_dim3A_820 : i32 to vector<16xi32>
      %gather3A_822 = tpu.vector_load_idx %arg18[%broadcast_in_dim3A_821] : memref<128xf32, #tpu.memory_space<vmem>>[vector<16xi32>], vector<16xf32>,
      %get3A_823 = arith.constant 39 : i32
      %get3A_824 = arith.index_cast %get3A_823 : i32 to index
      %get3A_825 = arith.constant 0 : index
      %get3A_826 = tpu.vector_load %arg15[%get3A_824, %get3A_825] {strides = array<i32>} : memref<128x16xf32, #tpu.memory_space<vmem>>, vector<16xf32>,
      %mul3A_827 = arith.mulf %get3A_826, %gather3A_822 : vector<16xf32>
      %swap3A_828 = arith.constant 39 : i32
      %swap3A_829 = arith.index_cast %swap3A_828 : i32 to index
      %swap3A_830 = arith.constant 0 : index
      %swap3A_831 = tpu.vector_load %arg15[%swap3A_829, %swap3A_830] {strides = array<i32>} : memref<128x16xf32, #tpu.memory_space<vmem>>, vector<16xf32>,
      tpu.vector_store %arg15[%swap3A_829, %swap3A_830], %mul3A_827 {strides = array<i32>} : memref<128x16xf32, #tpu.memory_space<vmem>>, vector<16xf32>,
      %broadcast_in_dim3A_832 = arith.constant 40 : i32
      %broadcast_in_dim3A_833 = vector.broadcast %broadcast_in_dim3A_832 : i32 to vector<16xi32>
      %gather3A_834 = tpu.vector_load_idx %arg18[%broadcast_in_dim3A_833] : memref<128xf32, #tpu.memory_space<vmem>>[vector<16xi32>], vector<16xf32>,
      %get3A_835 = arith.constant 40 : i32
      %get3A_836 = arith.index_cast %get3A_835 : i32 to index
      %get3A_837 = arith.constant 0 : index
      %get3A_838 = tpu.vector_load %arg15[%get3A_836, %get3A_837] {strides = array<i32>} : memref<128x16xf32, #tpu.memory_space<vmem>>, vector<16xf32>,
      %mul3A_839 = arith.mulf %get3A_838, %gather3A_834 : vector<16xf32>
      %swap3A_840 = arith.constant 40 : i32
      %swap3A_841 = arith.index_cast %swap3A_840 : i32 to index
      %swap3A_842 = arith.constant 0 : index
      %swap3A_843 = tpu.vector_load %arg15[%swap3A_841, %swap3A_842] {strides = array<i32>} : memref<128x16xf32, #tpu.memory_space<vmem>>, vector<16xf32>,
      tpu.vector_store %arg15[%swap3A_841, %swap3A_842], %mul3A_839 {strides = array<i32>} : memref<128x16xf32, #tpu.memory_space<vmem>>, vector<16xf32>,
      %broadcast_in_dim3A_844 = arith.constant 41 : i32
      %broadcast_in_dim3A_845 = vector.broadcast %broadcast_in_dim3A_844 : i32 to vector<16xi32>
      %gather3A_846 = tpu.vector_load_idx %arg18[%broadcast_in_dim3A_845] : memref<128xf32, #tpu.memory_space<vmem>>[vector<16xi32>], vector<16xf32>,
      %get3A_847 = arith.constant 41 : i32
      %get3A_848 = arith.index_cast %get3A_847 : i32 to index
      %get3A_849 = arith.constant 0 : index
      %get3A_850 = tpu.vector_load %arg15[%get3A_848, %get3A_849] {strides = array<i32>} : memref<128x16xf32, #tpu.memory_space<vmem>>, vector<16xf32>,
      %mul3A_851 = arith.mulf %get3A_850, %gather3A_846 : vector<16xf32>
      %swap3A_852 = arith.constant 41 : i32
      %swap3A_853 = arith.index_cast %swap3A_852 : i32 to index
      %swap3A_854 = arith.constant 0 : index
      %swap3A_855 = tpu.vector_load %arg15[%swap3A_853, %swap3A_854] {strides = array<i32>} : memref<128x16xf32, #tpu.memory_space<vmem>>, vector<16xf32>,
      tpu.vector_store %arg15[%swap3A_853, %swap3A_854], %mul3A_851 {strides = array<i32>} : memref<128x16xf32, #tpu.memory_space<vmem>>, vector<16xf32>,
      %broadcast_in_dim3A_856 = arith.constant 42 : i32
      %broadcast_in_dim3A_857 = vector.broadcast %broadcast_in_dim3A_856 : i32 to vector<16xi32>
      %gather3A_858 = tpu.vector_load_idx %arg18[%broadcast_in_dim3A_857] : memref<128xf32, #tpu.memory_space<vmem>>[vector<16xi32>], vector<16xf32>,
      %get3A_859 = arith.constant 42 : i32
      %get3A_860 = arith.index_cast %get3A_859 : i32 to index
      %get3A_861 = arith.constant 0 : index
      %get3A_862 = tpu.vector_load %arg15[%get3A_860, %get3A_861] {strides = array<i32>} : memref<128x16xf32, #tpu.memory_space<vmem>>, vector<16xf32>,
      %mul3A_863 = arith.mulf %get3A_862, %gather3A_858 : vector<16xf32>
      %swap3A_864 = arith.constant 42 : i32
      %swap3A_865 = arith.index_cast %swap3A_864 : i32 to index
      %swap3A_866 = arith.constant 0 : index
      %swap3A_867 = tpu.vector_load %arg15[%swap3A_865, %swap3A_866] {strides = array<i32>} : memref<128x16xf32, #tpu.memory_space<vmem>>, vector<16xf32>,
      tpu.vector_store %arg15[%swap3A_865, %swap3A_866], %mul3A_863 {strides = array<i32>} : memref<128x16xf32, #tpu.memory_space<vmem>>, vector<16xf32>,
      %broadcast_in_dim3A_868 = arith.constant 43 : i32
      %broadcast_in_dim3A_869 = vector.broadcast %broadcast_in_dim3A_868 : i32 to vector<16xi32>
      %gather3A_870 = tpu.vector_load_idx %arg18[%broadcast_in_dim3A_869] : memref<128xf32, #tpu.memory_space<vmem>>[vector<16xi32>], vector<16xf32>,
      %get3A_871 = arith.constant 43 : i32
      %get3A_872 = arith.index_cast %get3A_871 : i32 to index
      %get3A_873 = arith.constant 0 : index
      %get3A_874 = tpu.vector_load %arg15[%get3A_872, %get3A_873] {strides = array<i32>} : memref<128x16xf32, #tpu.memory_space<vmem>>, vector<16xf32>,
      %mul3A_875 = arith.mulf %get3A_874, %gather3A_870 : vector<16xf32>
      %swap3A_876 = arith.constant 43 : i32
      %swap3A_877 = arith.index_cast %swap3A_876 : i32 to index
      %swap3A_878 = arith.constant 0 : index
      %swap3A_879 = tpu.vector_load %arg15[%swap3A_877, %swap3A_878] {strides = array<i32>} : memref<128x16xf32, #tpu.memory_space<vmem>>, vector<16xf32>,
      tpu.vector_store %arg15[%swap3A_877, %swap3A_878], %mul3A_875 {strides = array<i32>} : memref<128x16xf32, #tpu.memory_space<vmem>>, vector<16xf32>,
      %broadcast_in_dim3A_880 = arith.constant 44 : i32
      %broadcast_in_dim3A_881 = vector.broadcast %broadcast_in_dim3A_880 : i32 to vector<16xi32>
      %gather3A_882 = tpu.vector_load_idx %arg18[%broadcast_in_dim3A_881] : memref<128xf32, #tpu.memory_space<vmem>>[vector<16xi32>], vector<16xf32>,
      %get3A_883 = arith.constant 44 : i32
      %get3A_884 = arith.index_cast %get3A_883 : i32 to index
      %get3A_885 = arith.constant 0 : index
      %get3A_886 = tpu.vector_load %arg15[%get3A_884, %get3A_885] {strides = array<i32>} : memref<128x16xf32, #tpu.memory_space<vmem>>, vector<16xf32>,
      %mul3A_887 = arith.mulf %get3A_886, %gather3A_882 : vector<16xf32>
      %swap3A_888 = arith.constant 44 : i32
      %swap3A_889 = arith.index_cast %swap3A_888 : i32 to index
      %swap3A_890 = arith.constant 0 : index
      %swap3A_891 = tpu.vector_load %arg15[%swap3A_889, %swap3A_890] {strides = array<i32>} : memref<128x16xf32, #tpu.memory_space<vmem>>, vector<16xf32>,
      tpu.vector_store %arg15[%swap3A_889, %swap3A_890], %mul3A_887 {strides = array<i32>} : memref<128x16xf32, #tpu.memory_space<vmem>>, vector<16xf32>,
      %broadcast_in_dim3A_892 = arith.constant 45 : i32
      %broadcast_in_dim3A_893 = vector.broadcast %broadcast_in_dim3A_892 : i32 to vector<16xi32>
      %gather3A_894 = tpu.vector_load_idx %arg18[%broadcast_in_dim3A_893] : memref<128xf32, #tpu.memory_space<vmem>>[vector<16xi32>], vector<16xf32>,
      %get3A_895 = arith.constant 45 : i32
      %get3A_896 = arith.index_cast %get3A_895 : i32 to index
      %get3A_897 = arith.constant 0 : index
      %get3A_898 = tpu.vector_load %arg15[%get3A_896, %get3A_897] {strides = array<i32>} : memref<128x16xf32, #tpu.memory_space<vmem>>, vector<16xf32>,
      %mul3A_899 = arith.mulf %get3A_898, %gather3A_894 : vector<16xf32>
      %swap3A_900 = arith.constant 45 : i32
      %swap3A_901 = arith.index_cast %swap3A_900 : i32 to index
      %swap3A_902 = arith.constant 0 : index
      %swap3A_903 = tpu.vector_load %arg15[%swap3A_901, %swap3A_902] {strides = array<i32>} : memref<128x16xf32, #tpu.memory_space<vmem>>, vector<16xf32>,
      tpu.vector_store %arg15[%swap3A_901, %swap3A_902], %mul3A_899 {strides = array<i32>} : memref<128x16xf32, #tpu.memory_space<vmem>>, vector<16xf32>,
      %broadcast_in_dim3A_904 = arith.constant 46 : i32
      %broadcast_in_dim3A_905 = vector.broadcast %broadcast_in_dim3A_904 : i32 to vector<16xi32>
      %gather3A_906 = tpu.vector_load_idx %arg18[%broadcast_in_dim3A_905] : memref<128xf32, #tpu.memory_space<vmem>>[vector<16xi32>], vector<16xf32>,
      %get3A_907 = arith.constant 46 : i32
      %get3A_908 = arith.index_cast %get3A_907 : i32 to index
      %get3A_909 = arith.constant 0 : index
      %get3A_910 = tpu.vector_load %arg15[%get3A_908, %get3A_909] {strides = array<i32>} : memref<128x16xf32, #tpu.memory_space<vmem>>, vector<16xf32>,
      %mul3A_911 = arith.mulf %get3A_910, %gather3A_906 : vector<16xf32>
      %swap3A_912 = arith.constant 46 : i32
      %swap3A_913 = arith.index_cast %swap3A_912 : i32 to index
      %swap3A_914 = arith.constant 0 : index
      %swap3A_915 = tpu.vector_load %arg15[%swap3A_913, %swap3A_914] {strides = array<i32>} : memref<128x16xf32, #tpu.memory_space<vmem>>, vector<16xf32>,
      tpu.vector_store %arg15[%swap3A_913, %swap3A_914], %mul3A_911 {strides = array<i32>} : memref<128x16xf32, #tpu.memory_space<vmem>>, vector<16xf32>,
      %broadcast_in_dim3A_916 = arith.constant 47 : i32
      %broadcast_in_dim3A_917 = vector.broadcast %broadcast_in_dim3A_916 : i32 to vector<16xi32>
      %gather3A_918 = tpu.vector_load_idx %arg18[%broadcast_in_dim3A_917] : memref<128xf32, #tpu.memory_space<vmem>>[vector<16xi32>], vector<16xf32>,
      %get3A_919 = arith.constant 47 : i32
      %get3A_920 = arith.index_cast %get3A_919 : i32 to index
      %get3A_921 = arith.constant 0 : index
      %get3A_922 = tpu.vector_load %arg15[%get3A_920, %get3A_921] {strides = array<i32>} : memref<128x16xf32, #tpu.memory_space<vmem>>, vector<16xf32>,
      %mul3A_923 = arith.mulf %get3A_922, %gather3A_918 : vector<16xf32>
      %swap3A_924 = arith.constant 47 : i32
      %swap3A_925 = arith.index_cast %swap3A_924 : i32 to index
      %swap3A_926 = arith.constant 0 : index
      %swap3A_927 = tpu.vector_load %arg15[%swap3A_925, %swap3A_926] {strides = array<i32>} : memref<128x16xf32, #tpu.memory_space<vmem>>, vector<16xf32>,
      tpu.vector_store %arg15[%swap3A_925, %swap3A_926], %mul3A_923 {strides = array<i32>} : memref<128x16xf32, #tpu.memory_space<vmem>>, vector<16xf32>,
      %broadcast_in_dim3A_928 = arith.constant 48 : i32
      %broadcast_in_dim3A_929 = vector.broadcast %broadcast_in_dim3A_928 : i32 to vector<16xi32>
      %gather3A_930 = tpu.vector_load_idx %arg18[%broadcast_in_dim3A_929] : memref<128xf32, #tpu.memory_space<vmem>>[vector<16xi32>], vector<16xf32>,
      %get3A_931 = arith.constant 48 : i32
      %get3A_932 = arith.index_cast %get3A_931 : i32 to index
      %get3A_933 = arith.constant 0 : index
      %get3A_934 = tpu.vector_load %arg15[%get3A_932, %get3A_933] {strides = array<i32>} : memref<128x16xf32, #tpu.memory_space<vmem>>, vector<16xf32>,
      %mul3A_935 = arith.mulf %get3A_934, %gather3A_930 : vector<16xf32>
      %swap3A_936 = arith.constant 48 : i32
      %swap3A_937 = arith.index_cast %swap3A_936 : i32 to index
      %swap3A_938 = arith.constant 0 : index
      %swap3A_939 = tpu.vector_load %arg15[%swap3A_937, %swap3A_938] {strides = array<i32>} : memref<128x16xf32, #tpu.memory_space<vmem>>, vector<16xf32>,
      tpu.vector_store %arg15[%swap3A_937, %swap3A_938], %mul3A_935 {strides = array<i32>} : memref<128x16xf32, #tpu.memory_space<vmem>>, vector<16xf32>,
      %broadcast_in_dim3A_940 = arith.constant 49 : i32
      %broadcast_in_dim3A_941 = vector.broadcast %broadcast_in_dim3A_940 : i32 to vector<16xi32>
      %gather3A_942 = tpu.vector_load_idx %arg18[%broadcast_in_dim3A_941] : memref<128xf32, #tpu.memory_space<vmem>>[vector<16xi32>], vector<16xf32>,
      %get3A_943 = arith.constant 49 : i32
      %get3A_944 = arith.index_cast %get3A_943 : i32 to index
      %get3A_945 = arith.constant 0 : index
      %get3A_946 = tpu.vector_load %arg15[%get3A_944, %get3A_945] {strides = array<i32>} : memref<128x16xf32, #tpu.memory_space<vmem>>, vector<16xf32>,
      %mul3A_947 = arith.mulf %get3A_946, %gather3A_942 : vector<16xf32>
      %swap3A_948 = arith.constant 49 : i32
      %swap3A_949 = arith.index_cast %swap3A_948 : i32 to index
      %swap3A_950 = arith.constant 0 : index
      %swap3A_951 = tpu.vector_load %arg15[%swap3A_949, %swap3A_950] {strides = array<i32>} : memref<128x16xf32, #tpu.memory_space<vmem>>, vector<16xf32>,
      tpu.vector_store %arg15[%swap3A_949, %swap3A_950], %mul3A_947 {strides = array<i32>} : memref<128x16xf32, #tpu.memory_space<vmem>>, vector<16xf32>,
      %broadcast_in_dim3A_952 = arith.constant 50 : i32
      %broadcast_in_dim3A_953 = vector.broadcast %broadcast_in_dim3A_952 : i32 to vector<16xi32>
      %gather3A_954 = tpu.vector_load_idx %arg18[%broadcast_in_dim3A_953] : memref<128xf32, #tpu.memory_space<vmem>>[vector<16xi32>], vector<16xf32>,
      %get3A_955 = arith.constant 50 : i32
      %get3A_956 = arith.index_cast %get3A_955 : i32 to index
      %get3A_957 = arith.constant 0 : index
      %get3A_958 = tpu.vector_load %arg15[%get3A_956, %get3A_957] {strides = array<i32>} : memref<128x16xf32, #tpu.memory_space<vmem>>, vector<16xf32>,
      %mul3A_959 = arith.mulf %get3A_958, %gather3A_954 : vector<16xf32>
      %swap3A_960 = arith.constant 50 : i32
      %swap3A_961 = arith.index_cast %swap3A_960 : i32 to index
      %swap3A_962 = arith.constant 0 : index
      %swap3A_963 = tpu.vector_load %arg15[%swap3A_961, %swap3A_962] {strides = array<i32>} : memref<128x16xf32, #tpu.memory_space<vmem>>, vector<16xf32>,
      tpu.vector_store %arg15[%swap3A_961, %swap3A_962], %mul3A_959 {strides = array<i32>} : memref<128x16xf32, #tpu.memory_space<vmem>>, vector<16xf32>,
      %broadcast_in_dim3A_964 = arith.constant 51 : i32
      %broadcast_in_dim3A_965 = vector.broadcast %broadcast_in_dim3A_964 : i32 to vector<16xi32>
      %gather3A_966 = tpu.vector_load_idx %arg18[%broadcast_in_dim3A_965] : memref<128xf32, #tpu.memory_space<vmem>>[vector<16xi32>], vector<16xf32>,
      %get3A_967 = arith.constant 51 : i32
      %get3A_968 = arith.index_cast %get3A_967 : i32 to index
      %get3A_969 = arith.constant 0 : index
      %get3A_970 = tpu.vector_load %arg15[%get3A_968, %get3A_969] {strides = array<i32>} : memref<128x16xf32, #tpu.memory_space<vmem>>, vector<16xf32>,
      %mul3A_971 = arith.mulf %get3A_970, %gather3A_966 : vector<16xf32>
      %swap3A_972 = arith.constant 51 : i32
      %swap3A_973 = arith.index_cast %swap3A_972 : i32 to index
      %swap3A_974 = arith.constant 0 : index
      %swap3A_975 = tpu.vector_load %arg15[%swap3A_973, %swap3A_974] {strides = array<i32>} : memref<128x16xf32, #tpu.memory_space<vmem>>, vector<16xf32>,
      tpu.vector_store %arg15[%swap3A_973, %swap3A_974], %mul3A_971 {strides = array<i32>} : memref<128x16xf32, #tpu.memory_space<vmem>>, vector<16xf32>,
      %broadcast_in_dim3A_976 = arith.constant 52 : i32
      %broadcast_in_dim3A_977 = vector.broadcast %broadcast_in_dim3A_976 : i32 to vector<16xi32>
      %gather3A_978 = tpu.vector_load_idx %arg18[%broadcast_in_dim3A_977] : memref<128xf32, #tpu.memory_space<vmem>>[vector<16xi32>], vector<16xf32>,
      %get3A_979 = arith.constant 52 : i32
      %get3A_980 = arith.index_cast %get3A_979 : i32 to index
      %get3A_981 = arith.constant 0 : index
      %get3A_982 = tpu.vector_load %arg15[%get3A_980, %get3A_981] {strides = array<i32>} : memref<128x16xf32, #tpu.memory_space<vmem>>, vector<16xf32>,
      %mul3A_983 = arith.mulf %get3A_982, %gather3A_978 : vector<16xf32>
      %swap3A_984 = arith.constant 52 : i32
      %swap3A_985 = arith.index_cast %swap3A_984 : i32 to index
      %swap3A_986 = arith.constant 0 : index
      %swap3A_987 = tpu.vector_load %arg15[%swap3A_985, %swap3A_986] {strides = array<i32>} : memref<128x16xf32, #tpu.memory_space<vmem>>, vector<16xf32>,
      tpu.vector_store %arg15[%swap3A_985, %swap3A_986], %mul3A_983 {strides = array<i32>} : memref<128x16xf32, #tpu.memory_space<vmem>>, vector<16xf32>,
      %broadcast_in_dim3A_988 = arith.constant 53 : i32
      %broadcast_in_dim3A_989 = vector.broadcast %broadcast_in_dim3A_988 : i32 to vector<16xi32>
      %gather3A_990 = tpu.vector_load_idx %arg18[%broadcast_in_dim3A_989] : memref<128xf32, #tpu.memory_space<vmem>>[vector<16xi32>], vector<16xf32>,
      %get3A_991 = arith.constant 53 : i32
      %get3A_992 = arith.index_cast %get3A_991 : i32 to index
      %get3A_993 = arith.constant 0 : index
      %get3A_994 = tpu.vector_load %arg15[%get3A_992, %get3A_993] {strides = array<i32>} : memref<128x16xf32, #tpu.memory_space<vmem>>, vector<16xf32>,
      %mul3A_995 = arith.mulf %get3A_994, %gather3A_990 : vector<16xf32>
      %swap3A_996 = arith.constant 53 : i32
      %swap3A_997 = arith.index_cast %swap3A_996 : i32 to index
      %swap3A_998 = arith.constant 0 : index
      %swap3A_999 = tpu.vector_load %arg15[%swap3A_997, %swap3A_998] {strides = array<i32>} : memref<128x16xf32, #tpu.memory_space<vmem>>, vector<16xf32>,
      tpu.vector_store %arg15[%swap3A_997, %swap3A_998], %mul3A_995 {strides = array<i32>} : memref<128x16xf32, #tpu.memory_space<vmem>>, vector<16xf32>,
      %broadcast_in_dim3A_1000 = arith.constant 54 : i32
      %broadcast_in_dim3A_1001 = vector.broadcast %broadcast_in_dim3A_1000 : i32 to vector<16xi32>
      %gather3A_1002 = tpu.vector_load_idx %arg18[%broadcast_in_dim3A_1001] : memref<128xf32, #tpu.memory_space<vmem>>[vector<16xi32>], vector<16xf32>,
      %get3A_1003 = arith.constant 54 : i32
      %get3A_1004 = arith.index_cast %get3A_1003 : i32 to index
      %get3A_1005 = arith.constant 0 : index
      %get3A_1006 = tpu.vector_load %arg15[%get3A_1004, %get3A_1005] {strides = array<i32>} : memref<128x16xf32, #tpu.memory_space<vmem>>, vector<16xf32>,
      %mul3A_1007 = arith.mulf %get3A_1006, %gather3A_1002 : vector<16xf32>
      %swap3A_1008 = arith.constant 54 : i32
      %swap3A_1009 = arith.index_cast %swap3A_1008 : i32 to index
      %swap3A_1010 = arith.constant 0 : index
      %swap3A_1011 = tpu.vector_load %arg15[%swap3A_1009, %swap3A_1010] {strides = array<i32>} : memref<128x16xf32, #tpu.memory_space<vmem>>, vector<16xf32>,
      tpu.vector_store %arg15[%swap3A_1009, %swap3A_1010], %mul3A_1007 {strides = array<i32>} : memref<128x16xf32, #tpu.memory_space<vmem>>, vector<16xf32>,
      %broadcast_in_dim3A_1012 = arith.constant 55 : i32
      %broadcast_in_dim3A_1013 = vector.broadcast %broadcast_in_dim3A_1012 : i32 to vector<16xi32>
      %gather3A_1014 = tpu.vector_load_idx %arg18[%broadcast_in_dim3A_1013] : memref<128xf32, #tpu.memory_space<vmem>>[vector<16xi32>], vector<16xf32>,
      %get3A_1015 = arith.constant 55 : i32
      %get3A_1016 = arith.index_cast %get3A_1015 : i32 to index
      %get3A_1017 = arith.constant 0 : index
      %get3A_1018 = tpu.vector_load %arg15[%get3A_1016, %get3A_1017] {strides = array<i32>} : memref<128x16xf32, #tpu.memory_space<vmem>>, vector<16xf32>,
      %mul3A_1019 = arith.mulf %get3A_1018, %gather3A_1014 : vector<16xf32>
      %swap3A_1020 = arith.constant 55 : i32
      %swap3A_1021 = arith.index_cast %swap3A_1020 : i32 to index
      %swap3A_1022 = arith.constant 0 : index
      %swap3A_1023 = tpu.vector_load %arg15[%swap3A_1021, %swap3A_1022] {strides = array<i32>} : memref<128x16xf32, #tpu.memory_space<vmem>>, vector<16xf32>,
      tpu.vector_store %arg15[%swap3A_1021, %swap3A_1022], %mul3A_1019 {strides = array<i32>} : memref<128x16xf32, #tpu.memory_space<vmem>>, vector<16xf32>,
      %broadcast_in_dim3A_1024 = arith.constant 56 : i32
      %broadcast_in_dim3A_1025 = vector.broadcast %broadcast_in_dim3A_1024 : i32 to vector<16xi32>
      %gather3A_1026 = tpu.vector_load_idx %arg18[%broadcast_in_dim3A_1025] : memref<128xf32, #tpu.memory_space<vmem>>[vector<16xi32>], vector<16xf32>,
      %get3A_1027 = arith.constant 56 : i32
      %get3A_1028 = arith.index_cast %get3A_1027 : i32 to index
      %get3A_1029 = arith.constant 0 : index
      %get3A_1030 = tpu.vector_load %arg15[%get3A_1028, %get3A_1029] {strides = array<i32>} : memref<128x16xf32, #tpu.memory_space<vmem>>, vector<16xf32>,
      %mul3A_1031 = arith.mulf %get3A_1030, %gather3A_1026 : vector<16xf32>
      %swap3A_1032 = arith.constant 56 : i32
      %swap3A_1033 = arith.index_cast %swap3A_1032 : i32 to index
      %swap3A_1034 = arith.constant 0 : index
      %swap3A_1035 = tpu.vector_load %arg15[%swap3A_1033, %swap3A_1034] {strides = array<i32>} : memref<128x16xf32, #tpu.memory_space<vmem>>, vector<16xf32>,
      tpu.vector_store %arg15[%swap3A_1033, %swap3A_1034], %mul3A_1031 {strides = array<i32>} : memref<128x16xf32, #tpu.memory_space<vmem>>, vector<16xf32>,
      %broadcast_in_dim3A_1036 = arith.constant 57 : i32
      %broadcast_in_dim3A_1037 = vector.broadcast %broadcast_in_dim3A_1036 : i32 to vector<16xi32>
      %gather3A_1038 = tpu.vector_load_idx %arg18[%broadcast_in_dim3A_1037] : memref<128xf32, #tpu.memory_space<vmem>>[vector<16xi32>], vector<16xf32>,
      %get3A_1039 = arith.constant 57 : i32
      %get3A_1040 = arith.index_cast %get3A_1039 : i32 to index
      %get3A_1041 = arith.constant 0 : index
      %get3A_1042 = tpu.vector_load %arg15[%get3A_1040, %get3A_1041] {strides = array<i32>} : memref<128x16xf32, #tpu.memory_space<vmem>>, vector<16xf32>,
      %mul3A_1043 = arith.mulf %get3A_1042, %gather3A_1038 : vector<16xf32>
      %swap3A_1044 = arith.constant 57 : i32
      %swap3A_1045 = arith.index_cast %swap3A_1044 : i32 to index
      %swap3A_1046 = arith.constant 0 : index
      %swap3A_1047 = tpu.vector_load %arg15[%swap3A_1045, %swap3A_1046] {strides = array<i32>} : memref<128x16xf32, #tpu.memory_space<vmem>>, vector<16xf32>,
      tpu.vector_store %arg15[%swap3A_1045, %swap3A_1046], %mul3A_1043 {strides = array<i32>} : memref<128x16xf32, #tpu.memory_space<vmem>>, vector<16xf32>,
      %broadcast_in_dim3A_1048 = arith.constant 58 : i32
      %broadcast_in_dim3A_1049 = vector.broadcast %broadcast_in_dim3A_1048 : i32 to vector<16xi32>
      %gather3A_1050 = tpu.vector_load_idx %arg18[%broadcast_in_dim3A_1049] : memref<128xf32, #tpu.memory_space<vmem>>[vector<16xi32>], vector<16xf32>,
      %get3A_1051 = arith.constant 58 : i32
      %get3A_1052 = arith.index_cast %get3A_1051 : i32 to index
      %get3A_1053 = arith.constant 0 : index
      %get3A_1054 = tpu.vector_load %arg15[%get3A_1052, %get3A_1053] {strides = array<i32>} : memref<128x16xf32, #tpu.memory_space<vmem>>, vector<16xf32>,
      %mul3A_1055 = arith.mulf %get3A_1054, %gather3A_1050 : vector<16xf32>
      %swap3A_1056 = arith.constant 58 : i32
      %swap3A_1057 = arith.index_cast %swap3A_1056 : i32 to index
      %swap3A_1058 = arith.constant 0 : index
      %swap3A_1059 = tpu.vector_load %arg15[%swap3A_1057, %swap3A_1058] {strides = array<i32>} : memref<128x16xf32, #tpu.memory_space<vmem>>, vector<16xf32>,
      tpu.vector_store %arg15[%swap3A_1057, %swap3A_1058], %mul3A_1055 {strides = array<i32>} : memref<128x16xf32, #tpu.memory_space<vmem>>, vector<16xf32>,
      %broadcast_in_dim3A_1060 = arith.constant 59 : i32
      %broadcast_in_dim3A_1061 = vector.broadcast %broadcast_in_dim3A_1060 : i32 to vector<16xi32>
      %gather3A_1062 = tpu.vector_load_idx %arg18[%broadcast_in_dim3A_1061] : memref<128xf32, #tpu.memory_space<vmem>>[vector<16xi32>], vector<16xf32>,
      %get3A_1063 = arith.constant 59 : i32
      %get3A_1064 = arith.index_cast %get3A_1063 : i32 to index
      %get3A_1065 = arith.constant 0 : index
      %get3A_1066 = tpu.vector_load %arg15[%get3A_1064, %get3A_1065] {strides = array<i32>} : memref<128x16xf32, #tpu.memory_space<vmem>>, vector<16xf32>,
      %mul3A_1067 = arith.mulf %get3A_1066, %gather3A_1062 : vector<16xf32>
      %swap3A_1068 = arith.constant 59 : i32
      %swap3A_1069 = arith.index_cast %swap3A_1068 : i32 to index
      %swap3A_1070 = arith.constant 0 : index
      %swap3A_1071 = tpu.vector_load %arg15[%swap3A_1069, %swap3A_1070] {strides = array<i32>} : memref<128x16xf32, #tpu.memory_space<vmem>>, vector<16xf32>,
      tpu.vector_store %arg15[%swap3A_1069, %swap3A_1070], %mul3A_1067 {strides = array<i32>} : memref<128x16xf32, #tpu.memory_space<vmem>>, vector<16xf32>,
      %broadcast_in_dim3A_1072 = arith.constant 60 : i32
      %broadcast_in_dim3A_1073 = vector.broadcast %broadcast_in_dim3A_1072 : i32 to vector<16xi32>
      %gather3A_1074 = tpu.vector_load_idx %arg18[%broadcast_in_dim3A_1073] : memref<128xf32, #tpu.memory_space<vmem>>[vector<16xi32>], vector<16xf32>,
      %get3A_1075 = arith.constant 60 : i32
      %get3A_1076 = arith.index_cast %get3A_1075 : i32 to index
      %get3A_1077 = arith.constant 0 : index
      %get3A_1078 = tpu.vector_load %arg15[%get3A_1076, %get3A_1077] {strides = array<i32>} : memref<128x16xf32, #tpu.memory_space<vmem>>, vector<16xf32>,
      %mul3A_1079 = arith.mulf %get3A_1078, %gather3A_1074 : vector<16xf32>
      %swap3A_1080 = arith.constant 60 : i32
      %swap3A_1081 = arith.index_cast %swap3A_1080 : i32 to index
      %swap3A_1082 = arith.constant 0 : index
      %swap3A_1083 = tpu.vector_load %arg15[%swap3A_1081, %swap3A_1082] {strides = array<i32>} : memref<128x16xf32, #tpu.memory_space<vmem>>, vector<16xf32>,
      tpu.vector_store %arg15[%swap3A_1081, %swap3A_1082], %mul3A_1079 {strides = array<i32>} : memref<128x16xf32, #tpu.memory_space<vmem>>, vector<16xf32>,
      %broadcast_in_dim3A_1084 = arith.constant 61 : i32
      %broadcast_in_dim3A_1085 = vector.broadcast %broadcast_in_dim3A_1084 : i32 to vector<16xi32>
      %gather3A_1086 = tpu.vector_load_idx %arg18[%broadcast_in_dim3A_1085] : memref<128xf32, #tpu.memory_space<vmem>>[vector<16xi32>], vector<16xf32>,
      %get3A_1087 = arith.constant 61 : i32
      %get3A_1088 = arith.index_cast %get3A_1087 : i32 to index
      %get3A_1089 = arith.constant 0 : index
      %get3A_1090 = tpu.vector_load %arg15[%get3A_1088, %get3A_1089] {strides = array<i32>} : memref<128x16xf32, #tpu.memory_space<vmem>>, vector<16xf32>,
      %mul3A_1091 = arith.mulf %get3A_1090, %gather3A_1086 : vector<16xf32>
      %swap3A_1092 = arith.constant 61 : i32
      %swap3A_1093 = arith.index_cast %swap3A_1092 : i32 to index
      %swap3A_1094 = arith.constant 0 : index
      %swap3A_1095 = tpu.vector_load %arg15[%swap3A_1093, %swap3A_1094] {strides = array<i32>} : memref<128x16xf32, #tpu.memory_space<vmem>>, vector<16xf32>,
      tpu.vector_store %arg15[%swap3A_1093, %swap3A_1094], %mul3A_1091 {strides = array<i32>} : memref<128x16xf32, #tpu.memory_space<vmem>>, vector<16xf32>,
      %broadcast_in_dim3A_1096 = arith.constant 62 : i32
      %broadcast_in_dim3A_1097 = vector.broadcast %broadcast_in_dim3A_1096 : i32 to vector<16xi32>
      %gather3A_1098 = tpu.vector_load_idx %arg18[%broadcast_in_dim3A_1097] : memref<128xf32, #tpu.memory_space<vmem>>[vector<16xi32>], vector<16xf32>,
      %get3A_1099 = arith.constant 62 : i32
      %get3A_1100 = arith.index_cast %get3A_1099 : i32 to index
      %get3A_1101 = arith.constant 0 : index
      %get3A_1102 = tpu.vector_load %arg15[%get3A_1100, %get3A_1101] {strides = array<i32>} : memref<128x16xf32, #tpu.memory_space<vmem>>, vector<16xf32>,
      %mul3A_1103 = arith.mulf %get3A_1102, %gather3A_1098 : vector<16xf32>
      %swap3A_1104 = arith.constant 62 : i32
      %swap3A_1105 = arith.index_cast %swap3A_1104 : i32 to index
      %swap3A_1106 = arith.constant 0 : index
      %swap3A_1107 = tpu.vector_load %arg15[%swap3A_1105, %swap3A_1106] {strides = array<i32>} : memref<128x16xf32, #tpu.memory_space<vmem>>, vector<16xf32>,
      tpu.vector_store %arg15[%swap3A_1105, %swap3A_1106], %mul3A_1103 {strides = array<i32>} : memref<128x16xf32, #tpu.memory_space<vmem>>, vector<16xf32>,
      %broadcast_in_dim3A_1108 = arith.constant 63 : i32
      %broadcast_in_dim3A_1109 = vector.broadcast %broadcast_in_dim3A_1108 : i32 to vector<16xi32>
      %gather3A_1110 = tpu.vector_load_idx %arg18[%broadcast_in_dim3A_1109] : memref<128xf32, #tpu.memory_space<vmem>>[vector<16xi32>], vector<16xf32>,
      %get3A_1111 = arith.constant 63 : i32
      %get3A_1112 = arith.index_cast %get3A_1111 : i32 to index
      %get3A_1113 = arith.constant 0 : index
      %get3A_1114 = tpu.vector_load %arg15[%get3A_1112, %get3A_1113] {strides = array<i32>} : memref<128x16xf32, #tpu.memory_space<vmem>>, vector<16xf32>,
      %mul3A_1115 = arith.mulf %get3A_1114, %gather3A_1110 : vector<16xf32>
      %swap3A_1116 = arith.constant 63 : i32
      %swap3A_1117 = arith.index_cast %swap3A_1116 : i32 to index
      %swap3A_1118 = arith.constant 0 : index
      %swap3A_1119 = tpu.vector_load %arg15[%swap3A_1117, %swap3A_1118] {strides = array<i32>} : memref<128x16xf32, #tpu.memory_space<vmem>>, vector<16xf32>,
      tpu.vector_store %arg15[%swap3A_1117, %swap3A_1118], %mul3A_1115 {strides = array<i32>} : memref<128x16xf32, #tpu.memory_space<vmem>>, vector<16xf32>,
      %broadcast_in_dim3A_1120 = arith.constant 64 : i32
      %broadcast_in_dim3A_1121 = vector.broadcast %broadcast_in_dim3A_1120 : i32 to vector<16xi32>
      %gather3A_1122 = tpu.vector_load_idx %arg18[%broadcast_in_dim3A_1121] : memref<128xf32, #tpu.memory_space<vmem>>[vector<16xi32>], vector<16xf32>,
      %get3A_1123 = arith.constant 64 : i32
      %get3A_1124 = arith.index_cast %get3A_1123 : i32 to index
      %get3A_1125 = arith.constant 0 : index
      %get3A_1126 = tpu.vector_load %arg15[%get3A_1124, %get3A_1125] {strides = array<i32>} : memref<128x16xf32, #tpu.memory_space<vmem>>, vector<16xf32>,
      %mul3A_1127 = arith.mulf %get3A_1126, %gather3A_1122 : vector<16xf32>
      %swap3A_1128 = arith.constant 64 : i32
      %swap3A_1129 = arith.index_cast %swap3A_1128 : i32 to index
      %swap3A_1130 = arith.constant 0 : index
      %swap3A_1131 = tpu.vector_load %arg15[%swap3A_1129, %swap3A_1130] {strides = array<i32>} : memref<128x16xf32, #tpu.memory_space<vmem>>, vector<16xf32>,
      tpu.vector_store %arg15[%swap3A_1129, %swap3A_1130], %mul3A_1127 {strides = array<i32>} : memref<128x16xf32, #tpu.memory_space<vmem>>, vector<16xf32>,
      %broadcast_in_dim3A_1132 = arith.constant 65 : i32
      %broadcast_in_dim3A_1133 = vector.broadcast %broadcast_in_dim3A_1132 : i32 to vector<16xi32>
      %gather3A_1134 = tpu.vector_load_idx %arg18[%broadcast_in_dim3A_1133] : memref<128xf32, #tpu.memory_space<vmem>>[vector<16xi32>], vector<16xf32>,
      %get3A_1135 = arith.constant 65 : i32
      %get3A_1136 = arith.index_cast %get3A_1135 : i32 to index
      %get3A_1137 = arith.constant 0 : index
      %get3A_1138 = tpu.vector_load %arg15[%get3A_1136, %get3A_1137] {strides = array<i32>} : memref<128x16xf32, #tpu.memory_space<vmem>>, vector<16xf32>,
      %mul3A_1139 = arith.mulf %get3A_1138, %gather3A_1134 : vector<16xf32>
      %swap3A_1140 = arith.constant 65 : i32
      %swap3A_1141 = arith.index_cast %swap3A_1140 : i32 to index
      %swap3A_1142 = arith.constant 0 : index
      %swap3A_1143 = tpu.vector_load %arg15[%swap3A_1141, %swap3A_1142] {strides = array<i32>} : memref<128x16xf32, #tpu.memory_space<vmem>>, vector<16xf32>,
      tpu.vector_store %arg15[%swap3A_1141, %swap3A_1142], %mul3A_1139 {strides = array<i32>} : memref<128x16xf32, #tpu.memory_space<vmem>>, vector<16xf32>,
      %broadcast_in_dim3A_1144 = arith.constant 66 : i32
      %broadcast_in_dim3A_1145 = vector.broadcast %broadcast_in_dim3A_1144 : i32 to vector<16xi32>
      %gather3A_1146 = tpu.vector_load_idx %arg18[%broadcast_in_dim3A_1145] : memref<128xf32, #tpu.memory_space<vmem>>[vector<16xi32>], vector<16xf32>,
      %get3A_1147 = arith.constant 66 : i32
      %get3A_1148 = arith.index_cast %get3A_1147 : i32 to index
      %get3A_1149 = arith.constant 0 : index
      %get3A_1150 = tpu.vector_load %arg15[%get3A_1148, %get3A_1149] {strides = array<i32>} : memref<128x16xf32, #tpu.memory_space<vmem>>, vector<16xf32>,
      %mul3A_1151 = arith.mulf %get3A_1150, %gather3A_1146 : vector<16xf32>
      %swap3A_1152 = arith.constant 66 : i32
      %swap3A_1153 = arith.index_cast %swap3A_1152 : i32 to index
      %swap3A_1154 = arith.constant 0 : index
      %swap3A_1155 = tpu.vector_load %arg15[%swap3A_1153, %swap3A_1154] {strides = array<i32>} : memref<128x16xf32, #tpu.memory_space<vmem>>, vector<16xf32>,
      tpu.vector_store %arg15[%swap3A_1153, %swap3A_1154], %mul3A_1151 {strides = array<i32>} : memref<128x16xf32, #tpu.memory_space<vmem>>, vector<16xf32>,
      %broadcast_in_dim3A_1156 = arith.constant 67 : i32
      %broadcast_in_dim3A_1157 = vector.broadcast %broadcast_in_dim3A_1156 : i32 to vector<16xi32>
      %gather3A_1158 = tpu.vector_load_idx %arg18[%broadcast_in_dim3A_1157] : memref<128xf32, #tpu.memory_space<vmem>>[vector<16xi32>], vector<16xf32>,
      %get3A_1159 = arith.constant 67 : i32
      %get3A_1160 = arith.index_cast %get3A_1159 : i32 to index
      %get3A_1161 = arith.constant 0 : index
      %get3A_1162 = tpu.vector_load %arg15[%get3A_1160, %get3A_1161] {strides = array<i32>} : memref<128x16xf32, #tpu.memory_space<vmem>>, vector<16xf32>,
      %mul3A_1163 = arith.mulf %get3A_1162, %gather3A_1158 : vector<16xf32>
      %swap3A_1164 = arith.constant 67 : i32
      %swap3A_1165 = arith.index_cast %swap3A_1164 : i32 to index
      %swap3A_1166 = arith.constant 0 : index
      %swap3A_1167 = tpu.vector_load %arg15[%swap3A_1165, %swap3A_1166] {strides = array<i32>} : memref<128x16xf32, #tpu.memory_space<vmem>>, vector<16xf32>,
      tpu.vector_store %arg15[%swap3A_1165, %swap3A_1166], %mul3A_1163 {strides = array<i32>} : memref<128x16xf32, #tpu.memory_space<vmem>>, vector<16xf32>,
      %broadcast_in_dim3A_1168 = arith.constant 68 : i32
      %broadcast_in_dim3A_1169 = vector.broadcast %broadcast_in_dim3A_1168 : i32 to vector<16xi32>
      %gather3A_1170 = tpu.vector_load_idx %arg18[%broadcast_in_dim3A_1169] : memref<128xf32, #tpu.memory_space<vmem>>[vector<16xi32>], vector<16xf32>,
      %get3A_1171 = arith.constant 68 : i32
      %get3A_1172 = arith.index_cast %get3A_1171 : i32 to index
      %get3A_1173 = arith.constant 0 : index
      %get3A_1174 = tpu.vector_load %arg15[%get3A_1172, %get3A_1173] {strides = array<i32>} : memref<128x16xf32, #tpu.memory_space<vmem>>, vector<16xf32>,
      %mul3A_1175 = arith.mulf %get3A_1174, %gather3A_1170 : vector<16xf32>
      %swap3A_1176 = arith.constant 68 : i32
      %swap3A_1177 = arith.index_cast %swap3A_1176 : i32 to index
      %swap3A_1178 = arith.constant 0 : index
      %swap3A_1179 = tpu.vector_load %arg15[%swap3A_1177, %swap3A_1178] {strides = array<i32>} : memref<128x16xf32, #tpu.memory_space<vmem>>, vector<16xf32>,
      tpu.vector_store %arg15[%swap3A_1177, %swap3A_1178], %mul3A_1175 {strides = array<i32>} : memref<128x16xf32, #tpu.memory_space<vmem>>, vector<16xf32>,
      %broadcast_in_dim3A_1180 = arith.constant 69 : i32
      %broadcast_in_dim3A_1181 = vector.broadcast %broadcast_in_dim3A_1180 : i32 to vector<16xi32>
      %gather3A_1182 = tpu.vector_load_idx %arg18[%broadcast_in_dim3A_1181] : memref<128xf32, #tpu.memory_space<vmem>>[vector<16xi32>], vector<16xf32>,
      %get3A_1183 = arith.constant 69 : i32
      %get3A_1184 = arith.index_cast %get3A_1183 : i32 to index
      %get3A_1185 = arith.constant 0 : index
      %get3A_1186 = tpu.vector_load %arg15[%get3A_1184, %get3A_1185] {strides = array<i32>} : memref<128x16xf32, #tpu.memory_space<vmem>>, vector<16xf32>,
      %mul3A_1187 = arith.mulf %get3A_1186, %gather3A_1182 : vector<16xf32>
      %swap3A_1188 = arith.constant 69 : i32
      %swap3A_1189 = arith.index_cast %swap3A_1188 : i32 to index
      %swap3A_1190 = arith.constant 0 : index
      %swap3A_1191 = tpu.vector_load %arg15[%swap3A_1189, %swap3A_1190] {strides = array<i32>} : memref<128x16xf32, #tpu.memory_space<vmem>>, vector<16xf32>,
      tpu.vector_store %arg15[%swap3A_1189, %swap3A_1190], %mul3A_1187 {strides = array<i32>} : memref<128x16xf32, #tpu.memory_space<vmem>>, vector<16xf32>,
      %broadcast_in_dim3A_1192 = arith.constant 70 : i32
      %broadcast_in_dim3A_1193 = vector.broadcast %broadcast_in_dim3A_1192 : i32 to vector<16xi32>
      %gather3A_1194 = tpu.vector_load_idx %arg18[%broadcast_in_dim3A_1193] : memref<128xf32, #tpu.memory_space<vmem>>[vector<16xi32>], vector<16xf32>,
      %get3A_1195 = arith.constant 70 : i32
      %get3A_1196 = arith.index_cast %get3A_1195 : i32 to index
      %get3A_1197 = arith.constant 0 : index
      %get3A_1198 = tpu.vector_load %arg15[%get3A_1196, %get3A_1197] {strides = array<i32>} : memref<128x16xf32, #tpu.memory_space<vmem>>, vector<16xf32>,
      %mul3A_1199 = arith.mulf %get3A_1198, %gather3A_1194 : vector<16xf32>
      %swap3A_1200 = arith.constant 70 : i32
      %swap3A_1201 = arith.index_cast %swap3A_1200 : i32 to index
      %swap3A_1202 = arith.constant 0 : index
      %swap3A_1203 = tpu.vector_load %arg15[%swap3A_1201, %swap3A_1202] {strides = array<i32>} : memref<128x16xf32, #tpu.memory_space<vmem>>, vector<16xf32>,
      tpu.vector_store %arg15[%swap3A_1201, %swap3A_1202], %mul3A_1199 {strides = array<i32>} : memref<128x16xf32, #tpu.memory_space<vmem>>, vector<16xf32>,
      %broadcast_in_dim3A_1204 = arith.constant 71 : i32
      %broadcast_in_dim3A_1205 = vector.broadcast %broadcast_in_dim3A_1204 : i32 to vector<16xi32>
      %gather3A_1206 = tpu.vector_load_idx %arg18[%broadcast_in_dim3A_1205] : memref<128xf32, #tpu.memory_space<vmem>>[vector<16xi32>], vector<16xf32>,
      %get3A_1207 = arith.constant 71 : i32
      %get3A_1208 = arith.index_cast %get3A_1207 : i32 to index
      %get3A_1209 = arith.constant 0 : index
      %get3A_1210 = tpu.vector_load %arg15[%get3A_1208, %get3A_1209] {strides = array<i32>} : memref<128x16xf32, #tpu.memory_space<vmem>>, vector<16xf32>,
      %mul3A_1211 = arith.mulf %get3A_1210, %gather3A_1206 : vector<16xf32>
      %swap3A_1212 = arith.constant 71 : i32
      %swap3A_1213 = arith.index_cast %swap3A_1212 : i32 to index
      %swap3A_1214 = arith.constant 0 : index
      %swap3A_1215 = tpu.vector_load %arg15[%swap3A_1213, %swap3A_1214] {strides = array<i32>} : memref<128x16xf32, #tpu.memory_space<vmem>>, vector<16xf32>,
      tpu.vector_store %arg15[%swap3A_1213, %swap3A_1214], %mul3A_1211 {strides = array<i32>} : memref<128x16xf32, #tpu.memory_space<vmem>>, vector<16xf32>,
      %broadcast_in_dim3A_1216 = arith.constant 72 : i32
      %broadcast_in_dim3A_1217 = vector.broadcast %broadcast_in_dim3A_1216 : i32 to vector<16xi32>
      %gather3A_1218 = tpu.vector_load_idx %arg18[%broadcast_in_dim3A_1217] : memref<128xf32, #tpu.memory_space<vmem>>[vector<16xi32>], vector<16xf32>,
      %get3A_1219 = arith.constant 72 : i32
      %get3A_1220 = arith.index_cast %get3A_1219 : i32 to index
      %get3A_1221 = arith.constant 0 : index
      %get3A_1222 = tpu.vector_load %arg15[%get3A_1220, %get3A_1221] {strides = array<i32>} : memref<128x16xf32, #tpu.memory_space<vmem>>, vector<16xf32>,
      %mul3A_1223 = arith.mulf %get3A_1222, %gather3A_1218 : vector<16xf32>
      %swap3A_1224 = arith.constant 72 : i32
      %swap3A_1225 = arith.index_cast %swap3A_1224 : i32 to index
      %swap3A_1226 = arith.constant 0 : index
      %swap3A_1227 = tpu.vector_load %arg15[%swap3A_1225, %swap3A_1226] {strides = array<i32>} : memref<128x16xf32, #tpu.memory_space<vmem>>, vector<16xf32>,
      tpu.vector_store %arg15[%swap3A_1225, %swap3A_1226], %mul3A_1223 {strides = array<i32>} : memref<128x16xf32, #tpu.memory_space<vmem>>, vector<16xf32>,
      %broadcast_in_dim3A_1228 = arith.constant 73 : i32
      %broadcast_in_dim3A_1229 = vector.broadcast %broadcast_in_dim3A_1228 : i32 to vector<16xi32>
      %gather3A_1230 = tpu.vector_load_idx %arg18[%broadcast_in_dim3A_1229] : memref<128xf32, #tpu.memory_space<vmem>>[vector<16xi32>], vector<16xf32>,
      %get3A_1231 = arith.constant 73 : i32
      %get3A_1232 = arith.index_cast %get3A_1231 : i32 to index
      %get3A_1233 = arith.constant 0 : index
      %get3A_1234 = tpu.vector_load %arg15[%get3A_1232, %get3A_1233] {strides = array<i32>} : memref<128x16xf32, #tpu.memory_space<vmem>>, vector<16xf32>,
      %mul3A_1235 = arith.mulf %get3A_1234, %gather3A_1230 : vector<16xf32>
      %swap3A_1236 = arith.constant 73 : i32
      %swap3A_1237 = arith.index_cast %swap3A_1236 : i32 to index
      %swap3A_1238 = arith.constant 0 : index
      %swap3A_1239 = tpu.vector_load %arg15[%swap3A_1237, %swap3A_1238] {strides = array<i32>} : memref<128x16xf32, #tpu.memory_space<vmem>>, vector<16xf32>,
      tpu.vector_store %arg15[%swap3A_1237, %swap3A_1238], %mul3A_1235 {strides = array<i32>} : memref<128x16xf32, #tpu.memory_space<vmem>>, vector<16xf32>,
      %broadcast_in_dim3A_1240 = arith.constant 74 : i32
      %broadcast_in_dim3A_1241 = vector.broadcast %broadcast_in_dim3A_1240 : i32 to vector<16xi32>
      %gather3A_1242 = tpu.vector_load_idx %arg18[%broadcast_in_dim3A_1241] : memref<128xf32, #tpu.memory_space<vmem>>[vector<16xi32>], vector<16xf32>,
      %get3A_1243 = arith.constant 74 : i32
      %get3A_1244 = arith.index_cast %get3A_1243 : i32 to index
      %get3A_1245 = arith.constant 0 : index
      %get3A_1246 = tpu.vector_load %arg15[%get3A_1244, %get3A_1245] {strides = array<i32>} : memref<128x16xf32, #tpu.memory_space<vmem>>, vector<16xf32>,
      %mul3A_1247 = arith.mulf %get3A_1246, %gather3A_1242 : vector<16xf32>
      %swap3A_1248 = arith.constant 74 : i32
      %swap3A_1249 = arith.index_cast %swap3A_1248 : i32 to index
      %swap3A_1250 = arith.constant 0 : index
      %swap3A_1251 = tpu.vector_load %arg15[%swap3A_1249, %swap3A_1250] {strides = array<i32>} : memref<128x16xf32, #tpu.memory_space<vmem>>, vector<16xf32>,
      tpu.vector_store %arg15[%swap3A_1249, %swap3A_1250], %mul3A_1247 {strides = array<i32>} : memref<128x16xf32, #tpu.memory_space<vmem>>, vector<16xf32>,
      %broadcast_in_dim3A_1252 = arith.constant 75 : i32
      %broadcast_in_dim3A_1253 = vector.broadcast %broadcast_in_dim3A_1252 : i32 to vector<16xi32>
      %gather3A_1254 = tpu.vector_load_idx %arg18[%broadcast_in_dim3A_1253] : memref<128xf32, #tpu.memory_space<vmem>>[vector<16xi32>], vector<16xf32>,
      %get3A_1255 = arith.constant 75 : i32
      %get3A_1256 = arith.index_cast %get3A_1255 : i32 to index
      %get3A_1257 = arith.constant 0 : index
      %get3A_1258 = tpu.vector_load %arg15[%get3A_1256, %get3A_1257] {strides = array<i32>} : memref<128x16xf32, #tpu.memory_space<vmem>>, vector<16xf32>,
      %mul3A_1259 = arith.mulf %get3A_1258, %gather3A_1254 : vector<16xf32>
      %swap3A_1260 = arith.constant 75 : i32
      %swap3A_1261 = arith.index_cast %swap3A_1260 : i32 to index
      %swap3A_1262 = arith.constant 0 : index
      %swap3A_1263 = tpu.vector_load %arg15[%swap3A_1261, %swap3A_1262] {strides = array<i32>} : memref<128x16xf32, #tpu.memory_space<vmem>>, vector<16xf32>,
      tpu.vector_store %arg15[%swap3A_1261, %swap3A_1262], %mul3A_1259 {strides = array<i32>} : memref<128x16xf32, #tpu.memory_space<vmem>>, vector<16xf32>,
      %broadcast_in_dim3A_1264 = arith.constant 76 : i32
      %broadcast_in_dim3A_1265 = vector.broadcast %broadcast_in_dim3A_1264 : i32 to vector<16xi32>
      %gather3A_1266 = tpu.vector_load_idx %arg18[%broadcast_in_dim3A_1265] : memref<128xf32, #tpu.memory_space<vmem>>[vector<16xi32>], vector<16xf32>,
      %get3A_1267 = arith.constant 76 : i32
      %get3A_1268 = arith.index_cast %get3A_1267 : i32 to index
      %get3A_1269 = arith.constant 0 : index
      %get3A_1270 = tpu.vector_load %arg15[%get3A_1268, %get3A_1269] {strides = array<i32>} : memref<128x16xf32, #tpu.memory_space<vmem>>, vector<16xf32>,
      %mul3A_1271 = arith.mulf %get3A_1270, %gather3A_1266 : vector<16xf32>
      %swap3A_1272 = arith.constant 76 : i32
      %swap3A_1273 = arith.index_cast %swap3A_1272 : i32 to index
      %swap3A_1274 = arith.constant 0 : index
      %swap3A_1275 = tpu.vector_load %arg15[%swap3A_1273, %swap3A_1274] {strides = array<i32>} : memref<128x16xf32, #tpu.memory_space<vmem>>, vector<16xf32>,
      tpu.vector_store %arg15[%swap3A_1273, %swap3A_1274], %mul3A_1271 {strides = array<i32>} : memref<128x16xf32, #tpu.memory_space<vmem>>, vector<16xf32>,
      %broadcast_in_dim3A_1276 = arith.constant 77 : i32
      %broadcast_in_dim3A_1277 = vector.broadcast %broadcast_in_dim3A_1276 : i32 to vector<16xi32>
      %gather3A_1278 = tpu.vector_load_idx %arg18[%broadcast_in_dim3A_1277] : memref<128xf32, #tpu.memory_space<vmem>>[vector<16xi32>], vector<16xf32>,
      %get3A_1279 = arith.constant 77 : i32
      %get3A_1280 = arith.index_cast %get3A_1279 : i32 to index
      %get3A_1281 = arith.constant 0 : index
      %get3A_1282 = tpu.vector_load %arg15[%get3A_1280, %get3A_1281] {strides = array<i32>} : memref<128x16xf32, #tpu.memory_space<vmem>>, vector<16xf32>,
      %mul3A_1283 = arith.mulf %get3A_1282, %gather3A_1278 : vector<16xf32>
      %swap3A_1284 = arith.constant 77 : i32
      %swap3A_1285 = arith.index_cast %swap3A_1284 : i32 to index
      %swap3A_1286 = arith.constant 0 : index
      %swap3A_1287 = tpu.vector_load %arg15[%swap3A_1285, %swap3A_1286] {strides = array<i32>} : memref<128x16xf32, #tpu.memory_space<vmem>>, vector<16xf32>,
      tpu.vector_store %arg15[%swap3A_1285, %swap3A_1286], %mul3A_1283 {strides = array<i32>} : memref<128x16xf32, #tpu.memory_space<vmem>>, vector<16xf32>,
      %broadcast_in_dim3A_1288 = arith.constant 78 : i32
      %broadcast_in_dim3A_1289 = vector.broadcast %broadcast_in_dim3A_1288 : i32 to vector<16xi32>
      %gather3A_1290 = tpu.vector_load_idx %arg18[%broadcast_in_dim3A_1289] : memref<128xf32, #tpu.memory_space<vmem>>[vector<16xi32>], vector<16xf32>,
      %get3A_1291 = arith.constant 78 : i32
      %get3A_1292 = arith.index_cast %get3A_1291 : i32 to index
      %get3A_1293 = arith.constant 0 : index
      %get3A_1294 = tpu.vector_load %arg15[%get3A_1292, %get3A_1293] {strides = array<i32>} : memref<128x16xf32, #tpu.memory_space<vmem>>, vector<16xf32>,
      %mul3A_1295 = arith.mulf %get3A_1294, %gather3A_1290 : vector<16xf32>
      %swap3A_1296 = arith.constant 78 : i32
      %swap3A_1297 = arith.index_cast %swap3A_1296 : i32 to index
      %swap3A_1298 = arith.constant 0 : index
      %swap3A_1299 = tpu.vector_load %arg15[%swap3A_1297, %swap3A_1298] {strides = array<i32>} : memref<128x16xf32, #tpu.memory_space<vmem>>, vector<16xf32>,
      tpu.vector_store %arg15[%swap3A_1297, %swap3A_1298], %mul3A_1295 {strides = array<i32>} : memref<128x16xf32, #tpu.memory_space<vmem>>, vector<16xf32>,
      %broadcast_in_dim3A_1300 = arith.constant 79 : i32
      %broadcast_in_dim3A_1301 = vector.broadcast %broadcast_in_dim3A_1300 : i32 to vector<16xi32>
      %gather3A_1302 = tpu.vector_load_idx %arg18[%broadcast_in_dim3A_1301] : memref<128xf32, #tpu.memory_space<vmem>>[vector<16xi32>], vector<16xf32>,
      %get3A_1303 = arith.constant 79 : i32
      %get3A_1304 = arith.index_cast %get3A_1303 : i32 to index
      %get3A_1305 = arith.constant 0 : index
      %get3A_1306 = tpu.vector_load %arg15[%get3A_1304, %get3A_1305] {strides = array<i32>} : memref<128x16xf32, #tpu.memory_space<vmem>>, vector<16xf32>,
      %mul3A_1307 = arith.mulf %get3A_1306, %gather3A_1302 : vector<16xf32>
      %swap3A_1308 = arith.constant 79 : i32
      %swap3A_1309 = arith.index_cast %swap3A_1308 : i32 to index
      %swap3A_1310 = arith.constant 0 : index
      %swap3A_1311 = tpu.vector_load %arg15[%swap3A_1309, %swap3A_1310] {strides = array<i32>} : memref<128x16xf32, #tpu.memory_space<vmem>>, vector<16xf32>,
      tpu.vector_store %arg15[%swap3A_1309, %swap3A_1310], %mul3A_1307 {strides = array<i32>} : memref<128x16xf32, #tpu.memory_space<vmem>>, vector<16xf32>,
      %broadcast_in_dim3A_1312 = arith.constant 80 : i32
      %broadcast_in_dim3A_1313 = vector.broadcast %broadcast_in_dim3A_1312 : i32 to vector<16xi32>
      %gather3A_1314 = tpu.vector_load_idx %arg18[%broadcast_in_dim3A_1313] : memref<128xf32, #tpu.memory_space<vmem>>[vector<16xi32>], vector<16xf32>,
      %get3A_1315 = arith.constant 80 : i32
      %get3A_1316 = arith.index_cast %get3A_1315 : i32 to index
      %get3A_1317 = arith.constant 0 : index
      %get3A_1318 = tpu.vector_load %arg15[%get3A_1316, %get3A_1317] {strides = array<i32>} : memref<128x16xf32, #tpu.memory_space<vmem>>, vector<16xf32>,
      %mul3A_1319 = arith.mulf %get3A_1318, %gather3A_1314 : vector<16xf32>
      %swap3A_1320 = arith.constant 80 : i32
      %swap3A_1321 = arith.index_cast %swap3A_1320 : i32 to index
      %swap3A_1322 = arith.constant 0 : index
      %swap3A_1323 = tpu.vector_load %arg15[%swap3A_1321, %swap3A_1322] {strides = array<i32>} : memref<128x16xf32, #tpu.memory_space<vmem>>, vector<16xf32>,
      tpu.vector_store %arg15[%swap3A_1321, %swap3A_1322], %mul3A_1319 {strides = array<i32>} : memref<128x16xf32, #tpu.memory_space<vmem>>, vector<16xf32>,
      %broadcast_in_dim3A_1324 = arith.constant 81 : i32
      %broadcast_in_dim3A_1325 = vector.broadcast %broadcast_in_dim3A_1324 : i32 to vector<16xi32>
      %gather3A_1326 = tpu.vector_load_idx %arg18[%broadcast_in_dim3A_1325] : memref<128xf32, #tpu.memory_space<vmem>>[vector<16xi32>], vector<16xf32>,
      %get3A_1327 = arith.constant 81 : i32
      %get3A_1328 = arith.index_cast %get3A_1327 : i32 to index
      %get3A_1329 = arith.constant 0 : index
      %get3A_1330 = tpu.vector_load %arg15[%get3A_1328, %get3A_1329] {strides = array<i32>} : memref<128x16xf32, #tpu.memory_space<vmem>>, vector<16xf32>,
      %mul3A_1331 = arith.mulf %get3A_1330, %gather3A_1326 : vector<16xf32>
      %swap3A_1332 = arith.constant 81 : i32
      %swap3A_1333 = arith.index_cast %swap3A_1332 : i32 to index
      %swap3A_1334 = arith.constant 0 : index
      %swap3A_1335 = tpu.vector_load %arg15[%swap3A_1333, %swap3A_1334] {strides = array<i32>} : memref<128x16xf32, #tpu.memory_space<vmem>>, vector<16xf32>,
      tpu.vector_store %arg15[%swap3A_1333, %swap3A_1334], %mul3A_1331 {strides = array<i32>} : memref<128x16xf32, #tpu.memory_space<vmem>>, vector<16xf32>,
      %broadcast_in_dim3A_1336 = arith.constant 82 : i32
      %broadcast_in_dim3A_1337 = vector.broadcast %broadcast_in_dim3A_1336 : i32 to vector<16xi32>
      %gather3A_1338 = tpu.vector_load_idx %arg18[%broadcast_in_dim3A_1337] : memref<128xf32, #tpu.memory_space<vmem>>[vector<16xi32>], vector<16xf32>,
      %get3A_1339 = arith.constant 82 : i32
      %get3A_1340 = arith.index_cast %get3A_1339 : i32 to index
      %get3A_1341 = arith.constant 0 : index
      %get3A_1342 = tpu.vector_load %arg15[%get3A_1340, %get3A_1341] {strides = array<i32>} : memref<128x16xf32, #tpu.memory_space<vmem>>, vector<16xf32>,
      %mul3A_1343 = arith.mulf %get3A_1342, %gather3A_1338 : vector<16xf32>
      %swap3A_1344 = arith.constant 82 : i32
      %swap3A_1345 = arith.index_cast %swap3A_1344 : i32 to index
      %swap3A_1346 = arith.constant 0 : index
      %swap3A_1347 = tpu.vector_load %arg15[%swap3A_1345, %swap3A_1346] {strides = array<i32>} : memref<128x16xf32, #tpu.memory_space<vmem>>, vector<16xf32>,
      tpu.vector_store %arg15[%swap3A_1345, %swap3A_1346], %mul3A_1343 {strides = array<i32>} : memref<128x16xf32, #tpu.memory_space<vmem>>, vector<16xf32>,
      %broadcast_in_dim3A_1348 = arith.constant 83 : i32
      %broadcast_in_dim3A_1349 = vector.broadcast %broadcast_in_dim3A_1348 : i32 to vector<16xi32>
      %gather3A_1350 = tpu.vector_load_idx %arg18[%broadcast_in_dim3A_1349] : memref<128xf32, #tpu.memory_space<vmem>>[vector<16xi32>], vector<16xf32>,
      %get3A_1351 = arith.constant 83 : i32
      %get3A_1352 = arith.index_cast %get3A_1351 : i32 to index
      %get3A_1353 = arith.constant 0 : index
      %get3A_1354 = tpu.vector_load %arg15[%get3A_1352, %get3A_1353] {strides = array<i32>} : memref<128x16xf32, #tpu.memory_space<vmem>>, vector<16xf32>,
      %mul3A_1355 = arith.mulf %get3A_1354, %gather3A_1350 : vector<16xf32>
      %swap3A_1356 = arith.constant 83 : i32
      %swap3A_1357 = arith.index_cast %swap3A_1356 : i32 to index
      %swap3A_1358 = arith.constant 0 : index
      %swap3A_1359 = tpu.vector_load %arg15[%swap3A_1357, %swap3A_1358] {strides = array<i32>} : memref<128x16xf32, #tpu.memory_space<vmem>>, vector<16xf32>,
      tpu.vector_store %arg15[%swap3A_1357, %swap3A_1358], %mul3A_1355 {strides = array<i32>} : memref<128x16xf32, #tpu.memory_space<vmem>>, vector<16xf32>,
      %broadcast_in_dim3A_1360 = arith.constant 84 : i32
      %broadcast_in_dim3A_1361 = vector.broadcast %broadcast_in_dim3A_1360 : i32 to vector<16xi32>
      %gather3A_1362 = tpu.vector_load_idx %arg18[%broadcast_in_dim3A_1361] : memref<128xf32, #tpu.memory_space<vmem>>[vector<16xi32>], vector<16xf32>,
      %get3A_1363 = arith.constant 84 : i32
      %get3A_1364 = arith.index_cast %get3A_1363 : i32 to index
      %get3A_1365 = arith.constant 0 : index
      %get3A_1366 = tpu.vector_load %arg15[%get3A_1364, %get3A_1365] {strides = array<i32>} : memref<128x16xf32, #tpu.memory_space<vmem>>, vector<16xf32>,
      %mul3A_1367 = arith.mulf %get3A_1366, %gather3A_1362 : vector<16xf32>
      %swap3A_1368 = arith.constant 84 : i32
      %swap3A_1369 = arith.index_cast %swap3A_1368 : i32 to index
      %swap3A_1370 = arith.constant 0 : index
      %swap3A_1371 = tpu.vector_load %arg15[%swap3A_1369, %swap3A_1370] {strides = array<i32>} : memref<128x16xf32, #tpu.memory_space<vmem>>, vector<16xf32>,
      tpu.vector_store %arg15[%swap3A_1369, %swap3A_1370], %mul3A_1367 {strides = array<i32>} : memref<128x16xf32, #tpu.memory_space<vmem>>, vector<16xf32>,
      %broadcast_in_dim3A_1372 = arith.constant 85 : i32
      %broadcast_in_dim3A_1373 = vector.broadcast %broadcast_in_dim3A_1372 : i32 to vector<16xi32>
      %gather3A_1374 = tpu.vector_load_idx %arg18[%broadcast_in_dim3A_1373] : memref<128xf32, #tpu.memory_space<vmem>>[vector<16xi32>], vector<16xf32>,
      %get3A_1375 = arith.constant 85 : i32
      %get3A_1376 = arith.index_cast %get3A_1375 : i32 to index
      %get3A_1377 = arith.constant 0 : index
      %get3A_1378 = tpu.vector_load %arg15[%get3A_1376, %get3A_1377] {strides = array<i32>} : memref<128x16xf32, #tpu.memory_space<vmem>>, vector<16xf32>,
      %mul3A_1379 = arith.mulf %get3A_1378, %gather3A_1374 : vector<16xf32>
      %swap3A_1380 = arith.constant 85 : i32
      %swap3A_1381 = arith.index_cast %swap3A_1380 : i32 to index
      %swap3A_1382 = arith.constant 0 : index
      %swap3A_1383 = tpu.vector_load %arg15[%swap3A_1381, %swap3A_1382] {strides = array<i32>} : memref<128x16xf32, #tpu.memory_space<vmem>>, vector<16xf32>,
      tpu.vector_store %arg15[%swap3A_1381, %swap3A_1382], %mul3A_1379 {strides = array<i32>} : memref<128x16xf32, #tpu.memory_space<vmem>>, vector<16xf32>,
      %broadcast_in_dim3A_1384 = arith.constant 86 : i32
      %broadcast_in_dim3A_1385 = vector.broadcast %broadcast_in_dim3A_1384 : i32 to vector<16xi32>
      %gather3A_1386 = tpu.vector_load_idx %arg18[%broadcast_in_dim3A_1385] : memref<128xf32, #tpu.memory_space<vmem>>[vector<16xi32>], vector<16xf32>,
      %get3A_1387 = arith.constant 86 : i32
      %get3A_1388 = arith.index_cast %get3A_1387 : i32 to index
      %get3A_1389 = arith.constant 0 : index
      %get3A_1390 = tpu.vector_load %arg15[%get3A_1388, %get3A_1389] {strides = array<i32>} : memref<128x16xf32, #tpu.memory_space<vmem>>, vector<16xf32>,
      %mul3A_1391 = arith.mulf %get3A_1390, %gather3A_1386 : vector<16xf32>
      %swap3A_1392 = arith.constant 86 : i32
      %swap3A_1393 = arith.index_cast %swap3A_1392 : i32 to index
      %swap3A_1394 = arith.constant 0 : index
      %swap3A_1395 = tpu.vector_load %arg15[%swap3A_1393, %swap3A_1394] {strides = array<i32>} : memref<128x16xf32, #tpu.memory_space<vmem>>, vector<16xf32>,
      tpu.vector_store %arg15[%swap3A_1393, %swap3A_1394], %mul3A_1391 {strides = array<i32>} : memref<128x16xf32, #tpu.memory_space<vmem>>, vector<16xf32>,
      %broadcast_in_dim3A_1396 = arith.constant 87 : i32
      %broadcast_in_dim3A_1397 = vector.broadcast %broadcast_in_dim3A_1396 : i32 to vector<16xi32>
      %gather3A_1398 = tpu.vector_load_idx %arg18[%broadcast_in_dim3A_1397] : memref<128xf32, #tpu.memory_space<vmem>>[vector<16xi32>], vector<16xf32>,
      %get3A_1399 = arith.constant 87 : i32
      %get3A_1400 = arith.index_cast %get3A_1399 : i32 to index
      %get3A_1401 = arith.constant 0 : index
      %get3A_1402 = tpu.vector_load %arg15[%get3A_1400, %get3A_1401] {strides = array<i32>} : memref<128x16xf32, #tpu.memory_space<vmem>>, vector<16xf32>,
      %mul3A_1403 = arith.mulf %get3A_1402, %gather3A_1398 : vector<16xf32>
      %swap3A_1404 = arith.constant 87 : i32
      %swap3A_1405 = arith.index_cast %swap3A_1404 : i32 to index
      %swap3A_1406 = arith.constant 0 : index
      %swap3A_1407 = tpu.vector_load %arg15[%swap3A_1405, %swap3A_1406] {strides = array<i32>} : memref<128x16xf32, #tpu.memory_space<vmem>>, vector<16xf32>,
      tpu.vector_store %arg15[%swap3A_1405, %swap3A_1406], %mul3A_1403 {strides = array<i32>} : memref<128x16xf32, #tpu.memory_space<vmem>>, vector<16xf32>,
      %broadcast_in_dim3A_1408 = arith.constant 88 : i32
      %broadcast_in_dim3A_1409 = vector.broadcast %broadcast_in_dim3A_1408 : i32 to vector<16xi32>
      %gather3A_1410 = tpu.vector_load_idx %arg18[%broadcast_in_dim3A_1409] : memref<128xf32, #tpu.memory_space<vmem>>[vector<16xi32>], vector<16xf32>,
      %get3A_1411 = arith.constant 88 : i32
      %get3A_1412 = arith.index_cast %get3A_1411 : i32 to index
      %get3A_1413 = arith.constant 0 : index
      %get3A_1414 = tpu.vector_load %arg15[%get3A_1412, %get3A_1413] {strides = array<i32>} : memref<128x16xf32, #tpu.memory_space<vmem>>, vector<16xf32>,
      %mul3A_1415 = arith.mulf %get3A_1414, %gather3A_1410 : vector<16xf32>
      %swap3A_1416 = arith.constant 88 : i32
      %swap3A_1417 = arith.index_cast %swap3A_1416 : i32 to index
      %swap3A_1418 = arith.constant 0 : index
      %swap3A_1419 = tpu.vector_load %arg15[%swap3A_1417, %swap3A_1418] {strides = array<i32>} : memref<128x16xf32, #tpu.memory_space<vmem>>, vector<16xf32>,
      tpu.vector_store %arg15[%swap3A_1417, %swap3A_1418], %mul3A_1415 {strides = array<i32>} : memref<128x16xf32, #tpu.memory_space<vmem>>, vector<16xf32>,
      %broadcast_in_dim3A_1420 = arith.constant 89 : i32
      %broadcast_in_dim3A_1421 = vector.broadcast %broadcast_in_dim3A_1420 : i32 to vector<16xi32>
      %gather3A_1422 = tpu.vector_load_idx %arg18[%broadcast_in_dim3A_1421] : memref<128xf32, #tpu.memory_space<vmem>>[vector<16xi32>], vector<16xf32>,
      %get3A_1423 = arith.constant 89 : i32
      %get3A_1424 = arith.index_cast %get3A_1423 : i32 to index
      %get3A_1425 = arith.constant 0 : index
      %get3A_1426 = tpu.vector_load %arg15[%get3A_1424, %get3A_1425] {strides = array<i32>} : memref<128x16xf32, #tpu.memory_space<vmem>>, vector<16xf32>,
      %mul3A_1427 = arith.mulf %get3A_1426, %gather3A_1422 : vector<16xf32>
      %swap3A_1428 = arith.constant 89 : i32
      %swap3A_1429 = arith.index_cast %swap3A_1428 : i32 to index
      %swap3A_1430 = arith.constant 0 : index
      %swap3A_1431 = tpu.vector_load %arg15[%swap3A_1429, %swap3A_1430] {strides = array<i32>} : memref<128x16xf32, #tpu.memory_space<vmem>>, vector<16xf32>,
      tpu.vector_store %arg15[%swap3A_1429, %swap3A_1430], %mul3A_1427 {strides = array<i32>} : memref<128x16xf32, #tpu.memory_space<vmem>>, vector<16xf32>,
      %broadcast_in_dim3A_1432 = arith.constant 90 : i32
      %broadcast_in_dim3A_1433 = vector.broadcast %broadcast_in_dim3A_1432 : i32 to vector<16xi32>
      %gather3A_1434 = tpu.vector_load_idx %arg18[%broadcast_in_dim3A_1433] : memref<128xf32, #tpu.memory_space<vmem>>[vector<16xi32>], vector<16xf32>,
      %get3A_1435 = arith.constant 90 : i32
      %get3A_1436 = arith.index_cast %get3A_1435 : i32 to index
      %get3A_1437 = arith.constant 0 : index
      %get3A_1438 = tpu.vector_load %arg15[%get3A_1436, %get3A_1437] {strides = array<i32>} : memref<128x16xf32, #tpu.memory_space<vmem>>, vector<16xf32>,
      %mul3A_1439 = arith.mulf %get3A_1438, %gather3A_1434 : vector<16xf32>
      %swap3A_1440 = arith.constant 90 : i32
      %swap3A_1441 = arith.index_cast %swap3A_1440 : i32 to index
      %swap3A_1442 = arith.constant 0 : index
      %swap3A_1443 = tpu.vector_load %arg15[%swap3A_1441, %swap3A_1442] {strides = array<i32>} : memref<128x16xf32, #tpu.memory_space<vmem>>, vector<16xf32>,
      tpu.vector_store %arg15[%swap3A_1441, %swap3A_1442], %mul3A_1439 {strides = array<i32>} : memref<128x16xf32, #tpu.memory_space<vmem>>, vector<16xf32>,
      %broadcast_in_dim3A_1444 = arith.constant 91 : i32
      %broadcast_in_dim3A_1445 = vector.broadcast %broadcast_in_dim3A_1444 : i32 to vector<16xi32>
      %gather3A_1446 = tpu.vector_load_idx %arg18[%broadcast_in_dim3A_1445] : memref<128xf32, #tpu.memory_space<vmem>>[vector<16xi32>], vector<16xf32>,
      %get3A_1447 = arith.constant 91 : i32
      %get3A_1448 = arith.index_cast %get3A_1447 : i32 to index
      %get3A_1449 = arith.constant 0 : index
      %get3A_1450 = tpu.vector_load %arg15[%get3A_1448, %get3A_1449] {strides = array<i32>} : memref<128x16xf32, #tpu.memory_space<vmem>>, vector<16xf32>,
      %mul3A_1451 = arith.mulf %get3A_1450, %gather3A_1446 : vector<16xf32>
      %swap3A_1452 = arith.constant 91 : i32
      %swap3A_1453 = arith.index_cast %swap3A_1452 : i32 to index
      %swap3A_1454 = arith.constant 0 : index
      %swap3A_1455 = tpu.vector_load %arg15[%swap3A_1453, %swap3A_1454] {strides = array<i32>} : memref<128x16xf32, #tpu.memory_space<vmem>>, vector<16xf32>,
      tpu.vector_store %arg15[%swap3A_1453, %swap3A_1454], %mul3A_1451 {strides = array<i32>} : memref<128x16xf32, #tpu.memory_space<vmem>>, vector<16xf32>,
      %broadcast_in_dim3A_1456 = arith.constant 92 : i32
      %broadcast_in_dim3A_1457 = vector.broadcast %broadcast_in_dim3A_1456 : i32 to vector<16xi32>
      %gather3A_1458 = tpu.vector_load_idx %arg18[%broadcast_in_dim3A_1457] : memref<128xf32, #tpu.memory_space<vmem>>[vector<16xi32>], vector<16xf32>,
      %get3A_1459 = arith.constant 92 : i32
      %get3A_1460 = arith.index_cast %get3A_1459 : i32 to index
      %get3A_1461 = arith.constant 0 : index
      %get3A_1462 = tpu.vector_load %arg15[%get3A_1460, %get3A_1461] {strides = array<i32>} : memref<128x16xf32, #tpu.memory_space<vmem>>, vector<16xf32>,
      %mul3A_1463 = arith.mulf %get3A_1462, %gather3A_1458 : vector<16xf32>
      %swap3A_1464 = arith.constant 92 : i32
      %swap3A_1465 = arith.index_cast %swap3A_1464 : i32 to index
      %swap3A_1466 = arith.constant 0 : index
      %swap3A_1467 = tpu.vector_load %arg15[%swap3A_1465, %swap3A_1466] {strides = array<i32>} : memref<128x16xf32, #tpu.memory_space<vmem>>, vector<16xf32>,
      tpu.vector_store %arg15[%swap3A_1465, %swap3A_1466], %mul3A_1463 {strides = array<i32>} : memref<128x16xf32, #tpu.memory_space<vmem>>, vector<16xf32>,
      %broadcast_in_dim3A_1468 = arith.constant 93 : i32
      %broadcast_in_dim3A_1469 = vector.broadcast %broadcast_in_dim3A_1468 : i32 to vector<16xi32>
      %gather3A_1470 = tpu.vector_load_idx %arg18[%broadcast_in_dim3A_1469] : memref<128xf32, #tpu.memory_space<vmem>>[vector<16xi32>], vector<16xf32>,
      %get3A_1471 = arith.constant 93 : i32
      %get3A_1472 = arith.index_cast %get3A_1471 : i32 to index
      %get3A_1473 = arith.constant 0 : index
      %get3A_1474 = tpu.vector_load %arg15[%get3A_1472, %get3A_1473] {strides = array<i32>} : memref<128x16xf32, #tpu.memory_space<vmem>>, vector<16xf32>,
      %mul3A_1475 = arith.mulf %get3A_1474, %gather3A_1470 : vector<16xf32>
      %swap3A_1476 = arith.constant 93 : i32
      %swap3A_1477 = arith.index_cast %swap3A_1476 : i32 to index
      %swap3A_1478 = arith.constant 0 : index
      %swap3A_1479 = tpu.vector_load %arg15[%swap3A_1477, %swap3A_1478] {strides = array<i32>} : memref<128x16xf32, #tpu.memory_space<vmem>>, vector<16xf32>,
      tpu.vector_store %arg15[%swap3A_1477, %swap3A_1478], %mul3A_1475 {strides = array<i32>} : memref<128x16xf32, #tpu.memory_space<vmem>>, vector<16xf32>,
      %broadcast_in_dim3A_1480 = arith.constant 94 : i32
      %broadcast_in_dim3A_1481 = vector.broadcast %broadcast_in_dim3A_1480 : i32 to vector<16xi32>
      %gather3A_1482 = tpu.vector_load_idx %arg18[%broadcast_in_dim3A_1481] : memref<128xf32, #tpu.memory_space<vmem>>[vector<16xi32>], vector<16xf32>,
      %get3A_1483 = arith.constant 94 : i32
      %get3A_1484 = arith.index_cast %get3A_1483 : i32 to index
      %get3A_1485 = arith.constant 0 : index
      %get3A_1486 = tpu.vector_load %arg15[%get3A_1484, %get3A_1485] {strides = array<i32>} : memref<128x16xf32, #tpu.memory_space<vmem>>, vector<16xf32>,
      %mul3A_1487 = arith.mulf %get3A_1486, %gather3A_1482 : vector<16xf32>
      %swap3A_1488 = arith.constant 94 : i32
      %swap3A_1489 = arith.index_cast %swap3A_1488 : i32 to index
      %swap3A_1490 = arith.constant 0 : index
      %swap3A_1491 = tpu.vector_load %arg15[%swap3A_1489, %swap3A_1490] {strides = array<i32>} : memref<128x16xf32, #tpu.memory_space<vmem>>, vector<16xf32>,
      tpu.vector_store %arg15[%swap3A_1489, %swap3A_1490], %mul3A_1487 {strides = array<i32>} : memref<128x16xf32, #tpu.memory_space<vmem>>, vector<16xf32>,
      %broadcast_in_dim3A_1492 = arith.constant 95 : i32
      %broadcast_in_dim3A_1493 = vector.broadcast %broadcast_in_dim3A_1492 : i32 to vector<16xi32>
      %gather3A_1494 = tpu.vector_load_idx %arg18[%broadcast_in_dim3A_1493] : memref<128xf32, #tpu.memory_space<vmem>>[vector<16xi32>], vector<16xf32>,
      %get3A_1495 = arith.constant 95 : i32
      %get3A_1496 = arith.index_cast %get3A_1495 : i32 to index
      %get3A_1497 = arith.constant 0 : index
      %get3A_1498 = tpu.vector_load %arg15[%get3A_1496, %get3A_1497] {strides = array<i32>} : memref<128x16xf32, #tpu.memory_space<vmem>>, vector<16xf32>,
      %mul3A_1499 = arith.mulf %get3A_1498, %gather3A_1494 : vector<16xf32>
      %swap3A_1500 = arith.constant 95 : i32
      %swap3A_1501 = arith.index_cast %swap3A_1500 : i32 to index
      %swap3A_1502 = arith.constant 0 : index
      %swap3A_1503 = tpu.vector_load %arg15[%swap3A_1501, %swap3A_1502] {strides = array<i32>} : memref<128x16xf32, #tpu.memory_space<vmem>>, vector<16xf32>,
      tpu.vector_store %arg15[%swap3A_1501, %swap3A_1502], %mul3A_1499 {strides = array<i32>} : memref<128x16xf32, #tpu.memory_space<vmem>>, vector<16xf32>,
      %broadcast_in_dim3A_1504 = arith.constant 96 : i32
      %broadcast_in_dim3A_1505 = vector.broadcast %broadcast_in_dim3A_1504 : i32 to vector<16xi32>
      %gather3A_1506 = tpu.vector_load_idx %arg18[%broadcast_in_dim3A_1505] : memref<128xf32, #tpu.memory_space<vmem>>[vector<16xi32>], vector<16xf32>,
      %get3A_1507 = arith.constant 96 : i32
      %get3A_1508 = arith.index_cast %get3A_1507 : i32 to index
      %get3A_1509 = arith.constant 0 : index
      %get3A_1510 = tpu.vector_load %arg15[%get3A_1508, %get3A_1509] {strides = array<i32>} : memref<128x16xf32, #tpu.memory_space<vmem>>, vector<16xf32>,
      %mul3A_1511 = arith.mulf %get3A_1510, %gather3A_1506 : vector<16xf32>
      %swap3A_1512 = arith.constant 96 : i32
      %swap3A_1513 = arith.index_cast %swap3A_1512 : i32 to index
      %swap3A_1514 = arith.constant 0 : index
      %swap3A_1515 = tpu.vector_load %arg15[%swap3A_1513, %swap3A_1514] {strides = array<i32>} : memref<128x16xf32, #tpu.memory_space<vmem>>, vector<16xf32>,
      tpu.vector_store %arg15[%swap3A_1513, %swap3A_1514], %mul3A_1511 {strides = array<i32>} : memref<128x16xf32, #tpu.memory_space<vmem>>, vector<16xf32>,
      %broadcast_in_dim3A_1516 = arith.constant 97 : i32
      %broadcast_in_dim3A_1517 = vector.broadcast %broadcast_in_dim3A_1516 : i32 to vector<16xi32>
      %gather3A_1518 = tpu.vector_load_idx %arg18[%broadcast_in_dim3A_1517] : memref<128xf32, #tpu.memory_space<vmem>>[vector<16xi32>], vector<16xf32>,
      %get3A_1519 = arith.constant 97 : i32
      %get3A_1520 = arith.index_cast %get3A_1519 : i32 to index
      %get3A_1521 = arith.constant 0 : index
      %get3A_1522 = tpu.vector_load %arg15[%get3A_1520, %get3A_1521] {strides = array<i32>} : memref<128x16xf32, #tpu.memory_space<vmem>>, vector<16xf32>,
      %mul3A_1523 = arith.mulf %get3A_1522, %gather3A_1518 : vector<16xf32>
      %swap3A_1524 = arith.constant 97 : i32
      %swap3A_1525 = arith.index_cast %swap3A_1524 : i32 to index
      %swap3A_1526 = arith.constant 0 : index
      %swap3A_1527 = tpu.vector_load %arg15[%swap3A_1525, %swap3A_1526] {strides = array<i32>} : memref<128x16xf32, #tpu.memory_space<vmem>>, vector<16xf32>,
      tpu.vector_store %arg15[%swap3A_1525, %swap3A_1526], %mul3A_1523 {strides = array<i32>} : memref<128x16xf32, #tpu.memory_space<vmem>>, vector<16xf32>,
      %broadcast_in_dim3A_1528 = arith.constant 98 : i32
      %broadcast_in_dim3A_1529 = vector.broadcast %broadcast_in_dim3A_1528 : i32 to vector<16xi32>
      %gather3A_1530 = tpu.vector_load_idx %arg18[%broadcast_in_dim3A_1529] : memref<128xf32, #tpu.memory_space<vmem>>[vector<16xi32>], vector<16xf32>,
      %get3A_1531 = arith.constant 98 : i32
      %get3A_1532 = arith.index_cast %get3A_1531 : i32 to index
      %get3A_1533 = arith.constant 0 : index
      %get3A_1534 = tpu.vector_load %arg15[%get3A_1532, %get3A_1533] {strides = array<i32>} : memref<128x16xf32, #tpu.memory_space<vmem>>, vector<16xf32>,
      %mul3A_1535 = arith.mulf %get3A_1534, %gather3A_1530 : vector<16xf32>
      %swap3A_1536 = arith.constant 98 : i32
      %swap3A_1537 = arith.index_cast %swap3A_1536 : i32 to index
      %swap3A_1538 = arith.constant 0 : index
      %swap3A_1539 = tpu.vector_load %arg15[%swap3A_1537, %swap3A_1538] {strides = array<i32>} : memref<128x16xf32, #tpu.memory_space<vmem>>, vector<16xf32>,
      tpu.vector_store %arg15[%swap3A_1537, %swap3A_1538], %mul3A_1535 {strides = array<i32>} : memref<128x16xf32, #tpu.memory_space<vmem>>, vector<16xf32>,
      %broadcast_in_dim3A_1540 = arith.constant 99 : i32
      %broadcast_in_dim3A_1541 = vector.broadcast %broadcast_in_dim3A_1540 : i32 to vector<16xi32>
      %gather3A_1542 = tpu.vector_load_idx %arg18[%broadcast_in_dim3A_1541] : memref<128xf32, #tpu.memory_space<vmem>>[vector<16xi32>], vector<16xf32>,
      %get3A_1543 = arith.constant 99 : i32
      %get3A_1544 = arith.index_cast %get3A_1543 : i32 to index
      %get3A_1545 = arith.constant 0 : index
      %get3A_1546 = tpu.vector_load %arg15[%get3A_1544, %get3A_1545] {strides = array<i32>} : memref<128x16xf32, #tpu.memory_space<vmem>>, vector<16xf32>,
      %mul3A_1547 = arith.mulf %get3A_1546, %gather3A_1542 : vector<16xf32>
      %swap3A_1548 = arith.constant 99 : i32
      %swap3A_1549 = arith.index_cast %swap3A_1548 : i32 to index
      %swap3A_1550 = arith.constant 0 : index
      %swap3A_1551 = tpu.vector_load %arg15[%swap3A_1549, %swap3A_1550] {strides = array<i32>} : memref<128x16xf32, #tpu.memory_space<vmem>>, vector<16xf32>,
      tpu.vector_store %arg15[%swap3A_1549, %swap3A_1550], %mul3A_1547 {strides = array<i32>} : memref<128x16xf32, #tpu.memory_space<vmem>>, vector<16xf32>,
      %broadcast_in_dim3A_1552 = arith.constant 100 : i32
      %broadcast_in_dim3A_1553 = vector.broadcast %broadcast_in_dim3A_1552 : i32 to vector<16xi32>
      %gather3A_1554 = tpu.vector_load_idx %arg18[%broadcast_in_dim3A_1553] : memref<128xf32, #tpu.memory_space<vmem>>[vector<16xi32>], vector<16xf32>,
      %get3A_1555 = arith.constant 100 : i32
      %get3A_1556 = arith.index_cast %get3A_1555 : i32 to index
      %get3A_1557 = arith.constant 0 : index
      %get3A_1558 = tpu.vector_load %arg15[%get3A_1556, %get3A_1557] {strides = array<i32>} : memref<128x16xf32, #tpu.memory_space<vmem>>, vector<16xf32>,
      %mul3A_1559 = arith.mulf %get3A_1558, %gather3A_1554 : vector<16xf32>
      %swap3A_1560 = arith.constant 100 : i32
      %swap3A_1561 = arith.index_cast %swap3A_1560 : i32 to index
      %swap3A_1562 = arith.constant 0 : index
      %swap3A_1563 = tpu.vector_load %arg15[%swap3A_1561, %swap3A_1562] {strides = array<i32>} : memref<128x16xf32, #tpu.memory_space<vmem>>, vector<16xf32>,
      tpu.vector_store %arg15[%swap3A_1561, %swap3A_1562], %mul3A_1559 {strides = array<i32>} : memref<128x16xf32, #tpu.memory_space<vmem>>, vector<16xf32>,
      %broadcast_in_dim3A_1564 = arith.constant 101 : i32
      %broadcast_in_dim3A_1565 = vector.broadcast %broadcast_in_dim3A_1564 : i32 to vector<16xi32>
      %gather3A_1566 = tpu.vector_load_idx %arg18[%broadcast_in_dim3A_1565] : memref<128xf32, #tpu.memory_space<vmem>>[vector<16xi32>], vector<16xf32>,
      %get3A_1567 = arith.constant 101 : i32
      %get3A_1568 = arith.index_cast %get3A_1567 : i32 to index
      %get3A_1569 = arith.constant 0 : index
      %get3A_1570 = tpu.vector_load %arg15[%get3A_1568, %get3A_1569] {strides = array<i32>} : memref<128x16xf32, #tpu.memory_space<vmem>>, vector<16xf32>,
      %mul3A_1571 = arith.mulf %get3A_1570, %gather3A_1566 : vector<16xf32>
      %swap3A_1572 = arith.constant 101 : i32
      %swap3A_1573 = arith.index_cast %swap3A_1572 : i32 to index
      %swap3A_1574 = arith.constant 0 : index
      %swap3A_1575 = tpu.vector_load %arg15[%swap3A_1573, %swap3A_1574] {strides = array<i32>} : memref<128x16xf32, #tpu.memory_space<vmem>>, vector<16xf32>,
      tpu.vector_store %arg15[%swap3A_1573, %swap3A_1574], %mul3A_1571 {strides = array<i32>} : memref<128x16xf32, #tpu.memory_space<vmem>>, vector<16xf32>,
      %broadcast_in_dim3A_1576 = arith.constant 102 : i32
      %broadcast_in_dim3A_1577 = vector.broadcast %broadcast_in_dim3A_1576 : i32 to vector<16xi32>
      %gather3A_1578 = tpu.vector_load_idx %arg18[%broadcast_in_dim3A_1577] : memref<128xf32, #tpu.memory_space<vmem>>[vector<16xi32>], vector<16xf32>,
      %get3A_1579 = arith.constant 102 : i32
      %get3A_1580 = arith.index_cast %get3A_1579 : i32 to index
      %get3A_1581 = arith.constant 0 : index
      %get3A_1582 = tpu.vector_load %arg15[%get3A_1580, %get3A_1581] {strides = array<i32>} : memref<128x16xf32, #tpu.memory_space<vmem>>, vector<16xf32>,
      %mul3A_1583 = arith.mulf %get3A_1582, %gather3A_1578 : vector<16xf32>
      %swap3A_1584 = arith.constant 102 : i32
      %swap3A_1585 = arith.index_cast %swap3A_1584 : i32 to index
      %swap3A_1586 = arith.constant 0 : index
      %swap3A_1587 = tpu.vector_load %arg15[%swap3A_1585, %swap3A_1586] {strides = array<i32>} : memref<128x16xf32, #tpu.memory_space<vmem>>, vector<16xf32>,
      tpu.vector_store %arg15[%swap3A_1585, %swap3A_1586], %mul3A_1583 {strides = array<i32>} : memref<128x16xf32, #tpu.memory_space<vmem>>, vector<16xf32>,
      %broadcast_in_dim3A_1588 = arith.constant 103 : i32
      %broadcast_in_dim3A_1589 = vector.broadcast %broadcast_in_dim3A_1588 : i32 to vector<16xi32>
      %gather3A_1590 = tpu.vector_load_idx %arg18[%broadcast_in_dim3A_1589] : memref<128xf32, #tpu.memory_space<vmem>>[vector<16xi32>], vector<16xf32>,
      %get3A_1591 = arith.constant 103 : i32
      %get3A_1592 = arith.index_cast %get3A_1591 : i32 to index
      %get3A_1593 = arith.constant 0 : index
      %get3A_1594 = tpu.vector_load %arg15[%get3A_1592, %get3A_1593] {strides = array<i32>} : memref<128x16xf32, #tpu.memory_space<vmem>>, vector<16xf32>,
      %mul3A_1595 = arith.mulf %get3A_1594, %gather3A_1590 : vector<16xf32>
      %swap3A_1596 = arith.constant 103 : i32
      %swap3A_1597 = arith.index_cast %swap3A_1596 : i32 to index
      %swap3A_1598 = arith.constant 0 : index
      %swap3A_1599 = tpu.vector_load %arg15[%swap3A_1597, %swap3A_1598] {strides = array<i32>} : memref<128x16xf32, #tpu.memory_space<vmem>>, vector<16xf32>,
      tpu.vector_store %arg15[%swap3A_1597, %swap3A_1598], %mul3A_1595 {strides = array<i32>} : memref<128x16xf32, #tpu.memory_space<vmem>>, vector<16xf32>,
      %broadcast_in_dim3A_1600 = arith.constant 104 : i32
      %broadcast_in_dim3A_1601 = vector.broadcast %broadcast_in_dim3A_1600 : i32 to vector<16xi32>
      %gather3A_1602 = tpu.vector_load_idx %arg18[%broadcast_in_dim3A_1601] : memref<128xf32, #tpu.memory_space<vmem>>[vector<16xi32>], vector<16xf32>,
      %get3A_1603 = arith.constant 104 : i32
      %get3A_1604 = arith.index_cast %get3A_1603 : i32 to index
      %get3A_1605 = arith.constant 0 : index
      %get3A_1606 = tpu.vector_load %arg15[%get3A_1604, %get3A_1605] {strides = array<i32>} : memref<128x16xf32, #tpu.memory_space<vmem>>, vector<16xf32>,
      %mul3A_1607 = arith.mulf %get3A_1606, %gather3A_1602 : vector<16xf32>
      %swap3A_1608 = arith.constant 104 : i32
      %swap3A_1609 = arith.index_cast %swap3A_1608 : i32 to index
      %swap3A_1610 = arith.constant 0 : index
      %swap3A_1611 = tpu.vector_load %arg15[%swap3A_1609, %swap3A_1610] {strides = array<i32>} : memref<128x16xf32, #tpu.memory_space<vmem>>, vector<16xf32>,
      tpu.vector_store %arg15[%swap3A_1609, %swap3A_1610], %mul3A_1607 {strides = array<i32>} : memref<128x16xf32, #tpu.memory_space<vmem>>, vector<16xf32>,
      %broadcast_in_dim3A_1612 = arith.constant 105 : i32
      %broadcast_in_dim3A_1613 = vector.broadcast %broadcast_in_dim3A_1612 : i32 to vector<16xi32>
      %gather3A_1614 = tpu.vector_load_idx %arg18[%broadcast_in_dim3A_1613] : memref<128xf32, #tpu.memory_space<vmem>>[vector<16xi32>], vector<16xf32>,
      %get3A_1615 = arith.constant 105 : i32
      %get3A_1616 = arith.index_cast %get3A_1615 : i32 to index
      %get3A_1617 = arith.constant 0 : index
      %get3A_1618 = tpu.vector_load %arg15[%get3A_1616, %get3A_1617] {strides = array<i32>} : memref<128x16xf32, #tpu.memory_space<vmem>>, vector<16xf32>,
      %mul3A_1619 = arith.mulf %get3A_1618, %gather3A_1614 : vector<16xf32>
      %swap3A_1620 = arith.constant 105 : i32
      %swap3A_1621 = arith.index_cast %swap3A_1620 : i32 to index
      %swap3A_1622 = arith.constant 0 : index
      %swap3A_1623 = tpu.vector_load %arg15[%swap3A_1621, %swap3A_1622] {strides = array<i32>} : memref<128x16xf32, #tpu.memory_space<vmem>>, vector<16xf32>,
      tpu.vector_store %arg15[%swap3A_1621, %swap3A_1622], %mul3A_1619 {strides = array<i32>} : memref<128x16xf32, #tpu.memory_space<vmem>>, vector<16xf32>,
      %broadcast_in_dim3A_1624 = arith.constant 106 : i32
      %broadcast_in_dim3A_1625 = vector.broadcast %broadcast_in_dim3A_1624 : i32 to vector<16xi32>
      %gather3A_1626 = tpu.vector_load_idx %arg18[%broadcast_in_dim3A_1625] : memref<128xf32, #tpu.memory_space<vmem>>[vector<16xi32>], vector<16xf32>,
      %get3A_1627 = arith.constant 106 : i32
      %get3A_1628 = arith.index_cast %get3A_1627 : i32 to index
      %get3A_1629 = arith.constant 0 : index
      %get3A_1630 = tpu.vector_load %arg15[%get3A_1628, %get3A_1629] {strides = array<i32>} : memref<128x16xf32, #tpu.memory_space<vmem>>, vector<16xf32>,
      %mul3A_1631 = arith.mulf %get3A_1630, %gather3A_1626 : vector<16xf32>
      %swap3A_1632 = arith.constant 106 : i32
      %swap3A_1633 = arith.index_cast %swap3A_1632 : i32 to index
      %swap3A_1634 = arith.constant 0 : index
      %swap3A_1635 = tpu.vector_load %arg15[%swap3A_1633, %swap3A_1634] {strides = array<i32>} : memref<128x16xf32, #tpu.memory_space<vmem>>, vector<16xf32>,
      tpu.vector_store %arg15[%swap3A_1633, %swap3A_1634], %mul3A_1631 {strides = array<i32>} : memref<128x16xf32, #tpu.memory_space<vmem>>, vector<16xf32>,
      %broadcast_in_dim3A_1636 = arith.constant 107 : i32
      %broadcast_in_dim3A_1637 = vector.broadcast %broadcast_in_dim3A_1636 : i32 to vector<16xi32>
      %gather3A_1638 = tpu.vector_load_idx %arg18[%broadcast_in_dim3A_1637] : memref<128xf32, #tpu.memory_space<vmem>>[vector<16xi32>], vector<16xf32>,
      %get3A_1639 = arith.constant 107 : i32
      %get3A_1640 = arith.index_cast %get3A_1639 : i32 to index
      %get3A_1641 = arith.constant 0 : index
      %get3A_1642 = tpu.vector_load %arg15[%get3A_1640, %get3A_1641] {strides = array<i32>} : memref<128x16xf32, #tpu.memory_space<vmem>>, vector<16xf32>,
      %mul3A_1643 = arith.mulf %get3A_1642, %gather3A_1638 : vector<16xf32>
      %swap3A_1644 = arith.constant 107 : i32
      %swap3A_1645 = arith.index_cast %swap3A_1644 : i32 to index
      %swap3A_1646 = arith.constant 0 : index
      %swap3A_1647 = tpu.vector_load %arg15[%swap3A_1645, %swap3A_1646] {strides = array<i32>} : memref<128x16xf32, #tpu.memory_space<vmem>>, vector<16xf32>,
      tpu.vector_store %arg15[%swap3A_1645, %swap3A_1646], %mul3A_1643 {strides = array<i32>} : memref<128x16xf32, #tpu.memory_space<vmem>>, vector<16xf32>,
      %broadcast_in_dim3A_1648 = arith.constant 108 : i32
      %broadcast_in_dim3A_1649 = vector.broadcast %broadcast_in_dim3A_1648 : i32 to vector<16xi32>
      %gather3A_1650 = tpu.vector_load_idx %arg18[%broadcast_in_dim3A_1649] : memref<128xf32, #tpu.memory_space<vmem>>[vector<16xi32>], vector<16xf32>,
      %get3A_1651 = arith.constant 108 : i32
      %get3A_1652 = arith.index_cast %get3A_1651 : i32 to index
      %get3A_1653 = arith.constant 0 : index
      %get3A_1654 = tpu.vector_load %arg15[%get3A_1652, %get3A_1653] {strides = array<i32>} : memref<128x16xf32, #tpu.memory_space<vmem>>, vector<16xf32>,
      %mul3A_1655 = arith.mulf %get3A_1654, %gather3A_1650 : vector<16xf32>
      %swap3A_1656 = arith.constant 108 : i32
      %swap3A_1657 = arith.index_cast %swap3A_1656 : i32 to index
      %swap3A_1658 = arith.constant 0 : index
      %swap3A_1659 = tpu.vector_load %arg15[%swap3A_1657, %swap3A_1658] {strides = array<i32>} : memref<128x16xf32, #tpu.memory_space<vmem>>, vector<16xf32>,
      tpu.vector_store %arg15[%swap3A_1657, %swap3A_1658], %mul3A_1655 {strides = array<i32>} : memref<128x16xf32, #tpu.memory_space<vmem>>, vector<16xf32>,
      %broadcast_in_dim3A_1660 = arith.constant 109 : i32
      %broadcast_in_dim3A_1661 = vector.broadcast %broadcast_in_dim3A_1660 : i32 to vector<16xi32>
      %gather3A_1662 = tpu.vector_load_idx %arg18[%broadcast_in_dim3A_1661] : memref<128xf32, #tpu.memory_space<vmem>>[vector<16xi32>], vector<16xf32>,
      %get3A_1663 = arith.constant 109 : i32
      %get3A_1664 = arith.index_cast %get3A_1663 : i32 to index
      %get3A_1665 = arith.constant 0 : index
      %get3A_1666 = tpu.vector_load %arg15[%get3A_1664, %get3A_1665] {strides = array<i32>} : memref<128x16xf32, #tpu.memory_space<vmem>>, vector<16xf32>,
      %mul3A_1667 = arith.mulf %get3A_1666, %gather3A_1662 : vector<16xf32>
      %swap3A_1668 = arith.constant 109 : i32
      %swap3A_1669 = arith.index_cast %swap3A_1668 : i32 to index
      %swap3A_1670 = arith.constant 0 : index
      %swap3A_1671 = tpu.vector_load %arg15[%swap3A_1669, %swap3A_1670] {strides = array<i32>} : memref<128x16xf32, #tpu.memory_space<vmem>>, vector<16xf32>,
      tpu.vector_store %arg15[%swap3A_1669, %swap3A_1670], %mul3A_1667 {strides = array<i32>} : memref<128x16xf32, #tpu.memory_space<vmem>>, vector<16xf32>,
      %broadcast_in_dim3A_1672 = arith.constant 110 : i32
      %broadcast_in_dim3A_1673 = vector.broadcast %broadcast_in_dim3A_1672 : i32 to vector<16xi32>
      %gather3A_1674 = tpu.vector_load_idx %arg18[%broadcast_in_dim3A_1673] : memref<128xf32, #tpu.memory_space<vmem>>[vector<16xi32>], vector<16xf32>,
      %get3A_1675 = arith.constant 110 : i32
      %get3A_1676 = arith.index_cast %get3A_1675 : i32 to index
      %get3A_1677 = arith.constant 0 : index
      %get3A_1678 = tpu.vector_load %arg15[%get3A_1676, %get3A_1677] {strides = array<i32>} : memref<128x16xf32, #tpu.memory_space<vmem>>, vector<16xf32>,
      %mul3A_1679 = arith.mulf %get3A_1678, %gather3A_1674 : vector<16xf32>
      %swap3A_1680 = arith.constant 110 : i32
      %swap3A_1681 = arith.index_cast %swap3A_1680 : i32 to index
      %swap3A_1682 = arith.constant 0 : index
      %swap3A_1683 = tpu.vector_load %arg15[%swap3A_1681, %swap3A_1682] {strides = array<i32>} : memref<128x16xf32, #tpu.memory_space<vmem>>, vector<16xf32>,
      tpu.vector_store %arg15[%swap3A_1681, %swap3A_1682], %mul3A_1679 {strides = array<i32>} : memref<128x16xf32, #tpu.memory_space<vmem>>, vector<16xf32>,
      %broadcast_in_dim3A_1684 = arith.constant 111 : i32
      %broadcast_in_dim3A_1685 = vector.broadcast %broadcast_in_dim3A_1684 : i32 to vector<16xi32>
      %gather3A_1686 = tpu.vector_load_idx %arg18[%broadcast_in_dim3A_1685] : memref<128xf32, #tpu.memory_space<vmem>>[vector<16xi32>], vector<16xf32>,
      %get3A_1687 = arith.constant 111 : i32
      %get3A_1688 = arith.index_cast %get3A_1687 : i32 to index
      %get3A_1689 = arith.constant 0 : index
      %get3A_1690 = tpu.vector_load %arg15[%get3A_1688, %get3A_1689] {strides = array<i32>} : memref<128x16xf32, #tpu.memory_space<vmem>>, vector<16xf32>,
      %mul3A_1691 = arith.mulf %get3A_1690, %gather3A_1686 : vector<16xf32>
      %swap3A_1692 = arith.constant 111 : i32
      %swap3A_1693 = arith.index_cast %swap3A_1692 : i32 to index
      %swap3A_1694 = arith.constant 0 : index
      %swap3A_1695 = tpu.vector_load %arg15[%swap3A_1693, %swap3A_1694] {strides = array<i32>} : memref<128x16xf32, #tpu.memory_space<vmem>>, vector<16xf32>,
      tpu.vector_store %arg15[%swap3A_1693, %swap3A_1694], %mul3A_1691 {strides = array<i32>} : memref<128x16xf32, #tpu.memory_space<vmem>>, vector<16xf32>,
      %broadcast_in_dim3A_1696 = arith.constant 112 : i32
      %broadcast_in_dim3A_1697 = vector.broadcast %broadcast_in_dim3A_1696 : i32 to vector<16xi32>
      %gather3A_1698 = tpu.vector_load_idx %arg18[%broadcast_in_dim3A_1697] : memref<128xf32, #tpu.memory_space<vmem>>[vector<16xi32>], vector<16xf32>,
      %get3A_1699 = arith.constant 112 : i32
      %get3A_1700 = arith.index_cast %get3A_1699 : i32 to index
      %get3A_1701 = arith.constant 0 : index
      %get3A_1702 = tpu.vector_load %arg15[%get3A_1700, %get3A_1701] {strides = array<i32>} : memref<128x16xf32, #tpu.memory_space<vmem>>, vector<16xf32>,
      %mul3A_1703 = arith.mulf %get3A_1702, %gather3A_1698 : vector<16xf32>
      %swap3A_1704 = arith.constant 112 : i32
      %swap3A_1705 = arith.index_cast %swap3A_1704 : i32 to index
      %swap3A_1706 = arith.constant 0 : index
      %swap3A_1707 = tpu.vector_load %arg15[%swap3A_1705, %swap3A_1706] {strides = array<i32>} : memref<128x16xf32, #tpu.memory_space<vmem>>, vector<16xf32>,
      tpu.vector_store %arg15[%swap3A_1705, %swap3A_1706], %mul3A_1703 {strides = array<i32>} : memref<128x16xf32, #tpu.memory_space<vmem>>, vector<16xf32>,
      %broadcast_in_dim3A_1708 = arith.constant 113 : i32
      %broadcast_in_dim3A_1709 = vector.broadcast %broadcast_in_dim3A_1708 : i32 to vector<16xi32>
      %gather3A_1710 = tpu.vector_load_idx %arg18[%broadcast_in_dim3A_1709] : memref<128xf32, #tpu.memory_space<vmem>>[vector<16xi32>], vector<16xf32>,
      %get3A_1711 = arith.constant 113 : i32
      %get3A_1712 = arith.index_cast %get3A_1711 : i32 to index
      %get3A_1713 = arith.constant 0 : index
      %get3A_1714 = tpu.vector_load %arg15[%get3A_1712, %get3A_1713] {strides = array<i32>} : memref<128x16xf32, #tpu.memory_space<vmem>>, vector<16xf32>,
      %mul3A_1715 = arith.mulf %get3A_1714, %gather3A_1710 : vector<16xf32>
      %swap3A_1716 = arith.constant 113 : i32
      %swap3A_1717 = arith.index_cast %swap3A_1716 : i32 to index
      %swap3A_1718 = arith.constant 0 : index
      %swap3A_1719 = tpu.vector_load %arg15[%swap3A_1717, %swap3A_1718] {strides = array<i32>} : memref<128x16xf32, #tpu.memory_space<vmem>>, vector<16xf32>,
      tpu.vector_store %arg15[%swap3A_1717, %swap3A_1718], %mul3A_1715 {strides = array<i32>} : memref<128x16xf32, #tpu.memory_space<vmem>>, vector<16xf32>,
      %broadcast_in_dim3A_1720 = arith.constant 114 : i32
      %broadcast_in_dim3A_1721 = vector.broadcast %broadcast_in_dim3A_1720 : i32 to vector<16xi32>
      %gather3A_1722 = tpu.vector_load_idx %arg18[%broadcast_in_dim3A_1721] : memref<128xf32, #tpu.memory_space<vmem>>[vector<16xi32>], vector<16xf32>,
      %get3A_1723 = arith.constant 114 : i32
      %get3A_1724 = arith.index_cast %get3A_1723 : i32 to index
      %get3A_1725 = arith.constant 0 : index
      %get3A_1726 = tpu.vector_load %arg15[%get3A_1724, %get3A_1725] {strides = array<i32>} : memref<128x16xf32, #tpu.memory_space<vmem>>, vector<16xf32>,
      %mul3A_1727 = arith.mulf %get3A_1726, %gather3A_1722 : vector<16xf32>
      %swap3A_1728 = arith.constant 114 : i32
      %swap3A_1729 = arith.index_cast %swap3A_1728 : i32 to index
      %swap3A_1730 = arith.constant 0 : index
      %swap3A_1731 = tpu.vector_load %arg15[%swap3A_1729, %swap3A_1730] {strides = array<i32>} : memref<128x16xf32, #tpu.memory_space<vmem>>, vector<16xf32>,
      tpu.vector_store %arg15[%swap3A_1729, %swap3A_1730], %mul3A_1727 {strides = array<i32>} : memref<128x16xf32, #tpu.memory_space<vmem>>, vector<16xf32>,
      %broadcast_in_dim3A_1732 = arith.constant 115 : i32
      %broadcast_in_dim3A_1733 = vector.broadcast %broadcast_in_dim3A_1732 : i32 to vector<16xi32>
      %gather3A_1734 = tpu.vector_load_idx %arg18[%broadcast_in_dim3A_1733] : memref<128xf32, #tpu.memory_space<vmem>>[vector<16xi32>], vector<16xf32>,
      %get3A_1735 = arith.constant 115 : i32
      %get3A_1736 = arith.index_cast %get3A_1735 : i32 to index
      %get3A_1737 = arith.constant 0 : index
      %get3A_1738 = tpu.vector_load %arg15[%get3A_1736, %get3A_1737] {strides = array<i32>} : memref<128x16xf32, #tpu.memory_space<vmem>>, vector<16xf32>,
      %mul3A_1739 = arith.mulf %get3A_1738, %gather3A_1734 : vector<16xf32>
      %swap3A_1740 = arith.constant 115 : i32
      %swap3A_1741 = arith.index_cast %swap3A_1740 : i32 to index
      %swap3A_1742 = arith.constant 0 : index
      %swap3A_1743 = tpu.vector_load %arg15[%swap3A_1741, %swap3A_1742] {strides = array<i32>} : memref<128x16xf32, #tpu.memory_space<vmem>>, vector<16xf32>,
      tpu.vector_store %arg15[%swap3A_1741, %swap3A_1742], %mul3A_1739 {strides = array<i32>} : memref<128x16xf32, #tpu.memory_space<vmem>>, vector<16xf32>,
      %broadcast_in_dim3A_1744 = arith.constant 116 : i32
      %broadcast_in_dim3A_1745 = vector.broadcast %broadcast_in_dim3A_1744 : i32 to vector<16xi32>
      %gather3A_1746 = tpu.vector_load_idx %arg18[%broadcast_in_dim3A_1745] : memref<128xf32, #tpu.memory_space<vmem>>[vector<16xi32>], vector<16xf32>,
      %get3A_1747 = arith.constant 116 : i32
      %get3A_1748 = arith.index_cast %get3A_1747 : i32 to index
      %get3A_1749 = arith.constant 0 : index
      %get3A_1750 = tpu.vector_load %arg15[%get3A_1748, %get3A_1749] {strides = array<i32>} : memref<128x16xf32, #tpu.memory_space<vmem>>, vector<16xf32>,
      %mul3A_1751 = arith.mulf %get3A_1750, %gather3A_1746 : vector<16xf32>
      %swap3A_1752 = arith.constant 116 : i32
      %swap3A_1753 = arith.index_cast %swap3A_1752 : i32 to index
      %swap3A_1754 = arith.constant 0 : index
      %swap3A_1755 = tpu.vector_load %arg15[%swap3A_1753, %swap3A_1754] {strides = array<i32>} : memref<128x16xf32, #tpu.memory_space<vmem>>, vector<16xf32>,
      tpu.vector_store %arg15[%swap3A_1753, %swap3A_1754], %mul3A_1751 {strides = array<i32>} : memref<128x16xf32, #tpu.memory_space<vmem>>, vector<16xf32>,
      %broadcast_in_dim3A_1756 = arith.constant 117 : i32
      %broadcast_in_dim3A_1757 = vector.broadcast %broadcast_in_dim3A_1756 : i32 to vector<16xi32>
      %gather3A_1758 = tpu.vector_load_idx %arg18[%broadcast_in_dim3A_1757] : memref<128xf32, #tpu.memory_space<vmem>>[vector<16xi32>], vector<16xf32>,
      %get3A_1759 = arith.constant 117 : i32
      %get3A_1760 = arith.index_cast %get3A_1759 : i32 to index
      %get3A_1761 = arith.constant 0 : index
      %get3A_1762 = tpu.vector_load %arg15[%get3A_1760, %get3A_1761] {strides = array<i32>} : memref<128x16xf32, #tpu.memory_space<vmem>>, vector<16xf32>,
      %mul3A_1763 = arith.mulf %get3A_1762, %gather3A_1758 : vector<16xf32>
      %swap3A_1764 = arith.constant 117 : i32
      %swap3A_1765 = arith.index_cast %swap3A_1764 : i32 to index
      %swap3A_1766 = arith.constant 0 : index
      %swap3A_1767 = tpu.vector_load %arg15[%swap3A_1765, %swap3A_1766] {strides = array<i32>} : memref<128x16xf32, #tpu.memory_space<vmem>>, vector<16xf32>,
      tpu.vector_store %arg15[%swap3A_1765, %swap3A_1766], %mul3A_1763 {strides = array<i32>} : memref<128x16xf32, #tpu.memory_space<vmem>>, vector<16xf32>,
      %broadcast_in_dim3A_1768 = arith.constant 118 : i32
      %broadcast_in_dim3A_1769 = vector.broadcast %broadcast_in_dim3A_1768 : i32 to vector<16xi32>
      %gather3A_1770 = tpu.vector_load_idx %arg18[%broadcast_in_dim3A_1769] : memref<128xf32, #tpu.memory_space<vmem>>[vector<16xi32>], vector<16xf32>,
      %get3A_1771 = arith.constant 118 : i32
      %get3A_1772 = arith.index_cast %get3A_1771 : i32 to index
      %get3A_1773 = arith.constant 0 : index
      %get3A_1774 = tpu.vector_load %arg15[%get3A_1772, %get3A_1773] {strides = array<i32>} : memref<128x16xf32, #tpu.memory_space<vmem>>, vector<16xf32>,
      %mul3A_1775 = arith.mulf %get3A_1774, %gather3A_1770 : vector<16xf32>
      %swap3A_1776 = arith.constant 118 : i32
      %swap3A_1777 = arith.index_cast %swap3A_1776 : i32 to index
      %swap3A_1778 = arith.constant 0 : index
      %swap3A_1779 = tpu.vector_load %arg15[%swap3A_1777, %swap3A_1778] {strides = array<i32>} : memref<128x16xf32, #tpu.memory_space<vmem>>, vector<16xf32>,
      tpu.vector_store %arg15[%swap3A_1777, %swap3A_1778], %mul3A_1775 {strides = array<i32>} : memref<128x16xf32, #tpu.memory_space<vmem>>, vector<16xf32>,
      %broadcast_in_dim3A_1780 = arith.constant 119 : i32
      %broadcast_in_dim3A_1781 = vector.broadcast %broadcast_in_dim3A_1780 : i32 to vector<16xi32>
      %gather3A_1782 = tpu.vector_load_idx %arg18[%broadcast_in_dim3A_1781] : memref<128xf32, #tpu.memory_space<vmem>>[vector<16xi32>], vector<16xf32>,
      %get3A_1783 = arith.constant 119 : i32
      %get3A_1784 = arith.index_cast %get3A_1783 : i32 to index
      %get3A_1785 = arith.constant 0 : index
      %get3A_1786 = tpu.vector_load %arg15[%get3A_1784, %get3A_1785] {strides = array<i32>} : memref<128x16xf32, #tpu.memory_space<vmem>>, vector<16xf32>,
      %mul3A_1787 = arith.mulf %get3A_1786, %gather3A_1782 : vector<16xf32>
      %swap3A_1788 = arith.constant 119 : i32
      %swap3A_1789 = arith.index_cast %swap3A_1788 : i32 to index
      %swap3A_1790 = arith.constant 0 : index
      %swap3A_1791 = tpu.vector_load %arg15[%swap3A_1789, %swap3A_1790] {strides = array<i32>} : memref<128x16xf32, #tpu.memory_space<vmem>>, vector<16xf32>,
      tpu.vector_store %arg15[%swap3A_1789, %swap3A_1790], %mul3A_1787 {strides = array<i32>} : memref<128x16xf32, #tpu.memory_space<vmem>>, vector<16xf32>,
      %broadcast_in_dim3A_1792 = arith.constant 120 : i32
      %broadcast_in_dim3A_1793 = vector.broadcast %broadcast_in_dim3A_1792 : i32 to vector<16xi32>
      %gather3A_1794 = tpu.vector_load_idx %arg18[%broadcast_in_dim3A_1793] : memref<128xf32, #tpu.memory_space<vmem>>[vector<16xi32>], vector<16xf32>,
      %get3A_1795 = arith.constant 120 : i32
      %get3A_1796 = arith.index_cast %get3A_1795 : i32 to index
      %get3A_1797 = arith.constant 0 : index
      %get3A_1798 = tpu.vector_load %arg15[%get3A_1796, %get3A_1797] {strides = array<i32>} : memref<128x16xf32, #tpu.memory_space<vmem>>, vector<16xf32>,
      %mul3A_1799 = arith.mulf %get3A_1798, %gather3A_1794 : vector<16xf32>
      %swap3A_1800 = arith.constant 120 : i32
      %swap3A_1801 = arith.index_cast %swap3A_1800 : i32 to index
      %swap3A_1802 = arith.constant 0 : index
      %swap3A_1803 = tpu.vector_load %arg15[%swap3A_1801, %swap3A_1802] {strides = array<i32>} : memref<128x16xf32, #tpu.memory_space<vmem>>, vector<16xf32>,
      tpu.vector_store %arg15[%swap3A_1801, %swap3A_1802], %mul3A_1799 {strides = array<i32>} : memref<128x16xf32, #tpu.memory_space<vmem>>, vector<16xf32>,
      %broadcast_in_dim3A_1804 = arith.constant 121 : i32
      %broadcast_in_dim3A_1805 = vector.broadcast %broadcast_in_dim3A_1804 : i32 to vector<16xi32>
      %gather3A_1806 = tpu.vector_load_idx %arg18[%broadcast_in_dim3A_1805] : memref<128xf32, #tpu.memory_space<vmem>>[vector<16xi32>], vector<16xf32>,
      %get3A_1807 = arith.constant 121 : i32
      %get3A_1808 = arith.index_cast %get3A_1807 : i32 to index
      %get3A_1809 = arith.constant 0 : index
      %get3A_1810 = tpu.vector_load %arg15[%get3A_1808, %get3A_1809] {strides = array<i32>} : memref<128x16xf32, #tpu.memory_space<vmem>>, vector<16xf32>,
      %mul3A_1811 = arith.mulf %get3A_1810, %gather3A_1806 : vector<16xf32>
      %swap3A_1812 = arith.constant 121 : i32
      %swap3A_1813 = arith.index_cast %swap3A_1812 : i32 to index
      %swap3A_1814 = arith.constant 0 : index
      %swap3A_1815 = tpu.vector_load %arg15[%swap3A_1813, %swap3A_1814] {strides = array<i32>} : memref<128x16xf32, #tpu.memory_space<vmem>>, vector<16xf32>,
      tpu.vector_store %arg15[%swap3A_1813, %swap3A_1814], %mul3A_1811 {strides = array<i32>} : memref<128x16xf32, #tpu.memory_space<vmem>>, vector<16xf32>,
      %broadcast_in_dim3A_1816 = arith.constant 122 : i32
      %broadcast_in_dim3A_1817 = vector.broadcast %broadcast_in_dim3A_1816 : i32 to vector<16xi32>
      %gather3A_1818 = tpu.vector_load_idx %arg18[%broadcast_in_dim3A_1817] : memref<128xf32, #tpu.memory_space<vmem>>[vector<16xi32>], vector<16xf32>,
      %get3A_1819 = arith.constant 122 : i32
      %get3A_1820 = arith.index_cast %get3A_1819 : i32 to index
      %get3A_1821 = arith.constant 0 : index
      %get3A_1822 = tpu.vector_load %arg15[%get3A_1820, %get3A_1821] {strides = array<i32>} : memref<128x16xf32, #tpu.memory_space<vmem>>, vector<16xf32>,
      %mul3A_1823 = arith.mulf %get3A_1822, %gather3A_1818 : vector<16xf32>
      %swap3A_1824 = arith.constant 122 : i32
      %swap3A_1825 = arith.index_cast %swap3A_1824 : i32 to index
      %swap3A_1826 = arith.constant 0 : index
      %swap3A_1827 = tpu.vector_load %arg15[%swap3A_1825, %swap3A_1826] {strides = array<i32>} : memref<128x16xf32, #tpu.memory_space<vmem>>, vector<16xf32>,
      tpu.vector_store %arg15[%swap3A_1825, %swap3A_1826], %mul3A_1823 {strides = array<i32>} : memref<128x16xf32, #tpu.memory_space<vmem>>, vector<16xf32>,
      %broadcast_in_dim3A_1828 = arith.constant 123 : i32
      %broadcast_in_dim3A_1829 = vector.broadcast %broadcast_in_dim3A_1828 : i32 to vector<16xi32>
      %gather3A_1830 = tpu.vector_load_idx %arg18[%broadcast_in_dim3A_1829] : memref<128xf32, #tpu.memory_space<vmem>>[vector<16xi32>], vector<16xf32>,
      %get3A_1831 = arith.constant 123 : i32
      %get3A_1832 = arith.index_cast %get3A_1831 : i32 to index
      %get3A_1833 = arith.constant 0 : index
      %get3A_1834 = tpu.vector_load %arg15[%get3A_1832, %get3A_1833] {strides = array<i32>} : memref<128x16xf32, #tpu.memory_space<vmem>>, vector<16xf32>,
      %mul3A_1835 = arith.mulf %get3A_1834, %gather3A_1830 : vector<16xf32>
      %swap3A_1836 = arith.constant 123 : i32
      %swap3A_1837 = arith.index_cast %swap3A_1836 : i32 to index
      %swap3A_1838 = arith.constant 0 : index
      %swap3A_1839 = tpu.vector_load %arg15[%swap3A_1837, %swap3A_1838] {strides = array<i32>} : memref<128x16xf32, #tpu.memory_space<vmem>>, vector<16xf32>,
      tpu.vector_store %arg15[%swap3A_1837, %swap3A_1838], %mul3A_1835 {strides = array<i32>} : memref<128x16xf32, #tpu.memory_space<vmem>>, vector<16xf32>,
      %broadcast_in_dim3A_1840 = arith.constant 124 : i32
      %broadcast_in_dim3A_1841 = vector.broadcast %broadcast_in_dim3A_1840 : i32 to vector<16xi32>
      %gather3A_1842 = tpu.vector_load_idx %arg18[%broadcast_in_dim3A_1841] : memref<128xf32, #tpu.memory_space<vmem>>[vector<16xi32>], vector<16xf32>,
      %get3A_1843 = arith.constant 124 : i32
      %get3A_1844 = arith.index_cast %get3A_1843 : i32 to index
      %get3A_1845 = arith.constant 0 : index
      %get3A_1846 = tpu.vector_load %arg15[%get3A_1844, %get3A_1845] {strides = array<i32>} : memref<128x16xf32, #tpu.memory_space<vmem>>, vector<16xf32>,
      %mul3A_1847 = arith.mulf %get3A_1846, %gather3A_1842 : vector<16xf32>
      %swap3A_1848 = arith.constant 124 : i32
      %swap3A_1849 = arith.index_cast %swap3A_1848 : i32 to index
      %swap3A_1850 = arith.constant 0 : index
      %swap3A_1851 = tpu.vector_load %arg15[%swap3A_1849, %swap3A_1850] {strides = array<i32>} : memref<128x16xf32, #tpu.memory_space<vmem>>, vector<16xf32>,
      tpu.vector_store %arg15[%swap3A_1849, %swap3A_1850], %mul3A_1847 {strides = array<i32>} : memref<128x16xf32, #tpu.memory_space<vmem>>, vector<16xf32>,
      %broadcast_in_dim3A_1852 = arith.constant 125 : i32
      %broadcast_in_dim3A_1853 = vector.broadcast %broadcast_in_dim3A_1852 : i32 to vector<16xi32>
      %gather3A_1854 = tpu.vector_load_idx %arg18[%broadcast_in_dim3A_1853] : memref<128xf32, #tpu.memory_space<vmem>>[vector<16xi32>], vector<16xf32>,
      %get3A_1855 = arith.constant 125 : i32
      %get3A_1856 = arith.index_cast %get3A_1855 : i32 to index
      %get3A_1857 = arith.constant 0 : index
      %get3A_1858 = tpu.vector_load %arg15[%get3A_1856, %get3A_1857] {strides = array<i32>} : memref<128x16xf32, #tpu.memory_space<vmem>>, vector<16xf32>,
      %mul3A_1859 = arith.mulf %get3A_1858, %gather3A_1854 : vector<16xf32>
      %swap3A_1860 = arith.constant 125 : i32
      %swap3A_1861 = arith.index_cast %swap3A_1860 : i32 to index
      %swap3A_1862 = arith.constant 0 : index
      %swap3A_1863 = tpu.vector_load %arg15[%swap3A_1861, %swap3A_1862] {strides = array<i32>} : memref<128x16xf32, #tpu.memory_space<vmem>>, vector<16xf32>,
      tpu.vector_store %arg15[%swap3A_1861, %swap3A_1862], %mul3A_1859 {strides = array<i32>} : memref<128x16xf32, #tpu.memory_space<vmem>>, vector<16xf32>,
      %broadcast_in_dim3A_1864 = arith.constant 126 : i32
      %broadcast_in_dim3A_1865 = vector.broadcast %broadcast_in_dim3A_1864 : i32 to vector<16xi32>
      %gather3A_1866 = tpu.vector_load_idx %arg18[%broadcast_in_dim3A_1865] : memref<128xf32, #tpu.memory_space<vmem>>[vector<16xi32>], vector<16xf32>,
      %get3A_1867 = arith.constant 126 : i32
      %get3A_1868 = arith.index_cast %get3A_1867 : i32 to index
      %get3A_1869 = arith.constant 0 : index
      %get3A_1870 = tpu.vector_load %arg15[%get3A_1868, %get3A_1869] {strides = array<i32>} : memref<128x16xf32, #tpu.memory_space<vmem>>, vector<16xf32>,
      %mul3A_1871 = arith.mulf %get3A_1870, %gather3A_1866 : vector<16xf32>
      %swap3A_1872 = arith.constant 126 : i32
      %swap3A_1873 = arith.index_cast %swap3A_1872 : i32 to index
      %swap3A_1874 = arith.constant 0 : index
      %swap3A_1875 = tpu.vector_load %arg15[%swap3A_1873, %swap3A_1874] {strides = array<i32>} : memref<128x16xf32, #tpu.memory_space<vmem>>, vector<16xf32>,
      tpu.vector_store %arg15[%swap3A_1873, %swap3A_1874], %mul3A_1871 {strides = array<i32>} : memref<128x16xf32, #tpu.memory_space<vmem>>, vector<16xf32>,
      %broadcast_in_dim3A_1876 = arith.constant 127 : i32
      %broadcast_in_dim3A_1877 = vector.broadcast %broadcast_in_dim3A_1876 : i32 to vector<16xi32>
      %gather3A_1878 = tpu.vector_load_idx %arg18[%broadcast_in_dim3A_1877] : memref<128xf32, #tpu.memory_space<vmem>>[vector<16xi32>], vector<16xf32>,
      %get3A_1879 = arith.constant 127 : i32
      %get3A_1880 = arith.index_cast %get3A_1879 : i32 to index
      %get3A_1881 = arith.constant 0 : index
      %get3A_1882 = tpu.vector_load %arg15[%get3A_1880, %get3A_1881] {strides = array<i32>} : memref<128x16xf32, #tpu.memory_space<vmem>>, vector<16xf32>,
      %mul3A_1883 = arith.mulf %get3A_1882, %gather3A_1878 : vector<16xf32>
      %swap3A_1884 = arith.constant 127 : i32
      %swap3A_1885 = arith.index_cast %swap3A_1884 : i32 to index
      %swap3A_1886 = arith.constant 0 : index
      %swap3A_1887 = tpu.vector_load %arg15[%swap3A_1885, %swap3A_1886] {strides = array<i32>} : memref<128x16xf32, #tpu.memory_space<vmem>>, vector<16xf32>,
      tpu.vector_store %arg15[%swap3A_1885, %swap3A_1886], %mul3A_1883 {strides = array<i32>} : memref<128x16xf32, #tpu.memory_space<vmem>>, vector<16xf32>,
      "tpu.region"() ({
        %run_scoped3A = tpu.sem_alloc : memref<!tpu.dma_semaphore, #tpu.memory_space<semaphore_mem>>
        %dma_start3A = arith.constant 0 : i32
        %dma_start3A_1888 = arith.constant 0 : i32
        %dma_start3A_1889 = tpu.memref_slice %arg10[%dma_start3A, %dma_start3A_1888] : memref<51200x16xf32, #tpu.memory_space<vmem_shared>> -> memref<51200x16xf32, #tpu.memory_space<vmem_shared>>
        tpu.enqueue_indirect_dma source(%arg15 : memref<128x16xf32, #tpu.memory_space<vmem>>) target(%dma_start3A_1889 : memref<51200x16xf32, #tpu.memory_space<vmem_shared>>) offsets(%arg14 : memref<128xi32, #tpu.memory_space<vmem>>) semaphore(%run_scoped3A : memref<!tpu.dma_semaphore, #tpu.memory_space<semaphore_mem>>) {add = true}
        %dma_wait3A = arith.constant 0 : i32
        %dma_wait3A_1890 = arith.constant 0 : i32
        %dma_wait3A_1891 = tpu.memref_slice %arg10[%dma_wait3A, %dma_wait3A_1890] : memref<51200x16xf32, #tpu.memory_space<vmem_shared>> -> memref<51200x16xf32, #tpu.memory_space<vmem_shared>>
        tpu.wait_indirect_dma semaphore(%run_scoped3A : memref<!tpu.dma_semaphore, #tpu.memory_space<semaphore_mem>>) src(%arg15 : memref<128x16xf32, #tpu.memory_space<vmem>>) dst(%dma_wait3A_1891 : memref<51200x16xf32, #tpu.memory_space<vmem_shared>>)
        tpu.yield
      }) : () -> ()
      "tpu.region"() ({
        %run_scoped3A = tpu.sem_alloc : memref<!tpu.dma_semaphore, #tpu.memory_space<semaphore_mem>>
        %dma_start3A = arith.constant 0 : i32
        %dma_start3A_1888 = arith.constant 0 : i32
        %dma_start3A_1889 = tpu.memref_slice %arg11[%dma_start3A, %dma_start3A_1888] : memref<51200x8xf32, #tpu.memory_space<vmem_shared>> -> memref<51200x8xf32, #tpu.memory_space<vmem_shared>>
        tpu.enqueue_indirect_dma source(%arg19 : memref<128x8xf32, #tpu.memory_space<vmem>>) target(%dma_start3A_1889 : memref<51200x8xf32, #tpu.memory_space<vmem_shared>>) offsets(%arg14 : memref<128xi32, #tpu.memory_space<vmem>>) semaphore(%run_scoped3A : memref<!tpu.dma_semaphore, #tpu.memory_space<semaphore_mem>>) {add = true}
        %dma_wait3A = arith.constant 0 : i32
        %dma_wait3A_1890 = arith.constant 0 : i32
        %dma_wait3A_1891 = tpu.memref_slice %arg11[%dma_wait3A, %dma_wait3A_1890] : memref<51200x8xf32, #tpu.memory_space<vmem_shared>> -> memref<51200x8xf32, #tpu.memory_space<vmem_shared>>
        tpu.wait_indirect_dma semaphore(%run_scoped3A : memref<!tpu.dma_semaphore, #tpu.memory_space<semaphore_mem>>) src(%arg19 : memref<128x8xf32, #tpu.memory_space<vmem>>) dst(%dma_wait3A_1891 : memref<51200x8xf32, #tpu.memory_space<vmem_shared>>)
        tpu.yield
      }) : () -> ()
    }
    %scan3A_163 = arith.constant 782 : i32
    %barrier3A_164 = arith.constant 0 : index
    tpu.barrier barrier_id(%barrier3A_164)
    %scan3A_165 = arith.constant 0 : i32
    %scan3A_166 = arith.constant 0 : i32
    %scan3A_167 = arith.constant 25 : i32
    %scan3A_168 = arith.addi %scan3A_166, %scan3A_167 : i32
    %scan3A_169 = arith.constant 1 : i32
    scf.for %scan3A_171 = %scan3A_166 to %scan3A_168 step %scan3A_169  : i32 {
      %mul3A_172 = arith.constant 128 : i32
      %mul3A_173 = arith.muli %scan3A_171, %mul3A_172 : i32
      %add3A_174 = arith.addi %mul3A_0, %mul3A_173 : i32
      "tpu.region"() ({
        %run_scoped3A = tpu.sem_alloc : memref<!tpu.dma_semaphore, #tpu.memory_space<semaphore_mem>>
        %dma_start3A = arith.constant 0 : i32
        %dma_start3A_175 = tpu.memref_slice %arg10[%add3A_174, %dma_start3A] : memref<51200x16xf32, #tpu.memory_space<vmem_shared>> -> memref<128x16xf32, #tpu.memory_space<vmem_shared>>
        %dma_start3A_176 = arith.constant 0 : i32
        %dma_start3A_177 = tpu.memref_slice %arg10[%add3A_174, %dma_start3A_176] : memref<51200x16xf32, #tpu.memory_space<vmem_shared>> -> memref<128x16xf32, #tpu.memory_space<vmem_shared>>
        tpu.enqueue_dma source(%dma_start3A_177 : memref<128x16xf32, #tpu.memory_space<vmem_shared>>) target(%arg15 : memref<128x16xf32, #tpu.memory_space<vmem>>) target_semaphore(%run_scoped3A : memref<!tpu.dma_semaphore, #tpu.memory_space<semaphore_mem>>)
        %dma_wait3A = arith.constant 0 : i32
        %dma_wait3A_178 = tpu.memref_slice %arg10[%add3A_174, %dma_wait3A] : memref<51200x16xf32, #tpu.memory_space<vmem_shared>> -> memref<128x16xf32, #tpu.memory_space<vmem_shared>>
        %dma_wait3A_179 = arith.constant 0 : i32
        %dma_wait3A_180 = tpu.memref_slice %arg10[%add3A_174, %dma_wait3A_179] : memref<51200x16xf32, #tpu.memory_space<vmem_shared>> -> memref<128x16xf32, #tpu.memory_space<vmem_shared>>
        tpu.wait_dma2 semaphore(%run_scoped3A : memref<!tpu.dma_semaphore, #tpu.memory_space<semaphore_mem>>) src(%dma_wait3A_180 : memref<128x16xf32, #tpu.memory_space<vmem_shared>>) dst(%arg15 : memref<128x16xf32, #tpu.memory_space<vmem>>)
        tpu.yield
      }) : () -> ()
      "tpu.region"() ({
        %run_scoped3A = tpu.sem_alloc : memref<!tpu.dma_semaphore, #tpu.memory_space<semaphore_mem>>
        %dma_start3A = arith.constant 0 : i32
        %dma_start3A_175 = tpu.memref_slice %arg8[%arg0, %add3A_174, %dma_start3A] : memref<2x51200x16xf32, #tpu.memory_space<hbm>> -> memref<1x128x16xf32, #tpu.memory_space<hbm>>
        %dma_start3A_176 = tpu.memref_squeeze %dma_start3A_175 : memref<1x128x16xf32, #tpu.memory_space<hbm>> -> memref<128x16xf32, #tpu.memory_space<hbm>>
        %dma_start3A_177 = arith.constant 0 : i32
        %dma_start3A_178 = tpu.memref_slice %arg8[%arg0, %add3A_174, %dma_start3A_177] : memref<2x51200x16xf32, #tpu.memory_space<hbm>> -> memref<1x128x16xf32, #tpu.memory_space<hbm>>
        %dma_start3A_179 = tpu.memref_squeeze %dma_start3A_178 : memref<1x128x16xf32, #tpu.memory_space<hbm>> -> memref<128x16xf32, #tpu.memory_space<hbm>>
        tpu.enqueue_dma source(%arg15 : memref<128x16xf32, #tpu.memory_space<vmem>>) target(%dma_start3A_179 : memref<128x16xf32, #tpu.memory_space<hbm>>) target_semaphore(%run_scoped3A : memref<!tpu.dma_semaphore, #tpu.memory_space<semaphore_mem>>)
        %dma_wait3A = arith.constant 0 : i32
        %dma_wait3A_180 = tpu.memref_slice %arg8[%arg0, %add3A_174, %dma_wait3A] : memref<2x51200x16xf32, #tpu.memory_space<hbm>> -> memref<1x128x16xf32, #tpu.memory_space<hbm>>
        %dma_wait3A_181 = tpu.memref_squeeze %dma_wait3A_180 : memref<1x128x16xf32, #tpu.memory_space<hbm>> -> memref<128x16xf32, #tpu.memory_space<hbm>>
        %dma_wait3A_182 = arith.constant 0 : i32
        %dma_wait3A_183 = tpu.memref_slice %arg8[%arg0, %add3A_174, %dma_wait3A_182] : memref<2x51200x16xf32, #tpu.memory_space<hbm>> -> memref<1x128x16xf32, #tpu.memory_space<hbm>>
        %dma_wait3A_184 = tpu.memref_squeeze %dma_wait3A_183 : memref<1x128x16xf32, #tpu.memory_space<hbm>> -> memref<128x16xf32, #tpu.memory_space<hbm>>
        tpu.wait_dma2 semaphore(%run_scoped3A : memref<!tpu.dma_semaphore, #tpu.memory_space<semaphore_mem>>) src(%arg15 : memref<128x16xf32, #tpu.memory_space<vmem>>) dst(%dma_wait3A_184 : memref<128x16xf32, #tpu.memory_space<hbm>>)
        tpu.yield
      }) : () -> ()
      "tpu.region"() ({
        %run_scoped3A = tpu.sem_alloc : memref<!tpu.dma_semaphore, #tpu.memory_space<semaphore_mem>>
        %dma_start3A = arith.constant 0 : i32
        %dma_start3A_175 = tpu.memref_slice %arg11[%add3A_174, %dma_start3A] : memref<51200x8xf32, #tpu.memory_space<vmem_shared>> -> memref<128x8xf32, #tpu.memory_space<vmem_shared>>
        %dma_start3A_176 = arith.constant 0 : i32
        %dma_start3A_177 = tpu.memref_slice %arg11[%add3A_174, %dma_start3A_176] : memref<51200x8xf32, #tpu.memory_space<vmem_shared>> -> memref<128x8xf32, #tpu.memory_space<vmem_shared>>
        tpu.enqueue_dma source(%dma_start3A_177 : memref<128x8xf32, #tpu.memory_space<vmem_shared>>) target(%arg19 : memref<128x8xf32, #tpu.memory_space<vmem>>) target_semaphore(%run_scoped3A : memref<!tpu.dma_semaphore, #tpu.memory_space<semaphore_mem>>)
        %dma_wait3A = arith.constant 0 : i32
        %dma_wait3A_178 = tpu.memref_slice %arg11[%add3A_174, %dma_wait3A] : memref<51200x8xf32, #tpu.memory_space<vmem_shared>> -> memref<128x8xf32, #tpu.memory_space<vmem_shared>>
        %dma_wait3A_179 = arith.constant 0 : i32
        %dma_wait3A_180 = tpu.memref_slice %arg11[%add3A_174, %dma_wait3A_179] : memref<51200x8xf32, #tpu.memory_space<vmem_shared>> -> memref<128x8xf32, #tpu.memory_space<vmem_shared>>
        tpu.wait_dma2 semaphore(%run_scoped3A : memref<!tpu.dma_semaphore, #tpu.memory_space<semaphore_mem>>) src(%dma_wait3A_180 : memref<128x8xf32, #tpu.memory_space<vmem_shared>>) dst(%arg19 : memref<128x8xf32, #tpu.memory_space<vmem>>)
        tpu.yield
      }) : () -> ()
      "tpu.region"() ({
        %run_scoped3A = tpu.sem_alloc : memref<!tpu.dma_semaphore, #tpu.memory_space<semaphore_mem>>
        %dma_start3A = arith.constant 0 : i32
        %dma_start3A_175 = tpu.memref_slice %arg9[%arg0, %add3A_174, %dma_start3A] : memref<2x51200x8xf32, #tpu.memory_space<hbm>> -> memref<1x128x8xf32, #tpu.memory_space<hbm>>
        %dma_start3A_176 = tpu.memref_squeeze %dma_start3A_175 : memref<1x128x8xf32, #tpu.memory_space<hbm>> -> memref<128x8xf32, #tpu.memory_space<hbm>>
        %dma_start3A_177 = arith.constant 0 : i32
        %dma_start3A_178 = tpu.memref_slice %arg9[%arg0, %add3A_174, %dma_start3A_177] : memref<2x51200x8xf32, #tpu.memory_space<hbm>> -> memref<1x128x8xf32, #tpu.memory_space<hbm>>
        %dma_start3A_179 = tpu.memref_squeeze %dma_start3A_178 : memref<1x128x8xf32, #tpu.memory_space<hbm>> -> memref<128x8xf32, #tpu.memory_space<hbm>>
        tpu.enqueue_dma source(%arg19 : memref<128x8xf32, #tpu.memory_space<vmem>>) target(%dma_start3A_179 : memref<128x8xf32, #tpu.memory_space<hbm>>) target_semaphore(%run_scoped3A : memref<!tpu.dma_semaphore, #tpu.memory_space<semaphore_mem>>)
        %dma_wait3A = arith.constant 0 : i32
        %dma_wait3A_180 = tpu.memref_slice %arg9[%arg0, %add3A_174, %dma_wait3A] : memref<2x51200x8xf32, #tpu.memory_space<hbm>> -> memref<1x128x8xf32, #tpu.memory_space<hbm>>
        %dma_wait3A_181 = tpu.memref_squeeze %dma_wait3A_180 : memref<1x128x8xf32, #tpu.memory_space<hbm>> -> memref<128x8xf32, #tpu.memory_space<hbm>>
        %dma_wait3A_182 = arith.constant 0 : i32
        %dma_wait3A_183 = tpu.memref_slice %arg9[%arg0, %add3A_174, %dma_wait3A_182] : memref<2x51200x8xf32, #tpu.memory_space<hbm>> -> memref<1x128x8xf32, #tpu.memory_space<hbm>>
        %dma_wait3A_184 = tpu.memref_squeeze %dma_wait3A_183 : memref<1x128x8xf32, #tpu.memory_space<hbm>> -> memref<128x8xf32, #tpu.memory_space<hbm>>
        tpu.wait_dma2 semaphore(%run_scoped3A : memref<!tpu.dma_semaphore, #tpu.memory_space<semaphore_mem>>) src(%arg19 : memref<128x8xf32, #tpu.memory_space<vmem>>) dst(%dma_wait3A_184 : memref<128x8xf32, #tpu.memory_space<hbm>>)
        tpu.yield
      }) : () -> ()
    }
    %scan3A_170 = arith.constant 25 : i32
    return
  }
}

#map = affine_map<(d0, d1) -> (0)>
#map1 = affine_map<(d0, d1) -> (0, 0)>
#map2 = affine_map<(d0, d1) -> (0, 0, 0)>
module attributes {stable_mosaic.version = 14 : i64} {
  func.func @k(%arg0: i32, %arg1: i32, %arg2: memref<1601536xi32, #tpu.memory_space<hbm>>, %arg3: memref<1601536xi32, #tpu.memory_space<hbm>>, %arg4: memref<100352x16xf32, #tpu.memory_space<hbm>>, %arg5: memref<100352x8xf32, #tpu.memory_space<hbm>>, %arg6: memref<2x100352x16xf32, #tpu.memory_space<hbm>>, %arg7: memref<2x100352x16xf32, #tpu.memory_space<hbm>>, %arg8: memref<100352x16xf32, #tpu.memory_space<vmem_shared>>, %arg9: memref<128xi32, #tpu.memory_space<vmem>>, %arg10: memref<128xi32, #tpu.memory_space<vmem>>, %arg11: memref<128x16xf32, #tpu.memory_space<vmem>>, %arg12: memref<128x8xf32, #tpu.memory_space<vmem>>, %arg13: memref<128x16xf32, #tpu.memory_space<vmem>>) attributes {dimension_semantics = [#tpu.dimension_semantics<core_parallel>, #tpu.dimension_semantics<subcore_parallel>], iteration_bounds = array<i64: 2, 16>, scalar_prefetch = 0 : i64, scratch_operands = 6 : i64, tpu.core_type = #tpu.core_type<sc_vector_subcore>, window_params = [{transform_indices = #map}, {transform_indices = #map}, {transform_indices = #map1}, {transform_indices = #map1}, {transform_indices = #map2}, {transform_indices = #map2}]} {
    %mul3A = arith.constant 6272 : i32
    %mul3A_0 = arith.muli %arg1, %mul3A : i32
    %iota3A = tpu.iota {dimensions = array<i32: 0>} : vector<16xi32>
    %broadcast_in_dim3A = arith.constant 0.000000e+00 : f32
    %broadcast_in_dim3A_1 = vector.broadcast %broadcast_in_dim3A : f32 to vector<16xf32>
    %scan3A = arith.constant 0 : i32
    %scan3A_2 = arith.constant 0 : i32
    %scan3A_3 = arith.constant 49 : i32
    %scan3A_4 = arith.addi %scan3A_2, %scan3A_3 : i32
    %scan3A_5 = arith.constant 1 : i32
    scf.for %scan3A_112 = %scan3A_2 to %scan3A_4 step %scan3A_5  : i32 {
      %mul3A_113 = arith.constant 128 : i32
      %mul3A_114 = arith.muli %scan3A_112, %mul3A_113 : i32
      %add3A_115 = arith.addi %mul3A_0, %mul3A_114 : i32
      "tpu.region"() ({
        %run_scoped3A = tpu.sem_alloc : memref<!tpu.dma_semaphore, #tpu.memory_space<semaphore_mem>>
        %dma_start3A = arith.constant 0 : i32
        %dma_start3A_116 = tpu.memref_slice %arg6[%arg0, %add3A_115, %dma_start3A] : memref<2x100352x16xf32, #tpu.memory_space<hbm>> -> memref<1x128x16xf32, #tpu.memory_space<hbm>>
        %dma_start3A_117 = tpu.memref_squeeze %dma_start3A_116 : memref<1x128x16xf32, #tpu.memory_space<hbm>> -> memref<128x16xf32, #tpu.memory_space<hbm>>
        %dma_start3A_118 = arith.constant 0 : i32
        %dma_start3A_119 = tpu.memref_slice %arg6[%arg0, %add3A_115, %dma_start3A_118] : memref<2x100352x16xf32, #tpu.memory_space<hbm>> -> memref<1x128x16xf32, #tpu.memory_space<hbm>>
        %dma_start3A_120 = tpu.memref_squeeze %dma_start3A_119 : memref<1x128x16xf32, #tpu.memory_space<hbm>> -> memref<128x16xf32, #tpu.memory_space<hbm>>
        tpu.enqueue_dma source(%dma_start3A_120 : memref<128x16xf32, #tpu.memory_space<hbm>>) target(%arg13 : memref<128x16xf32, #tpu.memory_space<vmem>>) target_semaphore(%run_scoped3A : memref<!tpu.dma_semaphore, #tpu.memory_space<semaphore_mem>>)
        %dma_wait3A = arith.constant 0 : i32
        %dma_wait3A_121 = tpu.memref_slice %arg6[%arg0, %add3A_115, %dma_wait3A] : memref<2x100352x16xf32, #tpu.memory_space<hbm>> -> memref<1x128x16xf32, #tpu.memory_space<hbm>>
        %dma_wait3A_122 = tpu.memref_squeeze %dma_wait3A_121 : memref<1x128x16xf32, #tpu.memory_space<hbm>> -> memref<128x16xf32, #tpu.memory_space<hbm>>
        %dma_wait3A_123 = arith.constant 0 : i32
        %dma_wait3A_124 = tpu.memref_slice %arg6[%arg0, %add3A_115, %dma_wait3A_123] : memref<2x100352x16xf32, #tpu.memory_space<hbm>> -> memref<1x128x16xf32, #tpu.memory_space<hbm>>
        %dma_wait3A_125 = tpu.memref_squeeze %dma_wait3A_124 : memref<1x128x16xf32, #tpu.memory_space<hbm>> -> memref<128x16xf32, #tpu.memory_space<hbm>>
        tpu.wait_dma2 semaphore(%run_scoped3A : memref<!tpu.dma_semaphore, #tpu.memory_space<semaphore_mem>>) src(%dma_wait3A_125 : memref<128x16xf32, #tpu.memory_space<hbm>>) dst(%arg13 : memref<128x16xf32, #tpu.memory_space<vmem>>)
        tpu.yield
      }) : () -> ()
      "tpu.region"() ({
        %run_scoped3A = tpu.sem_alloc : memref<!tpu.dma_semaphore, #tpu.memory_space<semaphore_mem>>
        %dma_start3A = arith.constant 0 : i32
        %dma_start3A_116 = tpu.memref_slice %arg8[%add3A_115, %dma_start3A] : memref<100352x16xf32, #tpu.memory_space<vmem_shared>> -> memref<128x16xf32, #tpu.memory_space<vmem_shared>>
        %dma_start3A_117 = arith.constant 0 : i32
        %dma_start3A_118 = tpu.memref_slice %arg8[%add3A_115, %dma_start3A_117] : memref<100352x16xf32, #tpu.memory_space<vmem_shared>> -> memref<128x16xf32, #tpu.memory_space<vmem_shared>>
        tpu.enqueue_dma source(%arg13 : memref<128x16xf32, #tpu.memory_space<vmem>>) target(%dma_start3A_118 : memref<128x16xf32, #tpu.memory_space<vmem_shared>>) target_semaphore(%run_scoped3A : memref<!tpu.dma_semaphore, #tpu.memory_space<semaphore_mem>>)
        %dma_wait3A = arith.constant 0 : i32
        %dma_wait3A_119 = tpu.memref_slice %arg8[%add3A_115, %dma_wait3A] : memref<100352x16xf32, #tpu.memory_space<vmem_shared>> -> memref<128x16xf32, #tpu.memory_space<vmem_shared>>
        %dma_wait3A_120 = arith.constant 0 : i32
        %dma_wait3A_121 = tpu.memref_slice %arg8[%add3A_115, %dma_wait3A_120] : memref<100352x16xf32, #tpu.memory_space<vmem_shared>> -> memref<128x16xf32, #tpu.memory_space<vmem_shared>>
        tpu.wait_dma2 semaphore(%run_scoped3A : memref<!tpu.dma_semaphore, #tpu.memory_space<semaphore_mem>>) src(%arg13 : memref<128x16xf32, #tpu.memory_space<vmem>>) dst(%dma_wait3A_121 : memref<128x16xf32, #tpu.memory_space<vmem_shared>>)
        tpu.yield
      }) : () -> ()
    }
    %scan3A_6 = arith.constant 49 : i32
    %barrier3A = arith.constant 0 : index
    tpu.barrier barrier_id(%barrier3A)
    %add3A = arith.constant 0 : i32
    %add3A_7 = vector.broadcast %add3A : i32 to vector<16xi32>
    %add3A_8 = arith.addi %iota3A, %add3A_7 : vector<16xi32>
    %broadcast_in_dim3A_9 = arith.constant 12 : i32
    %broadcast_in_dim3A_10 = vector.broadcast %broadcast_in_dim3A_9 : i32 to vector<16xi32>
    tpu.vector_store_idx %arg13[%add3A_8, %broadcast_in_dim3A_10], %broadcast_in_dim3A_1 : memref<128x16xf32, #tpu.memory_space<vmem>>[vector<16xi32>, vector<16xi32>], vector<16xf32>,
    %broadcast_in_dim3A_11 = arith.constant 13 : i32
    %broadcast_in_dim3A_12 = vector.broadcast %broadcast_in_dim3A_11 : i32 to vector<16xi32>
    tpu.vector_store_idx %arg13[%add3A_8, %broadcast_in_dim3A_12], %broadcast_in_dim3A_1 : memref<128x16xf32, #tpu.memory_space<vmem>>[vector<16xi32>, vector<16xi32>], vector<16xf32>,
    %broadcast_in_dim3A_13 = arith.constant 14 : i32
    %broadcast_in_dim3A_14 = vector.broadcast %broadcast_in_dim3A_13 : i32 to vector<16xi32>
    tpu.vector_store_idx %arg13[%add3A_8, %broadcast_in_dim3A_14], %broadcast_in_dim3A_1 : memref<128x16xf32, #tpu.memory_space<vmem>>[vector<16xi32>, vector<16xi32>], vector<16xf32>,
    %broadcast_in_dim3A_15 = arith.constant 15 : i32
    %broadcast_in_dim3A_16 = vector.broadcast %broadcast_in_dim3A_15 : i32 to vector<16xi32>
    tpu.vector_store_idx %arg13[%add3A_8, %broadcast_in_dim3A_16], %broadcast_in_dim3A_1 : memref<128x16xf32, #tpu.memory_space<vmem>>[vector<16xi32>, vector<16xi32>], vector<16xf32>,
    %add3A_17 = arith.constant 16 : i32
    %add3A_18 = vector.broadcast %add3A_17 : i32 to vector<16xi32>
    %add3A_19 = arith.addi %iota3A, %add3A_18 : vector<16xi32>
    %broadcast_in_dim3A_20 = arith.constant 12 : i32
    %broadcast_in_dim3A_21 = vector.broadcast %broadcast_in_dim3A_20 : i32 to vector<16xi32>
    tpu.vector_store_idx %arg13[%add3A_19, %broadcast_in_dim3A_21], %broadcast_in_dim3A_1 : memref<128x16xf32, #tpu.memory_space<vmem>>[vector<16xi32>, vector<16xi32>], vector<16xf32>,
    %broadcast_in_dim3A_22 = arith.constant 13 : i32
    %broadcast_in_dim3A_23 = vector.broadcast %broadcast_in_dim3A_22 : i32 to vector<16xi32>
    tpu.vector_store_idx %arg13[%add3A_19, %broadcast_in_dim3A_23], %broadcast_in_dim3A_1 : memref<128x16xf32, #tpu.memory_space<vmem>>[vector<16xi32>, vector<16xi32>], vector<16xf32>,
    %broadcast_in_dim3A_24 = arith.constant 14 : i32
    %broadcast_in_dim3A_25 = vector.broadcast %broadcast_in_dim3A_24 : i32 to vector<16xi32>
    tpu.vector_store_idx %arg13[%add3A_19, %broadcast_in_dim3A_25], %broadcast_in_dim3A_1 : memref<128x16xf32, #tpu.memory_space<vmem>>[vector<16xi32>, vector<16xi32>], vector<16xf32>,
    %broadcast_in_dim3A_26 = arith.constant 15 : i32
    %broadcast_in_dim3A_27 = vector.broadcast %broadcast_in_dim3A_26 : i32 to vector<16xi32>
    tpu.vector_store_idx %arg13[%add3A_19, %broadcast_in_dim3A_27], %broadcast_in_dim3A_1 : memref<128x16xf32, #tpu.memory_space<vmem>>[vector<16xi32>, vector<16xi32>], vector<16xf32>,
    %add3A_28 = arith.constant 32 : i32
    %add3A_29 = vector.broadcast %add3A_28 : i32 to vector<16xi32>
    %add3A_30 = arith.addi %iota3A, %add3A_29 : vector<16xi32>
    %broadcast_in_dim3A_31 = arith.constant 12 : i32
    %broadcast_in_dim3A_32 = vector.broadcast %broadcast_in_dim3A_31 : i32 to vector<16xi32>
    tpu.vector_store_idx %arg13[%add3A_30, %broadcast_in_dim3A_32], %broadcast_in_dim3A_1 : memref<128x16xf32, #tpu.memory_space<vmem>>[vector<16xi32>, vector<16xi32>], vector<16xf32>,
    %broadcast_in_dim3A_33 = arith.constant 13 : i32
    %broadcast_in_dim3A_34 = vector.broadcast %broadcast_in_dim3A_33 : i32 to vector<16xi32>
    tpu.vector_store_idx %arg13[%add3A_30, %broadcast_in_dim3A_34], %broadcast_in_dim3A_1 : memref<128x16xf32, #tpu.memory_space<vmem>>[vector<16xi32>, vector<16xi32>], vector<16xf32>,
    %broadcast_in_dim3A_35 = arith.constant 14 : i32
    %broadcast_in_dim3A_36 = vector.broadcast %broadcast_in_dim3A_35 : i32 to vector<16xi32>
    tpu.vector_store_idx %arg13[%add3A_30, %broadcast_in_dim3A_36], %broadcast_in_dim3A_1 : memref<128x16xf32, #tpu.memory_space<vmem>>[vector<16xi32>, vector<16xi32>], vector<16xf32>,
    %broadcast_in_dim3A_37 = arith.constant 15 : i32
    %broadcast_in_dim3A_38 = vector.broadcast %broadcast_in_dim3A_37 : i32 to vector<16xi32>
    tpu.vector_store_idx %arg13[%add3A_30, %broadcast_in_dim3A_38], %broadcast_in_dim3A_1 : memref<128x16xf32, #tpu.memory_space<vmem>>[vector<16xi32>, vector<16xi32>], vector<16xf32>,
    %add3A_39 = arith.constant 48 : i32
    %add3A_40 = vector.broadcast %add3A_39 : i32 to vector<16xi32>
    %add3A_41 = arith.addi %iota3A, %add3A_40 : vector<16xi32>
    %broadcast_in_dim3A_42 = arith.constant 12 : i32
    %broadcast_in_dim3A_43 = vector.broadcast %broadcast_in_dim3A_42 : i32 to vector<16xi32>
    tpu.vector_store_idx %arg13[%add3A_41, %broadcast_in_dim3A_43], %broadcast_in_dim3A_1 : memref<128x16xf32, #tpu.memory_space<vmem>>[vector<16xi32>, vector<16xi32>], vector<16xf32>,
    %broadcast_in_dim3A_44 = arith.constant 13 : i32
    %broadcast_in_dim3A_45 = vector.broadcast %broadcast_in_dim3A_44 : i32 to vector<16xi32>
    tpu.vector_store_idx %arg13[%add3A_41, %broadcast_in_dim3A_45], %broadcast_in_dim3A_1 : memref<128x16xf32, #tpu.memory_space<vmem>>[vector<16xi32>, vector<16xi32>], vector<16xf32>,
    %broadcast_in_dim3A_46 = arith.constant 14 : i32
    %broadcast_in_dim3A_47 = vector.broadcast %broadcast_in_dim3A_46 : i32 to vector<16xi32>
    tpu.vector_store_idx %arg13[%add3A_41, %broadcast_in_dim3A_47], %broadcast_in_dim3A_1 : memref<128x16xf32, #tpu.memory_space<vmem>>[vector<16xi32>, vector<16xi32>], vector<16xf32>,
    %broadcast_in_dim3A_48 = arith.constant 15 : i32
    %broadcast_in_dim3A_49 = vector.broadcast %broadcast_in_dim3A_48 : i32 to vector<16xi32>
    tpu.vector_store_idx %arg13[%add3A_41, %broadcast_in_dim3A_49], %broadcast_in_dim3A_1 : memref<128x16xf32, #tpu.memory_space<vmem>>[vector<16xi32>, vector<16xi32>], vector<16xf32>,
    %add3A_50 = arith.constant 64 : i32
    %add3A_51 = vector.broadcast %add3A_50 : i32 to vector<16xi32>
    %add3A_52 = arith.addi %iota3A, %add3A_51 : vector<16xi32>
    %broadcast_in_dim3A_53 = arith.constant 12 : i32
    %broadcast_in_dim3A_54 = vector.broadcast %broadcast_in_dim3A_53 : i32 to vector<16xi32>
    tpu.vector_store_idx %arg13[%add3A_52, %broadcast_in_dim3A_54], %broadcast_in_dim3A_1 : memref<128x16xf32, #tpu.memory_space<vmem>>[vector<16xi32>, vector<16xi32>], vector<16xf32>,
    %broadcast_in_dim3A_55 = arith.constant 13 : i32
    %broadcast_in_dim3A_56 = vector.broadcast %broadcast_in_dim3A_55 : i32 to vector<16xi32>
    tpu.vector_store_idx %arg13[%add3A_52, %broadcast_in_dim3A_56], %broadcast_in_dim3A_1 : memref<128x16xf32, #tpu.memory_space<vmem>>[vector<16xi32>, vector<16xi32>], vector<16xf32>,
    %broadcast_in_dim3A_57 = arith.constant 14 : i32
    %broadcast_in_dim3A_58 = vector.broadcast %broadcast_in_dim3A_57 : i32 to vector<16xi32>
    tpu.vector_store_idx %arg13[%add3A_52, %broadcast_in_dim3A_58], %broadcast_in_dim3A_1 : memref<128x16xf32, #tpu.memory_space<vmem>>[vector<16xi32>, vector<16xi32>], vector<16xf32>,
    %broadcast_in_dim3A_59 = arith.constant 15 : i32
    %broadcast_in_dim3A_60 = vector.broadcast %broadcast_in_dim3A_59 : i32 to vector<16xi32>
    tpu.vector_store_idx %arg13[%add3A_52, %broadcast_in_dim3A_60], %broadcast_in_dim3A_1 : memref<128x16xf32, #tpu.memory_space<vmem>>[vector<16xi32>, vector<16xi32>], vector<16xf32>,
    %add3A_61 = arith.constant 80 : i32
    %add3A_62 = vector.broadcast %add3A_61 : i32 to vector<16xi32>
    %add3A_63 = arith.addi %iota3A, %add3A_62 : vector<16xi32>
    %broadcast_in_dim3A_64 = arith.constant 12 : i32
    %broadcast_in_dim3A_65 = vector.broadcast %broadcast_in_dim3A_64 : i32 to vector<16xi32>
    tpu.vector_store_idx %arg13[%add3A_63, %broadcast_in_dim3A_65], %broadcast_in_dim3A_1 : memref<128x16xf32, #tpu.memory_space<vmem>>[vector<16xi32>, vector<16xi32>], vector<16xf32>,
    %broadcast_in_dim3A_66 = arith.constant 13 : i32
    %broadcast_in_dim3A_67 = vector.broadcast %broadcast_in_dim3A_66 : i32 to vector<16xi32>
    tpu.vector_store_idx %arg13[%add3A_63, %broadcast_in_dim3A_67], %broadcast_in_dim3A_1 : memref<128x16xf32, #tpu.memory_space<vmem>>[vector<16xi32>, vector<16xi32>], vector<16xf32>,
    %broadcast_in_dim3A_68 = arith.constant 14 : i32
    %broadcast_in_dim3A_69 = vector.broadcast %broadcast_in_dim3A_68 : i32 to vector<16xi32>
    tpu.vector_store_idx %arg13[%add3A_63, %broadcast_in_dim3A_69], %broadcast_in_dim3A_1 : memref<128x16xf32, #tpu.memory_space<vmem>>[vector<16xi32>, vector<16xi32>], vector<16xf32>,
    %broadcast_in_dim3A_70 = arith.constant 15 : i32
    %broadcast_in_dim3A_71 = vector.broadcast %broadcast_in_dim3A_70 : i32 to vector<16xi32>
    tpu.vector_store_idx %arg13[%add3A_63, %broadcast_in_dim3A_71], %broadcast_in_dim3A_1 : memref<128x16xf32, #tpu.memory_space<vmem>>[vector<16xi32>, vector<16xi32>], vector<16xf32>,
    %add3A_72 = arith.constant 96 : i32
    %add3A_73 = vector.broadcast %add3A_72 : i32 to vector<16xi32>
    %add3A_74 = arith.addi %iota3A, %add3A_73 : vector<16xi32>
    %broadcast_in_dim3A_75 = arith.constant 12 : i32
    %broadcast_in_dim3A_76 = vector.broadcast %broadcast_in_dim3A_75 : i32 to vector<16xi32>
    tpu.vector_store_idx %arg13[%add3A_74, %broadcast_in_dim3A_76], %broadcast_in_dim3A_1 : memref<128x16xf32, #tpu.memory_space<vmem>>[vector<16xi32>, vector<16xi32>], vector<16xf32>,
    %broadcast_in_dim3A_77 = arith.constant 13 : i32
    %broadcast_in_dim3A_78 = vector.broadcast %broadcast_in_dim3A_77 : i32 to vector<16xi32>
    tpu.vector_store_idx %arg13[%add3A_74, %broadcast_in_dim3A_78], %broadcast_in_dim3A_1 : memref<128x16xf32, #tpu.memory_space<vmem>>[vector<16xi32>, vector<16xi32>], vector<16xf32>,
    %broadcast_in_dim3A_79 = arith.constant 14 : i32
    %broadcast_in_dim3A_80 = vector.broadcast %broadcast_in_dim3A_79 : i32 to vector<16xi32>
    tpu.vector_store_idx %arg13[%add3A_74, %broadcast_in_dim3A_80], %broadcast_in_dim3A_1 : memref<128x16xf32, #tpu.memory_space<vmem>>[vector<16xi32>, vector<16xi32>], vector<16xf32>,
    %broadcast_in_dim3A_81 = arith.constant 15 : i32
    %broadcast_in_dim3A_82 = vector.broadcast %broadcast_in_dim3A_81 : i32 to vector<16xi32>
    tpu.vector_store_idx %arg13[%add3A_74, %broadcast_in_dim3A_82], %broadcast_in_dim3A_1 : memref<128x16xf32, #tpu.memory_space<vmem>>[vector<16xi32>, vector<16xi32>], vector<16xf32>,
    %add3A_83 = arith.constant 112 : i32
    %add3A_84 = vector.broadcast %add3A_83 : i32 to vector<16xi32>
    %add3A_85 = arith.addi %iota3A, %add3A_84 : vector<16xi32>
    %broadcast_in_dim3A_86 = arith.constant 12 : i32
    %broadcast_in_dim3A_87 = vector.broadcast %broadcast_in_dim3A_86 : i32 to vector<16xi32>
    tpu.vector_store_idx %arg13[%add3A_85, %broadcast_in_dim3A_87], %broadcast_in_dim3A_1 : memref<128x16xf32, #tpu.memory_space<vmem>>[vector<16xi32>, vector<16xi32>], vector<16xf32>,
    %broadcast_in_dim3A_88 = arith.constant 13 : i32
    %broadcast_in_dim3A_89 = vector.broadcast %broadcast_in_dim3A_88 : i32 to vector<16xi32>
    tpu.vector_store_idx %arg13[%add3A_85, %broadcast_in_dim3A_89], %broadcast_in_dim3A_1 : memref<128x16xf32, #tpu.memory_space<vmem>>[vector<16xi32>, vector<16xi32>], vector<16xf32>,
    %broadcast_in_dim3A_90 = arith.constant 14 : i32
    %broadcast_in_dim3A_91 = vector.broadcast %broadcast_in_dim3A_90 : i32 to vector<16xi32>
    tpu.vector_store_idx %arg13[%add3A_85, %broadcast_in_dim3A_91], %broadcast_in_dim3A_1 : memref<128x16xf32, #tpu.memory_space<vmem>>[vector<16xi32>, vector<16xi32>], vector<16xf32>,
    %broadcast_in_dim3A_92 = arith.constant 15 : i32
    %broadcast_in_dim3A_93 = vector.broadcast %broadcast_in_dim3A_92 : i32 to vector<16xi32>
    tpu.vector_store_idx %arg13[%add3A_85, %broadcast_in_dim3A_93], %broadcast_in_dim3A_1 : memref<128x16xf32, #tpu.memory_space<vmem>>[vector<16xi32>, vector<16xi32>], vector<16xf32>,
    %mul3A_94 = arith.constant 16 : i32
    %mul3A_95 = arith.muli %arg0, %mul3A_94 : i32
    %add3A_96 = arith.addi %mul3A_95, %arg1 : i32
    %mul3A_97 = arith.constant 50048 : i32
    %mul3A_98 = arith.muli %add3A_96, %mul3A_97 : i32
    %scan3A_99 = arith.constant 0 : i32
    %scan3A_100 = arith.constant 0 : i32
    %scan3A_101 = arith.constant 391 : i32
    %scan3A_102 = arith.addi %scan3A_100, %scan3A_101 : i32
    %scan3A_103 = arith.constant 1 : i32
    scf.for %scan3A_112 = %scan3A_100 to %scan3A_102 step %scan3A_103  : i32 {
      %mul3A_113 = arith.constant 128 : i32
      %mul3A_114 = arith.muli %scan3A_112, %mul3A_113 : i32
      %add3A_115 = arith.addi %mul3A_98, %mul3A_114 : i32
      "tpu.region"() ({
        %run_scoped3A = tpu.sem_alloc : memref<!tpu.dma_semaphore, #tpu.memory_space<semaphore_mem>>
        %dma_start3A = tpu.memref_slice %arg2[%add3A_115] : memref<1601536xi32, #tpu.memory_space<hbm>> -> memref<128xi32, #tpu.memory_space<hbm>>
        %dma_start3A_825 = tpu.memref_slice %arg2[%add3A_115] : memref<1601536xi32, #tpu.memory_space<hbm>> -> memref<128xi32, #tpu.memory_space<hbm>>
        tpu.enqueue_dma source(%dma_start3A_825 : memref<128xi32, #tpu.memory_space<hbm>>) target(%arg9 : memref<128xi32, #tpu.memory_space<vmem>>) target_semaphore(%run_scoped3A : memref<!tpu.dma_semaphore, #tpu.memory_space<semaphore_mem>>)
        %dma_wait3A = tpu.memref_slice %arg2[%add3A_115] : memref<1601536xi32, #tpu.memory_space<hbm>> -> memref<128xi32, #tpu.memory_space<hbm>>
        %dma_wait3A_826 = tpu.memref_slice %arg2[%add3A_115] : memref<1601536xi32, #tpu.memory_space<hbm>> -> memref<128xi32, #tpu.memory_space<hbm>>
        tpu.wait_dma2 semaphore(%run_scoped3A : memref<!tpu.dma_semaphore, #tpu.memory_space<semaphore_mem>>) src(%dma_wait3A_826 : memref<128xi32, #tpu.memory_space<hbm>>) dst(%arg9 : memref<128xi32, #tpu.memory_space<vmem>>)
        tpu.yield
      }) : () -> ()
      "tpu.region"() ({
        %run_scoped3A = tpu.sem_alloc : memref<!tpu.dma_semaphore, #tpu.memory_space<semaphore_mem>>
        %dma_start3A = tpu.memref_slice %arg3[%add3A_115] : memref<1601536xi32, #tpu.memory_space<hbm>> -> memref<128xi32, #tpu.memory_space<hbm>>
        %dma_start3A_825 = tpu.memref_slice %arg3[%add3A_115] : memref<1601536xi32, #tpu.memory_space<hbm>> -> memref<128xi32, #tpu.memory_space<hbm>>
        tpu.enqueue_dma source(%dma_start3A_825 : memref<128xi32, #tpu.memory_space<hbm>>) target(%arg10 : memref<128xi32, #tpu.memory_space<vmem>>) target_semaphore(%run_scoped3A : memref<!tpu.dma_semaphore, #tpu.memory_space<semaphore_mem>>)
        %dma_wait3A = tpu.memref_slice %arg3[%add3A_115] : memref<1601536xi32, #tpu.memory_space<hbm>> -> memref<128xi32, #tpu.memory_space<hbm>>
        %dma_wait3A_826 = tpu.memref_slice %arg3[%add3A_115] : memref<1601536xi32, #tpu.memory_space<hbm>> -> memref<128xi32, #tpu.memory_space<hbm>>
        tpu.wait_dma2 semaphore(%run_scoped3A : memref<!tpu.dma_semaphore, #tpu.memory_space<semaphore_mem>>) src(%dma_wait3A_826 : memref<128xi32, #tpu.memory_space<hbm>>) dst(%arg10 : memref<128xi32, #tpu.memory_space<vmem>>)
        tpu.yield
      }) : () -> ()
      "tpu.region"() ({
        %run_scoped3A = tpu.sem_alloc : memref<!tpu.dma_semaphore, #tpu.memory_space<semaphore_mem>>
        %dma_start3A = arith.constant 0 : i32
        %dma_start3A_825 = arith.constant 0 : i32
        %dma_start3A_826 = tpu.memref_slice %arg4[%dma_start3A, %dma_start3A_825] : memref<100352x16xf32, #tpu.memory_space<hbm>> -> memref<100352x16xf32, #tpu.memory_space<hbm>>
        tpu.enqueue_indirect_dma source(%dma_start3A_826 : memref<100352x16xf32, #tpu.memory_space<hbm>>) target(%arg11 : memref<128x16xf32, #tpu.memory_space<vmem>>) offsets(%arg9 : memref<128xi32, #tpu.memory_space<vmem>>) semaphore(%run_scoped3A : memref<!tpu.dma_semaphore, #tpu.memory_space<semaphore_mem>>)
        %dma_wait3A = arith.constant 0 : i32
        %dma_wait3A_827 = arith.constant 0 : i32
        %dma_wait3A_828 = tpu.memref_slice %arg4[%dma_wait3A, %dma_wait3A_827] : memref<100352x16xf32, #tpu.memory_space<hbm>> -> memref<100352x16xf32, #tpu.memory_space<hbm>>
        tpu.wait_indirect_dma semaphore(%run_scoped3A : memref<!tpu.dma_semaphore, #tpu.memory_space<semaphore_mem>>) src(%dma_wait3A_828 : memref<100352x16xf32, #tpu.memory_space<hbm>>) dst(%arg11 : memref<128x16xf32, #tpu.memory_space<vmem>>)
        tpu.yield
      }) : () -> ()
      "tpu.region"() ({
        %run_scoped3A = tpu.sem_alloc : memref<!tpu.dma_semaphore, #tpu.memory_space<semaphore_mem>>
        %dma_start3A = arith.constant 0 : i32
        %dma_start3A_825 = arith.constant 0 : i32
        %dma_start3A_826 = tpu.memref_slice %arg5[%dma_start3A, %dma_start3A_825] : memref<100352x8xf32, #tpu.memory_space<hbm>> -> memref<100352x8xf32, #tpu.memory_space<hbm>>
        tpu.enqueue_indirect_dma source(%dma_start3A_826 : memref<100352x8xf32, #tpu.memory_space<hbm>>) target(%arg12 : memref<128x8xf32, #tpu.memory_space<vmem>>) offsets(%arg10 : memref<128xi32, #tpu.memory_space<vmem>>) semaphore(%run_scoped3A : memref<!tpu.dma_semaphore, #tpu.memory_space<semaphore_mem>>)
        %dma_wait3A = arith.constant 0 : i32
        %dma_wait3A_827 = arith.constant 0 : i32
        %dma_wait3A_828 = tpu.memref_slice %arg5[%dma_wait3A, %dma_wait3A_827] : memref<100352x8xf32, #tpu.memory_space<hbm>> -> memref<100352x8xf32, #tpu.memory_space<hbm>>
        tpu.wait_indirect_dma semaphore(%run_scoped3A : memref<!tpu.dma_semaphore, #tpu.memory_space<semaphore_mem>>) src(%dma_wait3A_828 : memref<100352x8xf32, #tpu.memory_space<hbm>>) dst(%arg12 : memref<128x8xf32, #tpu.memory_space<vmem>>)
        tpu.yield
      }) : () -> ()
      %add3A_116 = arith.constant 0 : i32
      %add3A_117 = vector.broadcast %add3A_116 : i32 to vector<16xi32>
      %add3A_118 = arith.addi %iota3A, %add3A_117 : vector<16xi32>
      %broadcast_in_dim3A_119 = arith.constant 8 : i32
      %broadcast_in_dim3A_120 = vector.broadcast %broadcast_in_dim3A_119 : i32 to vector<16xi32>
      %gather3A = tpu.vector_load_idx %arg11[%add3A_118, %broadcast_in_dim3A_120] : memref<128x16xf32, #tpu.memory_space<vmem>>[vector<16xi32>, vector<16xi32>], vector<16xf32>,
      %broadcast_in_dim3A_121 = arith.constant 9 : i32
      %broadcast_in_dim3A_122 = vector.broadcast %broadcast_in_dim3A_121 : i32 to vector<16xi32>
      %gather3A_123 = tpu.vector_load_idx %arg11[%add3A_118, %broadcast_in_dim3A_122] : memref<128x16xf32, #tpu.memory_space<vmem>>[vector<16xi32>, vector<16xi32>], vector<16xf32>,
      %broadcast_in_dim3A_124 = arith.constant 0 : i32
      %broadcast_in_dim3A_125 = vector.broadcast %broadcast_in_dim3A_124 : i32 to vector<16xi32>
      %broadcast_in_dim3A_126 = arith.constant 4 : i32
      %broadcast_in_dim3A_127 = vector.broadcast %broadcast_in_dim3A_126 : i32 to vector<16xi32>
      %gather3A_128 = tpu.vector_load_idx %arg11[%add3A_118, %broadcast_in_dim3A_125] : memref<128x16xf32, #tpu.memory_space<vmem>>[vector<16xi32>, vector<16xi32>], vector<16xf32>,
      %gather3A_129 = tpu.vector_load_idx %arg12[%add3A_118, %broadcast_in_dim3A_125] : memref<128x8xf32, #tpu.memory_space<vmem>>[vector<16xi32>, vector<16xi32>], vector<16xf32>,
      %mul3A_130 = arith.mulf %gather3A_128, %gather3A_129 : vector<16xf32>
      %gather3A_131 = tpu.vector_load_idx %arg11[%add3A_118, %broadcast_in_dim3A_127] : memref<128x16xf32, #tpu.memory_space<vmem>>[vector<16xi32>, vector<16xi32>], vector<16xf32>,
      %gather3A_132 = tpu.vector_load_idx %arg12[%add3A_118, %broadcast_in_dim3A_127] : memref<128x8xf32, #tpu.memory_space<vmem>>[vector<16xi32>, vector<16xi32>], vector<16xf32>,
      %mul3A_133 = arith.mulf %gather3A_131, %gather3A_132 : vector<16xf32>
      %gt3A = arith.constant 1.000000e+00 : f32
      %gt3A_134 = vector.broadcast %gt3A : f32 to vector<16xf32>
      %gt3A_135 = arith.cmpf ogt, %mul3A_130, %gt3A_134 : vector<16xf32>
      %select_n3A = arith.select %gt3A_135, %mul3A_130, %mul3A_133 : vector<16xi1>, vector<16xf32>
      %mul3A_136 = arith.mulf %select_n3A, %gather3A : vector<16xf32>
      tpu.vector_store_idx %arg13[%add3A_118, %broadcast_in_dim3A_125], %mul3A_136 : memref<128x16xf32, #tpu.memory_space<vmem>>[vector<16xi32>, vector<16xi32>], vector<16xf32>,
      %broadcast_in_dim3A_137 = arith.constant 4 : i32
      %broadcast_in_dim3A_138 = vector.broadcast %broadcast_in_dim3A_137 : i32 to vector<16xi32>
      %mul3A_139 = arith.mulf %select_n3A, %gather3A_123 : vector<16xf32>
      tpu.vector_store_idx %arg13[%add3A_118, %broadcast_in_dim3A_138], %mul3A_139 : memref<128x16xf32, #tpu.memory_space<vmem>>[vector<16xi32>, vector<16xi32>], vector<16xf32>,
      %broadcast_in_dim3A_140 = arith.constant 8 : i32
      %broadcast_in_dim3A_141 = vector.broadcast %broadcast_in_dim3A_140 : i32 to vector<16xi32>
      tpu.vector_store_idx %arg13[%add3A_118, %broadcast_in_dim3A_141], %select_n3A : memref<128x16xf32, #tpu.memory_space<vmem>>[vector<16xi32>, vector<16xi32>], vector<16xf32>,
      %broadcast_in_dim3A_142 = arith.constant 1 : i32
      %broadcast_in_dim3A_143 = vector.broadcast %broadcast_in_dim3A_142 : i32 to vector<16xi32>
      %broadcast_in_dim3A_144 = arith.constant 5 : i32
      %broadcast_in_dim3A_145 = vector.broadcast %broadcast_in_dim3A_144 : i32 to vector<16xi32>
      %gather3A_146 = tpu.vector_load_idx %arg11[%add3A_118, %broadcast_in_dim3A_143] : memref<128x16xf32, #tpu.memory_space<vmem>>[vector<16xi32>, vector<16xi32>], vector<16xf32>,
      %gather3A_147 = tpu.vector_load_idx %arg12[%add3A_118, %broadcast_in_dim3A_143] : memref<128x8xf32, #tpu.memory_space<vmem>>[vector<16xi32>, vector<16xi32>], vector<16xf32>,
      %mul3A_148 = arith.mulf %gather3A_146, %gather3A_147 : vector<16xf32>
      %gather3A_149 = tpu.vector_load_idx %arg11[%add3A_118, %broadcast_in_dim3A_145] : memref<128x16xf32, #tpu.memory_space<vmem>>[vector<16xi32>, vector<16xi32>], vector<16xf32>,
      %gather3A_150 = tpu.vector_load_idx %arg12[%add3A_118, %broadcast_in_dim3A_145] : memref<128x8xf32, #tpu.memory_space<vmem>>[vector<16xi32>, vector<16xi32>], vector<16xf32>,
      %mul3A_151 = arith.mulf %gather3A_149, %gather3A_150 : vector<16xf32>
      %gt3A_152 = arith.constant 1.000000e+00 : f32
      %gt3A_153 = vector.broadcast %gt3A_152 : f32 to vector<16xf32>
      %gt3A_154 = arith.cmpf ogt, %mul3A_148, %gt3A_153 : vector<16xf32>
      %select_n3A_155 = arith.select %gt3A_154, %mul3A_148, %mul3A_151 : vector<16xi1>, vector<16xf32>
      %mul3A_156 = arith.mulf %select_n3A_155, %gather3A : vector<16xf32>
      tpu.vector_store_idx %arg13[%add3A_118, %broadcast_in_dim3A_143], %mul3A_156 : memref<128x16xf32, #tpu.memory_space<vmem>>[vector<16xi32>, vector<16xi32>], vector<16xf32>,
      %broadcast_in_dim3A_157 = arith.constant 5 : i32
      %broadcast_in_dim3A_158 = vector.broadcast %broadcast_in_dim3A_157 : i32 to vector<16xi32>
      %mul3A_159 = arith.mulf %select_n3A_155, %gather3A_123 : vector<16xf32>
      tpu.vector_store_idx %arg13[%add3A_118, %broadcast_in_dim3A_158], %mul3A_159 : memref<128x16xf32, #tpu.memory_space<vmem>>[vector<16xi32>, vector<16xi32>], vector<16xf32>,
      %broadcast_in_dim3A_160 = arith.constant 9 : i32
      %broadcast_in_dim3A_161 = vector.broadcast %broadcast_in_dim3A_160 : i32 to vector<16xi32>
      tpu.vector_store_idx %arg13[%add3A_118, %broadcast_in_dim3A_161], %select_n3A_155 : memref<128x16xf32, #tpu.memory_space<vmem>>[vector<16xi32>, vector<16xi32>], vector<16xf32>,
      %broadcast_in_dim3A_162 = arith.constant 2 : i32
      %broadcast_in_dim3A_163 = vector.broadcast %broadcast_in_dim3A_162 : i32 to vector<16xi32>
      %broadcast_in_dim3A_164 = arith.constant 6 : i32
      %broadcast_in_dim3A_165 = vector.broadcast %broadcast_in_dim3A_164 : i32 to vector<16xi32>
      %gather3A_166 = tpu.vector_load_idx %arg11[%add3A_118, %broadcast_in_dim3A_163] : memref<128x16xf32, #tpu.memory_space<vmem>>[vector<16xi32>, vector<16xi32>], vector<16xf32>,
      %gather3A_167 = tpu.vector_load_idx %arg12[%add3A_118, %broadcast_in_dim3A_163] : memref<128x8xf32, #tpu.memory_space<vmem>>[vector<16xi32>, vector<16xi32>], vector<16xf32>,
      %mul3A_168 = arith.mulf %gather3A_166, %gather3A_167 : vector<16xf32>
      %gather3A_169 = tpu.vector_load_idx %arg11[%add3A_118, %broadcast_in_dim3A_165] : memref<128x16xf32, #tpu.memory_space<vmem>>[vector<16xi32>, vector<16xi32>], vector<16xf32>,
      %gather3A_170 = tpu.vector_load_idx %arg12[%add3A_118, %broadcast_in_dim3A_165] : memref<128x8xf32, #tpu.memory_space<vmem>>[vector<16xi32>, vector<16xi32>], vector<16xf32>,
      %mul3A_171 = arith.mulf %gather3A_169, %gather3A_170 : vector<16xf32>
      %gt3A_172 = arith.constant 1.000000e+00 : f32
      %gt3A_173 = vector.broadcast %gt3A_172 : f32 to vector<16xf32>
      %gt3A_174 = arith.cmpf ogt, %mul3A_168, %gt3A_173 : vector<16xf32>
      %select_n3A_175 = arith.select %gt3A_174, %mul3A_168, %mul3A_171 : vector<16xi1>, vector<16xf32>
      %mul3A_176 = arith.mulf %select_n3A_175, %gather3A : vector<16xf32>
      tpu.vector_store_idx %arg13[%add3A_118, %broadcast_in_dim3A_163], %mul3A_176 : memref<128x16xf32, #tpu.memory_space<vmem>>[vector<16xi32>, vector<16xi32>], vector<16xf32>,
      %broadcast_in_dim3A_177 = arith.constant 6 : i32
      %broadcast_in_dim3A_178 = vector.broadcast %broadcast_in_dim3A_177 : i32 to vector<16xi32>
      %mul3A_179 = arith.mulf %select_n3A_175, %gather3A_123 : vector<16xf32>
      tpu.vector_store_idx %arg13[%add3A_118, %broadcast_in_dim3A_178], %mul3A_179 : memref<128x16xf32, #tpu.memory_space<vmem>>[vector<16xi32>, vector<16xi32>], vector<16xf32>,
      %broadcast_in_dim3A_180 = arith.constant 10 : i32
      %broadcast_in_dim3A_181 = vector.broadcast %broadcast_in_dim3A_180 : i32 to vector<16xi32>
      tpu.vector_store_idx %arg13[%add3A_118, %broadcast_in_dim3A_181], %select_n3A_175 : memref<128x16xf32, #tpu.memory_space<vmem>>[vector<16xi32>, vector<16xi32>], vector<16xf32>,
      %broadcast_in_dim3A_182 = arith.constant 3 : i32
      %broadcast_in_dim3A_183 = vector.broadcast %broadcast_in_dim3A_182 : i32 to vector<16xi32>
      %broadcast_in_dim3A_184 = arith.constant 7 : i32
      %broadcast_in_dim3A_185 = vector.broadcast %broadcast_in_dim3A_184 : i32 to vector<16xi32>
      %gather3A_186 = tpu.vector_load_idx %arg11[%add3A_118, %broadcast_in_dim3A_183] : memref<128x16xf32, #tpu.memory_space<vmem>>[vector<16xi32>, vector<16xi32>], vector<16xf32>,
      %gather3A_187 = tpu.vector_load_idx %arg12[%add3A_118, %broadcast_in_dim3A_183] : memref<128x8xf32, #tpu.memory_space<vmem>>[vector<16xi32>, vector<16xi32>], vector<16xf32>,
      %mul3A_188 = arith.mulf %gather3A_186, %gather3A_187 : vector<16xf32>
      %gather3A_189 = tpu.vector_load_idx %arg11[%add3A_118, %broadcast_in_dim3A_185] : memref<128x16xf32, #tpu.memory_space<vmem>>[vector<16xi32>, vector<16xi32>], vector<16xf32>,
      %gather3A_190 = tpu.vector_load_idx %arg12[%add3A_118, %broadcast_in_dim3A_185] : memref<128x8xf32, #tpu.memory_space<vmem>>[vector<16xi32>, vector<16xi32>], vector<16xf32>,
      %mul3A_191 = arith.mulf %gather3A_189, %gather3A_190 : vector<16xf32>
      %gt3A_192 = arith.constant 1.000000e+00 : f32
      %gt3A_193 = vector.broadcast %gt3A_192 : f32 to vector<16xf32>
      %gt3A_194 = arith.cmpf ogt, %mul3A_188, %gt3A_193 : vector<16xf32>
      %select_n3A_195 = arith.select %gt3A_194, %mul3A_188, %mul3A_191 : vector<16xi1>, vector<16xf32>
      %mul3A_196 = arith.mulf %select_n3A_195, %gather3A : vector<16xf32>
      tpu.vector_store_idx %arg13[%add3A_118, %broadcast_in_dim3A_183], %mul3A_196 : memref<128x16xf32, #tpu.memory_space<vmem>>[vector<16xi32>, vector<16xi32>], vector<16xf32>,
      %broadcast_in_dim3A_197 = arith.constant 7 : i32
      %broadcast_in_dim3A_198 = vector.broadcast %broadcast_in_dim3A_197 : i32 to vector<16xi32>
      %mul3A_199 = arith.mulf %select_n3A_195, %gather3A_123 : vector<16xf32>
      tpu.vector_store_idx %arg13[%add3A_118, %broadcast_in_dim3A_198], %mul3A_199 : memref<128x16xf32, #tpu.memory_space<vmem>>[vector<16xi32>, vector<16xi32>], vector<16xf32>,
      %broadcast_in_dim3A_200 = arith.constant 11 : i32
      %broadcast_in_dim3A_201 = vector.broadcast %broadcast_in_dim3A_200 : i32 to vector<16xi32>
      tpu.vector_store_idx %arg13[%add3A_118, %broadcast_in_dim3A_201], %select_n3A_195 : memref<128x16xf32, #tpu.memory_space<vmem>>[vector<16xi32>, vector<16xi32>], vector<16xf32>,
      %add3A_202 = arith.constant 16 : i32
      %add3A_203 = vector.broadcast %add3A_202 : i32 to vector<16xi32>
      %add3A_204 = arith.addi %iota3A, %add3A_203 : vector<16xi32>
      %broadcast_in_dim3A_205 = arith.constant 8 : i32
      %broadcast_in_dim3A_206 = vector.broadcast %broadcast_in_dim3A_205 : i32 to vector<16xi32>
      %gather3A_207 = tpu.vector_load_idx %arg11[%add3A_204, %broadcast_in_dim3A_206] : memref<128x16xf32, #tpu.memory_space<vmem>>[vector<16xi32>, vector<16xi32>], vector<16xf32>,
      %broadcast_in_dim3A_208 = arith.constant 9 : i32
      %broadcast_in_dim3A_209 = vector.broadcast %broadcast_in_dim3A_208 : i32 to vector<16xi32>
      %gather3A_210 = tpu.vector_load_idx %arg11[%add3A_204, %broadcast_in_dim3A_209] : memref<128x16xf32, #tpu.memory_space<vmem>>[vector<16xi32>, vector<16xi32>], vector<16xf32>,
      %broadcast_in_dim3A_211 = arith.constant 0 : i32
      %broadcast_in_dim3A_212 = vector.broadcast %broadcast_in_dim3A_211 : i32 to vector<16xi32>
      %broadcast_in_dim3A_213 = arith.constant 4 : i32
      %broadcast_in_dim3A_214 = vector.broadcast %broadcast_in_dim3A_213 : i32 to vector<16xi32>
      %gather3A_215 = tpu.vector_load_idx %arg11[%add3A_204, %broadcast_in_dim3A_212] : memref<128x16xf32, #tpu.memory_space<vmem>>[vector<16xi32>, vector<16xi32>], vector<16xf32>,
      %gather3A_216 = tpu.vector_load_idx %arg12[%add3A_204, %broadcast_in_dim3A_212] : memref<128x8xf32, #tpu.memory_space<vmem>>[vector<16xi32>, vector<16xi32>], vector<16xf32>,
      %mul3A_217 = arith.mulf %gather3A_215, %gather3A_216 : vector<16xf32>
      %gather3A_218 = tpu.vector_load_idx %arg11[%add3A_204, %broadcast_in_dim3A_214] : memref<128x16xf32, #tpu.memory_space<vmem>>[vector<16xi32>, vector<16xi32>], vector<16xf32>,
      %gather3A_219 = tpu.vector_load_idx %arg12[%add3A_204, %broadcast_in_dim3A_214] : memref<128x8xf32, #tpu.memory_space<vmem>>[vector<16xi32>, vector<16xi32>], vector<16xf32>,
      %mul3A_220 = arith.mulf %gather3A_218, %gather3A_219 : vector<16xf32>
      %gt3A_221 = arith.constant 1.000000e+00 : f32
      %gt3A_222 = vector.broadcast %gt3A_221 : f32 to vector<16xf32>
      %gt3A_223 = arith.cmpf ogt, %mul3A_217, %gt3A_222 : vector<16xf32>
      %select_n3A_224 = arith.select %gt3A_223, %mul3A_217, %mul3A_220 : vector<16xi1>, vector<16xf32>
      %mul3A_225 = arith.mulf %select_n3A_224, %gather3A_207 : vector<16xf32>
      tpu.vector_store_idx %arg13[%add3A_204, %broadcast_in_dim3A_212], %mul3A_225 : memref<128x16xf32, #tpu.memory_space<vmem>>[vector<16xi32>, vector<16xi32>], vector<16xf32>,
      %broadcast_in_dim3A_226 = arith.constant 4 : i32
      %broadcast_in_dim3A_227 = vector.broadcast %broadcast_in_dim3A_226 : i32 to vector<16xi32>
      %mul3A_228 = arith.mulf %select_n3A_224, %gather3A_210 : vector<16xf32>
      tpu.vector_store_idx %arg13[%add3A_204, %broadcast_in_dim3A_227], %mul3A_228 : memref<128x16xf32, #tpu.memory_space<vmem>>[vector<16xi32>, vector<16xi32>], vector<16xf32>,
      %broadcast_in_dim3A_229 = arith.constant 8 : i32
      %broadcast_in_dim3A_230 = vector.broadcast %broadcast_in_dim3A_229 : i32 to vector<16xi32>
      tpu.vector_store_idx %arg13[%add3A_204, %broadcast_in_dim3A_230], %select_n3A_224 : memref<128x16xf32, #tpu.memory_space<vmem>>[vector<16xi32>, vector<16xi32>], vector<16xf32>,
      %broadcast_in_dim3A_231 = arith.constant 1 : i32
      %broadcast_in_dim3A_232 = vector.broadcast %broadcast_in_dim3A_231 : i32 to vector<16xi32>
      %broadcast_in_dim3A_233 = arith.constant 5 : i32
      %broadcast_in_dim3A_234 = vector.broadcast %broadcast_in_dim3A_233 : i32 to vector<16xi32>
      %gather3A_235 = tpu.vector_load_idx %arg11[%add3A_204, %broadcast_in_dim3A_232] : memref<128x16xf32, #tpu.memory_space<vmem>>[vector<16xi32>, vector<16xi32>], vector<16xf32>,
      %gather3A_236 = tpu.vector_load_idx %arg12[%add3A_204, %broadcast_in_dim3A_232] : memref<128x8xf32, #tpu.memory_space<vmem>>[vector<16xi32>, vector<16xi32>], vector<16xf32>,
      %mul3A_237 = arith.mulf %gather3A_235, %gather3A_236 : vector<16xf32>
      %gather3A_238 = tpu.vector_load_idx %arg11[%add3A_204, %broadcast_in_dim3A_234] : memref<128x16xf32, #tpu.memory_space<vmem>>[vector<16xi32>, vector<16xi32>], vector<16xf32>,
      %gather3A_239 = tpu.vector_load_idx %arg12[%add3A_204, %broadcast_in_dim3A_234] : memref<128x8xf32, #tpu.memory_space<vmem>>[vector<16xi32>, vector<16xi32>], vector<16xf32>,
      %mul3A_240 = arith.mulf %gather3A_238, %gather3A_239 : vector<16xf32>
      %gt3A_241 = arith.constant 1.000000e+00 : f32
      %gt3A_242 = vector.broadcast %gt3A_241 : f32 to vector<16xf32>
      %gt3A_243 = arith.cmpf ogt, %mul3A_237, %gt3A_242 : vector<16xf32>
      %select_n3A_244 = arith.select %gt3A_243, %mul3A_237, %mul3A_240 : vector<16xi1>, vector<16xf32>
      %mul3A_245 = arith.mulf %select_n3A_244, %gather3A_207 : vector<16xf32>
      tpu.vector_store_idx %arg13[%add3A_204, %broadcast_in_dim3A_232], %mul3A_245 : memref<128x16xf32, #tpu.memory_space<vmem>>[vector<16xi32>, vector<16xi32>], vector<16xf32>,
      %broadcast_in_dim3A_246 = arith.constant 5 : i32
      %broadcast_in_dim3A_247 = vector.broadcast %broadcast_in_dim3A_246 : i32 to vector<16xi32>
      %mul3A_248 = arith.mulf %select_n3A_244, %gather3A_210 : vector<16xf32>
      tpu.vector_store_idx %arg13[%add3A_204, %broadcast_in_dim3A_247], %mul3A_248 : memref<128x16xf32, #tpu.memory_space<vmem>>[vector<16xi32>, vector<16xi32>], vector<16xf32>,
      %broadcast_in_dim3A_249 = arith.constant 9 : i32
      %broadcast_in_dim3A_250 = vector.broadcast %broadcast_in_dim3A_249 : i32 to vector<16xi32>
      tpu.vector_store_idx %arg13[%add3A_204, %broadcast_in_dim3A_250], %select_n3A_244 : memref<128x16xf32, #tpu.memory_space<vmem>>[vector<16xi32>, vector<16xi32>], vector<16xf32>,
      %broadcast_in_dim3A_251 = arith.constant 2 : i32
      %broadcast_in_dim3A_252 = vector.broadcast %broadcast_in_dim3A_251 : i32 to vector<16xi32>
      %broadcast_in_dim3A_253 = arith.constant 6 : i32
      %broadcast_in_dim3A_254 = vector.broadcast %broadcast_in_dim3A_253 : i32 to vector<16xi32>
      %gather3A_255 = tpu.vector_load_idx %arg11[%add3A_204, %broadcast_in_dim3A_252] : memref<128x16xf32, #tpu.memory_space<vmem>>[vector<16xi32>, vector<16xi32>], vector<16xf32>,
      %gather3A_256 = tpu.vector_load_idx %arg12[%add3A_204, %broadcast_in_dim3A_252] : memref<128x8xf32, #tpu.memory_space<vmem>>[vector<16xi32>, vector<16xi32>], vector<16xf32>,
      %mul3A_257 = arith.mulf %gather3A_255, %gather3A_256 : vector<16xf32>
      %gather3A_258 = tpu.vector_load_idx %arg11[%add3A_204, %broadcast_in_dim3A_254] : memref<128x16xf32, #tpu.memory_space<vmem>>[vector<16xi32>, vector<16xi32>], vector<16xf32>,
      %gather3A_259 = tpu.vector_load_idx %arg12[%add3A_204, %broadcast_in_dim3A_254] : memref<128x8xf32, #tpu.memory_space<vmem>>[vector<16xi32>, vector<16xi32>], vector<16xf32>,
      %mul3A_260 = arith.mulf %gather3A_258, %gather3A_259 : vector<16xf32>
      %gt3A_261 = arith.constant 1.000000e+00 : f32
      %gt3A_262 = vector.broadcast %gt3A_261 : f32 to vector<16xf32>
      %gt3A_263 = arith.cmpf ogt, %mul3A_257, %gt3A_262 : vector<16xf32>
      %select_n3A_264 = arith.select %gt3A_263, %mul3A_257, %mul3A_260 : vector<16xi1>, vector<16xf32>
      %mul3A_265 = arith.mulf %select_n3A_264, %gather3A_207 : vector<16xf32>
      tpu.vector_store_idx %arg13[%add3A_204, %broadcast_in_dim3A_252], %mul3A_265 : memref<128x16xf32, #tpu.memory_space<vmem>>[vector<16xi32>, vector<16xi32>], vector<16xf32>,
      %broadcast_in_dim3A_266 = arith.constant 6 : i32
      %broadcast_in_dim3A_267 = vector.broadcast %broadcast_in_dim3A_266 : i32 to vector<16xi32>
      %mul3A_268 = arith.mulf %select_n3A_264, %gather3A_210 : vector<16xf32>
      tpu.vector_store_idx %arg13[%add3A_204, %broadcast_in_dim3A_267], %mul3A_268 : memref<128x16xf32, #tpu.memory_space<vmem>>[vector<16xi32>, vector<16xi32>], vector<16xf32>,
      %broadcast_in_dim3A_269 = arith.constant 10 : i32
      %broadcast_in_dim3A_270 = vector.broadcast %broadcast_in_dim3A_269 : i32 to vector<16xi32>
      tpu.vector_store_idx %arg13[%add3A_204, %broadcast_in_dim3A_270], %select_n3A_264 : memref<128x16xf32, #tpu.memory_space<vmem>>[vector<16xi32>, vector<16xi32>], vector<16xf32>,
      %broadcast_in_dim3A_271 = arith.constant 3 : i32
      %broadcast_in_dim3A_272 = vector.broadcast %broadcast_in_dim3A_271 : i32 to vector<16xi32>
      %broadcast_in_dim3A_273 = arith.constant 7 : i32
      %broadcast_in_dim3A_274 = vector.broadcast %broadcast_in_dim3A_273 : i32 to vector<16xi32>
      %gather3A_275 = tpu.vector_load_idx %arg11[%add3A_204, %broadcast_in_dim3A_272] : memref<128x16xf32, #tpu.memory_space<vmem>>[vector<16xi32>, vector<16xi32>], vector<16xf32>,
      %gather3A_276 = tpu.vector_load_idx %arg12[%add3A_204, %broadcast_in_dim3A_272] : memref<128x8xf32, #tpu.memory_space<vmem>>[vector<16xi32>, vector<16xi32>], vector<16xf32>,
      %mul3A_277 = arith.mulf %gather3A_275, %gather3A_276 : vector<16xf32>
      %gather3A_278 = tpu.vector_load_idx %arg11[%add3A_204, %broadcast_in_dim3A_274] : memref<128x16xf32, #tpu.memory_space<vmem>>[vector<16xi32>, vector<16xi32>], vector<16xf32>,
      %gather3A_279 = tpu.vector_load_idx %arg12[%add3A_204, %broadcast_in_dim3A_274] : memref<128x8xf32, #tpu.memory_space<vmem>>[vector<16xi32>, vector<16xi32>], vector<16xf32>,
      %mul3A_280 = arith.mulf %gather3A_278, %gather3A_279 : vector<16xf32>
      %gt3A_281 = arith.constant 1.000000e+00 : f32
      %gt3A_282 = vector.broadcast %gt3A_281 : f32 to vector<16xf32>
      %gt3A_283 = arith.cmpf ogt, %mul3A_277, %gt3A_282 : vector<16xf32>
      %select_n3A_284 = arith.select %gt3A_283, %mul3A_277, %mul3A_280 : vector<16xi1>, vector<16xf32>
      %mul3A_285 = arith.mulf %select_n3A_284, %gather3A_207 : vector<16xf32>
      tpu.vector_store_idx %arg13[%add3A_204, %broadcast_in_dim3A_272], %mul3A_285 : memref<128x16xf32, #tpu.memory_space<vmem>>[vector<16xi32>, vector<16xi32>], vector<16xf32>,
      %broadcast_in_dim3A_286 = arith.constant 7 : i32
      %broadcast_in_dim3A_287 = vector.broadcast %broadcast_in_dim3A_286 : i32 to vector<16xi32>
      %mul3A_288 = arith.mulf %select_n3A_284, %gather3A_210 : vector<16xf32>
      tpu.vector_store_idx %arg13[%add3A_204, %broadcast_in_dim3A_287], %mul3A_288 : memref<128x16xf32, #tpu.memory_space<vmem>>[vector<16xi32>, vector<16xi32>], vector<16xf32>,
      %broadcast_in_dim3A_289 = arith.constant 11 : i32
      %broadcast_in_dim3A_290 = vector.broadcast %broadcast_in_dim3A_289 : i32 to vector<16xi32>
      tpu.vector_store_idx %arg13[%add3A_204, %broadcast_in_dim3A_290], %select_n3A_284 : memref<128x16xf32, #tpu.memory_space<vmem>>[vector<16xi32>, vector<16xi32>], vector<16xf32>,
      %add3A_291 = arith.constant 32 : i32
      %add3A_292 = vector.broadcast %add3A_291 : i32 to vector<16xi32>
      %add3A_293 = arith.addi %iota3A, %add3A_292 : vector<16xi32>
      %broadcast_in_dim3A_294 = arith.constant 8 : i32
      %broadcast_in_dim3A_295 = vector.broadcast %broadcast_in_dim3A_294 : i32 to vector<16xi32>
      %gather3A_296 = tpu.vector_load_idx %arg11[%add3A_293, %broadcast_in_dim3A_295] : memref<128x16xf32, #tpu.memory_space<vmem>>[vector<16xi32>, vector<16xi32>], vector<16xf32>,
      %broadcast_in_dim3A_297 = arith.constant 9 : i32
      %broadcast_in_dim3A_298 = vector.broadcast %broadcast_in_dim3A_297 : i32 to vector<16xi32>
      %gather3A_299 = tpu.vector_load_idx %arg11[%add3A_293, %broadcast_in_dim3A_298] : memref<128x16xf32, #tpu.memory_space<vmem>>[vector<16xi32>, vector<16xi32>], vector<16xf32>,
      %broadcast_in_dim3A_300 = arith.constant 0 : i32
      %broadcast_in_dim3A_301 = vector.broadcast %broadcast_in_dim3A_300 : i32 to vector<16xi32>
      %broadcast_in_dim3A_302 = arith.constant 4 : i32
      %broadcast_in_dim3A_303 = vector.broadcast %broadcast_in_dim3A_302 : i32 to vector<16xi32>
      %gather3A_304 = tpu.vector_load_idx %arg11[%add3A_293, %broadcast_in_dim3A_301] : memref<128x16xf32, #tpu.memory_space<vmem>>[vector<16xi32>, vector<16xi32>], vector<16xf32>,
      %gather3A_305 = tpu.vector_load_idx %arg12[%add3A_293, %broadcast_in_dim3A_301] : memref<128x8xf32, #tpu.memory_space<vmem>>[vector<16xi32>, vector<16xi32>], vector<16xf32>,
      %mul3A_306 = arith.mulf %gather3A_304, %gather3A_305 : vector<16xf32>
      %gather3A_307 = tpu.vector_load_idx %arg11[%add3A_293, %broadcast_in_dim3A_303] : memref<128x16xf32, #tpu.memory_space<vmem>>[vector<16xi32>, vector<16xi32>], vector<16xf32>,
      %gather3A_308 = tpu.vector_load_idx %arg12[%add3A_293, %broadcast_in_dim3A_303] : memref<128x8xf32, #tpu.memory_space<vmem>>[vector<16xi32>, vector<16xi32>], vector<16xf32>,
      %mul3A_309 = arith.mulf %gather3A_307, %gather3A_308 : vector<16xf32>
      %gt3A_310 = arith.constant 1.000000e+00 : f32
      %gt3A_311 = vector.broadcast %gt3A_310 : f32 to vector<16xf32>
      %gt3A_312 = arith.cmpf ogt, %mul3A_306, %gt3A_311 : vector<16xf32>
      %select_n3A_313 = arith.select %gt3A_312, %mul3A_306, %mul3A_309 : vector<16xi1>, vector<16xf32>
      %mul3A_314 = arith.mulf %select_n3A_313, %gather3A_296 : vector<16xf32>
      tpu.vector_store_idx %arg13[%add3A_293, %broadcast_in_dim3A_301], %mul3A_314 : memref<128x16xf32, #tpu.memory_space<vmem>>[vector<16xi32>, vector<16xi32>], vector<16xf32>,
      %broadcast_in_dim3A_315 = arith.constant 4 : i32
      %broadcast_in_dim3A_316 = vector.broadcast %broadcast_in_dim3A_315 : i32 to vector<16xi32>
      %mul3A_317 = arith.mulf %select_n3A_313, %gather3A_299 : vector<16xf32>
      tpu.vector_store_idx %arg13[%add3A_293, %broadcast_in_dim3A_316], %mul3A_317 : memref<128x16xf32, #tpu.memory_space<vmem>>[vector<16xi32>, vector<16xi32>], vector<16xf32>,
      %broadcast_in_dim3A_318 = arith.constant 8 : i32
      %broadcast_in_dim3A_319 = vector.broadcast %broadcast_in_dim3A_318 : i32 to vector<16xi32>
      tpu.vector_store_idx %arg13[%add3A_293, %broadcast_in_dim3A_319], %select_n3A_313 : memref<128x16xf32, #tpu.memory_space<vmem>>[vector<16xi32>, vector<16xi32>], vector<16xf32>,
      %broadcast_in_dim3A_320 = arith.constant 1 : i32
      %broadcast_in_dim3A_321 = vector.broadcast %broadcast_in_dim3A_320 : i32 to vector<16xi32>
      %broadcast_in_dim3A_322 = arith.constant 5 : i32
      %broadcast_in_dim3A_323 = vector.broadcast %broadcast_in_dim3A_322 : i32 to vector<16xi32>
      %gather3A_324 = tpu.vector_load_idx %arg11[%add3A_293, %broadcast_in_dim3A_321] : memref<128x16xf32, #tpu.memory_space<vmem>>[vector<16xi32>, vector<16xi32>], vector<16xf32>,
      %gather3A_325 = tpu.vector_load_idx %arg12[%add3A_293, %broadcast_in_dim3A_321] : memref<128x8xf32, #tpu.memory_space<vmem>>[vector<16xi32>, vector<16xi32>], vector<16xf32>,
      %mul3A_326 = arith.mulf %gather3A_324, %gather3A_325 : vector<16xf32>
      %gather3A_327 = tpu.vector_load_idx %arg11[%add3A_293, %broadcast_in_dim3A_323] : memref<128x16xf32, #tpu.memory_space<vmem>>[vector<16xi32>, vector<16xi32>], vector<16xf32>,
      %gather3A_328 = tpu.vector_load_idx %arg12[%add3A_293, %broadcast_in_dim3A_323] : memref<128x8xf32, #tpu.memory_space<vmem>>[vector<16xi32>, vector<16xi32>], vector<16xf32>,
      %mul3A_329 = arith.mulf %gather3A_327, %gather3A_328 : vector<16xf32>
      %gt3A_330 = arith.constant 1.000000e+00 : f32
      %gt3A_331 = vector.broadcast %gt3A_330 : f32 to vector<16xf32>
      %gt3A_332 = arith.cmpf ogt, %mul3A_326, %gt3A_331 : vector<16xf32>
      %select_n3A_333 = arith.select %gt3A_332, %mul3A_326, %mul3A_329 : vector<16xi1>, vector<16xf32>
      %mul3A_334 = arith.mulf %select_n3A_333, %gather3A_296 : vector<16xf32>
      tpu.vector_store_idx %arg13[%add3A_293, %broadcast_in_dim3A_321], %mul3A_334 : memref<128x16xf32, #tpu.memory_space<vmem>>[vector<16xi32>, vector<16xi32>], vector<16xf32>,
      %broadcast_in_dim3A_335 = arith.constant 5 : i32
      %broadcast_in_dim3A_336 = vector.broadcast %broadcast_in_dim3A_335 : i32 to vector<16xi32>
      %mul3A_337 = arith.mulf %select_n3A_333, %gather3A_299 : vector<16xf32>
      tpu.vector_store_idx %arg13[%add3A_293, %broadcast_in_dim3A_336], %mul3A_337 : memref<128x16xf32, #tpu.memory_space<vmem>>[vector<16xi32>, vector<16xi32>], vector<16xf32>,
      %broadcast_in_dim3A_338 = arith.constant 9 : i32
      %broadcast_in_dim3A_339 = vector.broadcast %broadcast_in_dim3A_338 : i32 to vector<16xi32>
      tpu.vector_store_idx %arg13[%add3A_293, %broadcast_in_dim3A_339], %select_n3A_333 : memref<128x16xf32, #tpu.memory_space<vmem>>[vector<16xi32>, vector<16xi32>], vector<16xf32>,
      %broadcast_in_dim3A_340 = arith.constant 2 : i32
      %broadcast_in_dim3A_341 = vector.broadcast %broadcast_in_dim3A_340 : i32 to vector<16xi32>
      %broadcast_in_dim3A_342 = arith.constant 6 : i32
      %broadcast_in_dim3A_343 = vector.broadcast %broadcast_in_dim3A_342 : i32 to vector<16xi32>
      %gather3A_344 = tpu.vector_load_idx %arg11[%add3A_293, %broadcast_in_dim3A_341] : memref<128x16xf32, #tpu.memory_space<vmem>>[vector<16xi32>, vector<16xi32>], vector<16xf32>,
      %gather3A_345 = tpu.vector_load_idx %arg12[%add3A_293, %broadcast_in_dim3A_341] : memref<128x8xf32, #tpu.memory_space<vmem>>[vector<16xi32>, vector<16xi32>], vector<16xf32>,
      %mul3A_346 = arith.mulf %gather3A_344, %gather3A_345 : vector<16xf32>
      %gather3A_347 = tpu.vector_load_idx %arg11[%add3A_293, %broadcast_in_dim3A_343] : memref<128x16xf32, #tpu.memory_space<vmem>>[vector<16xi32>, vector<16xi32>], vector<16xf32>,
      %gather3A_348 = tpu.vector_load_idx %arg12[%add3A_293, %broadcast_in_dim3A_343] : memref<128x8xf32, #tpu.memory_space<vmem>>[vector<16xi32>, vector<16xi32>], vector<16xf32>,
      %mul3A_349 = arith.mulf %gather3A_347, %gather3A_348 : vector<16xf32>
      %gt3A_350 = arith.constant 1.000000e+00 : f32
      %gt3A_351 = vector.broadcast %gt3A_350 : f32 to vector<16xf32>
      %gt3A_352 = arith.cmpf ogt, %mul3A_346, %gt3A_351 : vector<16xf32>
      %select_n3A_353 = arith.select %gt3A_352, %mul3A_346, %mul3A_349 : vector<16xi1>, vector<16xf32>
      %mul3A_354 = arith.mulf %select_n3A_353, %gather3A_296 : vector<16xf32>
      tpu.vector_store_idx %arg13[%add3A_293, %broadcast_in_dim3A_341], %mul3A_354 : memref<128x16xf32, #tpu.memory_space<vmem>>[vector<16xi32>, vector<16xi32>], vector<16xf32>,
      %broadcast_in_dim3A_355 = arith.constant 6 : i32
      %broadcast_in_dim3A_356 = vector.broadcast %broadcast_in_dim3A_355 : i32 to vector<16xi32>
      %mul3A_357 = arith.mulf %select_n3A_353, %gather3A_299 : vector<16xf32>
      tpu.vector_store_idx %arg13[%add3A_293, %broadcast_in_dim3A_356], %mul3A_357 : memref<128x16xf32, #tpu.memory_space<vmem>>[vector<16xi32>, vector<16xi32>], vector<16xf32>,
      %broadcast_in_dim3A_358 = arith.constant 10 : i32
      %broadcast_in_dim3A_359 = vector.broadcast %broadcast_in_dim3A_358 : i32 to vector<16xi32>
      tpu.vector_store_idx %arg13[%add3A_293, %broadcast_in_dim3A_359], %select_n3A_353 : memref<128x16xf32, #tpu.memory_space<vmem>>[vector<16xi32>, vector<16xi32>], vector<16xf32>,
      %broadcast_in_dim3A_360 = arith.constant 3 : i32
      %broadcast_in_dim3A_361 = vector.broadcast %broadcast_in_dim3A_360 : i32 to vector<16xi32>
      %broadcast_in_dim3A_362 = arith.constant 7 : i32
      %broadcast_in_dim3A_363 = vector.broadcast %broadcast_in_dim3A_362 : i32 to vector<16xi32>
      %gather3A_364 = tpu.vector_load_idx %arg11[%add3A_293, %broadcast_in_dim3A_361] : memref<128x16xf32, #tpu.memory_space<vmem>>[vector<16xi32>, vector<16xi32>], vector<16xf32>,
      %gather3A_365 = tpu.vector_load_idx %arg12[%add3A_293, %broadcast_in_dim3A_361] : memref<128x8xf32, #tpu.memory_space<vmem>>[vector<16xi32>, vector<16xi32>], vector<16xf32>,
      %mul3A_366 = arith.mulf %gather3A_364, %gather3A_365 : vector<16xf32>
      %gather3A_367 = tpu.vector_load_idx %arg11[%add3A_293, %broadcast_in_dim3A_363] : memref<128x16xf32, #tpu.memory_space<vmem>>[vector<16xi32>, vector<16xi32>], vector<16xf32>,
      %gather3A_368 = tpu.vector_load_idx %arg12[%add3A_293, %broadcast_in_dim3A_363] : memref<128x8xf32, #tpu.memory_space<vmem>>[vector<16xi32>, vector<16xi32>], vector<16xf32>,
      %mul3A_369 = arith.mulf %gather3A_367, %gather3A_368 : vector<16xf32>
      %gt3A_370 = arith.constant 1.000000e+00 : f32
      %gt3A_371 = vector.broadcast %gt3A_370 : f32 to vector<16xf32>
      %gt3A_372 = arith.cmpf ogt, %mul3A_366, %gt3A_371 : vector<16xf32>
      %select_n3A_373 = arith.select %gt3A_372, %mul3A_366, %mul3A_369 : vector<16xi1>, vector<16xf32>
      %mul3A_374 = arith.mulf %select_n3A_373, %gather3A_296 : vector<16xf32>
      tpu.vector_store_idx %arg13[%add3A_293, %broadcast_in_dim3A_361], %mul3A_374 : memref<128x16xf32, #tpu.memory_space<vmem>>[vector<16xi32>, vector<16xi32>], vector<16xf32>,
      %broadcast_in_dim3A_375 = arith.constant 7 : i32
      %broadcast_in_dim3A_376 = vector.broadcast %broadcast_in_dim3A_375 : i32 to vector<16xi32>
      %mul3A_377 = arith.mulf %select_n3A_373, %gather3A_299 : vector<16xf32>
      tpu.vector_store_idx %arg13[%add3A_293, %broadcast_in_dim3A_376], %mul3A_377 : memref<128x16xf32, #tpu.memory_space<vmem>>[vector<16xi32>, vector<16xi32>], vector<16xf32>,
      %broadcast_in_dim3A_378 = arith.constant 11 : i32
      %broadcast_in_dim3A_379 = vector.broadcast %broadcast_in_dim3A_378 : i32 to vector<16xi32>
      tpu.vector_store_idx %arg13[%add3A_293, %broadcast_in_dim3A_379], %select_n3A_373 : memref<128x16xf32, #tpu.memory_space<vmem>>[vector<16xi32>, vector<16xi32>], vector<16xf32>,
      %add3A_380 = arith.constant 48 : i32
      %add3A_381 = vector.broadcast %add3A_380 : i32 to vector<16xi32>
      %add3A_382 = arith.addi %iota3A, %add3A_381 : vector<16xi32>
      %broadcast_in_dim3A_383 = arith.constant 8 : i32
      %broadcast_in_dim3A_384 = vector.broadcast %broadcast_in_dim3A_383 : i32 to vector<16xi32>
      %gather3A_385 = tpu.vector_load_idx %arg11[%add3A_382, %broadcast_in_dim3A_384] : memref<128x16xf32, #tpu.memory_space<vmem>>[vector<16xi32>, vector<16xi32>], vector<16xf32>,
      %broadcast_in_dim3A_386 = arith.constant 9 : i32
      %broadcast_in_dim3A_387 = vector.broadcast %broadcast_in_dim3A_386 : i32 to vector<16xi32>
      %gather3A_388 = tpu.vector_load_idx %arg11[%add3A_382, %broadcast_in_dim3A_387] : memref<128x16xf32, #tpu.memory_space<vmem>>[vector<16xi32>, vector<16xi32>], vector<16xf32>,
      %broadcast_in_dim3A_389 = arith.constant 0 : i32
      %broadcast_in_dim3A_390 = vector.broadcast %broadcast_in_dim3A_389 : i32 to vector<16xi32>
      %broadcast_in_dim3A_391 = arith.constant 4 : i32
      %broadcast_in_dim3A_392 = vector.broadcast %broadcast_in_dim3A_391 : i32 to vector<16xi32>
      %gather3A_393 = tpu.vector_load_idx %arg11[%add3A_382, %broadcast_in_dim3A_390] : memref<128x16xf32, #tpu.memory_space<vmem>>[vector<16xi32>, vector<16xi32>], vector<16xf32>,
      %gather3A_394 = tpu.vector_load_idx %arg12[%add3A_382, %broadcast_in_dim3A_390] : memref<128x8xf32, #tpu.memory_space<vmem>>[vector<16xi32>, vector<16xi32>], vector<16xf32>,
      %mul3A_395 = arith.mulf %gather3A_393, %gather3A_394 : vector<16xf32>
      %gather3A_396 = tpu.vector_load_idx %arg11[%add3A_382, %broadcast_in_dim3A_392] : memref<128x16xf32, #tpu.memory_space<vmem>>[vector<16xi32>, vector<16xi32>], vector<16xf32>,
      %gather3A_397 = tpu.vector_load_idx %arg12[%add3A_382, %broadcast_in_dim3A_392] : memref<128x8xf32, #tpu.memory_space<vmem>>[vector<16xi32>, vector<16xi32>], vector<16xf32>,
      %mul3A_398 = arith.mulf %gather3A_396, %gather3A_397 : vector<16xf32>
      %gt3A_399 = arith.constant 1.000000e+00 : f32
      %gt3A_400 = vector.broadcast %gt3A_399 : f32 to vector<16xf32>
      %gt3A_401 = arith.cmpf ogt, %mul3A_395, %gt3A_400 : vector<16xf32>
      %select_n3A_402 = arith.select %gt3A_401, %mul3A_395, %mul3A_398 : vector<16xi1>, vector<16xf32>
      %mul3A_403 = arith.mulf %select_n3A_402, %gather3A_385 : vector<16xf32>
      tpu.vector_store_idx %arg13[%add3A_382, %broadcast_in_dim3A_390], %mul3A_403 : memref<128x16xf32, #tpu.memory_space<vmem>>[vector<16xi32>, vector<16xi32>], vector<16xf32>,
      %broadcast_in_dim3A_404 = arith.constant 4 : i32
      %broadcast_in_dim3A_405 = vector.broadcast %broadcast_in_dim3A_404 : i32 to vector<16xi32>
      %mul3A_406 = arith.mulf %select_n3A_402, %gather3A_388 : vector<16xf32>
      tpu.vector_store_idx %arg13[%add3A_382, %broadcast_in_dim3A_405], %mul3A_406 : memref<128x16xf32, #tpu.memory_space<vmem>>[vector<16xi32>, vector<16xi32>], vector<16xf32>,
      %broadcast_in_dim3A_407 = arith.constant 8 : i32
      %broadcast_in_dim3A_408 = vector.broadcast %broadcast_in_dim3A_407 : i32 to vector<16xi32>
      tpu.vector_store_idx %arg13[%add3A_382, %broadcast_in_dim3A_408], %select_n3A_402 : memref<128x16xf32, #tpu.memory_space<vmem>>[vector<16xi32>, vector<16xi32>], vector<16xf32>,
      %broadcast_in_dim3A_409 = arith.constant 1 : i32
      %broadcast_in_dim3A_410 = vector.broadcast %broadcast_in_dim3A_409 : i32 to vector<16xi32>
      %broadcast_in_dim3A_411 = arith.constant 5 : i32
      %broadcast_in_dim3A_412 = vector.broadcast %broadcast_in_dim3A_411 : i32 to vector<16xi32>
      %gather3A_413 = tpu.vector_load_idx %arg11[%add3A_382, %broadcast_in_dim3A_410] : memref<128x16xf32, #tpu.memory_space<vmem>>[vector<16xi32>, vector<16xi32>], vector<16xf32>,
      %gather3A_414 = tpu.vector_load_idx %arg12[%add3A_382, %broadcast_in_dim3A_410] : memref<128x8xf32, #tpu.memory_space<vmem>>[vector<16xi32>, vector<16xi32>], vector<16xf32>,
      %mul3A_415 = arith.mulf %gather3A_413, %gather3A_414 : vector<16xf32>
      %gather3A_416 = tpu.vector_load_idx %arg11[%add3A_382, %broadcast_in_dim3A_412] : memref<128x16xf32, #tpu.memory_space<vmem>>[vector<16xi32>, vector<16xi32>], vector<16xf32>,
      %gather3A_417 = tpu.vector_load_idx %arg12[%add3A_382, %broadcast_in_dim3A_412] : memref<128x8xf32, #tpu.memory_space<vmem>>[vector<16xi32>, vector<16xi32>], vector<16xf32>,
      %mul3A_418 = arith.mulf %gather3A_416, %gather3A_417 : vector<16xf32>
      %gt3A_419 = arith.constant 1.000000e+00 : f32
      %gt3A_420 = vector.broadcast %gt3A_419 : f32 to vector<16xf32>
      %gt3A_421 = arith.cmpf ogt, %mul3A_415, %gt3A_420 : vector<16xf32>
      %select_n3A_422 = arith.select %gt3A_421, %mul3A_415, %mul3A_418 : vector<16xi1>, vector<16xf32>
      %mul3A_423 = arith.mulf %select_n3A_422, %gather3A_385 : vector<16xf32>
      tpu.vector_store_idx %arg13[%add3A_382, %broadcast_in_dim3A_410], %mul3A_423 : memref<128x16xf32, #tpu.memory_space<vmem>>[vector<16xi32>, vector<16xi32>], vector<16xf32>,
      %broadcast_in_dim3A_424 = arith.constant 5 : i32
      %broadcast_in_dim3A_425 = vector.broadcast %broadcast_in_dim3A_424 : i32 to vector<16xi32>
      %mul3A_426 = arith.mulf %select_n3A_422, %gather3A_388 : vector<16xf32>
      tpu.vector_store_idx %arg13[%add3A_382, %broadcast_in_dim3A_425], %mul3A_426 : memref<128x16xf32, #tpu.memory_space<vmem>>[vector<16xi32>, vector<16xi32>], vector<16xf32>,
      %broadcast_in_dim3A_427 = arith.constant 9 : i32
      %broadcast_in_dim3A_428 = vector.broadcast %broadcast_in_dim3A_427 : i32 to vector<16xi32>
      tpu.vector_store_idx %arg13[%add3A_382, %broadcast_in_dim3A_428], %select_n3A_422 : memref<128x16xf32, #tpu.memory_space<vmem>>[vector<16xi32>, vector<16xi32>], vector<16xf32>,
      %broadcast_in_dim3A_429 = arith.constant 2 : i32
      %broadcast_in_dim3A_430 = vector.broadcast %broadcast_in_dim3A_429 : i32 to vector<16xi32>
      %broadcast_in_dim3A_431 = arith.constant 6 : i32
      %broadcast_in_dim3A_432 = vector.broadcast %broadcast_in_dim3A_431 : i32 to vector<16xi32>
      %gather3A_433 = tpu.vector_load_idx %arg11[%add3A_382, %broadcast_in_dim3A_430] : memref<128x16xf32, #tpu.memory_space<vmem>>[vector<16xi32>, vector<16xi32>], vector<16xf32>,
      %gather3A_434 = tpu.vector_load_idx %arg12[%add3A_382, %broadcast_in_dim3A_430] : memref<128x8xf32, #tpu.memory_space<vmem>>[vector<16xi32>, vector<16xi32>], vector<16xf32>,
      %mul3A_435 = arith.mulf %gather3A_433, %gather3A_434 : vector<16xf32>
      %gather3A_436 = tpu.vector_load_idx %arg11[%add3A_382, %broadcast_in_dim3A_432] : memref<128x16xf32, #tpu.memory_space<vmem>>[vector<16xi32>, vector<16xi32>], vector<16xf32>,
      %gather3A_437 = tpu.vector_load_idx %arg12[%add3A_382, %broadcast_in_dim3A_432] : memref<128x8xf32, #tpu.memory_space<vmem>>[vector<16xi32>, vector<16xi32>], vector<16xf32>,
      %mul3A_438 = arith.mulf %gather3A_436, %gather3A_437 : vector<16xf32>
      %gt3A_439 = arith.constant 1.000000e+00 : f32
      %gt3A_440 = vector.broadcast %gt3A_439 : f32 to vector<16xf32>
      %gt3A_441 = arith.cmpf ogt, %mul3A_435, %gt3A_440 : vector<16xf32>
      %select_n3A_442 = arith.select %gt3A_441, %mul3A_435, %mul3A_438 : vector<16xi1>, vector<16xf32>
      %mul3A_443 = arith.mulf %select_n3A_442, %gather3A_385 : vector<16xf32>
      tpu.vector_store_idx %arg13[%add3A_382, %broadcast_in_dim3A_430], %mul3A_443 : memref<128x16xf32, #tpu.memory_space<vmem>>[vector<16xi32>, vector<16xi32>], vector<16xf32>,
      %broadcast_in_dim3A_444 = arith.constant 6 : i32
      %broadcast_in_dim3A_445 = vector.broadcast %broadcast_in_dim3A_444 : i32 to vector<16xi32>
      %mul3A_446 = arith.mulf %select_n3A_442, %gather3A_388 : vector<16xf32>
      tpu.vector_store_idx %arg13[%add3A_382, %broadcast_in_dim3A_445], %mul3A_446 : memref<128x16xf32, #tpu.memory_space<vmem>>[vector<16xi32>, vector<16xi32>], vector<16xf32>,
      %broadcast_in_dim3A_447 = arith.constant 10 : i32
      %broadcast_in_dim3A_448 = vector.broadcast %broadcast_in_dim3A_447 : i32 to vector<16xi32>
      tpu.vector_store_idx %arg13[%add3A_382, %broadcast_in_dim3A_448], %select_n3A_442 : memref<128x16xf32, #tpu.memory_space<vmem>>[vector<16xi32>, vector<16xi32>], vector<16xf32>,
      %broadcast_in_dim3A_449 = arith.constant 3 : i32
      %broadcast_in_dim3A_450 = vector.broadcast %broadcast_in_dim3A_449 : i32 to vector<16xi32>
      %broadcast_in_dim3A_451 = arith.constant 7 : i32
      %broadcast_in_dim3A_452 = vector.broadcast %broadcast_in_dim3A_451 : i32 to vector<16xi32>
      %gather3A_453 = tpu.vector_load_idx %arg11[%add3A_382, %broadcast_in_dim3A_450] : memref<128x16xf32, #tpu.memory_space<vmem>>[vector<16xi32>, vector<16xi32>], vector<16xf32>,
      %gather3A_454 = tpu.vector_load_idx %arg12[%add3A_382, %broadcast_in_dim3A_450] : memref<128x8xf32, #tpu.memory_space<vmem>>[vector<16xi32>, vector<16xi32>], vector<16xf32>,
      %mul3A_455 = arith.mulf %gather3A_453, %gather3A_454 : vector<16xf32>
      %gather3A_456 = tpu.vector_load_idx %arg11[%add3A_382, %broadcast_in_dim3A_452] : memref<128x16xf32, #tpu.memory_space<vmem>>[vector<16xi32>, vector<16xi32>], vector<16xf32>,
      %gather3A_457 = tpu.vector_load_idx %arg12[%add3A_382, %broadcast_in_dim3A_452] : memref<128x8xf32, #tpu.memory_space<vmem>>[vector<16xi32>, vector<16xi32>], vector<16xf32>,
      %mul3A_458 = arith.mulf %gather3A_456, %gather3A_457 : vector<16xf32>
      %gt3A_459 = arith.constant 1.000000e+00 : f32
      %gt3A_460 = vector.broadcast %gt3A_459 : f32 to vector<16xf32>
      %gt3A_461 = arith.cmpf ogt, %mul3A_455, %gt3A_460 : vector<16xf32>
      %select_n3A_462 = arith.select %gt3A_461, %mul3A_455, %mul3A_458 : vector<16xi1>, vector<16xf32>
      %mul3A_463 = arith.mulf %select_n3A_462, %gather3A_385 : vector<16xf32>
      tpu.vector_store_idx %arg13[%add3A_382, %broadcast_in_dim3A_450], %mul3A_463 : memref<128x16xf32, #tpu.memory_space<vmem>>[vector<16xi32>, vector<16xi32>], vector<16xf32>,
      %broadcast_in_dim3A_464 = arith.constant 7 : i32
      %broadcast_in_dim3A_465 = vector.broadcast %broadcast_in_dim3A_464 : i32 to vector<16xi32>
      %mul3A_466 = arith.mulf %select_n3A_462, %gather3A_388 : vector<16xf32>
      tpu.vector_store_idx %arg13[%add3A_382, %broadcast_in_dim3A_465], %mul3A_466 : memref<128x16xf32, #tpu.memory_space<vmem>>[vector<16xi32>, vector<16xi32>], vector<16xf32>,
      %broadcast_in_dim3A_467 = arith.constant 11 : i32
      %broadcast_in_dim3A_468 = vector.broadcast %broadcast_in_dim3A_467 : i32 to vector<16xi32>
      tpu.vector_store_idx %arg13[%add3A_382, %broadcast_in_dim3A_468], %select_n3A_462 : memref<128x16xf32, #tpu.memory_space<vmem>>[vector<16xi32>, vector<16xi32>], vector<16xf32>,
      %add3A_469 = arith.constant 64 : i32
      %add3A_470 = vector.broadcast %add3A_469 : i32 to vector<16xi32>
      %add3A_471 = arith.addi %iota3A, %add3A_470 : vector<16xi32>
      %broadcast_in_dim3A_472 = arith.constant 8 : i32
      %broadcast_in_dim3A_473 = vector.broadcast %broadcast_in_dim3A_472 : i32 to vector<16xi32>
      %gather3A_474 = tpu.vector_load_idx %arg11[%add3A_471, %broadcast_in_dim3A_473] : memref<128x16xf32, #tpu.memory_space<vmem>>[vector<16xi32>, vector<16xi32>], vector<16xf32>,
      %broadcast_in_dim3A_475 = arith.constant 9 : i32
      %broadcast_in_dim3A_476 = vector.broadcast %broadcast_in_dim3A_475 : i32 to vector<16xi32>
      %gather3A_477 = tpu.vector_load_idx %arg11[%add3A_471, %broadcast_in_dim3A_476] : memref<128x16xf32, #tpu.memory_space<vmem>>[vector<16xi32>, vector<16xi32>], vector<16xf32>,
      %broadcast_in_dim3A_478 = arith.constant 0 : i32
      %broadcast_in_dim3A_479 = vector.broadcast %broadcast_in_dim3A_478 : i32 to vector<16xi32>
      %broadcast_in_dim3A_480 = arith.constant 4 : i32
      %broadcast_in_dim3A_481 = vector.broadcast %broadcast_in_dim3A_480 : i32 to vector<16xi32>
      %gather3A_482 = tpu.vector_load_idx %arg11[%add3A_471, %broadcast_in_dim3A_479] : memref<128x16xf32, #tpu.memory_space<vmem>>[vector<16xi32>, vector<16xi32>], vector<16xf32>,
      %gather3A_483 = tpu.vector_load_idx %arg12[%add3A_471, %broadcast_in_dim3A_479] : memref<128x8xf32, #tpu.memory_space<vmem>>[vector<16xi32>, vector<16xi32>], vector<16xf32>,
      %mul3A_484 = arith.mulf %gather3A_482, %gather3A_483 : vector<16xf32>
      %gather3A_485 = tpu.vector_load_idx %arg11[%add3A_471, %broadcast_in_dim3A_481] : memref<128x16xf32, #tpu.memory_space<vmem>>[vector<16xi32>, vector<16xi32>], vector<16xf32>,
      %gather3A_486 = tpu.vector_load_idx %arg12[%add3A_471, %broadcast_in_dim3A_481] : memref<128x8xf32, #tpu.memory_space<vmem>>[vector<16xi32>, vector<16xi32>], vector<16xf32>,
      %mul3A_487 = arith.mulf %gather3A_485, %gather3A_486 : vector<16xf32>
      %gt3A_488 = arith.constant 1.000000e+00 : f32
      %gt3A_489 = vector.broadcast %gt3A_488 : f32 to vector<16xf32>
      %gt3A_490 = arith.cmpf ogt, %mul3A_484, %gt3A_489 : vector<16xf32>
      %select_n3A_491 = arith.select %gt3A_490, %mul3A_484, %mul3A_487 : vector<16xi1>, vector<16xf32>
      %mul3A_492 = arith.mulf %select_n3A_491, %gather3A_474 : vector<16xf32>
      tpu.vector_store_idx %arg13[%add3A_471, %broadcast_in_dim3A_479], %mul3A_492 : memref<128x16xf32, #tpu.memory_space<vmem>>[vector<16xi32>, vector<16xi32>], vector<16xf32>,
      %broadcast_in_dim3A_493 = arith.constant 4 : i32
      %broadcast_in_dim3A_494 = vector.broadcast %broadcast_in_dim3A_493 : i32 to vector<16xi32>
      %mul3A_495 = arith.mulf %select_n3A_491, %gather3A_477 : vector<16xf32>
      tpu.vector_store_idx %arg13[%add3A_471, %broadcast_in_dim3A_494], %mul3A_495 : memref<128x16xf32, #tpu.memory_space<vmem>>[vector<16xi32>, vector<16xi32>], vector<16xf32>,
      %broadcast_in_dim3A_496 = arith.constant 8 : i32
      %broadcast_in_dim3A_497 = vector.broadcast %broadcast_in_dim3A_496 : i32 to vector<16xi32>
      tpu.vector_store_idx %arg13[%add3A_471, %broadcast_in_dim3A_497], %select_n3A_491 : memref<128x16xf32, #tpu.memory_space<vmem>>[vector<16xi32>, vector<16xi32>], vector<16xf32>,
      %broadcast_in_dim3A_498 = arith.constant 1 : i32
      %broadcast_in_dim3A_499 = vector.broadcast %broadcast_in_dim3A_498 : i32 to vector<16xi32>
      %broadcast_in_dim3A_500 = arith.constant 5 : i32
      %broadcast_in_dim3A_501 = vector.broadcast %broadcast_in_dim3A_500 : i32 to vector<16xi32>
      %gather3A_502 = tpu.vector_load_idx %arg11[%add3A_471, %broadcast_in_dim3A_499] : memref<128x16xf32, #tpu.memory_space<vmem>>[vector<16xi32>, vector<16xi32>], vector<16xf32>,
      %gather3A_503 = tpu.vector_load_idx %arg12[%add3A_471, %broadcast_in_dim3A_499] : memref<128x8xf32, #tpu.memory_space<vmem>>[vector<16xi32>, vector<16xi32>], vector<16xf32>,
      %mul3A_504 = arith.mulf %gather3A_502, %gather3A_503 : vector<16xf32>
      %gather3A_505 = tpu.vector_load_idx %arg11[%add3A_471, %broadcast_in_dim3A_501] : memref<128x16xf32, #tpu.memory_space<vmem>>[vector<16xi32>, vector<16xi32>], vector<16xf32>,
      %gather3A_506 = tpu.vector_load_idx %arg12[%add3A_471, %broadcast_in_dim3A_501] : memref<128x8xf32, #tpu.memory_space<vmem>>[vector<16xi32>, vector<16xi32>], vector<16xf32>,
      %mul3A_507 = arith.mulf %gather3A_505, %gather3A_506 : vector<16xf32>
      %gt3A_508 = arith.constant 1.000000e+00 : f32
      %gt3A_509 = vector.broadcast %gt3A_508 : f32 to vector<16xf32>
      %gt3A_510 = arith.cmpf ogt, %mul3A_504, %gt3A_509 : vector<16xf32>
      %select_n3A_511 = arith.select %gt3A_510, %mul3A_504, %mul3A_507 : vector<16xi1>, vector<16xf32>
      %mul3A_512 = arith.mulf %select_n3A_511, %gather3A_474 : vector<16xf32>
      tpu.vector_store_idx %arg13[%add3A_471, %broadcast_in_dim3A_499], %mul3A_512 : memref<128x16xf32, #tpu.memory_space<vmem>>[vector<16xi32>, vector<16xi32>], vector<16xf32>,
      %broadcast_in_dim3A_513 = arith.constant 5 : i32
      %broadcast_in_dim3A_514 = vector.broadcast %broadcast_in_dim3A_513 : i32 to vector<16xi32>
      %mul3A_515 = arith.mulf %select_n3A_511, %gather3A_477 : vector<16xf32>
      tpu.vector_store_idx %arg13[%add3A_471, %broadcast_in_dim3A_514], %mul3A_515 : memref<128x16xf32, #tpu.memory_space<vmem>>[vector<16xi32>, vector<16xi32>], vector<16xf32>,
      %broadcast_in_dim3A_516 = arith.constant 9 : i32
      %broadcast_in_dim3A_517 = vector.broadcast %broadcast_in_dim3A_516 : i32 to vector<16xi32>
      tpu.vector_store_idx %arg13[%add3A_471, %broadcast_in_dim3A_517], %select_n3A_511 : memref<128x16xf32, #tpu.memory_space<vmem>>[vector<16xi32>, vector<16xi32>], vector<16xf32>,
      %broadcast_in_dim3A_518 = arith.constant 2 : i32
      %broadcast_in_dim3A_519 = vector.broadcast %broadcast_in_dim3A_518 : i32 to vector<16xi32>
      %broadcast_in_dim3A_520 = arith.constant 6 : i32
      %broadcast_in_dim3A_521 = vector.broadcast %broadcast_in_dim3A_520 : i32 to vector<16xi32>
      %gather3A_522 = tpu.vector_load_idx %arg11[%add3A_471, %broadcast_in_dim3A_519] : memref<128x16xf32, #tpu.memory_space<vmem>>[vector<16xi32>, vector<16xi32>], vector<16xf32>,
      %gather3A_523 = tpu.vector_load_idx %arg12[%add3A_471, %broadcast_in_dim3A_519] : memref<128x8xf32, #tpu.memory_space<vmem>>[vector<16xi32>, vector<16xi32>], vector<16xf32>,
      %mul3A_524 = arith.mulf %gather3A_522, %gather3A_523 : vector<16xf32>
      %gather3A_525 = tpu.vector_load_idx %arg11[%add3A_471, %broadcast_in_dim3A_521] : memref<128x16xf32, #tpu.memory_space<vmem>>[vector<16xi32>, vector<16xi32>], vector<16xf32>,
      %gather3A_526 = tpu.vector_load_idx %arg12[%add3A_471, %broadcast_in_dim3A_521] : memref<128x8xf32, #tpu.memory_space<vmem>>[vector<16xi32>, vector<16xi32>], vector<16xf32>,
      %mul3A_527 = arith.mulf %gather3A_525, %gather3A_526 : vector<16xf32>
      %gt3A_528 = arith.constant 1.000000e+00 : f32
      %gt3A_529 = vector.broadcast %gt3A_528 : f32 to vector<16xf32>
      %gt3A_530 = arith.cmpf ogt, %mul3A_524, %gt3A_529 : vector<16xf32>
      %select_n3A_531 = arith.select %gt3A_530, %mul3A_524, %mul3A_527 : vector<16xi1>, vector<16xf32>
      %mul3A_532 = arith.mulf %select_n3A_531, %gather3A_474 : vector<16xf32>
      tpu.vector_store_idx %arg13[%add3A_471, %broadcast_in_dim3A_519], %mul3A_532 : memref<128x16xf32, #tpu.memory_space<vmem>>[vector<16xi32>, vector<16xi32>], vector<16xf32>,
      %broadcast_in_dim3A_533 = arith.constant 6 : i32
      %broadcast_in_dim3A_534 = vector.broadcast %broadcast_in_dim3A_533 : i32 to vector<16xi32>
      %mul3A_535 = arith.mulf %select_n3A_531, %gather3A_477 : vector<16xf32>
      tpu.vector_store_idx %arg13[%add3A_471, %broadcast_in_dim3A_534], %mul3A_535 : memref<128x16xf32, #tpu.memory_space<vmem>>[vector<16xi32>, vector<16xi32>], vector<16xf32>,
      %broadcast_in_dim3A_536 = arith.constant 10 : i32
      %broadcast_in_dim3A_537 = vector.broadcast %broadcast_in_dim3A_536 : i32 to vector<16xi32>
      tpu.vector_store_idx %arg13[%add3A_471, %broadcast_in_dim3A_537], %select_n3A_531 : memref<128x16xf32, #tpu.memory_space<vmem>>[vector<16xi32>, vector<16xi32>], vector<16xf32>,
      %broadcast_in_dim3A_538 = arith.constant 3 : i32
      %broadcast_in_dim3A_539 = vector.broadcast %broadcast_in_dim3A_538 : i32 to vector<16xi32>
      %broadcast_in_dim3A_540 = arith.constant 7 : i32
      %broadcast_in_dim3A_541 = vector.broadcast %broadcast_in_dim3A_540 : i32 to vector<16xi32>
      %gather3A_542 = tpu.vector_load_idx %arg11[%add3A_471, %broadcast_in_dim3A_539] : memref<128x16xf32, #tpu.memory_space<vmem>>[vector<16xi32>, vector<16xi32>], vector<16xf32>,
      %gather3A_543 = tpu.vector_load_idx %arg12[%add3A_471, %broadcast_in_dim3A_539] : memref<128x8xf32, #tpu.memory_space<vmem>>[vector<16xi32>, vector<16xi32>], vector<16xf32>,
      %mul3A_544 = arith.mulf %gather3A_542, %gather3A_543 : vector<16xf32>
      %gather3A_545 = tpu.vector_load_idx %arg11[%add3A_471, %broadcast_in_dim3A_541] : memref<128x16xf32, #tpu.memory_space<vmem>>[vector<16xi32>, vector<16xi32>], vector<16xf32>,
      %gather3A_546 = tpu.vector_load_idx %arg12[%add3A_471, %broadcast_in_dim3A_541] : memref<128x8xf32, #tpu.memory_space<vmem>>[vector<16xi32>, vector<16xi32>], vector<16xf32>,
      %mul3A_547 = arith.mulf %gather3A_545, %gather3A_546 : vector<16xf32>
      %gt3A_548 = arith.constant 1.000000e+00 : f32
      %gt3A_549 = vector.broadcast %gt3A_548 : f32 to vector<16xf32>
      %gt3A_550 = arith.cmpf ogt, %mul3A_544, %gt3A_549 : vector<16xf32>
      %select_n3A_551 = arith.select %gt3A_550, %mul3A_544, %mul3A_547 : vector<16xi1>, vector<16xf32>
      %mul3A_552 = arith.mulf %select_n3A_551, %gather3A_474 : vector<16xf32>
      tpu.vector_store_idx %arg13[%add3A_471, %broadcast_in_dim3A_539], %mul3A_552 : memref<128x16xf32, #tpu.memory_space<vmem>>[vector<16xi32>, vector<16xi32>], vector<16xf32>,
      %broadcast_in_dim3A_553 = arith.constant 7 : i32
      %broadcast_in_dim3A_554 = vector.broadcast %broadcast_in_dim3A_553 : i32 to vector<16xi32>
      %mul3A_555 = arith.mulf %select_n3A_551, %gather3A_477 : vector<16xf32>
      tpu.vector_store_idx %arg13[%add3A_471, %broadcast_in_dim3A_554], %mul3A_555 : memref<128x16xf32, #tpu.memory_space<vmem>>[vector<16xi32>, vector<16xi32>], vector<16xf32>,
      %broadcast_in_dim3A_556 = arith.constant 11 : i32
      %broadcast_in_dim3A_557 = vector.broadcast %broadcast_in_dim3A_556 : i32 to vector<16xi32>
      tpu.vector_store_idx %arg13[%add3A_471, %broadcast_in_dim3A_557], %select_n3A_551 : memref<128x16xf32, #tpu.memory_space<vmem>>[vector<16xi32>, vector<16xi32>], vector<16xf32>,
      %add3A_558 = arith.constant 80 : i32
      %add3A_559 = vector.broadcast %add3A_558 : i32 to vector<16xi32>
      %add3A_560 = arith.addi %iota3A, %add3A_559 : vector<16xi32>
      %broadcast_in_dim3A_561 = arith.constant 8 : i32
      %broadcast_in_dim3A_562 = vector.broadcast %broadcast_in_dim3A_561 : i32 to vector<16xi32>
      %gather3A_563 = tpu.vector_load_idx %arg11[%add3A_560, %broadcast_in_dim3A_562] : memref<128x16xf32, #tpu.memory_space<vmem>>[vector<16xi32>, vector<16xi32>], vector<16xf32>,
      %broadcast_in_dim3A_564 = arith.constant 9 : i32
      %broadcast_in_dim3A_565 = vector.broadcast %broadcast_in_dim3A_564 : i32 to vector<16xi32>
      %gather3A_566 = tpu.vector_load_idx %arg11[%add3A_560, %broadcast_in_dim3A_565] : memref<128x16xf32, #tpu.memory_space<vmem>>[vector<16xi32>, vector<16xi32>], vector<16xf32>,
      %broadcast_in_dim3A_567 = arith.constant 0 : i32
      %broadcast_in_dim3A_568 = vector.broadcast %broadcast_in_dim3A_567 : i32 to vector<16xi32>
      %broadcast_in_dim3A_569 = arith.constant 4 : i32
      %broadcast_in_dim3A_570 = vector.broadcast %broadcast_in_dim3A_569 : i32 to vector<16xi32>
      %gather3A_571 = tpu.vector_load_idx %arg11[%add3A_560, %broadcast_in_dim3A_568] : memref<128x16xf32, #tpu.memory_space<vmem>>[vector<16xi32>, vector<16xi32>], vector<16xf32>,
      %gather3A_572 = tpu.vector_load_idx %arg12[%add3A_560, %broadcast_in_dim3A_568] : memref<128x8xf32, #tpu.memory_space<vmem>>[vector<16xi32>, vector<16xi32>], vector<16xf32>,
      %mul3A_573 = arith.mulf %gather3A_571, %gather3A_572 : vector<16xf32>
      %gather3A_574 = tpu.vector_load_idx %arg11[%add3A_560, %broadcast_in_dim3A_570] : memref<128x16xf32, #tpu.memory_space<vmem>>[vector<16xi32>, vector<16xi32>], vector<16xf32>,
      %gather3A_575 = tpu.vector_load_idx %arg12[%add3A_560, %broadcast_in_dim3A_570] : memref<128x8xf32, #tpu.memory_space<vmem>>[vector<16xi32>, vector<16xi32>], vector<16xf32>,
      %mul3A_576 = arith.mulf %gather3A_574, %gather3A_575 : vector<16xf32>
      %gt3A_577 = arith.constant 1.000000e+00 : f32
      %gt3A_578 = vector.broadcast %gt3A_577 : f32 to vector<16xf32>
      %gt3A_579 = arith.cmpf ogt, %mul3A_573, %gt3A_578 : vector<16xf32>
      %select_n3A_580 = arith.select %gt3A_579, %mul3A_573, %mul3A_576 : vector<16xi1>, vector<16xf32>
      %mul3A_581 = arith.mulf %select_n3A_580, %gather3A_563 : vector<16xf32>
      tpu.vector_store_idx %arg13[%add3A_560, %broadcast_in_dim3A_568], %mul3A_581 : memref<128x16xf32, #tpu.memory_space<vmem>>[vector<16xi32>, vector<16xi32>], vector<16xf32>,
      %broadcast_in_dim3A_582 = arith.constant 4 : i32
      %broadcast_in_dim3A_583 = vector.broadcast %broadcast_in_dim3A_582 : i32 to vector<16xi32>
      %mul3A_584 = arith.mulf %select_n3A_580, %gather3A_566 : vector<16xf32>
      tpu.vector_store_idx %arg13[%add3A_560, %broadcast_in_dim3A_583], %mul3A_584 : memref<128x16xf32, #tpu.memory_space<vmem>>[vector<16xi32>, vector<16xi32>], vector<16xf32>,
      %broadcast_in_dim3A_585 = arith.constant 8 : i32
      %broadcast_in_dim3A_586 = vector.broadcast %broadcast_in_dim3A_585 : i32 to vector<16xi32>
      tpu.vector_store_idx %arg13[%add3A_560, %broadcast_in_dim3A_586], %select_n3A_580 : memref<128x16xf32, #tpu.memory_space<vmem>>[vector<16xi32>, vector<16xi32>], vector<16xf32>,
      %broadcast_in_dim3A_587 = arith.constant 1 : i32
      %broadcast_in_dim3A_588 = vector.broadcast %broadcast_in_dim3A_587 : i32 to vector<16xi32>
      %broadcast_in_dim3A_589 = arith.constant 5 : i32
      %broadcast_in_dim3A_590 = vector.broadcast %broadcast_in_dim3A_589 : i32 to vector<16xi32>
      %gather3A_591 = tpu.vector_load_idx %arg11[%add3A_560, %broadcast_in_dim3A_588] : memref<128x16xf32, #tpu.memory_space<vmem>>[vector<16xi32>, vector<16xi32>], vector<16xf32>,
      %gather3A_592 = tpu.vector_load_idx %arg12[%add3A_560, %broadcast_in_dim3A_588] : memref<128x8xf32, #tpu.memory_space<vmem>>[vector<16xi32>, vector<16xi32>], vector<16xf32>,
      %mul3A_593 = arith.mulf %gather3A_591, %gather3A_592 : vector<16xf32>
      %gather3A_594 = tpu.vector_load_idx %arg11[%add3A_560, %broadcast_in_dim3A_590] : memref<128x16xf32, #tpu.memory_space<vmem>>[vector<16xi32>, vector<16xi32>], vector<16xf32>,
      %gather3A_595 = tpu.vector_load_idx %arg12[%add3A_560, %broadcast_in_dim3A_590] : memref<128x8xf32, #tpu.memory_space<vmem>>[vector<16xi32>, vector<16xi32>], vector<16xf32>,
      %mul3A_596 = arith.mulf %gather3A_594, %gather3A_595 : vector<16xf32>
      %gt3A_597 = arith.constant 1.000000e+00 : f32
      %gt3A_598 = vector.broadcast %gt3A_597 : f32 to vector<16xf32>
      %gt3A_599 = arith.cmpf ogt, %mul3A_593, %gt3A_598 : vector<16xf32>
      %select_n3A_600 = arith.select %gt3A_599, %mul3A_593, %mul3A_596 : vector<16xi1>, vector<16xf32>
      %mul3A_601 = arith.mulf %select_n3A_600, %gather3A_563 : vector<16xf32>
      tpu.vector_store_idx %arg13[%add3A_560, %broadcast_in_dim3A_588], %mul3A_601 : memref<128x16xf32, #tpu.memory_space<vmem>>[vector<16xi32>, vector<16xi32>], vector<16xf32>,
      %broadcast_in_dim3A_602 = arith.constant 5 : i32
      %broadcast_in_dim3A_603 = vector.broadcast %broadcast_in_dim3A_602 : i32 to vector<16xi32>
      %mul3A_604 = arith.mulf %select_n3A_600, %gather3A_566 : vector<16xf32>
      tpu.vector_store_idx %arg13[%add3A_560, %broadcast_in_dim3A_603], %mul3A_604 : memref<128x16xf32, #tpu.memory_space<vmem>>[vector<16xi32>, vector<16xi32>], vector<16xf32>,
      %broadcast_in_dim3A_605 = arith.constant 9 : i32
      %broadcast_in_dim3A_606 = vector.broadcast %broadcast_in_dim3A_605 : i32 to vector<16xi32>
      tpu.vector_store_idx %arg13[%add3A_560, %broadcast_in_dim3A_606], %select_n3A_600 : memref<128x16xf32, #tpu.memory_space<vmem>>[vector<16xi32>, vector<16xi32>], vector<16xf32>,
      %broadcast_in_dim3A_607 = arith.constant 2 : i32
      %broadcast_in_dim3A_608 = vector.broadcast %broadcast_in_dim3A_607 : i32 to vector<16xi32>
      %broadcast_in_dim3A_609 = arith.constant 6 : i32
      %broadcast_in_dim3A_610 = vector.broadcast %broadcast_in_dim3A_609 : i32 to vector<16xi32>
      %gather3A_611 = tpu.vector_load_idx %arg11[%add3A_560, %broadcast_in_dim3A_608] : memref<128x16xf32, #tpu.memory_space<vmem>>[vector<16xi32>, vector<16xi32>], vector<16xf32>,
      %gather3A_612 = tpu.vector_load_idx %arg12[%add3A_560, %broadcast_in_dim3A_608] : memref<128x8xf32, #tpu.memory_space<vmem>>[vector<16xi32>, vector<16xi32>], vector<16xf32>,
      %mul3A_613 = arith.mulf %gather3A_611, %gather3A_612 : vector<16xf32>
      %gather3A_614 = tpu.vector_load_idx %arg11[%add3A_560, %broadcast_in_dim3A_610] : memref<128x16xf32, #tpu.memory_space<vmem>>[vector<16xi32>, vector<16xi32>], vector<16xf32>,
      %gather3A_615 = tpu.vector_load_idx %arg12[%add3A_560, %broadcast_in_dim3A_610] : memref<128x8xf32, #tpu.memory_space<vmem>>[vector<16xi32>, vector<16xi32>], vector<16xf32>,
      %mul3A_616 = arith.mulf %gather3A_614, %gather3A_615 : vector<16xf32>
      %gt3A_617 = arith.constant 1.000000e+00 : f32
      %gt3A_618 = vector.broadcast %gt3A_617 : f32 to vector<16xf32>
      %gt3A_619 = arith.cmpf ogt, %mul3A_613, %gt3A_618 : vector<16xf32>
      %select_n3A_620 = arith.select %gt3A_619, %mul3A_613, %mul3A_616 : vector<16xi1>, vector<16xf32>
      %mul3A_621 = arith.mulf %select_n3A_620, %gather3A_563 : vector<16xf32>
      tpu.vector_store_idx %arg13[%add3A_560, %broadcast_in_dim3A_608], %mul3A_621 : memref<128x16xf32, #tpu.memory_space<vmem>>[vector<16xi32>, vector<16xi32>], vector<16xf32>,
      %broadcast_in_dim3A_622 = arith.constant 6 : i32
      %broadcast_in_dim3A_623 = vector.broadcast %broadcast_in_dim3A_622 : i32 to vector<16xi32>
      %mul3A_624 = arith.mulf %select_n3A_620, %gather3A_566 : vector<16xf32>
      tpu.vector_store_idx %arg13[%add3A_560, %broadcast_in_dim3A_623], %mul3A_624 : memref<128x16xf32, #tpu.memory_space<vmem>>[vector<16xi32>, vector<16xi32>], vector<16xf32>,
      %broadcast_in_dim3A_625 = arith.constant 10 : i32
      %broadcast_in_dim3A_626 = vector.broadcast %broadcast_in_dim3A_625 : i32 to vector<16xi32>
      tpu.vector_store_idx %arg13[%add3A_560, %broadcast_in_dim3A_626], %select_n3A_620 : memref<128x16xf32, #tpu.memory_space<vmem>>[vector<16xi32>, vector<16xi32>], vector<16xf32>,
      %broadcast_in_dim3A_627 = arith.constant 3 : i32
      %broadcast_in_dim3A_628 = vector.broadcast %broadcast_in_dim3A_627 : i32 to vector<16xi32>
      %broadcast_in_dim3A_629 = arith.constant 7 : i32
      %broadcast_in_dim3A_630 = vector.broadcast %broadcast_in_dim3A_629 : i32 to vector<16xi32>
      %gather3A_631 = tpu.vector_load_idx %arg11[%add3A_560, %broadcast_in_dim3A_628] : memref<128x16xf32, #tpu.memory_space<vmem>>[vector<16xi32>, vector<16xi32>], vector<16xf32>,
      %gather3A_632 = tpu.vector_load_idx %arg12[%add3A_560, %broadcast_in_dim3A_628] : memref<128x8xf32, #tpu.memory_space<vmem>>[vector<16xi32>, vector<16xi32>], vector<16xf32>,
      %mul3A_633 = arith.mulf %gather3A_631, %gather3A_632 : vector<16xf32>
      %gather3A_634 = tpu.vector_load_idx %arg11[%add3A_560, %broadcast_in_dim3A_630] : memref<128x16xf32, #tpu.memory_space<vmem>>[vector<16xi32>, vector<16xi32>], vector<16xf32>,
      %gather3A_635 = tpu.vector_load_idx %arg12[%add3A_560, %broadcast_in_dim3A_630] : memref<128x8xf32, #tpu.memory_space<vmem>>[vector<16xi32>, vector<16xi32>], vector<16xf32>,
      %mul3A_636 = arith.mulf %gather3A_634, %gather3A_635 : vector<16xf32>
      %gt3A_637 = arith.constant 1.000000e+00 : f32
      %gt3A_638 = vector.broadcast %gt3A_637 : f32 to vector<16xf32>
      %gt3A_639 = arith.cmpf ogt, %mul3A_633, %gt3A_638 : vector<16xf32>
      %select_n3A_640 = arith.select %gt3A_639, %mul3A_633, %mul3A_636 : vector<16xi1>, vector<16xf32>
      %mul3A_641 = arith.mulf %select_n3A_640, %gather3A_563 : vector<16xf32>
      tpu.vector_store_idx %arg13[%add3A_560, %broadcast_in_dim3A_628], %mul3A_641 : memref<128x16xf32, #tpu.memory_space<vmem>>[vector<16xi32>, vector<16xi32>], vector<16xf32>,
      %broadcast_in_dim3A_642 = arith.constant 7 : i32
      %broadcast_in_dim3A_643 = vector.broadcast %broadcast_in_dim3A_642 : i32 to vector<16xi32>
      %mul3A_644 = arith.mulf %select_n3A_640, %gather3A_566 : vector<16xf32>
      tpu.vector_store_idx %arg13[%add3A_560, %broadcast_in_dim3A_643], %mul3A_644 : memref<128x16xf32, #tpu.memory_space<vmem>>[vector<16xi32>, vector<16xi32>], vector<16xf32>,
      %broadcast_in_dim3A_645 = arith.constant 11 : i32
      %broadcast_in_dim3A_646 = vector.broadcast %broadcast_in_dim3A_645 : i32 to vector<16xi32>
      tpu.vector_store_idx %arg13[%add3A_560, %broadcast_in_dim3A_646], %select_n3A_640 : memref<128x16xf32, #tpu.memory_space<vmem>>[vector<16xi32>, vector<16xi32>], vector<16xf32>,
      %add3A_647 = arith.constant 96 : i32
      %add3A_648 = vector.broadcast %add3A_647 : i32 to vector<16xi32>
      %add3A_649 = arith.addi %iota3A, %add3A_648 : vector<16xi32>
      %broadcast_in_dim3A_650 = arith.constant 8 : i32
      %broadcast_in_dim3A_651 = vector.broadcast %broadcast_in_dim3A_650 : i32 to vector<16xi32>
      %gather3A_652 = tpu.vector_load_idx %arg11[%add3A_649, %broadcast_in_dim3A_651] : memref<128x16xf32, #tpu.memory_space<vmem>>[vector<16xi32>, vector<16xi32>], vector<16xf32>,
      %broadcast_in_dim3A_653 = arith.constant 9 : i32
      %broadcast_in_dim3A_654 = vector.broadcast %broadcast_in_dim3A_653 : i32 to vector<16xi32>
      %gather3A_655 = tpu.vector_load_idx %arg11[%add3A_649, %broadcast_in_dim3A_654] : memref<128x16xf32, #tpu.memory_space<vmem>>[vector<16xi32>, vector<16xi32>], vector<16xf32>,
      %broadcast_in_dim3A_656 = arith.constant 0 : i32
      %broadcast_in_dim3A_657 = vector.broadcast %broadcast_in_dim3A_656 : i32 to vector<16xi32>
      %broadcast_in_dim3A_658 = arith.constant 4 : i32
      %broadcast_in_dim3A_659 = vector.broadcast %broadcast_in_dim3A_658 : i32 to vector<16xi32>
      %gather3A_660 = tpu.vector_load_idx %arg11[%add3A_649, %broadcast_in_dim3A_657] : memref<128x16xf32, #tpu.memory_space<vmem>>[vector<16xi32>, vector<16xi32>], vector<16xf32>,
      %gather3A_661 = tpu.vector_load_idx %arg12[%add3A_649, %broadcast_in_dim3A_657] : memref<128x8xf32, #tpu.memory_space<vmem>>[vector<16xi32>, vector<16xi32>], vector<16xf32>,
      %mul3A_662 = arith.mulf %gather3A_660, %gather3A_661 : vector<16xf32>
      %gather3A_663 = tpu.vector_load_idx %arg11[%add3A_649, %broadcast_in_dim3A_659] : memref<128x16xf32, #tpu.memory_space<vmem>>[vector<16xi32>, vector<16xi32>], vector<16xf32>,
      %gather3A_664 = tpu.vector_load_idx %arg12[%add3A_649, %broadcast_in_dim3A_659] : memref<128x8xf32, #tpu.memory_space<vmem>>[vector<16xi32>, vector<16xi32>], vector<16xf32>,
      %mul3A_665 = arith.mulf %gather3A_663, %gather3A_664 : vector<16xf32>
      %gt3A_666 = arith.constant 1.000000e+00 : f32
      %gt3A_667 = vector.broadcast %gt3A_666 : f32 to vector<16xf32>
      %gt3A_668 = arith.cmpf ogt, %mul3A_662, %gt3A_667 : vector<16xf32>
      %select_n3A_669 = arith.select %gt3A_668, %mul3A_662, %mul3A_665 : vector<16xi1>, vector<16xf32>
      %mul3A_670 = arith.mulf %select_n3A_669, %gather3A_652 : vector<16xf32>
      tpu.vector_store_idx %arg13[%add3A_649, %broadcast_in_dim3A_657], %mul3A_670 : memref<128x16xf32, #tpu.memory_space<vmem>>[vector<16xi32>, vector<16xi32>], vector<16xf32>,
      %broadcast_in_dim3A_671 = arith.constant 4 : i32
      %broadcast_in_dim3A_672 = vector.broadcast %broadcast_in_dim3A_671 : i32 to vector<16xi32>
      %mul3A_673 = arith.mulf %select_n3A_669, %gather3A_655 : vector<16xf32>
      tpu.vector_store_idx %arg13[%add3A_649, %broadcast_in_dim3A_672], %mul3A_673 : memref<128x16xf32, #tpu.memory_space<vmem>>[vector<16xi32>, vector<16xi32>], vector<16xf32>,
      %broadcast_in_dim3A_674 = arith.constant 8 : i32
      %broadcast_in_dim3A_675 = vector.broadcast %broadcast_in_dim3A_674 : i32 to vector<16xi32>
      tpu.vector_store_idx %arg13[%add3A_649, %broadcast_in_dim3A_675], %select_n3A_669 : memref<128x16xf32, #tpu.memory_space<vmem>>[vector<16xi32>, vector<16xi32>], vector<16xf32>,
      %broadcast_in_dim3A_676 = arith.constant 1 : i32
      %broadcast_in_dim3A_677 = vector.broadcast %broadcast_in_dim3A_676 : i32 to vector<16xi32>
      %broadcast_in_dim3A_678 = arith.constant 5 : i32
      %broadcast_in_dim3A_679 = vector.broadcast %broadcast_in_dim3A_678 : i32 to vector<16xi32>
      %gather3A_680 = tpu.vector_load_idx %arg11[%add3A_649, %broadcast_in_dim3A_677] : memref<128x16xf32, #tpu.memory_space<vmem>>[vector<16xi32>, vector<16xi32>], vector<16xf32>,
      %gather3A_681 = tpu.vector_load_idx %arg12[%add3A_649, %broadcast_in_dim3A_677] : memref<128x8xf32, #tpu.memory_space<vmem>>[vector<16xi32>, vector<16xi32>], vector<16xf32>,
      %mul3A_682 = arith.mulf %gather3A_680, %gather3A_681 : vector<16xf32>
      %gather3A_683 = tpu.vector_load_idx %arg11[%add3A_649, %broadcast_in_dim3A_679] : memref<128x16xf32, #tpu.memory_space<vmem>>[vector<16xi32>, vector<16xi32>], vector<16xf32>,
      %gather3A_684 = tpu.vector_load_idx %arg12[%add3A_649, %broadcast_in_dim3A_679] : memref<128x8xf32, #tpu.memory_space<vmem>>[vector<16xi32>, vector<16xi32>], vector<16xf32>,
      %mul3A_685 = arith.mulf %gather3A_683, %gather3A_684 : vector<16xf32>
      %gt3A_686 = arith.constant 1.000000e+00 : f32
      %gt3A_687 = vector.broadcast %gt3A_686 : f32 to vector<16xf32>
      %gt3A_688 = arith.cmpf ogt, %mul3A_682, %gt3A_687 : vector<16xf32>
      %select_n3A_689 = arith.select %gt3A_688, %mul3A_682, %mul3A_685 : vector<16xi1>, vector<16xf32>
      %mul3A_690 = arith.mulf %select_n3A_689, %gather3A_652 : vector<16xf32>
      tpu.vector_store_idx %arg13[%add3A_649, %broadcast_in_dim3A_677], %mul3A_690 : memref<128x16xf32, #tpu.memory_space<vmem>>[vector<16xi32>, vector<16xi32>], vector<16xf32>,
      %broadcast_in_dim3A_691 = arith.constant 5 : i32
      %broadcast_in_dim3A_692 = vector.broadcast %broadcast_in_dim3A_691 : i32 to vector<16xi32>
      %mul3A_693 = arith.mulf %select_n3A_689, %gather3A_655 : vector<16xf32>
      tpu.vector_store_idx %arg13[%add3A_649, %broadcast_in_dim3A_692], %mul3A_693 : memref<128x16xf32, #tpu.memory_space<vmem>>[vector<16xi32>, vector<16xi32>], vector<16xf32>,
      %broadcast_in_dim3A_694 = arith.constant 9 : i32
      %broadcast_in_dim3A_695 = vector.broadcast %broadcast_in_dim3A_694 : i32 to vector<16xi32>
      tpu.vector_store_idx %arg13[%add3A_649, %broadcast_in_dim3A_695], %select_n3A_689 : memref<128x16xf32, #tpu.memory_space<vmem>>[vector<16xi32>, vector<16xi32>], vector<16xf32>,
      %broadcast_in_dim3A_696 = arith.constant 2 : i32
      %broadcast_in_dim3A_697 = vector.broadcast %broadcast_in_dim3A_696 : i32 to vector<16xi32>
      %broadcast_in_dim3A_698 = arith.constant 6 : i32
      %broadcast_in_dim3A_699 = vector.broadcast %broadcast_in_dim3A_698 : i32 to vector<16xi32>
      %gather3A_700 = tpu.vector_load_idx %arg11[%add3A_649, %broadcast_in_dim3A_697] : memref<128x16xf32, #tpu.memory_space<vmem>>[vector<16xi32>, vector<16xi32>], vector<16xf32>,
      %gather3A_701 = tpu.vector_load_idx %arg12[%add3A_649, %broadcast_in_dim3A_697] : memref<128x8xf32, #tpu.memory_space<vmem>>[vector<16xi32>, vector<16xi32>], vector<16xf32>,
      %mul3A_702 = arith.mulf %gather3A_700, %gather3A_701 : vector<16xf32>
      %gather3A_703 = tpu.vector_load_idx %arg11[%add3A_649, %broadcast_in_dim3A_699] : memref<128x16xf32, #tpu.memory_space<vmem>>[vector<16xi32>, vector<16xi32>], vector<16xf32>,
      %gather3A_704 = tpu.vector_load_idx %arg12[%add3A_649, %broadcast_in_dim3A_699] : memref<128x8xf32, #tpu.memory_space<vmem>>[vector<16xi32>, vector<16xi32>], vector<16xf32>,
      %mul3A_705 = arith.mulf %gather3A_703, %gather3A_704 : vector<16xf32>
      %gt3A_706 = arith.constant 1.000000e+00 : f32
      %gt3A_707 = vector.broadcast %gt3A_706 : f32 to vector<16xf32>
      %gt3A_708 = arith.cmpf ogt, %mul3A_702, %gt3A_707 : vector<16xf32>
      %select_n3A_709 = arith.select %gt3A_708, %mul3A_702, %mul3A_705 : vector<16xi1>, vector<16xf32>
      %mul3A_710 = arith.mulf %select_n3A_709, %gather3A_652 : vector<16xf32>
      tpu.vector_store_idx %arg13[%add3A_649, %broadcast_in_dim3A_697], %mul3A_710 : memref<128x16xf32, #tpu.memory_space<vmem>>[vector<16xi32>, vector<16xi32>], vector<16xf32>,
      %broadcast_in_dim3A_711 = arith.constant 6 : i32
      %broadcast_in_dim3A_712 = vector.broadcast %broadcast_in_dim3A_711 : i32 to vector<16xi32>
      %mul3A_713 = arith.mulf %select_n3A_709, %gather3A_655 : vector<16xf32>
      tpu.vector_store_idx %arg13[%add3A_649, %broadcast_in_dim3A_712], %mul3A_713 : memref<128x16xf32, #tpu.memory_space<vmem>>[vector<16xi32>, vector<16xi32>], vector<16xf32>,
      %broadcast_in_dim3A_714 = arith.constant 10 : i32
      %broadcast_in_dim3A_715 = vector.broadcast %broadcast_in_dim3A_714 : i32 to vector<16xi32>
      tpu.vector_store_idx %arg13[%add3A_649, %broadcast_in_dim3A_715], %select_n3A_709 : memref<128x16xf32, #tpu.memory_space<vmem>>[vector<16xi32>, vector<16xi32>], vector<16xf32>,
      %broadcast_in_dim3A_716 = arith.constant 3 : i32
      %broadcast_in_dim3A_717 = vector.broadcast %broadcast_in_dim3A_716 : i32 to vector<16xi32>
      %broadcast_in_dim3A_718 = arith.constant 7 : i32
      %broadcast_in_dim3A_719 = vector.broadcast %broadcast_in_dim3A_718 : i32 to vector<16xi32>
      %gather3A_720 = tpu.vector_load_idx %arg11[%add3A_649, %broadcast_in_dim3A_717] : memref<128x16xf32, #tpu.memory_space<vmem>>[vector<16xi32>, vector<16xi32>], vector<16xf32>,
      %gather3A_721 = tpu.vector_load_idx %arg12[%add3A_649, %broadcast_in_dim3A_717] : memref<128x8xf32, #tpu.memory_space<vmem>>[vector<16xi32>, vector<16xi32>], vector<16xf32>,
      %mul3A_722 = arith.mulf %gather3A_720, %gather3A_721 : vector<16xf32>
      %gather3A_723 = tpu.vector_load_idx %arg11[%add3A_649, %broadcast_in_dim3A_719] : memref<128x16xf32, #tpu.memory_space<vmem>>[vector<16xi32>, vector<16xi32>], vector<16xf32>,
      %gather3A_724 = tpu.vector_load_idx %arg12[%add3A_649, %broadcast_in_dim3A_719] : memref<128x8xf32, #tpu.memory_space<vmem>>[vector<16xi32>, vector<16xi32>], vector<16xf32>,
      %mul3A_725 = arith.mulf %gather3A_723, %gather3A_724 : vector<16xf32>
      %gt3A_726 = arith.constant 1.000000e+00 : f32
      %gt3A_727 = vector.broadcast %gt3A_726 : f32 to vector<16xf32>
      %gt3A_728 = arith.cmpf ogt, %mul3A_722, %gt3A_727 : vector<16xf32>
      %select_n3A_729 = arith.select %gt3A_728, %mul3A_722, %mul3A_725 : vector<16xi1>, vector<16xf32>
      %mul3A_730 = arith.mulf %select_n3A_729, %gather3A_652 : vector<16xf32>
      tpu.vector_store_idx %arg13[%add3A_649, %broadcast_in_dim3A_717], %mul3A_730 : memref<128x16xf32, #tpu.memory_space<vmem>>[vector<16xi32>, vector<16xi32>], vector<16xf32>,
      %broadcast_in_dim3A_731 = arith.constant 7 : i32
      %broadcast_in_dim3A_732 = vector.broadcast %broadcast_in_dim3A_731 : i32 to vector<16xi32>
      %mul3A_733 = arith.mulf %select_n3A_729, %gather3A_655 : vector<16xf32>
      tpu.vector_store_idx %arg13[%add3A_649, %broadcast_in_dim3A_732], %mul3A_733 : memref<128x16xf32, #tpu.memory_space<vmem>>[vector<16xi32>, vector<16xi32>], vector<16xf32>,
      %broadcast_in_dim3A_734 = arith.constant 11 : i32
      %broadcast_in_dim3A_735 = vector.broadcast %broadcast_in_dim3A_734 : i32 to vector<16xi32>
      tpu.vector_store_idx %arg13[%add3A_649, %broadcast_in_dim3A_735], %select_n3A_729 : memref<128x16xf32, #tpu.memory_space<vmem>>[vector<16xi32>, vector<16xi32>], vector<16xf32>,
      %add3A_736 = arith.constant 112 : i32
      %add3A_737 = vector.broadcast %add3A_736 : i32 to vector<16xi32>
      %add3A_738 = arith.addi %iota3A, %add3A_737 : vector<16xi32>
      %broadcast_in_dim3A_739 = arith.constant 8 : i32
      %broadcast_in_dim3A_740 = vector.broadcast %broadcast_in_dim3A_739 : i32 to vector<16xi32>
      %gather3A_741 = tpu.vector_load_idx %arg11[%add3A_738, %broadcast_in_dim3A_740] : memref<128x16xf32, #tpu.memory_space<vmem>>[vector<16xi32>, vector<16xi32>], vector<16xf32>,
      %broadcast_in_dim3A_742 = arith.constant 9 : i32
      %broadcast_in_dim3A_743 = vector.broadcast %broadcast_in_dim3A_742 : i32 to vector<16xi32>
      %gather3A_744 = tpu.vector_load_idx %arg11[%add3A_738, %broadcast_in_dim3A_743] : memref<128x16xf32, #tpu.memory_space<vmem>>[vector<16xi32>, vector<16xi32>], vector<16xf32>,
      %broadcast_in_dim3A_745 = arith.constant 0 : i32
      %broadcast_in_dim3A_746 = vector.broadcast %broadcast_in_dim3A_745 : i32 to vector<16xi32>
      %broadcast_in_dim3A_747 = arith.constant 4 : i32
      %broadcast_in_dim3A_748 = vector.broadcast %broadcast_in_dim3A_747 : i32 to vector<16xi32>
      %gather3A_749 = tpu.vector_load_idx %arg11[%add3A_738, %broadcast_in_dim3A_746] : memref<128x16xf32, #tpu.memory_space<vmem>>[vector<16xi32>, vector<16xi32>], vector<16xf32>,
      %gather3A_750 = tpu.vector_load_idx %arg12[%add3A_738, %broadcast_in_dim3A_746] : memref<128x8xf32, #tpu.memory_space<vmem>>[vector<16xi32>, vector<16xi32>], vector<16xf32>,
      %mul3A_751 = arith.mulf %gather3A_749, %gather3A_750 : vector<16xf32>
      %gather3A_752 = tpu.vector_load_idx %arg11[%add3A_738, %broadcast_in_dim3A_748] : memref<128x16xf32, #tpu.memory_space<vmem>>[vector<16xi32>, vector<16xi32>], vector<16xf32>,
      %gather3A_753 = tpu.vector_load_idx %arg12[%add3A_738, %broadcast_in_dim3A_748] : memref<128x8xf32, #tpu.memory_space<vmem>>[vector<16xi32>, vector<16xi32>], vector<16xf32>,
      %mul3A_754 = arith.mulf %gather3A_752, %gather3A_753 : vector<16xf32>
      %gt3A_755 = arith.constant 1.000000e+00 : f32
      %gt3A_756 = vector.broadcast %gt3A_755 : f32 to vector<16xf32>
      %gt3A_757 = arith.cmpf ogt, %mul3A_751, %gt3A_756 : vector<16xf32>
      %select_n3A_758 = arith.select %gt3A_757, %mul3A_751, %mul3A_754 : vector<16xi1>, vector<16xf32>
      %mul3A_759 = arith.mulf %select_n3A_758, %gather3A_741 : vector<16xf32>
      tpu.vector_store_idx %arg13[%add3A_738, %broadcast_in_dim3A_746], %mul3A_759 : memref<128x16xf32, #tpu.memory_space<vmem>>[vector<16xi32>, vector<16xi32>], vector<16xf32>,
      %broadcast_in_dim3A_760 = arith.constant 4 : i32
      %broadcast_in_dim3A_761 = vector.broadcast %broadcast_in_dim3A_760 : i32 to vector<16xi32>
      %mul3A_762 = arith.mulf %select_n3A_758, %gather3A_744 : vector<16xf32>
      tpu.vector_store_idx %arg13[%add3A_738, %broadcast_in_dim3A_761], %mul3A_762 : memref<128x16xf32, #tpu.memory_space<vmem>>[vector<16xi32>, vector<16xi32>], vector<16xf32>,
      %broadcast_in_dim3A_763 = arith.constant 8 : i32
      %broadcast_in_dim3A_764 = vector.broadcast %broadcast_in_dim3A_763 : i32 to vector<16xi32>
      tpu.vector_store_idx %arg13[%add3A_738, %broadcast_in_dim3A_764], %select_n3A_758 : memref<128x16xf32, #tpu.memory_space<vmem>>[vector<16xi32>, vector<16xi32>], vector<16xf32>,
      %broadcast_in_dim3A_765 = arith.constant 1 : i32
      %broadcast_in_dim3A_766 = vector.broadcast %broadcast_in_dim3A_765 : i32 to vector<16xi32>
      %broadcast_in_dim3A_767 = arith.constant 5 : i32
      %broadcast_in_dim3A_768 = vector.broadcast %broadcast_in_dim3A_767 : i32 to vector<16xi32>
      %gather3A_769 = tpu.vector_load_idx %arg11[%add3A_738, %broadcast_in_dim3A_766] : memref<128x16xf32, #tpu.memory_space<vmem>>[vector<16xi32>, vector<16xi32>], vector<16xf32>,
      %gather3A_770 = tpu.vector_load_idx %arg12[%add3A_738, %broadcast_in_dim3A_766] : memref<128x8xf32, #tpu.memory_space<vmem>>[vector<16xi32>, vector<16xi32>], vector<16xf32>,
      %mul3A_771 = arith.mulf %gather3A_769, %gather3A_770 : vector<16xf32>
      %gather3A_772 = tpu.vector_load_idx %arg11[%add3A_738, %broadcast_in_dim3A_768] : memref<128x16xf32, #tpu.memory_space<vmem>>[vector<16xi32>, vector<16xi32>], vector<16xf32>,
      %gather3A_773 = tpu.vector_load_idx %arg12[%add3A_738, %broadcast_in_dim3A_768] : memref<128x8xf32, #tpu.memory_space<vmem>>[vector<16xi32>, vector<16xi32>], vector<16xf32>,
      %mul3A_774 = arith.mulf %gather3A_772, %gather3A_773 : vector<16xf32>
      %gt3A_775 = arith.constant 1.000000e+00 : f32
      %gt3A_776 = vector.broadcast %gt3A_775 : f32 to vector<16xf32>
      %gt3A_777 = arith.cmpf ogt, %mul3A_771, %gt3A_776 : vector<16xf32>
      %select_n3A_778 = arith.select %gt3A_777, %mul3A_771, %mul3A_774 : vector<16xi1>, vector<16xf32>
      %mul3A_779 = arith.mulf %select_n3A_778, %gather3A_741 : vector<16xf32>
      tpu.vector_store_idx %arg13[%add3A_738, %broadcast_in_dim3A_766], %mul3A_779 : memref<128x16xf32, #tpu.memory_space<vmem>>[vector<16xi32>, vector<16xi32>], vector<16xf32>,
      %broadcast_in_dim3A_780 = arith.constant 5 : i32
      %broadcast_in_dim3A_781 = vector.broadcast %broadcast_in_dim3A_780 : i32 to vector<16xi32>
      %mul3A_782 = arith.mulf %select_n3A_778, %gather3A_744 : vector<16xf32>
      tpu.vector_store_idx %arg13[%add3A_738, %broadcast_in_dim3A_781], %mul3A_782 : memref<128x16xf32, #tpu.memory_space<vmem>>[vector<16xi32>, vector<16xi32>], vector<16xf32>,
      %broadcast_in_dim3A_783 = arith.constant 9 : i32
      %broadcast_in_dim3A_784 = vector.broadcast %broadcast_in_dim3A_783 : i32 to vector<16xi32>
      tpu.vector_store_idx %arg13[%add3A_738, %broadcast_in_dim3A_784], %select_n3A_778 : memref<128x16xf32, #tpu.memory_space<vmem>>[vector<16xi32>, vector<16xi32>], vector<16xf32>,
      %broadcast_in_dim3A_785 = arith.constant 2 : i32
      %broadcast_in_dim3A_786 = vector.broadcast %broadcast_in_dim3A_785 : i32 to vector<16xi32>
      %broadcast_in_dim3A_787 = arith.constant 6 : i32
      %broadcast_in_dim3A_788 = vector.broadcast %broadcast_in_dim3A_787 : i32 to vector<16xi32>
      %gather3A_789 = tpu.vector_load_idx %arg11[%add3A_738, %broadcast_in_dim3A_786] : memref<128x16xf32, #tpu.memory_space<vmem>>[vector<16xi32>, vector<16xi32>], vector<16xf32>,
      %gather3A_790 = tpu.vector_load_idx %arg12[%add3A_738, %broadcast_in_dim3A_786] : memref<128x8xf32, #tpu.memory_space<vmem>>[vector<16xi32>, vector<16xi32>], vector<16xf32>,
      %mul3A_791 = arith.mulf %gather3A_789, %gather3A_790 : vector<16xf32>
      %gather3A_792 = tpu.vector_load_idx %arg11[%add3A_738, %broadcast_in_dim3A_788] : memref<128x16xf32, #tpu.memory_space<vmem>>[vector<16xi32>, vector<16xi32>], vector<16xf32>,
      %gather3A_793 = tpu.vector_load_idx %arg12[%add3A_738, %broadcast_in_dim3A_788] : memref<128x8xf32, #tpu.memory_space<vmem>>[vector<16xi32>, vector<16xi32>], vector<16xf32>,
      %mul3A_794 = arith.mulf %gather3A_792, %gather3A_793 : vector<16xf32>
      %gt3A_795 = arith.constant 1.000000e+00 : f32
      %gt3A_796 = vector.broadcast %gt3A_795 : f32 to vector<16xf32>
      %gt3A_797 = arith.cmpf ogt, %mul3A_791, %gt3A_796 : vector<16xf32>
      %select_n3A_798 = arith.select %gt3A_797, %mul3A_791, %mul3A_794 : vector<16xi1>, vector<16xf32>
      %mul3A_799 = arith.mulf %select_n3A_798, %gather3A_741 : vector<16xf32>
      tpu.vector_store_idx %arg13[%add3A_738, %broadcast_in_dim3A_786], %mul3A_799 : memref<128x16xf32, #tpu.memory_space<vmem>>[vector<16xi32>, vector<16xi32>], vector<16xf32>,
      %broadcast_in_dim3A_800 = arith.constant 6 : i32
      %broadcast_in_dim3A_801 = vector.broadcast %broadcast_in_dim3A_800 : i32 to vector<16xi32>
      %mul3A_802 = arith.mulf %select_n3A_798, %gather3A_744 : vector<16xf32>
      tpu.vector_store_idx %arg13[%add3A_738, %broadcast_in_dim3A_801], %mul3A_802 : memref<128x16xf32, #tpu.memory_space<vmem>>[vector<16xi32>, vector<16xi32>], vector<16xf32>,
      %broadcast_in_dim3A_803 = arith.constant 10 : i32
      %broadcast_in_dim3A_804 = vector.broadcast %broadcast_in_dim3A_803 : i32 to vector<16xi32>
      tpu.vector_store_idx %arg13[%add3A_738, %broadcast_in_dim3A_804], %select_n3A_798 : memref<128x16xf32, #tpu.memory_space<vmem>>[vector<16xi32>, vector<16xi32>], vector<16xf32>,
      %broadcast_in_dim3A_805 = arith.constant 3 : i32
      %broadcast_in_dim3A_806 = vector.broadcast %broadcast_in_dim3A_805 : i32 to vector<16xi32>
      %broadcast_in_dim3A_807 = arith.constant 7 : i32
      %broadcast_in_dim3A_808 = vector.broadcast %broadcast_in_dim3A_807 : i32 to vector<16xi32>
      %gather3A_809 = tpu.vector_load_idx %arg11[%add3A_738, %broadcast_in_dim3A_806] : memref<128x16xf32, #tpu.memory_space<vmem>>[vector<16xi32>, vector<16xi32>], vector<16xf32>,
      %gather3A_810 = tpu.vector_load_idx %arg12[%add3A_738, %broadcast_in_dim3A_806] : memref<128x8xf32, #tpu.memory_space<vmem>>[vector<16xi32>, vector<16xi32>], vector<16xf32>,
      %mul3A_811 = arith.mulf %gather3A_809, %gather3A_810 : vector<16xf32>
      %gather3A_812 = tpu.vector_load_idx %arg11[%add3A_738, %broadcast_in_dim3A_808] : memref<128x16xf32, #tpu.memory_space<vmem>>[vector<16xi32>, vector<16xi32>], vector<16xf32>,
      %gather3A_813 = tpu.vector_load_idx %arg12[%add3A_738, %broadcast_in_dim3A_808] : memref<128x8xf32, #tpu.memory_space<vmem>>[vector<16xi32>, vector<16xi32>], vector<16xf32>,
      %mul3A_814 = arith.mulf %gather3A_812, %gather3A_813 : vector<16xf32>
      %gt3A_815 = arith.constant 1.000000e+00 : f32
      %gt3A_816 = vector.broadcast %gt3A_815 : f32 to vector<16xf32>
      %gt3A_817 = arith.cmpf ogt, %mul3A_811, %gt3A_816 : vector<16xf32>
      %select_n3A_818 = arith.select %gt3A_817, %mul3A_811, %mul3A_814 : vector<16xi1>, vector<16xf32>
      %mul3A_819 = arith.mulf %select_n3A_818, %gather3A_741 : vector<16xf32>
      tpu.vector_store_idx %arg13[%add3A_738, %broadcast_in_dim3A_806], %mul3A_819 : memref<128x16xf32, #tpu.memory_space<vmem>>[vector<16xi32>, vector<16xi32>], vector<16xf32>,
      %broadcast_in_dim3A_820 = arith.constant 7 : i32
      %broadcast_in_dim3A_821 = vector.broadcast %broadcast_in_dim3A_820 : i32 to vector<16xi32>
      %mul3A_822 = arith.mulf %select_n3A_818, %gather3A_744 : vector<16xf32>
      tpu.vector_store_idx %arg13[%add3A_738, %broadcast_in_dim3A_821], %mul3A_822 : memref<128x16xf32, #tpu.memory_space<vmem>>[vector<16xi32>, vector<16xi32>], vector<16xf32>,
      %broadcast_in_dim3A_823 = arith.constant 11 : i32
      %broadcast_in_dim3A_824 = vector.broadcast %broadcast_in_dim3A_823 : i32 to vector<16xi32>
      tpu.vector_store_idx %arg13[%add3A_738, %broadcast_in_dim3A_824], %select_n3A_818 : memref<128x16xf32, #tpu.memory_space<vmem>>[vector<16xi32>, vector<16xi32>], vector<16xf32>,
      "tpu.region"() ({
        %run_scoped3A = tpu.sem_alloc : memref<!tpu.dma_semaphore, #tpu.memory_space<semaphore_mem>>
        %dma_start3A = arith.constant 0 : i32
        %dma_start3A_825 = arith.constant 0 : i32
        %dma_start3A_826 = tpu.memref_slice %arg8[%dma_start3A, %dma_start3A_825] : memref<100352x16xf32, #tpu.memory_space<vmem_shared>> -> memref<100352x16xf32, #tpu.memory_space<vmem_shared>>
        tpu.enqueue_indirect_dma source(%arg13 : memref<128x16xf32, #tpu.memory_space<vmem>>) target(%dma_start3A_826 : memref<100352x16xf32, #tpu.memory_space<vmem_shared>>) offsets(%arg10 : memref<128xi32, #tpu.memory_space<vmem>>) semaphore(%run_scoped3A : memref<!tpu.dma_semaphore, #tpu.memory_space<semaphore_mem>>) {add = true}
        %dma_wait3A = arith.constant 0 : i32
        %dma_wait3A_827 = arith.constant 0 : i32
        %dma_wait3A_828 = tpu.memref_slice %arg8[%dma_wait3A, %dma_wait3A_827] : memref<100352x16xf32, #tpu.memory_space<vmem_shared>> -> memref<100352x16xf32, #tpu.memory_space<vmem_shared>>
        tpu.wait_indirect_dma semaphore(%run_scoped3A : memref<!tpu.dma_semaphore, #tpu.memory_space<semaphore_mem>>) src(%arg13 : memref<128x16xf32, #tpu.memory_space<vmem>>) dst(%dma_wait3A_828 : memref<100352x16xf32, #tpu.memory_space<vmem_shared>>)
        tpu.yield
      }) : () -> ()
    }
    %scan3A_104 = arith.constant 391 : i32
    %barrier3A_105 = arith.constant 0 : index
    tpu.barrier barrier_id(%barrier3A_105)
    %scan3A_106 = arith.constant 0 : i32
    %scan3A_107 = arith.constant 0 : i32
    %scan3A_108 = arith.constant 49 : i32
    %scan3A_109 = arith.addi %scan3A_107, %scan3A_108 : i32
    %scan3A_110 = arith.constant 1 : i32
    scf.for %scan3A_112 = %scan3A_107 to %scan3A_109 step %scan3A_110  : i32 {
      %mul3A_113 = arith.constant 128 : i32
      %mul3A_114 = arith.muli %scan3A_112, %mul3A_113 : i32
      %add3A_115 = arith.addi %mul3A_0, %mul3A_114 : i32
      "tpu.region"() ({
        %run_scoped3A = tpu.sem_alloc : memref<!tpu.dma_semaphore, #tpu.memory_space<semaphore_mem>>
        %dma_start3A = arith.constant 0 : i32
        %dma_start3A_116 = tpu.memref_slice %arg8[%add3A_115, %dma_start3A] : memref<100352x16xf32, #tpu.memory_space<vmem_shared>> -> memref<128x16xf32, #tpu.memory_space<vmem_shared>>
        %dma_start3A_117 = arith.constant 0 : i32
        %dma_start3A_118 = tpu.memref_slice %arg8[%add3A_115, %dma_start3A_117] : memref<100352x16xf32, #tpu.memory_space<vmem_shared>> -> memref<128x16xf32, #tpu.memory_space<vmem_shared>>
        tpu.enqueue_dma source(%dma_start3A_118 : memref<128x16xf32, #tpu.memory_space<vmem_shared>>) target(%arg13 : memref<128x16xf32, #tpu.memory_space<vmem>>) target_semaphore(%run_scoped3A : memref<!tpu.dma_semaphore, #tpu.memory_space<semaphore_mem>>)
        %dma_wait3A = arith.constant 0 : i32
        %dma_wait3A_119 = tpu.memref_slice %arg8[%add3A_115, %dma_wait3A] : memref<100352x16xf32, #tpu.memory_space<vmem_shared>> -> memref<128x16xf32, #tpu.memory_space<vmem_shared>>
        %dma_wait3A_120 = arith.constant 0 : i32
        %dma_wait3A_121 = tpu.memref_slice %arg8[%add3A_115, %dma_wait3A_120] : memref<100352x16xf32, #tpu.memory_space<vmem_shared>> -> memref<128x16xf32, #tpu.memory_space<vmem_shared>>
        tpu.wait_dma2 semaphore(%run_scoped3A : memref<!tpu.dma_semaphore, #tpu.memory_space<semaphore_mem>>) src(%dma_wait3A_121 : memref<128x16xf32, #tpu.memory_space<vmem_shared>>) dst(%arg13 : memref<128x16xf32, #tpu.memory_space<vmem>>)
        tpu.yield
      }) : () -> ()
      "tpu.region"() ({
        %run_scoped3A = tpu.sem_alloc : memref<!tpu.dma_semaphore, #tpu.memory_space<semaphore_mem>>
        %dma_start3A = arith.constant 0 : i32
        %dma_start3A_116 = tpu.memref_slice %arg7[%arg0, %add3A_115, %dma_start3A] : memref<2x100352x16xf32, #tpu.memory_space<hbm>> -> memref<1x128x16xf32, #tpu.memory_space<hbm>>
        %dma_start3A_117 = tpu.memref_squeeze %dma_start3A_116 : memref<1x128x16xf32, #tpu.memory_space<hbm>> -> memref<128x16xf32, #tpu.memory_space<hbm>>
        %dma_start3A_118 = arith.constant 0 : i32
        %dma_start3A_119 = tpu.memref_slice %arg7[%arg0, %add3A_115, %dma_start3A_118] : memref<2x100352x16xf32, #tpu.memory_space<hbm>> -> memref<1x128x16xf32, #tpu.memory_space<hbm>>
        %dma_start3A_120 = tpu.memref_squeeze %dma_start3A_119 : memref<1x128x16xf32, #tpu.memory_space<hbm>> -> memref<128x16xf32, #tpu.memory_space<hbm>>
        tpu.enqueue_dma source(%arg13 : memref<128x16xf32, #tpu.memory_space<vmem>>) target(%dma_start3A_120 : memref<128x16xf32, #tpu.memory_space<hbm>>) target_semaphore(%run_scoped3A : memref<!tpu.dma_semaphore, #tpu.memory_space<semaphore_mem>>)
        %dma_wait3A = arith.constant 0 : i32
        %dma_wait3A_121 = tpu.memref_slice %arg7[%arg0, %add3A_115, %dma_wait3A] : memref<2x100352x16xf32, #tpu.memory_space<hbm>> -> memref<1x128x16xf32, #tpu.memory_space<hbm>>
        %dma_wait3A_122 = tpu.memref_squeeze %dma_wait3A_121 : memref<1x128x16xf32, #tpu.memory_space<hbm>> -> memref<128x16xf32, #tpu.memory_space<hbm>>
        %dma_wait3A_123 = arith.constant 0 : i32
        %dma_wait3A_124 = tpu.memref_slice %arg7[%arg0, %add3A_115, %dma_wait3A_123] : memref<2x100352x16xf32, #tpu.memory_space<hbm>> -> memref<1x128x16xf32, #tpu.memory_space<hbm>>
        %dma_wait3A_125 = tpu.memref_squeeze %dma_wait3A_124 : memref<1x128x16xf32, #tpu.memory_space<hbm>> -> memref<128x16xf32, #tpu.memory_space<hbm>>
        tpu.wait_dma2 semaphore(%run_scoped3A : memref<!tpu.dma_semaphore, #tpu.memory_space<semaphore_mem>>) src(%arg13 : memref<128x16xf32, #tpu.memory_space<vmem>>) dst(%dma_wait3A_125 : memref<128x16xf32, #tpu.memory_space<hbm>>)
        tpu.yield
      }) : () -> ()
    }
    %scan3A_111 = arith.constant 49 : i32
    return
  }
}

module attributes {stable_mosaic.version = 14 : i64} {
  func.func @_prep1_body(%arg0: i32, %arg1: memref<2048x2xf32, #tpu.memory_space<vmem>>, %arg2: memref<2x4xf32, #tpu.memory_space<vmem>>, %arg3: memref<2x4xf32, #tpu.memory_space<vmem>>, %arg4: memref<2048x16xf32, #tpu.memory_space<vmem>>, %arg5: memref<2048x8xf32, #tpu.memory_space<vmem>>, %arg6: memref<2048x16xf32, #tpu.memory_space<vmem>>) attributes {dimension_semantics = [#tpu.dimension_semantics<arbitrary>], iteration_bounds = array<i64: 49>, scalar_prefetch = 0 : i64, scratch_operands = 0 : i64, tpu.core_type = #tpu.core_type<tc>, window_params = [{transform_indices = @transform_0, window_bounds = array<i64: 2048, 2>}, {pipeline_mode = #tpu.pipeline_mode<synchronous>, transform_indices = @transform_1, window_bounds = array<i64: 2, 4>}, {pipeline_mode = #tpu.pipeline_mode<synchronous>, transform_indices = @transform_2, window_bounds = array<i64: 2, 4>}, {transform_indices = @transform_3, window_bounds = array<i64: 2048, 16>}, {transform_indices = @transform_4, window_bounds = array<i64: 2048, 8>}, {transform_indices = @transform_5, window_bounds = array<i64: 2048, 16>}]} {
    %get3A = arith.constant 0 : index
    %get3A_0 = arith.constant 0 : index
    %get3A_1 = vector.load %arg1[%get3A, %get3A_0] : memref<2048x2xf32, #tpu.memory_space<vmem>>, vector<2048x2xf32>
    %get3A_2 = arith.constant 0 : index
    %get3A_3 = arith.constant 0 : index
    %get3A_4 = vector.load %arg2[%get3A_2, %get3A_3] : memref<2x4xf32, #tpu.memory_space<vmem>>, vector<2x4xf32>
    %get3A_5 = arith.constant 0 : index
    %get3A_6 = arith.constant 0 : index
    %get3A_7 = vector.load %arg3[%get3A_5, %get3A_6] : memref<2x4xf32, #tpu.memory_space<vmem>>, vector<2x4xf32>
    %slice3A = vector.extract_strided_slice %get3A_1 {offsets = [0, 0], sizes = [2048, 1], strides = [1, 1]} : vector<2048x2xf32> to vector<2048x1xf32>
    %slice3A_8 = vector.extract_strided_slice %get3A_1 {offsets = [0, 1], sizes = [2048, 1], strides = [1, 1]} : vector<2048x2xf32> to vector<2048x1xf32>
    %slice3A_9 = vector.extract_strided_slice %get3A_4 {offsets = [0, 0], sizes = [1, 4], strides = [1, 1]} : vector<2x4xf32> to vector<1x4xf32>
    %mul3A = vector.broadcast %slice3A : vector<2048x1xf32> to vector<2048x4xf32>
    %mul3A_10 = vector.broadcast %slice3A_9 : vector<1x4xf32> to vector<2048x4xf32>
    %mul3A_11 = arith.mulf %mul3A, %mul3A_10 : vector<2048x4xf32>
    %slice3A_12 = vector.extract_strided_slice %get3A_4 {offsets = [1, 0], sizes = [1, 4], strides = [1, 1]} : vector<2x4xf32> to vector<1x4xf32>
    %mul3A_13 = vector.broadcast %slice3A_8 : vector<2048x1xf32> to vector<2048x4xf32>
    %mul3A_14 = vector.broadcast %slice3A_12 : vector<1x4xf32> to vector<2048x4xf32>
    %mul3A_15 = arith.mulf %mul3A_13, %mul3A_14 : vector<2048x4xf32>
    %add3A = arith.addf %mul3A_11, %mul3A_15 : vector<2048x4xf32>
    %slice3A_16 = vector.extract_strided_slice %get3A_7 {offsets = [0, 0], sizes = [1, 4], strides = [1, 1]} : vector<2x4xf32> to vector<1x4xf32>
    %mul3A_17 = vector.broadcast %slice3A : vector<2048x1xf32> to vector<2048x4xf32>
    %mul3A_18 = vector.broadcast %slice3A_16 : vector<1x4xf32> to vector<2048x4xf32>
    %mul3A_19 = arith.mulf %mul3A_17, %mul3A_18 : vector<2048x4xf32>
    %slice3A_20 = vector.extract_strided_slice %get3A_7 {offsets = [1, 0], sizes = [1, 4], strides = [1, 1]} : vector<2x4xf32> to vector<1x4xf32>
    %mul3A_21 = vector.broadcast %slice3A_8 : vector<2048x1xf32> to vector<2048x4xf32>
    %mul3A_22 = vector.broadcast %slice3A_20 : vector<1x4xf32> to vector<2048x4xf32>
    %mul3A_23 = arith.mulf %mul3A_21, %mul3A_22 : vector<2048x4xf32>
    %add3A_24 = arith.addf %mul3A_19, %mul3A_23 : vector<2048x4xf32>
    %exp3A = math.exp %add3A : vector<2048x4xf32>
    %mul3A_25 = arith.constant 2.000000e-01 : f32
    %mul3A_26 = vector.broadcast %mul3A_25 : f32 to vector<2048x4xf32>
    %mul3A_27 = arith.mulf %mul3A_26, %add3A : vector<2048x4xf32>
    %exp3A_28 = math.exp %mul3A_27 : vector<2048x4xf32>
    %exp3A_29 = math.exp %add3A_24 : vector<2048x4xf32>
    %mul3A_30 = arith.constant 2.000000e-01 : f32
    %mul3A_31 = vector.broadcast %mul3A_30 : f32 to vector<2048x4xf32>
    %mul3A_32 = arith.mulf %mul3A_31, %add3A_24 : vector<2048x4xf32>
    %exp3A_33 = math.exp %mul3A_32 : vector<2048x4xf32>
    %broadcast_in_dim3A = arith.constant 0.000000e+00 : f32
    %broadcast_in_dim3A_34 = vector.broadcast %broadcast_in_dim3A : f32 to vector<2048x6xf32>
    %concatenate3A = tpu.concatenate %exp3A, %exp3A_28, %get3A_1, %broadcast_in_dim3A_34 in 1 : vector<2048x4xf32>, vector<2048x4xf32>, vector<2048x2xf32>, vector<2048x6xf32> -> vector<2048x16xf32>
    %swap3A = arith.constant 0 : index
    %swap3A_35 = arith.constant 0 : index
    %swap3A_36 = vector.load %arg4[%swap3A, %swap3A_35] : memref<2048x16xf32, #tpu.memory_space<vmem>>, vector<2048x16xf32>
    tpu.vector_store %arg4[%swap3A, %swap3A_35], %concatenate3A {strides = array<i32>} : memref<2048x16xf32, #tpu.memory_space<vmem>>, vector<2048x16xf32>,
    %concatenate3A_37 = tpu.concatenate %exp3A_29, %exp3A_33 in 1 : vector<2048x4xf32>, vector<2048x4xf32> -> vector<2048x8xf32>
    %swap3A_38 = arith.constant 0 : index
    %swap3A_39 = arith.constant 0 : index
    %swap3A_40 = vector.load %arg5[%swap3A_38, %swap3A_39] : memref<2048x8xf32, #tpu.memory_space<vmem>>, vector<2048x8xf32>
    tpu.vector_store %arg5[%swap3A_38, %swap3A_39], %concatenate3A_37 {strides = array<i32>} : memref<2048x8xf32, #tpu.memory_space<vmem>>, vector<2048x8xf32>,
    %add3A_41 = arith.addf %add3A, %add3A_24 : vector<2048x4xf32>
    %mul3A_42 = arith.constant 2.000000e-01 : f32
    %mul3A_43 = vector.broadcast %mul3A_42 : f32 to vector<2048x4xf32>
    %mul3A_44 = arith.mulf %mul3A_43, %add3A_41 : vector<2048x4xf32>
    %max3A = arith.maximumf %add3A_41, %mul3A_44 : vector<2048x4xf32>
    %exp3A_45 = math.exp %max3A : vector<2048x4xf32>
    %broadcast_in_dim3A_46 = arith.constant 0.000000e+00 : f32
    %broadcast_in_dim3A_47 = vector.broadcast %broadcast_in_dim3A_46 : f32 to vector<2048x4xf32>
    %mul3A_48 = vector.broadcast %slice3A : vector<2048x1xf32> to vector<2048x4xf32>
    %mul3A_49 = arith.mulf %exp3A_45, %mul3A_48 : vector<2048x4xf32>
    %mul3A_50 = vector.broadcast %slice3A_8 : vector<2048x1xf32> to vector<2048x4xf32>
    %mul3A_51 = arith.mulf %exp3A_45, %mul3A_50 : vector<2048x4xf32>
    %concatenate3A_52 = tpu.concatenate %mul3A_49, %mul3A_51, %exp3A_45, %broadcast_in_dim3A_47 in 1 : vector<2048x4xf32>, vector<2048x4xf32>, vector<2048x4xf32>, vector<2048x4xf32> -> vector<2048x16xf32>
    %swap3A_53 = arith.constant 0 : index
    %swap3A_54 = arith.constant 0 : index
    %swap3A_55 = vector.load %arg6[%swap3A_53, %swap3A_54] : memref<2048x16xf32, #tpu.memory_space<vmem>>, vector<2048x16xf32>
    tpu.vector_store %arg6[%swap3A_53, %swap3A_54], %concatenate3A_52 {strides = array<i32>} : memref<2048x16xf32, #tpu.memory_space<vmem>>, vector<2048x16xf32>,
    return
  }
  func.func @transform_0(%arg0: i32) -> (i32, i32) {
    %c0_i32 = arith.constant 0 : i32
    %c0_i32_0 = arith.constant 0 : i32
    return %arg0, %c0_i32 : i32, i32
  }
  func.func @transform_1(%arg0: i32) -> (i32, i32) {
    %c0_i32 = arith.constant 0 : i32
    %c0_i32_0 = arith.constant 0 : i32
    %c0_i32_1 = arith.constant 0 : i32
    return %c0_i32, %c0_i32_0 : i32, i32
  }
  func.func @transform_2(%arg0: i32) -> (i32, i32) {
    %c0_i32 = arith.constant 0 : i32
    %c0_i32_0 = arith.constant 0 : i32
    %c0_i32_1 = arith.constant 0 : i32
    return %c0_i32, %c0_i32_0 : i32, i32
  }
  func.func @transform_3(%arg0: i32) -> (i32, i32) {
    %c0_i32 = arith.constant 0 : i32
    %c0_i32_0 = arith.constant 0 : i32
    return %arg0, %c0_i32 : i32, i32
  }
  func.func @transform_4(%arg0: i32) -> (i32, i32) {
    %c0_i32 = arith.constant 0 : i32
    %c0_i32_0 = arith.constant 0 : i32
    return %arg0, %c0_i32 : i32, i32
  }
  func.func @transform_5(%arg0: i32) -> (i32, i32) {
    %c0_i32 = arith.constant 0 : i32
    %c0_i32_0 = arith.constant 0 : i32
    return %arg0, %c0_i32 : i32, i32
  }
}

module attributes {stable_mosaic.version = 14 : i64} {
  func.func @_mid_body(%arg0: i32, %arg1: memref<2048x16xf32, #tpu.memory_space<vmem>>, %arg2: memref<2048x16xf32, #tpu.memory_space<vmem>>, %arg3: memref<8x64xf32, #tpu.memory_space<vmem>>, %arg4: memref<1x64xf32, #tpu.memory_space<vmem>>, %arg5: memref<64x16xf32, #tpu.memory_space<vmem>>, %arg6: memref<1x16xf32, #tpu.memory_space<vmem>>, %arg7: memref<1x16xf32, #tpu.memory_space<vmem>>, %arg8: memref<2048x16xf32, #tpu.memory_space<vmem>>, %arg9: memref<2048x8xf32, #tpu.memory_space<vmem>>, %arg10: memref<2048x16xf32, #tpu.memory_space<vmem>>, %arg11: memref<2048x8xf32, #tpu.memory_space<vmem>>) attributes {dimension_semantics = [#tpu.dimension_semantics<arbitrary>], iteration_bounds = array<i64: 49>, scalar_prefetch = 0 : i64, scratch_operands = 0 : i64, tpu.core_type = #tpu.core_type<tc>, window_params = [{transform_indices = @transform_0, window_bounds = array<i64: 2048, 16>}, {transform_indices = @transform_1, window_bounds = array<i64: 2048, 16>}, {pipeline_mode = #tpu.pipeline_mode<synchronous>, transform_indices = @transform_2, window_bounds = array<i64: 8, 64>}, {pipeline_mode = #tpu.pipeline_mode<synchronous>, transform_indices = @transform_3, window_bounds = array<i64: 1, 64>}, {pipeline_mode = #tpu.pipeline_mode<synchronous>, transform_indices = @transform_4, window_bounds = array<i64: 64, 16>}, {pipeline_mode = #tpu.pipeline_mode<synchronous>, transform_indices = @transform_5, window_bounds = array<i64: 1, 16>}, {pipeline_mode = #tpu.pipeline_mode<synchronous>, transform_indices = @transform_6, window_bounds = array<i64: 1, 16>}, {transform_indices = @transform_7, window_bounds = array<i64: 2048, 16>}, {transform_indices = @transform_8, window_bounds = array<i64: 2048, 8>}, {transform_indices = @transform_9, window_bounds = array<i64: 2048, 16>}, {transform_indices = @transform_10, window_bounds = array<i64: 2048, 8>}]} {
    %get3A = arith.constant 0 : index
    %get3A_0 = arith.constant 0 : index
    %get3A_1 = vector.load %arg1[%get3A, %get3A_0] : memref<2048x16xf32, #tpu.memory_space<vmem>>, vector<2048x16xf32>
    %get3A_2 = arith.constant 0 : index
    %get3A_3 = arith.constant 0 : index
    %get3A_4 = vector.load %arg2[%get3A_2, %get3A_3] : memref<2048x16xf32, #tpu.memory_space<vmem>>, vector<2048x16xf32>
    %add3A = arith.addf %get3A_1, %get3A_4 : vector<2048x16xf32>
    %slice3A = vector.extract_strided_slice %add3A {offsets = [0, 8], sizes = [2048, 4], strides = [1, 1]} : vector<2048x16xf32> to vector<2048x4xf32>
    %add3A_5 = arith.constant 1.000000e-16 : f32
    %add3A_6 = vector.broadcast %add3A_5 : f32 to vector<2048x4xf32>
    %add3A_7 = arith.addf %slice3A, %add3A_6 : vector<2048x4xf32>
    %slice3A_8 = vector.extract_strided_slice %add3A {offsets = [0, 0], sizes = [2048, 4], strides = [1, 1]} : vector<2048x16xf32> to vector<2048x4xf32>
    %div3A = arith.divf %slice3A_8, %add3A_7 : vector<2048x4xf32>
    %slice3A_9 = vector.extract_strided_slice %add3A {offsets = [0, 4], sizes = [2048, 4], strides = [1, 1]} : vector<2048x16xf32> to vector<2048x4xf32>
    %div3A_10 = arith.divf %slice3A_9, %add3A_7 : vector<2048x4xf32>
    %concatenate3A = tpu.concatenate %div3A, %div3A_10 in 1 : vector<2048x4xf32>, vector<2048x4xf32> -> vector<2048x8xf32>
    %get3A_11 = arith.constant 0 : index
    %get3A_12 = arith.constant 0 : index
    %get3A_13 = vector.load %arg3[%get3A_11, %get3A_12] : memref<8x64xf32, #tpu.memory_space<vmem>>, vector<8x64xf32>
    %dot_general3A = arith.constant dense<0.000000e+00> : vector<2048x64xf32>
    %dot_general3A_14 = tpu.matmul %concatenate3A, %get3A_13, %dot_general3A {dimension_numbers = #tpu.dot_dimension_numbers<[1], [0], [0], [1], [0, 0, 1, 1], [], []>, precision = #tpu.contract_precision<fp32>, transpose_lhs_hint = false} : vector<2048x8xf32>, vector<8x64xf32>, vector<2048x64xf32> -> vector<2048x64xf32>
    %get3A_15 = arith.constant 0 : index
    %get3A_16 = arith.constant 0 : index
    %get3A_17 = vector.load %arg4[%get3A_15, %get3A_16] : memref<1x64xf32, #tpu.memory_space<vmem>>, vector<1x64xf32>
    %add3A_18 = vector.broadcast %get3A_17 : vector<1x64xf32> to vector<2048x64xf32>
    %add3A_19 = arith.addf %dot_general3A_14, %add3A_18 : vector<2048x64xf32>
    %max3A = arith.constant 0.000000e+00 : f32
    %max3A_20 = vector.broadcast %max3A : f32 to vector<2048x64xf32>
    %max3A_21 = arith.maximumf %add3A_19, %max3A_20 : vector<2048x64xf32>
    %get3A_22 = arith.constant 0 : index
    %get3A_23 = arith.constant 0 : index
    %get3A_24 = vector.load %arg5[%get3A_22, %get3A_23] : memref<64x16xf32, #tpu.memory_space<vmem>>, vector<64x16xf32>
    %dot_general3A_25 = arith.constant dense<0.000000e+00> : vector<2048x16xf32>
    %dot_general3A_26 = tpu.matmul %max3A_21, %get3A_24, %dot_general3A_25 {dimension_numbers = #tpu.dot_dimension_numbers<[1], [0], [0], [1], [0, 0, 1, 1], [], []>, precision = #tpu.contract_precision<fp32>, transpose_lhs_hint = false} : vector<2048x64xf32>, vector<64x16xf32>, vector<2048x16xf32> -> vector<2048x16xf32>
    %swap3A = arith.constant 0 : index
    %swap3A_27 = arith.constant 0 : index
    %swap3A_28 = vector.load %arg8[%swap3A, %swap3A_27] : memref<2048x16xf32, #tpu.memory_space<vmem>>, vector<2048x16xf32>
    tpu.vector_store %arg8[%swap3A, %swap3A_27], %dot_general3A_26 {strides = array<i32>} : memref<2048x16xf32, #tpu.memory_space<vmem>>, vector<2048x16xf32>,
    %get3A_29 = arith.constant 0 : index
    %get3A_30 = arith.constant 0 : index
    %get3A_31 = vector.load %arg6[%get3A_29, %get3A_30] : memref<1x16xf32, #tpu.memory_space<vmem>>, vector<1x16xf32>
    %mul3A = vector.broadcast %get3A_31 : vector<1x16xf32> to vector<2048x16xf32>
    %mul3A_32 = arith.mulf %dot_general3A_26, %mul3A : vector<2048x16xf32>
    %reduce_sum3A = arith.constant dense<0.000000e+00> : vector<2048xf32>
    %reduce_sum3A_33 = vector.multi_reduction <add>, %mul3A_32, %reduce_sum3A [1] : vector<2048x16xf32> to vector<2048xf32>
    %broadcast_in_dim3A = vector.shape_cast %reduce_sum3A_33 : vector<2048xf32> to vector<2048x1xf32>
    %get3A_34 = arith.constant 0 : index
    %get3A_35 = arith.constant 0 : index
    %get3A_36 = vector.load %arg7[%get3A_34, %get3A_35] : memref<1x16xf32, #tpu.memory_space<vmem>>, vector<1x16xf32>
    %mul3A_37 = vector.broadcast %get3A_36 : vector<1x16xf32> to vector<2048x16xf32>
    %mul3A_38 = arith.mulf %dot_general3A_26, %mul3A_37 : vector<2048x16xf32>
    %reduce_sum3A_39 = arith.constant dense<0.000000e+00> : vector<2048xf32>
    %reduce_sum3A_40 = vector.multi_reduction <add>, %mul3A_38, %reduce_sum3A_39 [1] : vector<2048x16xf32> to vector<2048xf32>
    %broadcast_in_dim3A_41 = vector.shape_cast %reduce_sum3A_40 : vector<2048xf32> to vector<2048x1xf32>
    %broadcast_in_dim3A_42 = arith.constant 0.000000e+00 : f32
    %broadcast_in_dim3A_43 = vector.broadcast %broadcast_in_dim3A_42 : f32 to vector<2048x4xf32>
    %exp3A = math.exp %broadcast_in_dim3A : vector<2048x1xf32>
    %mul3A_44 = arith.constant 2.000000e-01 : f32
    %mul3A_45 = vector.broadcast %mul3A_44 : f32 to vector<2048x1xf32>
    %mul3A_46 = arith.mulf %mul3A_45, %broadcast_in_dim3A : vector<2048x1xf32>
    %exp3A_47 = math.exp %mul3A_46 : vector<2048x1xf32>
    %exp3A_48 = math.exp %broadcast_in_dim3A_41 : vector<2048x1xf32>
    %mul3A_49 = arith.constant 2.000000e-01 : f32
    %mul3A_50 = vector.broadcast %mul3A_49 : f32 to vector<2048x1xf32>
    %mul3A_51 = arith.mulf %mul3A_50, %broadcast_in_dim3A_41 : vector<2048x1xf32>
    %exp3A_52 = math.exp %mul3A_51 : vector<2048x1xf32>
    %concatenate3A_53 = tpu.concatenate %exp3A, %exp3A_47, %exp3A_48, %exp3A_52, %broadcast_in_dim3A_43 in 1 : vector<2048x1xf32>, vector<2048x1xf32>, vector<2048x1xf32>, vector<2048x1xf32>, vector<2048x4xf32> -> vector<2048x8xf32>
    %swap3A_54 = arith.constant 0 : index
    %swap3A_55 = arith.constant 0 : index
    %swap3A_56 = vector.load %arg9[%swap3A_54, %swap3A_55] : memref<2048x8xf32, #tpu.memory_space<vmem>>, vector<2048x8xf32>
    tpu.vector_store %arg9[%swap3A_54, %swap3A_55], %concatenate3A_53 {strides = array<i32>} : memref<2048x8xf32, #tpu.memory_space<vmem>>, vector<2048x8xf32>,
    %add3A_57 = arith.addf %broadcast_in_dim3A, %broadcast_in_dim3A_41 : vector<2048x1xf32>
    %mul3A_58 = arith.constant 2.000000e-01 : f32
    %mul3A_59 = vector.broadcast %mul3A_58 : f32 to vector<2048x1xf32>
    %mul3A_60 = arith.mulf %mul3A_59, %add3A_57 : vector<2048x1xf32>
    %max3A_61 = arith.maximumf %add3A_57, %mul3A_60 : vector<2048x1xf32>
    %exp3A_62 = math.exp %max3A_61 : vector<2048x1xf32>
    %mul3A_63 = vector.broadcast %exp3A_62 : vector<2048x1xf32> to vector<2048x16xf32>
    %mul3A_64 = arith.mulf %dot_general3A_26, %mul3A_63 : vector<2048x16xf32>
    %swap3A_65 = arith.constant 0 : index
    %swap3A_66 = arith.constant 0 : index
    %swap3A_67 = vector.load %arg10[%swap3A_65, %swap3A_66] : memref<2048x16xf32, #tpu.memory_space<vmem>>, vector<2048x16xf32>
    tpu.vector_store %arg10[%swap3A_65, %swap3A_66], %mul3A_64 {strides = array<i32>} : memref<2048x16xf32, #tpu.memory_space<vmem>>, vector<2048x16xf32>,
    %broadcast_in_dim3A_68 = arith.constant 0.000000e+00 : f32
    %broadcast_in_dim3A_69 = vector.broadcast %broadcast_in_dim3A_68 : f32 to vector<2048x7xf32>
    %concatenate3A_70 = tpu.concatenate %exp3A_62, %broadcast_in_dim3A_69 in 1 : vector<2048x1xf32>, vector<2048x7xf32> -> vector<2048x8xf32>
    %swap3A_71 = arith.constant 0 : index
    %swap3A_72 = arith.constant 0 : index
    %swap3A_73 = vector.load %arg11[%swap3A_71, %swap3A_72] : memref<2048x8xf32, #tpu.memory_space<vmem>>, vector<2048x8xf32>
    tpu.vector_store %arg11[%swap3A_71, %swap3A_72], %concatenate3A_70 {strides = array<i32>} : memref<2048x8xf32, #tpu.memory_space<vmem>>, vector<2048x8xf32>,
    return
  }
  func.func @transform_0(%arg0: i32) -> (i32, i32) {
    %c0_i32 = arith.constant 0 : i32
    %c0_i32_0 = arith.constant 0 : i32
    return %arg0, %c0_i32 : i32, i32
  }
  func.func @transform_1(%arg0: i32) -> (i32, i32) {
    %c0_i32 = arith.constant 0 : i32
    %c0_i32_0 = arith.constant 0 : i32
    return %arg0, %c0_i32 : i32, i32
  }
  func.func @transform_2(%arg0: i32) -> (i32, i32) {
    %c0_i32 = arith.constant 0 : i32
    %c0_i32_0 = arith.constant 0 : i32
    %c0_i32_1 = arith.constant 0 : i32
    return %c0_i32, %c0_i32_0 : i32, i32
  }
  func.func @transform_3(%arg0: i32) -> (i32, i32) {
    %c0_i32 = arith.constant 0 : i32
    %c0_i32_0 = arith.constant 0 : i32
    %c0_i32_1 = arith.constant 0 : i32
    return %c0_i32, %c0_i32_0 : i32, i32
  }
  func.func @transform_4(%arg0: i32) -> (i32, i32) {
    %c0_i32 = arith.constant 0 : i32
    %c0_i32_0 = arith.constant 0 : i32
    %c0_i32_1 = arith.constant 0 : i32
    return %c0_i32, %c0_i32_0 : i32, i32
  }
  func.func @transform_5(%arg0: i32) -> (i32, i32) {
    %c0_i32 = arith.constant 0 : i32
    %c0_i32_0 = arith.constant 0 : i32
    %c0_i32_1 = arith.constant 0 : i32
    return %c0_i32, %c0_i32_0 : i32, i32
  }
  func.func @transform_6(%arg0: i32) -> (i32, i32) {
    %c0_i32 = arith.constant 0 : i32
    %c0_i32_0 = arith.constant 0 : i32
    %c0_i32_1 = arith.constant 0 : i32
    return %c0_i32, %c0_i32_0 : i32, i32
  }
  func.func @transform_7(%arg0: i32) -> (i32, i32) {
    %c0_i32 = arith.constant 0 : i32
    %c0_i32_0 = arith.constant 0 : i32
    return %arg0, %c0_i32 : i32, i32
  }
  func.func @transform_8(%arg0: i32) -> (i32, i32) {
    %c0_i32 = arith.constant 0 : i32
    %c0_i32_0 = arith.constant 0 : i32
    return %arg0, %c0_i32 : i32, i32
  }
  func.func @transform_9(%arg0: i32) -> (i32, i32) {
    %c0_i32 = arith.constant 0 : i32
    %c0_i32_0 = arith.constant 0 : i32
    return %arg0, %c0_i32 : i32, i32
  }
  func.func @transform_10(%arg0: i32) -> (i32, i32) {
    %c0_i32 = arith.constant 0 : i32
    %c0_i32_0 = arith.constant 0 : i32
    return %arg0, %c0_i32 : i32, i32
  }
}

module attributes {stable_mosaic.version = 14 : i64} {
  func.func @_fin_body(%arg0: i32, %arg1: memref<2048x16xf32, #tpu.memory_space<vmem>>, %arg2: memref<2048x8xf32, #tpu.memory_space<vmem>>, %arg3: memref<1x16xf32, #tpu.memory_space<vmem>>, %arg4: memref<16x1xf32, #tpu.memory_space<vmem>>, %arg5: memref<1x1xf32, #tpu.memory_space<vmem>>, %arg6: memref<2048x1xf32, #tpu.memory_space<vmem>>) attributes {dimension_semantics = [#tpu.dimension_semantics<arbitrary>], iteration_bounds = array<i64: 49>, scalar_prefetch = 0 : i64, scratch_operands = 0 : i64, tpu.core_type = #tpu.core_type<tc>, window_params = [{transform_indices = @transform_0, window_bounds = array<i64: 2048, 16>}, {transform_indices = @transform_1, window_bounds = array<i64: 2048, 8>}, {pipeline_mode = #tpu.pipeline_mode<synchronous>, transform_indices = @transform_2, window_bounds = array<i64: 1, 16>}, {pipeline_mode = #tpu.pipeline_mode<synchronous>, transform_indices = @transform_3, window_bounds = array<i64: 16, 1>}, {pipeline_mode = #tpu.pipeline_mode<synchronous>, transform_indices = @transform_4, window_bounds = array<i64: 1, 1>}, {transform_indices = @transform_5, window_bounds = array<i64: 2048, 1>}]} {
    %get3A = arith.constant 0 : index
    %get3A_0 = arith.constant 0 : index
    %get3A_1 = vector.load %arg1[%get3A, %get3A_0] : memref<2048x16xf32, #tpu.memory_space<vmem>>, vector<2048x16xf32>
    %get3A_2 = arith.constant 0 : index
    %get3A_3 = arith.constant 0 : index
    %get3A_4 = vector.load %arg2[%get3A_2, %get3A_3] : memref<2048x8xf32, #tpu.memory_space<vmem>>, vector<2048x8xf32>
    %slice3A = vector.extract_strided_slice %get3A_4 {offsets = [0, 0], sizes = [2048, 1], strides = [1, 1]} : vector<2048x8xf32> to vector<2048x1xf32>
    %add3A = arith.constant 1.000000e-16 : f32
    %add3A_5 = vector.broadcast %add3A : f32 to vector<2048x1xf32>
    %add3A_6 = arith.addf %slice3A, %add3A_5 : vector<2048x1xf32>
    %div3A = vector.broadcast %add3A_6 : vector<2048x1xf32> to vector<2048x16xf32>
    %div3A_7 = arith.divf %get3A_1, %div3A : vector<2048x16xf32>
    %get3A_8 = arith.constant 0 : index
    %get3A_9 = arith.constant 0 : index
    %get3A_10 = vector.load %arg3[%get3A_8, %get3A_9] : memref<1x16xf32, #tpu.memory_space<vmem>>, vector<1x16xf32>
    %add3A_11 = vector.broadcast %get3A_10 : vector<1x16xf32> to vector<2048x16xf32>
    %add3A_12 = arith.addf %div3A_7, %add3A_11 : vector<2048x16xf32>
    %max3A = arith.constant 0.000000e+00 : f32
    %max3A_13 = vector.broadcast %max3A : f32 to vector<2048x16xf32>
    %max3A_14 = arith.maximumf %add3A_12, %max3A_13 : vector<2048x16xf32>
    %get3A_15 = arith.constant 0 : index
    %get3A_16 = arith.constant 0 : index
    %get3A_17 = vector.load %arg4[%get3A_15, %get3A_16] : memref<16x1xf32, #tpu.memory_space<vmem>>, vector<16x1xf32>
    %dot_general3A = arith.constant dense<0.000000e+00> : vector<2048x1xf32>
    %dot_general3A_18 = tpu.matmul %max3A_14, %get3A_17, %dot_general3A {dimension_numbers = #tpu.dot_dimension_numbers<[1], [0], [0], [1], [0, 0, 1, 1], [], []>, precision = #tpu.contract_precision<fp32>, transpose_lhs_hint = false} : vector<2048x16xf32>, vector<16x1xf32>, vector<2048x1xf32> -> vector<2048x1xf32>
    %get3A_19 = arith.constant 0 : index
    %get3A_20 = arith.constant 0 : index
    %get3A_21 = vector.load %arg5[%get3A_19, %get3A_20] : memref<1x1xf32, #tpu.memory_space<vmem>>, vector<1x1xf32>
    %add3A_22 = vector.broadcast %get3A_21 : vector<1x1xf32> to vector<2048x1xf32>
    %add3A_23 = arith.addf %dot_general3A_18, %add3A_22 : vector<2048x1xf32>
    %swap3A = arith.constant 0 : index
    %swap3A_24 = arith.constant 0 : index
    %swap3A_25 = vector.load %arg6[%swap3A, %swap3A_24] : memref<2048x1xf32, #tpu.memory_space<vmem>>, vector<2048x1xf32>
    tpu.vector_store %arg6[%swap3A, %swap3A_24], %add3A_23 {strides = array<i32>} : memref<2048x1xf32, #tpu.memory_space<vmem>>, vector<2048x1xf32>,
    return
  }
  func.func @transform_0(%arg0: i32) -> (i32, i32) {
    %c0_i32 = arith.constant 0 : i32
    %c0_i32_0 = arith.constant 0 : i32
    return %arg0, %c0_i32 : i32, i32
  }
  func.func @transform_1(%arg0: i32) -> (i32, i32) {
    %c0_i32 = arith.constant 0 : i32
    %c0_i32_0 = arith.constant 0 : i32
    return %arg0, %c0_i32 : i32, i32
  }
  func.func @transform_2(%arg0: i32) -> (i32, i32) {
    %c0_i32 = arith.constant 0 : i32
    %c0_i32_0 = arith.constant 0 : i32
    %c0_i32_1 = arith.constant 0 : i32
    return %c0_i32, %c0_i32_0 : i32, i32
  }
  func.func @transform_3(%arg0: i32) -> (i32, i32) {
    %c0_i32 = arith.constant 0 : i32
    %c0_i32_0 = arith.constant 0 : i32
    %c0_i32_1 = arith.constant 0 : i32
    return %c0_i32, %c0_i32_0 : i32, i32
  }
  func.func @transform_4(%arg0: i32) -> (i32, i32) {
    %c0_i32 = arith.constant 0 : i32
    %c0_i32_0 = arith.constant 0 : i32
    %c0_i32_1 = arith.constant 0 : i32
    return %c0_i32, %c0_i32_0 : i32, i32
  }
  func.func @transform_5(%arg0: i32) -> (i32, i32) {
    %c0_i32 = arith.constant 0 : i32
    %c0_i32_0 = arith.constant 0 : i32
    return %arg0, %c0_i32 : i32, i32
  }
}

</mosaic_0001>

<sc_bundles>
// kernel: kernel.10.cloned.1.call-start
scs
__scs_entry_jumppad:
0x0: {  	(pc) =	sbr.rel $0x88, $3  }
0x1: {  	(tag) =	ssettag $0x0;
	lr =	simm.s32 $0x1  }
0x2: {  	[smem:$0x3F95] =	sst lr;
	_ =	strace $0xD0000000  }
0x3: {  	_ = 	snop  }
0x4: {  	_ = 	snop  }
0x5: {  	_ = 	snop  }
0x6: {  	_ = 	snop  }
0x7: {  	_ = 	snop  }
__scs_overlays_trampoline_lowered:
0x8: {  	[smem:$0x3FA4] =	sst s0  }
0x9: {  	[smem:$0x3FA5] =	sst s1  }
0xa: {  	[smem:$0x3FA6] =	sst s2  }
0xb: {  	[smem:$0x3FA7] =	sst s3  }
0xc: {  	[smem:$0x3FA8] =	sst s4  }
0xd: {  	[smem:$0x3FA9] =	sst s5  }
0xe: {  	[smem:$0x3FAA] =	sst s6  }
0xf: {  	[smem:$0x3FAB] =	sst s7  }
0x10: {  	[smem:$0x3FAC] =	sst s8  }
0x11: {  	[smem:$0x3FAD] =	sst s9;
	s0 =	simm.s32 @!p0 $0x0  }
0x12: {  	s1 =	sld [smem:$0x3F93];
	s0 =	simm.s32 @p0 $0x1  }
0x13: {  	[smem:$0x3FAE] =	sst s0;
	s0 =	simm.s32 @!p1 $0x0  }
0x14: {  	s2 =	sld [smem:$0x3F92];
	s0 =	simm.s32 @p1 $0x1  }
0x15: {  	[smem:$0x3FAF] =	sst s0;
	s0 =	simm.s32 @!p2 $0x0  }
0x16: {  	s3 =	sld [smem:$0x3FDB];
	s0 =	simm.s32 @p2 $0x1  }
0x17: {  	s4 =	simm.s32 $0x1BF5;
	[smem:$0x3FB1] =	sst s0  }
0x18: {  	s0 =	sld [smem:$0x3F94];
	_ =	swait.ge [sflag:s4], $0x0  }
0x19: {  	s7 =	sld [smem:$0x3F95]  }
0x1a: {  	s8 =	sadd.s32 $0xFFFFE003, lr  }
0x1b: {  	s9 =	sadd.s32 $0xFFFFFEF7, lr;
	s5 =	simm.s32 $0xFFFFFFFF;
	p2 =	slt.u32 s8, $0xFFFFF086  }
0x1c: {  	p1 =	slt.u32 s9, $0xF7A;
	s5 =	simm.s32 @!p2 $0x0  }
0x1d: {  	s5 =	simm.s32 @p1 $0x1;
	p0 =	seq.s32 s7, s2  }
0x1e: {  	s7 =	smul.u32 @!p0 $0xF7A, s2;
	p2 =	seq.s32 @!p0 s5, $0x0  }
0x1f: {  	s9 =	smul.u32 $0xF7A, s1;
	s8 =	simm.s32 @!p0 $0x1BF5;
	p2 =	por !p2, p0  }
0x20: {  	[sflag:s8] =	ssyncset.s32 @!p0 $0xFFFFF086;
	s6 =	sadd.s32 @!p0 s3, s7;
	s7 =	simm.s32 @!p0 $0x108  }
0x21: {  	s3 =	sadd.s32 s3, s9;
	s6 =	sadd.s32 @!p0 $0x88, s6;
	s7 =	simm.s32 @p2 $0x1082  }
0x22: {  	[simem:s7], [sflag:s8] =	dma.local @!p0 [hbm:s6], $0xF7A  }
0x23: {  	s9 =	sor.u32 $0xD0000000, s2;
	s6 =	simm.s32 $0x108;
	_ =	swait.ge @!p0 [sflag:s8], $0x0  }
0x24: {  	s3 =	sadd.s32 $0x88, s3;
	s6 =	simm.s32 @!p1 $0x1082;
	[sflag:s4] =	ssyncset.s32 $0xFFFFF086  }
0x25: {  	[simem:s6], [sflag:s4] =	dma.local [hbm:s3], $0xF7A  }
0x26: {  	[smem:$0x3F95] =	sst s1;
	(tag) =	ssettag s2;
	_ =	strace s9  }
0x27: {  	s1 =	sld [smem:$0x3FA5]  }
0x28: {  	s2 =	sld [smem:$0x3FA6]  }
0x29: {  	s4 =	sld [smem:$0x3FA8]  }
0x2a: {  	p0 =	seq.s32 s5, $0x0;
	s5 =	sld [smem:$0x3FA9]  }
0x2b: {  	s6 =	sld [smem:$0x3FAA]  }
0x2c: {  	s7 =	sld [smem:$0x3FAB]  }
0x2d: {  	s3 =	simm.s32 $0x108;
	s8 =	sld [smem:$0x3FAC]  }
0x2e: {  	s3 =	simm.s32 @!p0 $0x1082;
	s9 =	sld [smem:$0x3FAD]  }
0x2f: {  	lr =	sadd.s32 s0, s3;
	s0 =	sld [smem:$0x3FA4]  }
0x30: {  	s3 =	sld [smem:$0x3FA7]  }
0x31: {  	[smem:$0x3FB0] =	sst s10  }
0x32: {  	s10 =	sld [smem:$0x3FAE];
	_ =	sdelay $0x3  }
0x33: {  	p0 =	seq.s32 s10, $0x1;
	s10 =	sld [smem:$0x3FB0];
	_ =	sdelay $0x3  }
0x34: {  	[smem:$0x3FB0] =	sst s10  }
0x35: {  	s10 =	sld [smem:$0x3FAF];
	_ =	sdelay $0x3  }
0x36: {  	p1 =	seq.s32 s10, $0x1;
	s10 =	sld [smem:$0x3FB0];
	_ =	sdelay $0x3  }
0x37: {  	[smem:$0x3FB0] =	sst s10  }
0x38: {  	s10 =	sld [smem:$0x3FB1]  }
0x39: {  	_ = 	snop;
	(pc) =	sbr.ind lr, $3  }
0x3a: {  	_ = 	snop  }
0x3b: {  	_ = 	snop  }
0x3c: {  	p2 =	seq.s32 s10, $0x1;
	s10 =	sld [smem:$0x3FB0]  }
0x3d: {  	_ =	shalt  }
0x3e: {  	_ =	shalt  }
0x3f: {  	_ =	shalt  }
0x40: {  	_ =	shalt  }
0x41: {  	_ =	shalt  }
0x42: {  	_ =	shalt  }
0x43: {  	_ =	shalt  }
0x44: {  	_ =	shalt  }
0x45: {  	_ =	shalt  }
0x46: {  	_ =	shalt  }
0x47: {  	_ =	shalt  }
0x48: {  	_ =	shalt  }
0x49: {  	_ =	shalt  }
0x4a: {  	_ =	shalt  }
0x4b: {  	_ =	shalt  }
0x4c: {  	_ =	shalt  }
0x4d: {  	_ =	shalt  }
0x4e: {  	_ =	shalt  }
0x4f: {  	_ =	shalt  }
0x50: {  	_ =	shalt  }
0x51: {  	_ =	shalt  }
0x52: {  	_ =	shalt  }
0x53: {  	_ =	shalt  }
0x54: {  	_ =	shalt  }
0x55: {  	_ =	shalt  }
0x56: {  	_ =	shalt  }
0x57: {  	_ =	shalt  }
0x58: {  	_ =	shalt  }
0x59: {  	_ =	shalt  }
0x5a: {  	_ =	shalt  }
0x5b: {  	_ =	shalt  }
0x5c: {  	_ =	shalt  }
0x5d: {  	_ =	shalt  }
0x5e: {  	_ =	shalt  }
0x5f: {  	_ =	shalt  }
0x60: {  	_ =	shalt  }
0x61: {  	_ =	shalt  }
0x62: {  	_ =	shalt  }
0x63: {  	_ =	shalt  }
0x64: {  	_ =	shalt  }
0x65: {  	_ =	shalt  }
0x66: {  	_ =	shalt  }
0x67: {  	_ =	shalt  }
0x68: {  	_ =	shalt  }
0x69: {  	_ =	shalt  }
0x6a: {  	_ =	shalt  }
0x6b: {  	_ =	shalt  }
0x6c: {  	_ =	shalt  }
0x6d: {  	_ =	shalt  }
0x6e: {  	_ =	shalt  }
0x6f: {  	_ =	shalt  }
0x70: {  	_ =	shalt  }
0x71: {  	_ =	shalt  }
0x72: {  	_ =	shalt  }
0x73: {  	_ =	shalt  }
0x74: {  	_ =	shalt  }
0x75: {  	_ =	shalt  }
0x76: {  	_ =	shalt  }
0x77: {  	_ =	shalt  }
0x78: {  	_ =	shalt  }
0x79: {  	_ =	shalt  }
0x7a: {  	_ =	shalt  }
0x7b: {  	_ =	shalt  }
0x7c: {  	_ =	shalt  }
0x7d: {  	_ =	shalt  }
0x7e: {  	_ =	shalt  }
0x7f: {  	_ =	shalt  }
0x80: {  	_ =	shalt  }
0x81: {  	_ =	shalt  }
0x82: {  	_ =	shalt  }
0x83: {  	_ =	shalt  }
0x84: {  	_ =	shalt  }
0x85: {  	_ =	shalt  }
0x86: {  	_ =	shalt  }
0x87: {  	_ =	shalt  }
.Lfunc_end0:
.L_simem_size_0:
called_computation.1_lowered:
.L_overlay_start_0:
0x88: {  	s2 =	sld [smem:$0x3FD9]  }
0x89: {  	s3 =	sld [smem:$0x3FFE];
	_ =	sdelay $0x1  }
0x8a: {  	s1 =	srdreg.scid  }
0x8b: {  	s0 =	sand.u32 $0x1, s1  }
0x8c: {  	s16 =	sshll.u32 s0, $0xA;
	s2 =	sadd.s32 s3, s2  }
0x8d: {  	s2 =	sadd.s32 s2, s16  }
0x8e: {  	[smem:$0x3FBC] =	sst s2  }
0x8f: {  	_ = 	snop  }
0x90: {  	(tm) =	ssettm $0x1  }
0x91: {  	s17 =	sld [smem:$0x3FFB];
	_ =	sdelay $0x3  }
0x92: {  	_ =	strace s17  }
0x93: {  	s2 =	sld [smem:$0x3FFC];
	_ =	sdelay $0x3  }
0x94: {  	_ =	strace s2  }
0x95: {  	s2 =	sld [smem:$0x3FFD];
	_ =	sdelay $0x3  }
0x96: {  	_ =	strace s2  }
0x97: {  	_ =	strace $0x8FFFFFFF  }
0x98: {  	s18 =	sld [smem:$0x3FDB];
	_ =	sdelay $0x1  }
0x99: {  	s19 =	simm.s32 $_scs_section_size  }
0x9a: {  	s4 =	simm.s32 $_size__tile_overlayer_lowered;
	s5 =	simm.s32 $_tile_overlayer_lowered  }
0x9b: {  	s22 =	simm.s32 $0x1BFF;
	s21 =	sshll.u32 s5, $0x1;
	s2 =	sadd.s32 s19, s18  }
0x9c: {  	s6 =	simm.s32 $0x0;
	s20 =	sshll.u32 s4, $0x1;
	s4 =	sadd.s32 s21, s2  }
0x9d: {  	[timem:s6], [sflag:s22] =	dma.local [hbm:s4], s20  }
0x9e: {  	_ =	swait.ge [sflag:s22], s20  }
0x9f: {  	s3 =	ssub.s32 $0x0, s20;
	[sflag:s22] =	ssyncset.done $0x0  }
0xa0: {  	[sflag:s22] =	ssyncadd.s32 s3;
	_ =	sdelay $0x1  }
0xa1: {  	s23 =	simm.s32 $0x1B8B  }
0xa2: {  	_ =	swait.ge [sflag:s23], $0x1  }
0xa3: {  	[sflag:s23] =	ssyncset.done $0x0  }
0xa4: {  	s25 =	simm.s32 $0x1B8E;
	s24 =	sld [smem:$0x3FFE];
	[sflag:s23] =	ssyncadd.s32 $0xFFFFFFFF  }
0xa5: {  	s26 =	simm.s32 $execute0_lowered;
	[smem:$0x3FD2] =	sst s25  }
0xa6: {  	s4 =	sshll.u32 s26, $0x1;
	_ =	strace $0x80000049;
	[dreg:$0x1] =	wrdreg $0xFFFFFFFF  }
0xa7: {  	s28 =	simm.s32 $_size_execute0_lowered;
	s2 =	sadd.s32 s2, s4;
	[dreg:$0x0] =	wrdreg $0x0  }
0xa8: {  	s4 =	sshll.u32 s28, $0x1;
	[dreg:$0x2] =	wrdreg s2  }
0xa9: {  	[dreg:$0x3] =	wrdreg s4  }
0xaa: {  	[dreg:$0x4] =	wrdreg $0xC0  }
0xab: {  	_ =	task [dreg:s6], $0x5FFFF  }
0xac: {  	[dreg:$0x1] =	wrdreg $0xFFFFFFFF  }
0xad: {  	[dreg:$0x0] =	wrdreg $0x60  }
0xae: {  	[dreg:$0x2] =	wrdreg s24  }
0xaf: {  	[dreg:$0x3] =	wrdreg $0x0  }
0xb0: {  	[dreg:$0x4] =	wrdreg $0xC8000  }
0xb1: {  	[dreg:$0x5] =	wrdreg $0x9  }
0xb2: {  	_ =	task.clear_ibuf [dreg:s6], $0x6FFFF;
	_ =	strace $0x90000049  }
0xb3: {  	s29 =	simm.s32 $0x9;
	_ =	strace $0x8000004B  }
0xb4: {  	_ =	swait.ge [sflag:s29], $0x1  }
0xb5: {  	[sflag:s29] =	ssyncadd.s32 $0xFFFFFFFF  }
0xb6: {  	_ =	strace $0x9000004B  }
0xb7: {  	_ =	sfence  }
0xb8: {  	s30 =	sld [smem:$0x0];
	_ =	sdelay $0x2  }
0xb9: {  	s31 =	sshll.u32 s1, $0xD;
	s1 =	sshrl.u32 s1, $0x2  }
0xba: {  	s3 =	sand.u32 $0x4000, s31;
	s1 =	sadd.s32 s1, s30  }
0xbb: {  	s0 =	sor.u32 s3, s0;
	s1 =	sshll.u32 s1, $0x11  }
0xbc: {  	s0 =	sor.u32 s1, s0  }
0xbd: {  	s0 =	sadd.s32 $0x8F2B, s0  }
0xbe: {  	[sflag:s0] =	ssyncadd.remote.s32 $0x1  }
0xbf: {  	_ =	sfence.sel $0xFFFF  }
0xc0: {  	[dreg:$0x0] =	wrdreg $0xFFFFFFFF;
	(pc) =	sbr.abs _section_cstart, $3  }
0xc1: {  	[dreg:$0x1] =	wrdreg $0xFFFFFFFF  }
0xc2: {  	_ =	task.clear_ibuf [dreg:s6], $0x2FFFF;
	_ =	strace $0x9FFFFFFF  }
0xc3: {  	(tm) =	ssettm $0x7FFFFFFF  }
tec
execute0_lowered:
.L_overlay_start_1:
0x0: {  	(tag) =	ssettag $0x1  }
0x1: {  	v0 =	vlaneseq.u32  }
0x2: {  	v1 =	vmul.u32 $0x8, v0;
	_ =	sdelay $0x1  }
0x3: {  	v7 =	vor.u32 $0x4, v1  }
0x4: {  	[tilespmem:$0x1FE00] =	vst v7;
	v7 =	vor.u32 $0x5, v1  }
0x5: {  	[tilespmem:$0x1FE10] =	vst v7;
	v7 =	vor.u32 $0x6, v1  }
0x6: {  	[tilespmem:$0x1FE20] =	vst v7;
	v7 =	vor.u32 $0x7, v1  }
0x7: {  	[tilespmem:$0x1FE30] =	vst v7;
	v7 =	vor.u32 $0x84, v1  }
0x8: {  	[tilespmem:$0x1FE40] =	vst v7;
	v7 =	vor.u32 $0x85, v1  }
0x9: {  	v23 =	vimm.s32 $0x67;
	[tilespmem:$0x1FE50] =	vst v7;
	v7 =	vor.u32 $0x86, v1  }
0xa: {  	v24 =	vimm.s32 $0x68;
	v28 =	vimm.s32 $0x69;
	[tilespmem:$0x1FE60] =	vst v7;
	v7 =	vor.u32 $0x87, v1  }
0xb: {  	v29 =	vimm.s32 $0x6A;
	v30 =	vimm.s32 $0x6B;
	[tilespmem:$0x1FE70] =	vst v7;
	v7 =	vor.u32 $0x104, v1  }
0xc: {  	v31 =	vimm.s32 $0x6C;
	v35 =	vimm.s32 $0x6D;
	[tilespmem:$0x1FE80] =	vst v7;
	v7 =	vor.u32 $0x105, v1  }
0xd: {  	v36 =	vimm.s32 $0x6E;
	v37 =	vimm.s32 $0x6F;
	[tilespmem:$0x1FE90] =	vst v7;
	v7 =	vor.u32 $0x106, v1  }
0xe: {  	v38 =	vimm.s32 $0x70;
	v42 =	vimm.s32 $0x71;
	[tilespmem:$0x1FEA0] =	vst v7;
	v7 =	vor.u32 $0x107, v1  }
0xf: {  	v43 =	vimm.s32 $0x72;
	v44 =	vimm.s32 $0x73;
	[tilespmem:$0x1FEB0] =	vst v7;
	v7 =	vor.u32 $0x184, v1  }
0x10: {  	v45 =	vimm.s32 $0x74;
	v49 =	vimm.s32 $0x75;
	[tilespmem:$0x1FEC0] =	vst v7;
	v7 =	vor.u32 $0x185, v1  }
0x11: {  	v50 =	vimm.s32 $0x76;
	v51 =	vimm.s32 $0x77;
	[tilespmem:$0x1FED0] =	vst v7;
	v7 =	vor.u32 $0x186, v1  }
0x12: {  	v52 =	vimm.s32 $0x78;
	v56 =	vimm.s32 $0x79;
	[tilespmem:$0x1FEE0] =	vst v7;
	v7 =	vor.u32 $0x187, v1  }
0x13: {  	v57 =	vimm.s32 $0x7A;
	v58 =	vimm.s32 $0x7B;
	[tilespmem:$0x1FEF0] =	vst v7;
	v7 =	vor.u32 $0x204, v1  }
0x14: {  	s3 =	stileid.u32;
	s18 =	simm.s32 $0x13E00;
	v59 =	vimm.s32 $0x7C;
	v8 =	vimm.s32 $0x7D;
	[tilespmem:$0x1FF00] =	vst v7;
	v7 =	vor.u32 $0x205, v1  }
0x15: {  	s8 =	rddreg [dreg:$0x0];
	s19 =	simm.s32 $0x12C00;
	v9 =	vimm.s32 $0x7E;
	v10 =	vimm.s32 $0x7F;
	s6 =	smul.u32 $0x30E0, s3;
	[tilespmem:$0x1FF10] =	vst v7;
	v7 =	vor.u32 $0x206, v1  }
0x16: {  	s0 =	srdreg.scid;
	v60 =	vor.u32 $0x10, v0;
	s5 =	sadd.s32 $0x374C00, s8;
	s10 =	smul.u32 $0xC800, s3;
	[tilespmem:$0x1FF20] =	vst v7;
	v7 =	vor.u32 $0x207, v1  }
0x17: {  	s2 =	rddreg [dreg:$0x2];
	s20 =	simm.s32 $0x12C80;
	s28 =	smul.u32 $0xC80, s3;
	v11 =	vor.u32 $0x81, v1;
	v12 =	vor.u32 $0x82, v1;
	[tilespmem:$0x1FF30] =	vst v7;
	v7 =	vor.u32 $0x284, v1  }
0x18: {  	s4 =	simm.s32 $0x0;
	s22 =	simm.s32 $0x13580;
	s14 =	smul.u32 $0x19000, s3;
	v13 =	vor.u32 $0x83, v1;
	v18 =	vor.u32 $0x101, v1;
	[tilespmem:$0x1FF40] =	vst v7;
	v7 =	vor.u32 $0x285, v1  }
0x19: {  	s23 =	simm.s32 $0x13980;
	s7 =	sand.u32 $0x1, s0;
	s30 =	smul.u32 $0x32000, s3;
	v19 =	vor.u32 $0x102, v1;
	v20 =	vor.u32 $0x103, v1;
	[tilespmem:$0x1FF50] =	vst v7;
	v7 =	vor.u32 $0x286, v1  }
0x1a: {  	s17 =	simm.s32 $0x1;
	s24 =	simm.s32 $0x12D00;
	s0 =	smul.u32 $0xC400, s7;
	v25 =	vor.u32 $0x181, v1;
	v26 =	vor.u32 $0x182, v1;
	[tilespmem:$0x1FF60] =	vst v7;
	v7 =	vor.u32 $0x287, v1  }
0x1b: {  	s21 =	simm.s32 $0x80;
	s25 =	simm.s32 $0x13D80;
	s9 =	smul.u32 $0xC8000, s7;
	v27 =	vor.u32 $0x183, v1;
	v32 =	vor.u32 $0x201, v1;
	[tilespmem:$0x1FF70] =	vst v7;
	v7 =	vor.u32 $0x304, v1  }
0x1c: {  	s26 =	simm.s32 $0x0;
	[smem:$0x7FF] =	sst s4;
	s11 =	smul.u32 $0xC800, s7;
	v33 =	vor.u32 $0x202, v1;
	v34 =	vor.u32 $0x203, v1;
	[tilespmem:$0x1FF80] =	vst v7;
	v7 =	vor.u32 $0x305, v1  }
0x1d: {  	s7 =	ssub.s32 $0x2, s7;
	v39 =	vor.u32 $0x281, v1;
	v40 =	vor.u32 $0x282, v1;
	s13 =	sadd.s32 s6, s8;
	s6 =	sadd.s32 $0x64C00, s8;
	[tilespmem:$0x1FF90] =	vst v7;
	v7 =	vor.u32 $0x306, v1  }
0x1e: {  	v41 =	vor.u32 $0x283, v1;
	v46 =	vor.u32 $0x301, v1;
	s12 =	sshrl.u32 s7, $0x1;
	s29 =	sshrl.u32 s14, $0x2;
	s31 =	sshrl.u32 s30, $0x2;
	[tilespmem:$0x1FFA0] =	vst v7;
	v7 =	vor.u32 $0x307, v1  }
0x1f: {  	v47 =	vor.u32 $0x302, v1;
	v2 =	vmov s0;
	s0 =	rddreg [dreg:$0x1];
	s9 =	sadd.s32 s10, s9;
	s7 =	ssub.s32 s7, s12;
	[tilespmem:$0x1FFB0] =	vst v7;
	v7 =	vor.u32 $0x384, v1  }
0x20: {  	v48 =	vor.u32 $0x303, v1;
	v53 =	vor.u32 $0x381, v1;
	s9 =	sshrl.u32 s9, $0x3;
	s7 =	smax.u32 s7, $0x1;
	s12 =	sadd.s32 s31, s0;
	[tilespmem:$0x1FFC0] =	vst v7;
	v7 =	vor.u32 $0x385, v1  }
0x21: {  	v54 =	vor.u32 $0x382, v1;
	v55 =	vor.u32 $0x383, v1;
	s15 =	sadd.s32 s9, s8;
	s8 =	sadd.s32 s11, s8;
	s11 =	sadd.s32 $0x33E00, s13;
	[tilespmem:$0x1FFD0] =	vst v7;
	v7 =	vor.u32 $0x386, v1  }
0x22: {  	v4 =	vimm.f32 $0.0e+00;
	v62 =	vor.u32 $0x20, v0;
	s16 =	sadd.s32 s28, s8;
	s10 =	sadd.s32 $0x20D400, s15;
	s15 =	sadd.s32 $0x258400, s15;
	[tilespmem:$0x1FFE0] =	vst v7;
	v7 =	vor.u32 $0x387, v1  }
0x23: {  	v3 =	vor.u32 $0x1, v1;
	v5 =	vor.u32 $0x2, v1;
	v61 =	vor.u32 $0x80, v1;
	s9 =	sadd.s32 s29, s2;
	s8 =	sadd.s32 $0x23F400, s16;
	s14 =	sadd.s32 $0x28A400, s16;
	[tilespmem:$0x1FFF0] =	vst v7  }
0x24: {  	v6 =	vor.u32 $0x3, v1;
	v63 =	vor.u32 $0x100, v1;
	s13 =	sadd.s32 $0x3000, s13;
	s16 =	simm.s32 $0x12D80;
	v7 =	vor.u32 $0x30, v0;
	_ =	strace $0x8000004A  }
.LBB2_1:
0x25: {  	[tilespmem:s16], [sflag:$0x1] =	stream.linear.gather [hbm4b:s10+s4], $0x800, $0x38;
	[tilespmem:$0x14200] =	vst v63  }
0x26: {  	_ =	swait.ge [sflag:s17], $0x800  }
0x27: {  	[sflag:s17] =	ssyncset.done $0x0  }
0x28: {  	[sflag:s17] =	ssyncadd.s32 $0xFFFFF800  }
0x29: {  	[spmem:s12] =	stream.linear.scatter [tilespmem:s16], [sflag:$0x1], $0x800, $0x38;
	[tilespmem:$0x14200] =	vst v63  }
0x2a: {  	_ =	swait.ge [sflag:s17], $0x800  }
0x2b: {  	[sflag:s17] =	ssyncset.done $0x0  }
0x2c: {  	s28 =	sadd.s32 $0x0, s8;
	[sflag:s17] =	ssyncadd.s32 $0xFFFFF800  }
0x2d: {  	[tilespmem:s18], [sflag:$0x1] =	stream.linear.gather [hbm4b:s28+s4], $0x400, $0x38;
	[tilespmem:$0x14200] =	vst v63  }
0x2e: {  	_ =	swait.ge [sflag:s17], $0x400  }
0x2f: {  	[sflag:s17] =	ssyncset.done $0x0  }
0x30: {  	[sflag:s17] =	ssyncadd.s32 $0xFFFFFC00  }
0x31: {  	[spmem:s9] =	stream.linear.scatter [tilespmem:s18], [sflag:$0x1], $0x400, $0x38;
	[tilespmem:$0x14200] =	vst v63  }
0x32: {  	s29 =	sadd.s32 $0x800, s12;
	s30 =	smov.u32 s9;
	_ =	swait.ge [sflag:s17], $0x400  }
0x33: {  	s31 =	smov.u32 s10;
	s28 =	simm.s32 $0x80;
	[sflag:s17] =	ssyncset.done $0x0  }
.LBB2_2:
0x34: {  	[sflag:s17] =	ssyncadd.s32 $0xFFFFFC00  }
0x35: {  	s30 =	sadd.s32 $0x400, s30;
	s31 =	sadd.s32 $0x100, s31;
	s1 =	smov.u32 s28  }
0x36: {  	[tilespmem:s16], [sflag:$0x1] =	stream.linear.gather [hbm4b:s31+s4], $0x800, $0x38;
	[tilespmem:$0x14200] =	vst v63  }
0x37: {  	p0 =	sne.s32 s28, $0xC00;
	s28 =	sadd.s32 $0x80, s28;
	_ =	swait.ge [sflag:s17], $0x800  }
0x38: {  	[sflag:s17] =	ssyncset.done $0x0  }
0x39: {  	[sflag:s17] =	ssyncadd.s32 $0xFFFFF800  }
0x3a: {  	[spmem:s29] =	stream.linear.scatter [tilespmem:s16], [sflag:$0x1], $0x800, $0x38;
	[tilespmem:$0x14200] =	vst v63  }
0x3b: {  	_ =	swait.ge [sflag:s17], $0x800  }
0x3c: {  	[sflag:s17] =	ssyncset.done $0x0  }
0x3d: {  	s1 =	sadd.s32 s1, s8;
	[sflag:s17] =	ssyncadd.s32 $0xFFFFF800  }
0x3e: {  	[tilespmem:s18], [sflag:$0x1] =	stream.linear.gather [hbm4b:s1+s4], $0x400, $0x38;
	[tilespmem:$0x14200] =	vst v63  }
0x3f: {  	_ =	swait.ge [sflag:s17], $0x400  }
.Ltmp0:
0x40: {  	[sflag:s17] =	ssyncset.done $0x0;
	(pc) =	sbr.rel @p0 .LBB2_2-.Ltmp0, $4  }
0x41: {  	[sflag:s17] =	ssyncadd.s32 $0xFFFFFC00  }
0x42: {  	[spmem:s30] =	stream.linear.scatter [tilespmem:s18], [sflag:$0x1], $0x400, $0x38;
	[tilespmem:$0x14200] =	vst v63  }
0x43: {  	_ =	swait.ge [sflag:s17], $0x400  }
0x44: {  	s29 =	sadd.s32 $0x800, s29;
	[sflag:s17] =	ssyncset.done $0x0  }
0x45: {  	[sflag:s17] =	ssyncadd.s32 $0xFFFFFC00  }
0x46: {  	[bflag:$0x0] =	sbarrier.arrive $0xFFFF  }
0x47: {  	v14 =	vld [tilespmem:$0x1FE00];
	_ =	sdelay $0x4  }
0x48: {  	[tilespmem:v3+s18+$0x0] =	vst.idx.msk $0xffff, v4  }
0x49: {  	[tilespmem:v5+s18+$0x0] =	vst.idx.msk $0xffff, v4  }
0x4a: {  	[tilespmem:v6+s18+$0x0] =	vst.idx.msk $0xffff, v4  }
0x4b: {  	[tilespmem:v14+s18+$0x0] =	vst.idx.msk $0xffff, v4;
	v14 =	vld [tilespmem:$0x1FE10];
	_ =	sdelay $0x7  }
0x4c: {  	[tilespmem:v14+s18+$0x0] =	vst.idx.msk $0xffff, v4;
	v14 =	vld [tilespmem:$0x1FE20];
	_ =	sdelay $0x7  }
0x4d: {  	[tilespmem:v14+s18+$0x0] =	vst.idx.msk $0xffff, v4;
	v14 =	vld [tilespmem:$0x1FE30];
	_ =	sdelay $0x7  }
0x4e: {  	[tilespmem:v14+s18+$0x0] =	vst.idx.msk $0xffff, v4;
	v14 =	vld [tilespmem:$0x1FE40];
	_ =	sdelay $0x4  }
0x4f: {  	[tilespmem:v11+s18+$0x0] =	vst.idx.msk $0xffff, v4  }
0x50: {  	[tilespmem:v12+s18+$0x0] =	vst.idx.msk $0xffff, v4  }
0x51: {  	[tilespmem:v13+s18+$0x0] =	vst.idx.msk $0xffff, v4  }
0x52: {  	[tilespmem:v14+s18+$0x0] =	vst.idx.msk $0xffff, v4;
	v14 =	vld [tilespmem:$0x1FE50];
	_ =	sdelay $0x7  }
0x53: {  	[tilespmem:v14+s18+$0x0] =	vst.idx.msk $0xffff, v4;
	v14 =	vld [tilespmem:$0x1FE60];
	_ =	sdelay $0x7  }
0x54: {  	[tilespmem:v14+s18+$0x0] =	vst.idx.msk $0xffff, v4;
	v14 =	vld [tilespmem:$0x1FE70];
	_ =	sdelay $0x7  }
0x55: {  	[tilespmem:v14+s18+$0x0] =	vst.idx.msk $0xffff, v4;
	v14 =	vld [tilespmem:$0x1FE80];
	_ =	sdelay $0x4  }
0x56: {  	[tilespmem:v18+s18+$0x0] =	vst.idx.msk $0xffff, v4  }
0x57: {  	[tilespmem:v19+s18+$0x0] =	vst.idx.msk $0xffff, v4  }
0x58: {  	[tilespmem:v20+s18+$0x0] =	vst.idx.msk $0xffff, v4  }
0x59: {  	[tilespmem:v14+s18+$0x0] =	vst.idx.msk $0xffff, v4;
	v14 =	vld [tilespmem:$0x1FE90];
	_ =	sdelay $0x7  }
0x5a: {  	[tilespmem:v14+s18+$0x0] =	vst.idx.msk $0xffff, v4;
	v14 =	vld [tilespmem:$0x1FEA0];
	_ =	sdelay $0x7  }
0x5b: {  	[tilespmem:v14+s18+$0x0] =	vst.idx.msk $0xffff, v4;
	v14 =	vld [tilespmem:$0x1FEB0];
	_ =	sdelay $0x7  }
0x5c: {  	[tilespmem:v14+s18+$0x0] =	vst.idx.msk $0xffff, v4;
	v14 =	vld [tilespmem:$0x1FEC0];
	_ =	sdelay $0x4  }
0x5d: {  	[tilespmem:v25+s18+$0x0] =	vst.idx.msk $0xffff, v4  }
0x5e: {  	[tilespmem:v26+s18+$0x0] =	vst.idx.msk $0xffff, v4  }
0x5f: {  	[tilespmem:v27+s18+$0x0] =	vst.idx.msk $0xffff, v4  }
0x60: {  	[tilespmem:v14+s18+$0x0] =	vst.idx.msk $0xffff, v4;
	v14 =	vld [tilespmem:$0x1FED0];
	_ =	sdelay $0x7  }
0x61: {  	[tilespmem:v14+s18+$0x0] =	vst.idx.msk $0xffff, v4;
	v14 =	vld [tilespmem:$0x1FEE0];
	_ =	sdelay $0x7  }
0x62: {  	[tilespmem:v14+s18+$0x0] =	vst.idx.msk $0xffff, v4;
	v14 =	vld [tilespmem:$0x1FEF0];
	_ =	sdelay $0x7  }
0x63: {  	[tilespmem:v14+s18+$0x0] =	vst.idx.msk $0xffff, v4;
	v14 =	vld [tilespmem:$0x1FF00];
	_ =	sdelay $0x4  }
0x64: {  	[tilespmem:v32+s18+$0x0] =	vst.idx.msk $0xffff, v4  }
0x65: {  	[tilespmem:v33+s18+$0x0] =	vst.idx.msk $0xffff, v4  }
0x66: {  	[tilespmem:v34+s18+$0x0] =	vst.idx.msk $0xffff, v4  }
0x67: {  	[tilespmem:v14+s18+$0x0] =	vst.idx.msk $0xffff, v4;
	v14 =	vld [tilespmem:$0x1FF10];
	_ =	sdelay $0x7  }
0x68: {  	[tilespmem:v14+s18+$0x0] =	vst.idx.msk $0xffff, v4;
	v14 =	vld [tilespmem:$0x1FF20];
	_ =	sdelay $0x7  }
0x69: {  	[tilespmem:v14+s18+$0x0] =	vst.idx.msk $0xffff, v4;
	v14 =	vld [tilespmem:$0x1FF30];
	_ =	sdelay $0x7  }
0x6a: {  	[tilespmem:v14+s18+$0x0] =	vst.idx.msk $0xffff, v4;
	v14 =	vld [tilespmem:$0x1FF40];
	_ =	sdelay $0x4  }
0x6b: {  	[tilespmem:v39+s18+$0x0] =	vst.idx.msk $0xffff, v4  }
0x6c: {  	[tilespmem:v40+s18+$0x0] =	vst.idx.msk $0xffff, v4  }
0x6d: {  	[tilespmem:v41+s18+$0x0] =	vst.idx.msk $0xffff, v4  }
0x6e: {  	[tilespmem:v14+s18+$0x0] =	vst.idx.msk $0xffff, v4;
	v14 =	vld [tilespmem:$0x1FF50];
	_ =	sdelay $0x7  }
0x6f: {  	[tilespmem:v14+s18+$0x0] =	vst.idx.msk $0xffff, v4;
	v14 =	vld [tilespmem:$0x1FF60];
	_ =	sdelay $0x7  }
0x70: {  	[tilespmem:v14+s18+$0x0] =	vst.idx.msk $0xffff, v4;
	v14 =	vld [tilespmem:$0x1FF70];
	_ =	sdelay $0x7  }
0x71: {  	[tilespmem:v14+s18+$0x0] =	vst.idx.msk $0xffff, v4;
	v14 =	vld [tilespmem:$0x1FF80];
	_ =	sdelay $0x4  }
0x72: {  	[tilespmem:v46+s18+$0x0] =	vst.idx.msk $0xffff, v4  }
0x73: {  	[tilespmem:v47+s18+$0x0] =	vst.idx.msk $0xffff, v4  }
0x74: {  	[tilespmem:v48+s18+$0x0] =	vst.idx.msk $0xffff, v4  }
0x75: {  	[tilespmem:v14+s18+$0x0] =	vst.idx.msk $0xffff, v4;
	v14 =	vld [tilespmem:$0x1FF90];
	_ =	sdelay $0x7  }
0x76: {  	[tilespmem:v14+s18+$0x0] =	vst.idx.msk $0xffff, v4;
	v14 =	vld [tilespmem:$0x1FFA0];
	_ =	sdelay $0x7  }
0x77: {  	[tilespmem:v14+s18+$0x0] =	vst.idx.msk $0xffff, v4;
	v14 =	vld [tilespmem:$0x1FFB0];
	_ =	sdelay $0x7  }
0x78: {  	[tilespmem:v14+s18+$0x0] =	vst.idx.msk $0xffff, v4;
	v14 =	vld [tilespmem:$0x1FFC0];
	_ =	sdelay $0x4  }
0x79: {  	[tilespmem:v53+s18+$0x0] =	vst.idx.msk $0xffff, v4  }
0x7a: {  	[tilespmem:v54+s18+$0x0] =	vst.idx.msk $0xffff, v4  }
0x7b: {  	[tilespmem:v55+s18+$0x0] =	vst.idx.msk $0xffff, v4  }
0x7c: {  	[tilespmem:v14+s18+$0x0] =	vst.idx.msk $0xffff, v4;
	v14 =	vld [tilespmem:$0x1FFD0];
	_ =	sdelay $0x7  }
0x7d: {  	[tilespmem:v14+s18+$0x0] =	vst.idx.msk $0xffff, v4;
	v14 =	vld [tilespmem:$0x1FFE0];
	_ =	sdelay $0x7  }
0x7e: {  	[tilespmem:v14+s18+$0x0] =	vst.idx.msk $0xffff, v4;
	v14 =	vld [tilespmem:$0x1FFF0];
	_ =	sdelay $0x7  }
0x7f: {  	s28 =	simm.s32 $0x0;
	[tilespmem:v14+s18+$0x0] =	vst.idx.msk $0xffff, v4  }
.LBB2_4:
0x80: {  	s1 =	sadd.s32 s28, s13  }
0x81: {  	[tilespmem:s19], [sflag:$0x1] =	stream.linear.gather [hbm4b:s1+s4], $0x80, $0x38;
	[tilespmem:$0x14200] =	vst v63  }
0x82: {  	_ =	swait.ge [sflag:s17], $0x80  }
0x83: {  	[sflag:s17] =	ssyncset.done $0x0  }
0x84: {  	s31 =	sadd.s32 s28, s11;
	[sflag:s17] =	ssyncadd.s32 $0xFFFFFF80  }
0x85: {  	[tilespmem:s20], [sflag:$0x1] =	stream.linear.gather [hbm4b:s31+s4], $0x80, $0x38;
	[tilespmem:$0x14200] =	vst v63  }
0x86: {  	_ =	swait.ge [sflag:s17], $0x80  }
0x87: {  	[sflag:s17] =	ssyncset.done $0x0  }
0x88: {  	[sflag:s17] =	ssyncadd.s32 $0xFFFFFF80  }
0x89: {  	[tilespmem:s16], [sflag:$0x1] =	stream.indirect.gather [hbm4b:s5+s21], $0x10, s19, s21, $0xb8;
	[tilespmem:$0x14200] =	vst v63  }
0x8a: {  	_ =	swait.ge [sflag:s17], $0x800  }
0x8b: {  	[sflag:s17] =	ssyncset.done $0x0  }
0x8c: {  	[sflag:s17] =	ssyncadd.s32 $0xFFFFF800  }
0x8d: {  	[tilespmem:s22], [sflag:$0x1] =	stream.indirect.gather [hbm4b:s6+s21], $0x8, s19, s21, $0xb8;
	[tilespmem:$0x14200] =	vst v63  }
0x8e: {  	_ =	swait.ge [sflag:s17], $0x400  }
0x8f: {  	[sflag:s17] =	ssyncset.done $0x0  }
0x90: {  	[sflag:s17] =	ssyncadd.s32 $0xFFFFFC00  }
0x91: {  	[tilespmem:s23], [sflag:$0x1] =	stream.indirect.gather [hbm4b:s6+s21], $0x8, s20, s21, $0xb8;
	[tilespmem:$0x14200] =	vst v63  }
0x92: {  	_ =	swait.ge [sflag:s17], $0x400  }
0x93: {  	[sflag:s17] =	ssyncset.done $0x0  }
0x94: {  	[sflag:s17] =	ssyncadd.s32 $0xFFFFFC00  }
0x95: {  	v14 =	vld.idx.msk [tilespmem:v0+s20+$0x0], $0xffff;
	_ =	sdelay $0x4  }
0x96: {  	v14 =	vsub.s32 v14, v2  }
0x97: {  	v14 =	vmin.u32 v14, $0xC400  }
0x98: {  	[tilespmem:v0+s24+$0x0] =	vst.idx.msk $0xffff, v14  }
0x99: {  	v14 =	vld.idx.msk [tilespmem:v1+s22+$0x0], $0xffff  }
0x9a: {  	v15 =	vld.idx.msk [tilespmem:v5+s23+$0x0], $0xffff  }
0x9b: {  	v16 =	vld.idx.msk [tilespmem:v3+s22+$0x0], $0xffff  }
0x9c: {  	v17 =	vld.idx.msk [tilespmem:v6+s23+$0x0], $0xffff;
	_ =	sdelay $0x3  }
0x9d: {  	v14 =	vmul.f32 v15, v14  }
0x9e: {  	v15 =	vmul.f32 v17, v16  }
0x9f: {  	vm0 =	vgt.f32 v14, $1.000000000e+00  }
0xa0: {  	v14 =	vsel vm0, v14, v15  }
0xa1: {  	[tilespmem:v0+s25+$0x0] =	vst.idx.msk $0xffff, v14  }
0xa2: {  	[tilespmem:v1+s18+$0x0] =	vst.idx.msk $0xffff, v14  }
0xa3: {  	v14 =	vld.idx.msk [tilespmem:v60+s20+$0x0], $0xffff;
	_ =	sdelay $0x4  }
0xa4: {  	v14 =	vsub.s32 v14, v2  }
0xa5: {  	v14 =	vmin.u32 v14, $0xC400  }
0xa6: {  	[tilespmem:v60+s24+$0x0] =	vst.idx.msk $0xffff, v14  }
0xa7: {  	v14 =	vld.idx.msk [tilespmem:v61+s22+$0x0], $0xffff  }
0xa8: {  	v15 =	vld.idx.msk [tilespmem:v12+s23+$0x0], $0xffff  }
0xa9: {  	v16 =	vld.idx.msk [tilespmem:v11+s22+$0x0], $0xffff  }
0xaa: {  	v17 =	vld.idx.msk [tilespmem:v13+s23+$0x0], $0xffff;
	_ =	sdelay $0x3  }
0xab: {  	v14 =	vmul.f32 v15, v14  }
0xac: {  	v15 =	vmul.f32 v17, v16  }
0xad: {  	vm9 =	vgt.f32 v14, $1.000000000e+00  }
0xae: {  	v14 =	vsel vm9, v14, v15  }
0xaf: {  	[tilespmem:v60+s25+$0x0] =	vst.idx.msk $0xffff, v14  }
0xb0: {  	[tilespmem:v61+s18+$0x0] =	vst.idx.msk $0xffff, v14  }
0xb1: {  	v14 =	vld.idx.msk [tilespmem:v62+s20+$0x0], $0xffff;
	_ =	sdelay $0x4  }
0xb2: {  	v14 =	vsub.s32 v14, v2  }
0xb3: {  	v14 =	vmin.u32 v14, $0xC400  }
0xb4: {  	[tilespmem:v62+s24+$0x0] =	vst.idx.msk $0xffff, v14  }
0xb5: {  	v14 =	vld.idx.msk [tilespmem:v63+s22+$0x0], $0xffff  }
0xb6: {  	v15 =	vld.idx.msk [tilespmem:v19+s23+$0x0], $0xffff  }
0xb7: {  	v16 =	vld.idx.msk [tilespmem:v18+s22+$0x0], $0xffff  }
0xb8: {  	v17 =	vld.idx.msk [tilespmem:v20+s23+$0x0], $0xffff;
	_ =	sdelay $0x3  }
0xb9: {  	v14 =	vmul.f32 v15, v14  }
0xba: {  	v15 =	vmul.f32 v17, v16  }
0xbb: {  	vm10 =	vgt.f32 v14, $1.000000000e+00  }
0xbc: {  	v14 =	vsel vm10, v14, v15  }
0xbd: {  	[tilespmem:v62+s25+$0x0] =	vst.idx.msk $0xffff, v14  }
0xbe: {  	[tilespmem:v63+s18+$0x0] =	vst.idx.msk $0xffff, v14  }
0xbf: {  	v14 =	vld.idx.msk [tilespmem:v7+s20+$0x0], $0xffff;
	_ =	sdelay $0x2  }
0xc0: {  	v15 =	vor.u32 $0x180, v1;
	_ =	sdelay $0x1  }
0xc1: {  	v14 =	vsub.s32 v14, v2  }
0xc2: {  	v14 =	vmin.u32 v14, $0xC400  }
0xc3: {  	[tilespmem:v7+s24+$0x0] =	vst.idx.msk $0xffff, v14  }
0xc4: {  	v14 =	vld.idx.msk [tilespmem:v15+s22+$0x0], $0xffff  }
0xc5: {  	v16 =	vld.idx.msk [tilespmem:v26+s23+$0x0], $0xffff  }
0xc6: {  	v17 =	vld.idx.msk [tilespmem:v25+s22+$0x0], $0xffff  }
0xc7: {  	v21 =	vld.idx.msk [tilespmem:v27+s23+$0x0], $0xffff;
	_ =	sdelay $0x3  }
0xc8: {  	v14 =	vmul.f32 v16, v14  }
0xc9: {  	v16 =	vmul.f32 v21, v17;
	v17 =	vor.u32 $0x40, v0  }
0xca: {  	vm11 =	vgt.f32 v14, $1.000000000e+00  }
0xcb: {  	v14 =	vsel vm11, v14, v16  }
0xcc: {  	[tilespmem:v7+s25+$0x0] =	vst.idx.msk $0xffff, v14  }
0xcd: {  	[tilespmem:v15+s18+$0x0] =	vst.idx.msk $0xffff, v14  }
0xce: {  	v14 =	vld.idx.msk [tilespmem:v17+s20+$0x0], $0xffff;
	_ =	sdelay $0x2  }
0xcf: {  	v15 =	vor.u32 $0x200, v1;
	_ =	sdelay $0x1  }
0xd0: {  	v14 =	vsub.s32 v14, v2  }
0xd1: {  	v14 =	vmin.u32 v14, $0xC400  }
0xd2: {  	[tilespmem:v17+s24+$0x0] =	vst.idx.msk $0xffff, v14  }
0xd3: {  	v14 =	vld.idx.msk [tilespmem:v15+s22+$0x0], $0xffff  }
0xd4: {  	v16 =	vld.idx.msk [tilespmem:v33+s23+$0x0], $0xffff  }
0xd5: {  	v21 =	vld.idx.msk [tilespmem:v32+s22+$0x0], $0xffff  }
0xd6: {  	v22 =	vld.idx.msk [tilespmem:v34+s23+$0x0], $0xffff;
	_ =	sdelay $0x3  }
0xd7: {  	v14 =	vmul.f32 v16, v14  }
0xd8: {  	v16 =	vmul.f32 v22, v21;
	v21 =	vor.u32 $0x50, v0  }
0xd9: {  	vm12 =	vgt.f32 v14, $1.000000000e+00  }
0xda: {  	v14 =	vsel vm12, v14, v16  }
0xdb: {  	[tilespmem:v17+s25+$0x0] =	vst.idx.msk $0xffff, v14  }
0xdc: {  	[tilespmem:v15+s18+$0x0] =	vst.idx.msk $0xffff, v14  }
0xdd: {  	v14 =	vld.idx.msk [tilespmem:v21+s20+$0x0], $0xffff;
	_ =	sdelay $0x2  }
0xde: {  	v15 =	vor.u32 $0x280, v1;
	_ =	sdelay $0x1  }
0xdf: {  	v14 =	vsub.s32 v14, v2  }
0xe0: {  	v14 =	vmin.u32 v14, $0xC400  }
0xe1: {  	[tilespmem:v21+s24+$0x0] =	vst.idx.msk $0xffff, v14  }
0xe2: {  	v14 =	vld.idx.msk [tilespmem:v15+s22+$0x0], $0xffff  }
0xe3: {  	v16 =	vld.idx.msk [tilespmem:v40+s23+$0x0], $0xffff  }
0xe4: {  	v17 =	vld.idx.msk [tilespmem:v39+s22+$0x0], $0xffff  }
0xe5: {  	v22 =	vld.idx.msk [tilespmem:v41+s23+$0x0], $0xffff;
	_ =	sdelay $0x3  }
0xe6: {  	v14 =	vmul.f32 v16, v14  }
0xe7: {  	v16 =	vmul.f32 v22, v17;
	v17 =	vor.u32 $0x60, v0  }
0xe8: {  	vm13 =	vgt.f32 v14, $1.000000000e+00  }
0xe9: {  	v14 =	vsel vm13, v14, v16  }
0xea: {  	[tilespmem:v21+s25+$0x0] =	vst.idx.msk $0xffff, v14  }
0xeb: {  	[tilespmem:v15+s18+$0x0] =	vst.idx.msk $0xffff, v14  }
0xec: {  	v14 =	vld.idx.msk [tilespmem:v17+s20+$0x0], $0xffff;
	_ =	sdelay $0x2  }
0xed: {  	v15 =	vor.u32 $0x300, v1;
	_ =	sdelay $0x1  }
0xee: {  	v14 =	vsub.s32 v14, v2  }
0xef: {  	v14 =	vmin.u32 v14, $0xC400  }
0xf0: {  	[tilespmem:v17+s24+$0x0] =	vst.idx.msk $0xffff, v14  }
0xf1: {  	v14 =	vld.idx.msk [tilespmem:v15+s22+$0x0], $0xffff  }
0xf2: {  	v16 =	vld.idx.msk [tilespmem:v47+s23+$0x0], $0xffff  }
0xf3: {  	v21 =	vld.idx.msk [tilespmem:v46+s22+$0x0], $0xffff  }
0xf4: {  	v22 =	vld.idx.msk [tilespmem:v48+s23+$0x0], $0xffff;
	_ =	sdelay $0x3  }
0xf5: {  	v14 =	vmul.f32 v16, v14  }
0xf6: {  	v16 =	vmul.f32 v22, v21;
	v21 =	vor.u32 $0x70, v0  }
0xf7: {  	vm14 =	vgt.f32 v14, $1.000000000e+00  }
0xf8: {  	v14 =	vsel vm14, v14, v16  }
0xf9: {  	[tilespmem:v17+s25+$0x0] =	vst.idx.msk $0xffff, v14  }
0xfa: {  	[tilespmem:v15+s18+$0x0] =	vst.idx.msk $0xffff, v14  }
0xfb: {  	v14 =	vld.idx.msk [tilespmem:v21+s20+$0x0], $0xffff;
	_ =	sdelay $0x2  }
0xfc: {  	v15 =	vor.u32 $0x380, v1;
	_ =	sdelay $0x1  }
0xfd: {  	v14 =	vsub.s32 v14, v2  }
0xfe: {  	v14 =	vmin.u32 v14, $0xC400  }
0xff: {  	[tilespmem:v21+s24+$0x0] =	vst.idx.msk $0xffff, v14  }
0x100: {  	v14 =	vld.idx.msk [tilespmem:v15+s22+$0x0], $0xffff  }
0x101: {  	v16 =	vld.idx.msk [tilespmem:v54+s23+$0x0], $0xffff  }
0x102: {  	v17 =	vld.idx.msk [tilespmem:v53+s22+$0x0], $0xffff  }
0x103: {  	v22 =	vld.idx.msk [tilespmem:v55+s23+$0x0], $0xffff;
	_ =	sdelay $0x3  }
0x104: {  	v14 =	vmul.f32 v16, v14  }
0x105: {  	v16 =	vmul.f32 v22, v17  }
0x106: {  	vm15 =	vgt.f32 v14, $1.000000000e+00  }
0x107: {  	v14 =	vsel vm15, v14, v16  }
0x108: {  	[tilespmem:v21+s25+$0x0] =	vst.idx.msk $0xffff, v14  }
0x109: {  	[tilespmem:v15+s18+$0x0] =	vst.idx.msk $0xffff, v14  }
0x10a: {  	v14 =	vld.msk [tilespmem:s25+$0x0], $0xffff  }
0x10b: {  	v15 =	vld [tilespmem:$0x12D80];
	_ =	sdelay $0x2  }
0x10c: {  	v16 =	vimm.s32 $0x1;
	_ =	sdelay $0x1  }
0x10d: {  	v14 =	vmul.f32 v15, v14;
	_ =	sdelay $0x1  }
0x10e: {  	v15 =	vld [tilespmem:$0x12D90];
	[tilespmem:$0x12D80] =	vst v14  }
0x10f: {  	v14 =	vld.idx.msk [tilespmem:v16+s25+$0x0], $0xffff;
	_ =	sdelay $0x2  }
0x110: {  	v16 =	vimm.s32 $0x2;
	_ =	sdelay $0x1  }
0x111: {  	v14 =	vmul.f32 v15, v14;
	_ =	sdelay $0x1  }
0x112: {  	v15 =	vld [tilespmem:$0x12DA0];
	[tilespmem:$0x12D90] =	vst v14  }
0x113: {  	v14 =	vld.idx.msk [tilespmem:v16+s25+$0x0], $0xffff;
	_ =	sdelay $0x2  }
0x114: {  	v16 =	vimm.s32 $0x3;
	_ =	sdelay $0x1  }
0x115: {  	v14 =	vmul.f32 v15, v14;
	_ =	sdelay $0x1  }
0x116: {  	v15 =	vld [tilespmem:$0x12DB0];
	[tilespmem:$0x12DA0] =	vst v14  }
0x117: {  	v14 =	vld.idx.msk [tilespmem:v16+s25+$0x0], $0xffff;
	_ =	sdelay $0x2  }
0x118: {  	v16 =	vimm.s32 $0x4;
	_ =	sdelay $0x1  }
0x119: {  	v14 =	vmul.f32 v15, v14;
	_ =	sdelay $0x1  }
0x11a: {  	v15 =	vld [tilespmem:$0x12DC0];
	[tilespmem:$0x12DB0] =	vst v14  }
0x11b: {  	v14 =	vld.idx.msk [tilespmem:v16+s25+$0x0], $0xffff;
	_ =	sdelay $0x2  }
0x11c: {  	v16 =	vimm.s32 $0x5;
	_ =	sdelay $0x1  }
0x11d: {  	v14 =	vmul.f32 v15, v14;
	_ =	sdelay $0x1  }
0x11e: {  	v15 =	vld [tilespmem:$0x12DD0];
	[tilespmem:$0x12DC0] =	vst v14  }
0x11f: {  	v14 =	vld.idx.msk [tilespmem:v16+s25+$0x0], $0xffff;
	_ =	sdelay $0x2  }
0x120: {  	v16 =	vimm.s32 $0x6;
	_ =	sdelay $0x1  }
0x121: {  	v14 =	vmul.f32 v15, v14;
	_ =	sdelay $0x1  }
0x122: {  	v15 =	vld [tilespmem:$0x12DE0];
	[tilespmem:$0x12DD0] =	vst v14  }
0x123: {  	v14 =	vld.idx.msk [tilespmem:v16+s25+$0x0], $0xffff;
	_ =	sdelay $0x2  }
0x124: {  	v16 =	vimm.s32 $0x7;
	_ =	sdelay $0x1  }
0x125: {  	v14 =	vmul.f32 v15, v14;
	_ =	sdelay $0x1  }
0x126: {  	v15 =	vld [tilespmem:$0x12DF0];
	[tilespmem:$0x12DE0] =	vst v14  }
0x127: {  	v14 =	vld.idx.msk [tilespmem:v16+s25+$0x0], $0xffff;
	_ =	sdelay $0x2  }
0x128: {  	v16 =	vimm.s32 $0x8;
	_ =	sdelay $0x1  }
0x129: {  	v14 =	vmul.f32 v15, v14;
	_ =	sdelay $0x1  }
0x12a: {  	v15 =	vld [tilespmem:$0x12E00];
	[tilespmem:$0x12DF0] =	vst v14  }
0x12b: {  	v14 =	vld.idx.msk [tilespmem:v16+s25+$0x0], $0xffff;
	_ =	sdelay $0x2  }
0x12c: {  	v16 =	vimm.s32 $0x9;
	_ =	sdelay $0x1  }
0x12d: {  	v14 =	vmul.f32 v15, v14;
	_ =	sdelay $0x1  }
0x12e: {  	v15 =	vld [tilespmem:$0x12E10];
	[tilespmem:$0x12E00] =	vst v14  }
0x12f: {  	v14 =	vld.idx.msk [tilespmem:v16+s25+$0x0], $0xffff;
	_ =	sdelay $0x2  }
0x130: {  	v16 =	vimm.s32 $0xA;
	_ =	sdelay $0x1  }
0x131: {  	v14 =	vmul.f32 v15, v14;
	_ =	sdelay $0x1  }
0x132: {  	v15 =	vld [tilespmem:$0x12E20];
	[tilespmem:$0x12E10] =	vst v14  }
0x133: {  	v14 =	vld.idx.msk [tilespmem:v16+s25+$0x0], $0xffff;
	_ =	sdelay $0x2  }
0x134: {  	v16 =	vimm.s32 $0xB;
	_ =	sdelay $0x1  }
0x135: {  	v14 =	vmul.f32 v15, v14;
	_ =	sdelay $0x1  }
0x136: {  	v15 =	vld [tilespmem:$0x12E30];
	[tilespmem:$0x12E20] =	vst v14  }
0x137: {  	v14 =	vld.idx.msk [tilespmem:v16+s25+$0x0], $0xffff;
	_ =	sdelay $0x2  }
0x138: {  	v16 =	vimm.s32 $0xC;
	_ =	sdelay $0x1  }
0x139: {  	v14 =	vmul.f32 v15, v14;
	_ =	sdelay $0x1  }
0x13a: {  	v15 =	vld [tilespmem:$0x12E40];
	[tilespmem:$0x12E30] =	vst v14  }
0x13b: {  	v14 =	vld.idx.msk [tilespmem:v16+s25+$0x0], $0xffff;
	_ =	sdelay $0x2  }
0x13c: {  	v16 =	vimm.s32 $0xD;
	_ =	sdelay $0x1  }
0x13d: {  	v14 =	vmul.f32 v15, v14;
	_ =	sdelay $0x1  }
0x13e: {  	v15 =	vld [tilespmem:$0x12E50];
	[tilespmem:$0x12E40] =	vst v14  }
0x13f: {  	v14 =	vld.idx.msk [tilespmem:v16+s25+$0x0], $0xffff;
	_ =	sdelay $0x2  }
0x140: {  	v16 =	vimm.s32 $0xE;
	_ =	sdelay $0x1  }
0x141: {  	v14 =	vmul.f32 v15, v14;
	_ =	sdelay $0x1  }
0x142: {  	v15 =	vld [tilespmem:$0x12E60];
	[tilespmem:$0x12E50] =	vst v14  }
0x143: {  	v14 =	vld.idx.msk [tilespmem:v16+s25+$0x0], $0xffff;
	_ =	sdelay $0x2  }
0x144: {  	v16 =	vimm.s32 $0xF;
	_ =	sdelay $0x1  }
0x145: {  	v14 =	vmul.f32 v15, v14;
	_ =	sdelay $0x1  }
0x146: {  	v15 =	vld [tilespmem:$0x12E70];
	[tilespmem:$0x12E60] =	vst v14  }
0x147: {  	v14 =	vld.idx.msk [tilespmem:v16+s25+$0x0], $0xffff;
	_ =	sdelay $0x2  }
0x148: {  	v16 =	vimm.s32 $0x10;
	_ =	sdelay $0x1  }
0x149: {  	v14 =	vmul.f32 v15, v14;
	_ =	sdelay $0x1  }
0x14a: {  	v15 =	vld [tilespmem:$0x12E80];
	[tilespmem:$0x12E70] =	vst v14  }
0x14b: {  	v14 =	vld.idx.msk [tilespmem:v16+s25+$0x0], $0xffff;
	_ =	sdelay $0x2  }
0x14c: {  	v16 =	vimm.s32 $0x11;
	_ =	sdelay $0x1  }
0x14d: {  	v14 =	vmul.f32 v15, v14;
	_ =	sdelay $0x1  }
0x14e: {  	v15 =	vld [tilespmem:$0x12E90];
	[tilespmem:$0x12E80] =	vst v14  }
0x14f: {  	v14 =	vld.idx.msk [tilespmem:v16+s25+$0x0], $0xffff;
	_ =	sdelay $0x2  }
0x150: {  	v16 =	vimm.s32 $0x12;
	_ =	sdelay $0x1  }
0x151: {  	v14 =	vmul.f32 v15, v14;
	_ =	sdelay $0x1  }
0x152: {  	v15 =	vld [tilespmem:$0x12EA0];
	[tilespmem:$0x12E90] =	vst v14  }
0x153: {  	v14 =	vld.idx.msk [tilespmem:v16+s25+$0x0], $0xffff;
	_ =	sdelay $0x2  }
0x154: {  	v16 =	vimm.s32 $0x13;
	_ =	sdelay $0x1  }
0x155: {  	v14 =	vmul.f32 v15, v14;
	_ =	sdelay $0x1  }
0x156: {  	v15 =	vld [tilespmem:$0x12EB0];
	[tilespmem:$0x12EA0] =	vst v14  }
0x157: {  	v14 =	vld.idx.msk [tilespmem:v16+s25+$0x0], $0xffff;
	_ =	sdelay $0x2  }
0x158: {  	v16 =	vimm.s32 $0x14;
	_ =	sdelay $0x1  }
0x159: {  	v14 =	vmul.f32 v15, v14;
	_ =	sdelay $0x1  }
0x15a: {  	v15 =	vld [tilespmem:$0x12EC0];
	[tilespmem:$0x12EB0] =	vst v14  }
0x15b: {  	v14 =	vld.idx.msk [tilespmem:v16+s25+$0x0], $0xffff;
	_ =	sdelay $0x2  }
0x15c: {  	v16 =	vimm.s32 $0x15;
	_ =	sdelay $0x1  }
0x15d: {  	v14 =	vmul.f32 v15, v14;
	_ =	sdelay $0x1  }
0x15e: {  	v15 =	vld [tilespmem:$0x12ED0];
	[tilespmem:$0x12EC0] =	vst v14  }
0x15f: {  	v14 =	vld.idx.msk [tilespmem:v16+s25+$0x0], $0xffff;
	_ =	sdelay $0x2  }
0x160: {  	v16 =	vimm.s32 $0x16;
	_ =	sdelay $0x1  }
0x161: {  	v14 =	vmul.f32 v15, v14;
	_ =	sdelay $0x1  }
0x162: {  	v15 =	vld [tilespmem:$0x12EE0];
	[tilespmem:$0x12ED0] =	vst v14  }
0x163: {  	v14 =	vld.idx.msk [tilespmem:v16+s25+$0x0], $0xffff;
	_ =	sdelay $0x2  }
0x164: {  	v16 =	vimm.s32 $0x17;
	_ =	sdelay $0x1  }
0x165: {  	v14 =	vmul.f32 v15, v14;
	_ =	sdelay $0x1  }
0x166: {  	v15 =	vld [tilespmem:$0x12EF0];
	[tilespmem:$0x12EE0] =	vst v14  }
0x167: {  	v14 =	vld.idx.msk [tilespmem:v16+s25+$0x0], $0xffff;
	_ =	sdelay $0x2  }
0x168: {  	v16 =	vimm.s32 $0x18;
	_ =	sdelay $0x1  }
0x169: {  	v14 =	vmul.f32 v15, v14;
	_ =	sdelay $0x1  }
0x16a: {  	v15 =	vld [tilespmem:$0x12F00];
	[tilespmem:$0x12EF0] =	vst v14  }
0x16b: {  	v14 =	vld.idx.msk [tilespmem:v16+s25+$0x0], $0xffff;
	_ =	sdelay $0x2  }
0x16c: {  	v16 =	vimm.s32 $0x19;
	_ =	sdelay $0x1  }
0x16d: {  	v14 =	vmul.f32 v15, v14;
	_ =	sdelay $0x1  }
0x16e: {  	v15 =	vld [tilespmem:$0x12F10];
	[tilespmem:$0x12F00] =	vst v14  }
0x16f: {  	v14 =	vld.idx.msk [tilespmem:v16+s25+$0x0], $0xffff;
	_ =	sdelay $0x2  }
0x170: {  	v16 =	vimm.s32 $0x1A;
	_ =	sdelay $0x1  }
0x171: {  	v14 =	vmul.f32 v15, v14;
	_ =	sdelay $0x1  }
0x172: {  	v15 =	vld [tilespmem:$0x12F20];
	[tilespmem:$0x12F10] =	vst v14  }
0x173: {  	v14 =	vld.idx.msk [tilespmem:v16+s25+$0x0], $0xffff;
	_ =	sdelay $0x2  }
0x174: {  	v16 =	vimm.s32 $0x1B;
	_ =	sdelay $0x1  }
0x175: {  	v14 =	vmul.f32 v15, v14;
	_ =	sdelay $0x1  }
0x176: {  	v15 =	vld [tilespmem:$0x12F30];
	[tilespmem:$0x12F20] =	vst v14  }
0x177: {  	v14 =	vld.idx.msk [tilespmem:v16+s25+$0x0], $0xffff;
	_ =	sdelay $0x2  }
0x178: {  	v16 =	vimm.s32 $0x1C;
	_ =	sdelay $0x1  }
0x179: {  	v14 =	vmul.f32 v15, v14;
	_ =	sdelay $0x1  }
0x17a: {  	v15 =	vld [tilespmem:$0x12F40];
	[tilespmem:$0x12F30] =	vst v14  }
0x17b: {  	v14 =	vld.idx.msk [tilespmem:v16+s25+$0x0], $0xffff;
	_ =	sdelay $0x2  }
0x17c: {  	v16 =	vimm.s32 $0x1D;
	_ =	sdelay $0x1  }
0x17d: {  	v14 =	vmul.f32 v15, v14;
	_ =	sdelay $0x1  }
0x17e: {  	v15 =	vld [tilespmem:$0x12F50];
	[tilespmem:$0x12F40] =	vst v14  }
0x17f: {  	v14 =	vld.idx.msk [tilespmem:v16+s25+$0x0], $0xffff;
	_ =	sdelay $0x2  }
0x180: {  	v16 =	vimm.s32 $0x1E;
	_ =	sdelay $0x1  }
0x181: {  	v14 =	vmul.f32 v15, v14;
	_ =	sdelay $0x1  }
0x182: {  	v15 =	vld [tilespmem:$0x12F60];
	[tilespmem:$0x12F50] =	vst v14  }
0x183: {  	v14 =	vld.idx.msk [tilespmem:v16+s25+$0x0], $0xffff;
	_ =	sdelay $0x2  }
0x184: {  	v16 =	vimm.s32 $0x1F;
	_ =	sdelay $0x1  }
0x185: {  	v14 =	vmul.f32 v15, v14;
	_ =	sdelay $0x1  }
0x186: {  	v15 =	vld [tilespmem:$0x12F70];
	[tilespmem:$0x12F60] =	vst v14  }
0x187: {  	v14 =	vld.idx.msk [tilespmem:v16+s25+$0x0], $0xffff;
	_ =	sdelay $0x2  }
0x188: {  	v16 =	vimm.s32 $0x20;
	_ =	sdelay $0x1  }
0x189: {  	v14 =	vmul.f32 v15, v14;
	_ =	sdelay $0x1  }
0x18a: {  	v15 =	vld [tilespmem:$0x12F80];
	[tilespmem:$0x12F70] =	vst v14  }
0x18b: {  	v14 =	vld.idx.msk [tilespmem:v16+s25+$0x0], $0xffff;
	_ =	sdelay $0x2  }
0x18c: {  	v16 =	vimm.s32 $0x21;
	_ =	sdelay $0x1  }
0x18d: {  	v14 =	vmul.f32 v15, v14;
	_ =	sdelay $0x1  }
0x18e: {  	v15 =	vld [tilespmem:$0x12F90];
	[tilespmem:$0x12F80] =	vst v14  }
0x18f: {  	v14 =	vld.idx.msk [tilespmem:v16+s25+$0x0], $0xffff;
	_ =	sdelay $0x2  }
0x190: {  	v16 =	vimm.s32 $0x22;
	_ =	sdelay $0x1  }
0x191: {  	v14 =	vmul.f32 v15, v14;
	_ =	sdelay $0x1  }
0x192: {  	v15 =	vld [tilespmem:$0x12FA0];
	[tilespmem:$0x12F90] =	vst v14  }
0x193: {  	v14 =	vld.idx.msk [tilespmem:v16+s25+$0x0], $0xffff;
	_ =	sdelay $0x2  }
0x194: {  	v16 =	vimm.s32 $0x23;
	_ =	sdelay $0x1  }
0x195: {  	v14 =	vmul.f32 v15, v14;
	_ =	sdelay $0x1  }
0x196: {  	v15 =	vld [tilespmem:$0x12FB0];
	[tilespmem:$0x12FA0] =	vst v14  }
0x197: {  	v14 =	vld.idx.msk [tilespmem:v16+s25+$0x0], $0xffff;
	_ =	sdelay $0x2  }
0x198: {  	v16 =	vimm.s32 $0x24;
	_ =	sdelay $0x1  }
0x199: {  	v14 =	vmul.f32 v15, v14;
	_ =	sdelay $0x1  }
0x19a: {  	v15 =	vld [tilespmem:$0x12FC0];
	[tilespmem:$0x12FB0] =	vst v14  }
0x19b: {  	v14 =	vld.idx.msk [tilespmem:v16+s25+$0x0], $0xffff;
	_ =	sdelay $0x2  }
0x19c: {  	v16 =	vimm.s32 $0x25;
	_ =	sdelay $0x1  }
0x19d: {  	v14 =	vmul.f32 v15, v14;
	_ =	sdelay $0x1  }
0x19e: {  	v15 =	vld [tilespmem:$0x12FD0];
	[tilespmem:$0x12FC0] =	vst v14  }
0x19f: {  	v14 =	vld.idx.msk [tilespmem:v16+s25+$0x0], $0xffff;
	_ =	sdelay $0x2  }
0x1a0: {  	v16 =	vimm.s32 $0x26;
	_ =	sdelay $0x1  }
0x1a1: {  	v14 =	vmul.f32 v15, v14;
	_ =	sdelay $0x1  }
0x1a2: {  	v15 =	vld [tilespmem:$0x12FE0];
	[tilespmem:$0x12FD0] =	vst v14  }
0x1a3: {  	v14 =	vld.idx.msk [tilespmem:v16+s25+$0x0], $0xffff;
	_ =	sdelay $0x2  }
0x1a4: {  	v16 =	vimm.s32 $0x27;
	_ =	sdelay $0x1  }
0x1a5: {  	v14 =	vmul.f32 v15, v14;
	_ =	sdelay $0x1  }
0x1a6: {  	v15 =	vld [tilespmem:$0x12FF0];
	[tilespmem:$0x12FE0] =	vst v14  }
0x1a7: {  	v14 =	vld.idx.msk [tilespmem:v16+s25+$0x0], $0xffff;
	_ =	sdelay $0x2  }
0x1a8: {  	v16 =	vimm.s32 $0x28;
	_ =	sdelay $0x1  }
0x1a9: {  	v14 =	vmul.f32 v15, v14;
	_ =	sdelay $0x1  }
0x1aa: {  	v15 =	vld [tilespmem:$0x13000];
	[tilespmem:$0x12FF0] =	vst v14  }
0x1ab: {  	v14 =	vld.idx.msk [tilespmem:v16+s25+$0x0], $0xffff;
	_ =	sdelay $0x2  }
0x1ac: {  	v16 =	vimm.s32 $0x29;
	_ =	sdelay $0x1  }
0x1ad: {  	v14 =	vmul.f32 v15, v14;
	_ =	sdelay $0x1  }
0x1ae: {  	v15 =	vld [tilespmem:$0x13010];
	[tilespmem:$0x13000] =	vst v14  }
0x1af: {  	v14 =	vld.idx.msk [tilespmem:v16+s25+$0x0], $0xffff;
	_ =	sdelay $0x2  }
0x1b0: {  	v16 =	vimm.s32 $0x2A;
	_ =	sdelay $0x1  }
0x1b1: {  	v14 =	vmul.f32 v15, v14;
	_ =	sdelay $0x1  }
0x1b2: {  	v15 =	vld [tilespmem:$0x13020];
	[tilespmem:$0x13010] =	vst v14  }
0x1b3: {  	v14 =	vld.idx.msk [tilespmem:v16+s25+$0x0], $0xffff;
	_ =	sdelay $0x2  }
0x1b4: {  	v16 =	vimm.s32 $0x2B;
	_ =	sdelay $0x1  }
0x1b5: {  	v14 =	vmul.f32 v15, v14;
	_ =	sdelay $0x1  }
0x1b6: {  	v15 =	vld [tilespmem:$0x13030];
	[tilespmem:$0x13020] =	vst v14  }
0x1b7: {  	v14 =	vld.idx.msk [tilespmem:v16+s25+$0x0], $0xffff;
	_ =	sdelay $0x2  }
0x1b8: {  	v16 =	vimm.s32 $0x2C;
	_ =	sdelay $0x1  }
0x1b9: {  	v14 =	vmul.f32 v15, v14;
	_ =	sdelay $0x1  }
0x1ba: {  	v15 =	vld [tilespmem:$0x13040];
	[tilespmem:$0x13030] =	vst v14  }
0x1bb: {  	v14 =	vld.idx.msk [tilespmem:v16+s25+$0x0], $0xffff;
	_ =	sdelay $0x2  }
0x1bc: {  	v16 =	vimm.s32 $0x2D;
	_ =	sdelay $0x1  }
0x1bd: {  	v14 =	vmul.f32 v15, v14;
	_ =	sdelay $0x1  }
0x1be: {  	v15 =	vld [tilespmem:$0x13050];
	[tilespmem:$0x13040] =	vst v14  }
0x1bf: {  	v14 =	vld.idx.msk [tilespmem:v16+s25+$0x0], $0xffff;
	_ =	sdelay $0x2  }
0x1c0: {  	v16 =	vimm.s32 $0x2E;
	_ =	sdelay $0x1  }
0x1c1: {  	v14 =	vmul.f32 v15, v14;
	_ =	sdelay $0x1  }
0x1c2: {  	v15 =	vld [tilespmem:$0x13060];
	[tilespmem:$0x13050] =	vst v14  }
0x1c3: {  	v14 =	vld.idx.msk [tilespmem:v16+s25+$0x0], $0xffff;
	_ =	sdelay $0x2  }
0x1c4: {  	v16 =	vimm.s32 $0x2F;
	_ =	sdelay $0x1  }
0x1c5: {  	v14 =	vmul.f32 v15, v14;
	_ =	sdelay $0x1  }
0x1c6: {  	v15 =	vld [tilespmem:$0x13070];
	[tilespmem:$0x13060] =	vst v14  }
0x1c7: {  	v14 =	vld.idx.msk [tilespmem:v16+s25+$0x0], $0xffff;
	_ =	sdelay $0x2  }
0x1c8: {  	v16 =	vimm.s32 $0x30;
	_ =	sdelay $0x1  }
0x1c9: {  	v14 =	vmul.f32 v15, v14;
	_ =	sdelay $0x1  }
0x1ca: {  	v15 =	vld [tilespmem:$0x13080];
	[tilespmem:$0x13070] =	vst v14  }
0x1cb: {  	v14 =	vld.idx.msk [tilespmem:v16+s25+$0x0], $0xffff;
	_ =	sdelay $0x2  }
0x1cc: {  	v16 =	vimm.s32 $0x31;
	_ =	sdelay $0x1  }
0x1cd: {  	v14 =	vmul.f32 v15, v14;
	_ =	sdelay $0x1  }
0x1ce: {  	v15 =	vld [tilespmem:$0x13090];
	[tilespmem:$0x13080] =	vst v14  }
0x1cf: {  	v14 =	vld.idx.msk [tilespmem:v16+s25+$0x0], $0xffff;
	_ =	sdelay $0x2  }
0x1d0: {  	v16 =	vimm.s32 $0x32;
	_ =	sdelay $0x1  }
0x1d1: {  	v14 =	vmul.f32 v15, v14;
	_ =	sdelay $0x1  }
0x1d2: {  	v15 =	vld [tilespmem:$0x130A0];
	[tilespmem:$0x13090] =	vst v14  }
0x1d3: {  	v14 =	vld.idx.msk [tilespmem:v16+s25+$0x0], $0xffff;
	_ =	sdelay $0x2  }
0x1d4: {  	v16 =	vimm.s32 $0x33;
	_ =	sdelay $0x1  }
0x1d5: {  	v14 =	vmul.f32 v15, v14;
	_ =	sdelay $0x1  }
0x1d6: {  	v15 =	vld [tilespmem:$0x130B0];
	[tilespmem:$0x130A0] =	vst v14  }
0x1d7: {  	v14 =	vld.idx.msk [tilespmem:v16+s25+$0x0], $0xffff;
	_ =	sdelay $0x2  }
0x1d8: {  	v16 =	vimm.s32 $0x34;
	_ =	sdelay $0x1  }
0x1d9: {  	v14 =	vmul.f32 v15, v14;
	_ =	sdelay $0x1  }
0x1da: {  	v15 =	vld [tilespmem:$0x130C0];
	[tilespmem:$0x130B0] =	vst v14  }
0x1db: {  	v14 =	vld.idx.msk [tilespmem:v16+s25+$0x0], $0xffff;
	_ =	sdelay $0x2  }
0x1dc: {  	v16 =	vimm.s32 $0x35;
	_ =	sdelay $0x1  }
0x1dd: {  	v14 =	vmul.f32 v15, v14;
	_ =	sdelay $0x1  }
0x1de: {  	v15 =	vld [tilespmem:$0x130D0];
	[tilespmem:$0x130C0] =	vst v14  }
0x1df: {  	v14 =	vld.idx.msk [tilespmem:v16+s25+$0x0], $0xffff;
	_ =	sdelay $0x2  }
0x1e0: {  	v16 =	vimm.s32 $0x36;
	_ =	sdelay $0x1  }
0x1e1: {  	v14 =	vmul.f32 v15, v14;
	_ =	sdelay $0x1  }
0x1e2: {  	v15 =	vld [tilespmem:$0x130E0];
	[tilespmem:$0x130D0] =	vst v14  }
0x1e3: {  	v14 =	vld.idx.msk [tilespmem:v16+s25+$0x0], $0xffff;
	_ =	sdelay $0x2  }
0x1e4: {  	v16 =	vimm.s32 $0x37;
	_ =	sdelay $0x1  }
0x1e5: {  	v14 =	vmul.f32 v15, v14;
	_ =	sdelay $0x1  }
0x1e6: {  	v15 =	vld [tilespmem:$0x130F0];
	[tilespmem:$0x130E0] =	vst v14  }
0x1e7: {  	v14 =	vld.idx.msk [tilespmem:v16+s25+$0x0], $0xffff;
	_ =	sdelay $0x2  }
0x1e8: {  	v16 =	vimm.s32 $0x38;
	_ =	sdelay $0x1  }
0x1e9: {  	v14 =	vmul.f32 v15, v14;
	_ =	sdelay $0x1  }
0x1ea: {  	v15 =	vld [tilespmem:$0x13100];
	[tilespmem:$0x130F0] =	vst v14  }
0x1eb: {  	v14 =	vld.idx.msk [tilespmem:v16+s25+$0x0], $0xffff;
	_ =	sdelay $0x2  }
0x1ec: {  	v16 =	vimm.s32 $0x39;
	_ =	sdelay $0x1  }
0x1ed: {  	v14 =	vmul.f32 v15, v14;
	_ =	sdelay $0x1  }
0x1ee: {  	v15 =	vld [tilespmem:$0x13110];
	[tilespmem:$0x13100] =	vst v14  }
0x1ef: {  	v14 =	vld.idx.msk [tilespmem:v16+s25+$0x0], $0xffff;
	_ =	sdelay $0x2  }
0x1f0: {  	v16 =	vimm.s32 $0x3A;
	_ =	sdelay $0x1  }
0x1f1: {  	v14 =	vmul.f32 v15, v14;
	_ =	sdelay $0x1  }
0x1f2: {  	v15 =	vld [tilespmem:$0x13120];
	[tilespmem:$0x13110] =	vst v14  }
0x1f3: {  	v14 =	vld.idx.msk [tilespmem:v16+s25+$0x0], $0xffff;
	_ =	sdelay $0x2  }
0x1f4: {  	v16 =	vimm.s32 $0x3B;
	_ =	sdelay $0x1  }
0x1f5: {  	v14 =	vmul.f32 v15, v14;
	_ =	sdelay $0x1  }
0x1f6: {  	v15 =	vld [tilespmem:$0x13130];
	[tilespmem:$0x13120] =	vst v14  }
0x1f7: {  	v14 =	vld.idx.msk [tilespmem:v16+s25+$0x0], $0xffff;
	_ =	sdelay $0x2  }
0x1f8: {  	v16 =	vimm.s32 $0x3C;
	_ =	sdelay $0x1  }
0x1f9: {  	v14 =	vmul.f32 v15, v14;
	_ =	sdelay $0x1  }
0x1fa: {  	v15 =	vld [tilespmem:$0x13140];
	[tilespmem:$0x13130] =	vst v14  }
0x1fb: {  	v14 =	vld.idx.msk [tilespmem:v16+s25+$0x0], $0xffff;
	_ =	sdelay $0x2  }
0x1fc: {  	v16 =	vimm.s32 $0x3D;
	_ =	sdelay $0x1  }
0x1fd: {  	v14 =	vmul.f32 v15, v14;
	_ =	sdelay $0x1  }
0x1fe: {  	v15 =	vld [tilespmem:$0x13150];
	[tilespmem:$0x13140] =	vst v14  }
0x1ff: {  	v14 =	vld.idx.msk [tilespmem:v16+s25+$0x0], $0xffff;
	_ =	sdelay $0x2  }
0x200: {  	v16 =	vimm.s32 $0x3E;
	_ =	sdelay $0x1  }
0x201: {  	v14 =	vmul.f32 v15, v14;
	_ =	sdelay $0x1  }
0x202: {  	v15 =	vld [tilespmem:$0x13160];
	[tilespmem:$0x13150] =	vst v14  }
0x203: {  	v14 =	vld.idx.msk [tilespmem:v16+s25+$0x0], $0xffff;
	_ =	sdelay $0x2  }
0x204: {  	v16 =	vimm.s32 $0x3F;
	_ =	sdelay $0x1  }
0x205: {  	v14 =	vmul.f32 v15, v14;
	_ =	sdelay $0x1  }
0x206: {  	v15 =	vld [tilespmem:$0x13170];
	[tilespmem:$0x13160] =	vst v14  }
0x207: {  	v14 =	vld.idx.msk [tilespmem:v16+s25+$0x0], $0xffff;
	_ =	sdelay $0x2  }
0x208: {  	v16 =	vimm.s32 $0x40;
	_ =	sdelay $0x1  }
0x209: {  	v14 =	vmul.f32 v15, v14;
	_ =	sdelay $0x1  }
0x20a: {  	v15 =	vld [tilespmem:$0x13180];
	[tilespmem:$0x13170] =	vst v14  }
0x20b: {  	v14 =	vld.idx.msk [tilespmem:v16+s25+$0x0], $0xffff;
	_ =	sdelay $0x2  }
0x20c: {  	v16 =	vimm.s32 $0x41;
	_ =	sdelay $0x1  }
0x20d: {  	v14 =	vmul.f32 v15, v14;
	_ =	sdelay $0x1  }
0x20e: {  	v15 =	vld [tilespmem:$0x13190];
	[tilespmem:$0x13180] =	vst v14  }
0x20f: {  	v14 =	vld.idx.msk [tilespmem:v16+s25+$0x0], $0xffff;
	_ =	sdelay $0x2  }
0x210: {  	v16 =	vimm.s32 $0x42;
	_ =	sdelay $0x1  }
0x211: {  	v14 =	vmul.f32 v15, v14;
	_ =	sdelay $0x1  }
0x212: {  	v15 =	vld [tilespmem:$0x131A0];
	[tilespmem:$0x13190] =	vst v14  }
0x213: {  	v14 =	vld.idx.msk [tilespmem:v16+s25+$0x0], $0xffff;
	_ =	sdelay $0x2  }
0x214: {  	v16 =	vimm.s32 $0x43;
	_ =	sdelay $0x1  }
0x215: {  	v14 =	vmul.f32 v15, v14;
	_ =	sdelay $0x1  }
0x216: {  	v15 =	vld [tilespmem:$0x131B0];
	[tilespmem:$0x131A0] =	vst v14  }
0x217: {  	v14 =	vld.idx.msk [tilespmem:v16+s25+$0x0], $0xffff;
	_ =	sdelay $0x2  }
0x218: {  	v16 =	vimm.s32 $0x44;
	_ =	sdelay $0x1  }
0x219: {  	v14 =	vmul.f32 v15, v14;
	_ =	sdelay $0x1  }
0x21a: {  	v15 =	vld [tilespmem:$0x131C0];
	[tilespmem:$0x131B0] =	vst v14  }
0x21b: {  	v14 =	vld.idx.msk [tilespmem:v16+s25+$0x0], $0xffff;
	_ =	sdelay $0x2  }
0x21c: {  	v16 =	vimm.s32 $0x45;
	_ =	sdelay $0x1  }
0x21d: {  	v14 =	vmul.f32 v15, v14;
	_ =	sdelay $0x1  }
0x21e: {  	v15 =	vld [tilespmem:$0x131D0];
	[tilespmem:$0x131C0] =	vst v14  }
0x21f: {  	v14 =	vld.idx.msk [tilespmem:v16+s25+$0x0], $0xffff;
	_ =	sdelay $0x2  }
0x220: {  	v16 =	vimm.s32 $0x46;
	_ =	sdelay $0x1  }
0x221: {  	v14 =	vmul.f32 v15, v14;
	_ =	sdelay $0x1  }
0x222: {  	v15 =	vld [tilespmem:$0x131E0];
	[tilespmem:$0x131D0] =	vst v14  }
0x223: {  	v14 =	vld.idx.msk [tilespmem:v16+s25+$0x0], $0xffff;
	_ =	sdelay $0x2  }
0x224: {  	v16 =	vimm.s32 $0x47;
	_ =	sdelay $0x1  }
0x225: {  	v14 =	vmul.f32 v15, v14;
	_ =	sdelay $0x1  }
0x226: {  	v15 =	vld [tilespmem:$0x131F0];
	[tilespmem:$0x131E0] =	vst v14  }
0x227: {  	v14 =	vld.idx.msk [tilespmem:v16+s25+$0x0], $0xffff;
	_ =	sdelay $0x2  }
0x228: {  	v16 =	vimm.s32 $0x48;
	_ =	sdelay $0x1  }
0x229: {  	v14 =	vmul.f32 v15, v14;
	_ =	sdelay $0x1  }
0x22a: {  	v15 =	vld [tilespmem:$0x13200];
	[tilespmem:$0x131F0] =	vst v14  }
0x22b: {  	v14 =	vld.idx.msk [tilespmem:v16+s25+$0x0], $0xffff;
	_ =	sdelay $0x2  }
0x22c: {  	v16 =	vimm.s32 $0x49;
	_ =	sdelay $0x1  }
0x22d: {  	v14 =	vmul.f32 v15, v14;
	_ =	sdelay $0x1  }
0x22e: {  	v15 =	vld [tilespmem:$0x13210];
	[tilespmem:$0x13200] =	vst v14  }
0x22f: {  	v14 =	vld.idx.msk [tilespmem:v16+s25+$0x0], $0xffff;
	_ =	sdelay $0x2  }
0x230: {  	v16 =	vimm.s32 $0x4A;
	_ =	sdelay $0x1  }
0x231: {  	v14 =	vmul.f32 v15, v14;
	_ =	sdelay $0x1  }
0x232: {  	v15 =	vld [tilespmem:$0x13220];
	[tilespmem:$0x13210] =	vst v14  }
0x233: {  	v14 =	vld.idx.msk [tilespmem:v16+s25+$0x0], $0xffff;
	_ =	sdelay $0x2  }
0x234: {  	v16 =	vimm.s32 $0x4B;
	_ =	sdelay $0x1  }
0x235: {  	v14 =	vmul.f32 v15, v14;
	_ =	sdelay $0x1  }
0x236: {  	v15 =	vld [tilespmem:$0x13230];
	[tilespmem:$0x13220] =	vst v14  }
0x237: {  	v14 =	vld.idx.msk [tilespmem:v16+s25+$0x0], $0xffff;
	_ =	sdelay $0x2  }
0x238: {  	v16 =	vimm.s32 $0x4C;
	_ =	sdelay $0x1  }
0x239: {  	v14 =	vmul.f32 v15, v14;
	_ =	sdelay $0x1  }
0x23a: {  	v15 =	vld [tilespmem:$0x13240];
	[tilespmem:$0x13230] =	vst v14  }
0x23b: {  	v14 =	vld.idx.msk [tilespmem:v16+s25+$0x0], $0xffff;
	_ =	sdelay $0x2  }
0x23c: {  	v16 =	vimm.s32 $0x4D;
	_ =	sdelay $0x1  }
0x23d: {  	v14 =	vmul.f32 v15, v14;
	_ =	sdelay $0x1  }
0x23e: {  	v15 =	vld [tilespmem:$0x13250];
	[tilespmem:$0x13240] =	vst v14  }
0x23f: {  	v14 =	vld.idx.msk [tilespmem:v16+s25+$0x0], $0xffff;
	_ =	sdelay $0x2  }
0x240: {  	v16 =	vimm.s32 $0x4E;
	_ =	sdelay $0x1  }
0x241: {  	v14 =	vmul.f32 v15, v14;
	_ =	sdelay $0x1  }
0x242: {  	v15 =	vld [tilespmem:$0x13260];
	[tilespmem:$0x13250] =	vst v14  }
0x243: {  	v14 =	vld.idx.msk [tilespmem:v16+s25+$0x0], $0xffff;
	_ =	sdelay $0x2  }
0x244: {  	v16 =	vimm.s32 $0x4F;
	_ =	sdelay $0x1  }
0x245: {  	v14 =	vmul.f32 v15, v14;
	_ =	sdelay $0x1  }
0x246: {  	v15 =	vld [tilespmem:$0x13270];
	[tilespmem:$0x13260] =	vst v14  }
0x247: {  	v14 =	vld.idx.msk [tilespmem:v16+s25+$0x0], $0xffff;
	_ =	sdelay $0x2  }
0x248: {  	v16 =	vimm.s32 $0x50;
	_ =	sdelay $0x1  }
0x249: {  	v14 =	vmul.f32 v15, v14;
	_ =	sdelay $0x1  }
0x24a: {  	v15 =	vld [tilespmem:$0x13280];
	[tilespmem:$0x13270] =	vst v14  }
0x24b: {  	v14 =	vld.idx.msk [tilespmem:v16+s25+$0x0], $0xffff;
	_ =	sdelay $0x2  }
0x24c: {  	v16 =	vimm.s32 $0x51;
	_ =	sdelay $0x1  }
0x24d: {  	v14 =	vmul.f32 v15, v14;
	_ =	sdelay $0x1  }
0x24e: {  	v15 =	vld [tilespmem:$0x13290];
	[tilespmem:$0x13280] =	vst v14  }
0x24f: {  	v14 =	vld.idx.msk [tilespmem:v16+s25+$0x0], $0xffff;
	_ =	sdelay $0x2  }
0x250: {  	v16 =	vimm.s32 $0x52;
	_ =	sdelay $0x1  }
0x251: {  	v14 =	vmul.f32 v15, v14;
	_ =	sdelay $0x1  }
0x252: {  	v15 =	vld [tilespmem:$0x132A0];
	[tilespmem:$0x13290] =	vst v14  }
0x253: {  	v14 =	vld.idx.msk [tilespmem:v16+s25+$0x0], $0xffff;
	_ =	sdelay $0x2  }
0x254: {  	v16 =	vimm.s32 $0x53;
	_ =	sdelay $0x1  }
0x255: {  	v14 =	vmul.f32 v15, v14;
	_ =	sdelay $0x1  }
0x256: {  	v15 =	vld [tilespmem:$0x132B0];
	[tilespmem:$0x132A0] =	vst v14  }
0x257: {  	v14 =	vld.idx.msk [tilespmem:v16+s25+$0x0], $0xffff;
	_ =	sdelay $0x2  }
0x258: {  	v16 =	vimm.s32 $0x54;
	_ =	sdelay $0x1  }
0x259: {  	v14 =	vmul.f32 v15, v14;
	_ =	sdelay $0x1  }
0x25a: {  	v15 =	vld [tilespmem:$0x132C0];
	[tilespmem:$0x132B0] =	vst v14  }
0x25b: {  	v14 =	vld.idx.msk [tilespmem:v16+s25+$0x0], $0xffff;
	_ =	sdelay $0x2  }
0x25c: {  	v16 =	vimm.s32 $0x55;
	_ =	sdelay $0x1  }
0x25d: {  	v14 =	vmul.f32 v15, v14;
	_ =	sdelay $0x1  }
0x25e: {  	v15 =	vld [tilespmem:$0x132D0];
	[tilespmem:$0x132C0] =	vst v14  }
0x25f: {  	v14 =	vld.idx.msk [tilespmem:v16+s25+$0x0], $0xffff;
	_ =	sdelay $0x2  }
0x260: {  	v16 =	vimm.s32 $0x56;
	_ =	sdelay $0x1  }
0x261: {  	v14 =	vmul.f32 v15, v14;
	_ =	sdelay $0x1  }
0x262: {  	v15 =	vld [tilespmem:$0x132E0];
	[tilespmem:$0x132D0] =	vst v14  }
0x263: {  	v14 =	vld.idx.msk [tilespmem:v16+s25+$0x0], $0xffff;
	_ =	sdelay $0x2  }
0x264: {  	v16 =	vimm.s32 $0x57;
	_ =	sdelay $0x1  }
0x265: {  	v14 =	vmul.f32 v15, v14;
	_ =	sdelay $0x1  }
0x266: {  	v15 =	vld [tilespmem:$0x132F0];
	[tilespmem:$0x132E0] =	vst v14  }
0x267: {  	v14 =	vld.idx.msk [tilespmem:v16+s25+$0x0], $0xffff;
	_ =	sdelay $0x2  }
0x268: {  	v16 =	vimm.s32 $0x58;
	_ =	sdelay $0x1  }
0x269: {  	v14 =	vmul.f32 v15, v14;
	_ =	sdelay $0x1  }
0x26a: {  	v15 =	vld [tilespmem:$0x13300];
	[tilespmem:$0x132F0] =	vst v14  }
0x26b: {  	v14 =	vld.idx.msk [tilespmem:v16+s25+$0x0], $0xffff;
	_ =	sdelay $0x2  }
0x26c: {  	v16 =	vimm.s32 $0x59;
	_ =	sdelay $0x1  }
0x26d: {  	v14 =	vmul.f32 v15, v14;
	_ =	sdelay $0x1  }
0x26e: {  	v15 =	vld [tilespmem:$0x13310];
	[tilespmem:$0x13300] =	vst v14  }
0x26f: {  	v14 =	vld.idx.msk [tilespmem:v16+s25+$0x0], $0xffff;
	_ =	sdelay $0x2  }
0x270: {  	v16 =	vimm.s32 $0x5A;
	_ =	sdelay $0x1  }
0x271: {  	v14 =	vmul.f32 v15, v14;
	_ =	sdelay $0x1  }
0x272: {  	v15 =	vld [tilespmem:$0x13320];
	[tilespmem:$0x13310] =	vst v14  }
0x273: {  	v14 =	vld.idx.msk [tilespmem:v16+s25+$0x0], $0xffff;
	_ =	sdelay $0x2  }
0x274: {  	v16 =	vimm.s32 $0x5B;
	_ =	sdelay $0x1  }
0x275: {  	v14 =	vmul.f32 v15, v14;
	_ =	sdelay $0x1  }
0x276: {  	v15 =	vld [tilespmem:$0x13330];
	[tilespmem:$0x13320] =	vst v14  }
0x277: {  	v14 =	vld.idx.msk [tilespmem:v16+s25+$0x0], $0xffff;
	_ =	sdelay $0x2  }
0x278: {  	v16 =	vimm.s32 $0x5C;
	_ =	sdelay $0x1  }
0x279: {  	v14 =	vmul.f32 v15, v14;
	_ =	sdelay $0x1  }
0x27a: {  	v15 =	vld [tilespmem:$0x13340];
	[tilespmem:$0x13330] =	vst v14  }
0x27b: {  	v14 =	vld.idx.msk [tilespmem:v16+s25+$0x0], $0xffff;
	_ =	sdelay $0x2  }
0x27c: {  	v16 =	vimm.s32 $0x5D;
	_ =	sdelay $0x1  }
0x27d: {  	v14 =	vmul.f32 v15, v14;
	_ =	sdelay $0x1  }
0x27e: {  	v15 =	vld [tilespmem:$0x13350];
	[tilespmem:$0x13340] =	vst v14  }
0x27f: {  	v14 =	vld.idx.msk [tilespmem:v16+s25+$0x0], $0xffff;
	_ =	sdelay $0x2  }
0x280: {  	v16 =	vimm.s32 $0x5E;
	_ =	sdelay $0x1  }
0x281: {  	v14 =	vmul.f32 v15, v14;
	_ =	sdelay $0x1  }
0x282: {  	v15 =	vld [tilespmem:$0x13360];
	[tilespmem:$0x13350] =	vst v14  }
0x283: {  	v14 =	vld.idx.msk [tilespmem:v16+s25+$0x0], $0xffff;
	_ =	sdelay $0x2  }
0x284: {  	v16 =	vimm.s32 $0x5F;
	_ =	sdelay $0x1  }
0x285: {  	v14 =	vmul.f32 v15, v14;
	_ =	sdelay $0x1  }
0x286: {  	v15 =	vld [tilespmem:$0x13370];
	[tilespmem:$0x13360] =	vst v14  }
0x287: {  	v14 =	vld.idx.msk [tilespmem:v16+s25+$0x0], $0xffff;
	_ =	sdelay $0x2  }
0x288: {  	v16 =	vimm.s32 $0x60;
	_ =	sdelay $0x1  }
0x289: {  	v14 =	vmul.f32 v15, v14;
	_ =	sdelay $0x1  }
0x28a: {  	v15 =	vld [tilespmem:$0x13380];
	[tilespmem:$0x13370] =	vst v14  }
0x28b: {  	v14 =	vld.idx.msk [tilespmem:v16+s25+$0x0], $0xffff;
	_ =	sdelay $0x2  }
0x28c: {  	v16 =	vimm.s32 $0x61;
	_ =	sdelay $0x1  }
0x28d: {  	v14 =	vmul.f32 v15, v14;
	_ =	sdelay $0x1  }
0x28e: {  	v15 =	vld [tilespmem:$0x13390];
	[tilespmem:$0x13380] =	vst v14  }
0x28f: {  	v14 =	vld.idx.msk [tilespmem:v16+s25+$0x0], $0xffff;
	_ =	sdelay $0x2  }
0x290: {  	v16 =	vimm.s32 $0x62;
	_ =	sdelay $0x1  }
0x291: {  	v14 =	vmul.f32 v15, v14;
	_ =	sdelay $0x1  }
0x292: {  	v15 =	vld [tilespmem:$0x133A0];
	[tilespmem:$0x13390] =	vst v14  }
0x293: {  	v14 =	vld.idx.msk [tilespmem:v16+s25+$0x0], $0xffff;
	_ =	sdelay $0x2  }
0x294: {  	v16 =	vimm.s32 $0x63;
	_ =	sdelay $0x1  }
0x295: {  	v14 =	vmul.f32 v15, v14;
	_ =	sdelay $0x1  }
0x296: {  	v15 =	vld [tilespmem:$0x133B0];
	[tilespmem:$0x133A0] =	vst v14  }
0x297: {  	v14 =	vld.idx.msk [tilespmem:v16+s25+$0x0], $0xffff;
	_ =	sdelay $0x2  }
0x298: {  	v16 =	vimm.s32 $0x64;
	_ =	sdelay $0x1  }
0x299: {  	v14 =	vmul.f32 v15, v14;
	_ =	sdelay $0x1  }
0x29a: {  	v15 =	vld [tilespmem:$0x133C0];
	[tilespmem:$0x133B0] =	vst v14  }
0x29b: {  	v14 =	vld.idx.msk [tilespmem:v16+s25+$0x0], $0xffff;
	_ =	sdelay $0x2  }
0x29c: {  	v16 =	vimm.s32 $0x65;
	_ =	sdelay $0x1  }
0x29d: {  	v14 =	vmul.f32 v15, v14;
	_ =	sdelay $0x1  }
0x29e: {  	v15 =	vld [tilespmem:$0x133D0];
	[tilespmem:$0x133C0] =	vst v14  }
0x29f: {  	v14 =	vld.idx.msk [tilespmem:v16+s25+$0x0], $0xffff;
	_ =	sdelay $0x2  }
0x2a0: {  	v16 =	vimm.s32 $0x66;
	_ =	sdelay $0x1  }
0x2a1: {  	v14 =	vmul.f32 v15, v14;
	_ =	sdelay $0x1  }
0x2a2: {  	v15 =	vld [tilespmem:$0x133E0];
	[tilespmem:$0x133D0] =	vst v14  }
0x2a3: {  	v14 =	vld.idx.msk [tilespmem:v16+s25+$0x0], $0xffff;
	_ =	sdelay $0x4  }
0x2a4: {  	v14 =	vmul.f32 v15, v14;
	_ =	sdelay $0x1  }
0x2a5: {  	v15 =	vld [tilespmem:$0x133F0];
	[tilespmem:$0x133E0] =	vst v14  }
0x2a6: {  	v14 =	vld.idx.msk [tilespmem:v23+s25+$0x0], $0xffff;
	_ =	sdelay $0x4  }
0x2a7: {  	v14 =	vmul.f32 v15, v14;
	_ =	sdelay $0x1  }
0x2a8: {  	v15 =	vld [tilespmem:$0x13400];
	[tilespmem:$0x133F0] =	vst v14  }
0x2a9: {  	v14 =	vld.idx.msk [tilespmem:v24+s25+$0x0], $0xffff;
	_ =	sdelay $0x4  }
0x2aa: {  	v14 =	vmul.f32 v15, v14;
	_ =	sdelay $0x1  }
0x2ab: {  	v15 =	vld [tilespmem:$0x13410];
	[tilespmem:$0x13400] =	vst v14  }
0x2ac: {  	v14 =	vld.idx.msk [tilespmem:v28+s25+$0x0], $0xffff;
	_ =	sdelay $0x4  }
0x2ad: {  	v14 =	vmul.f32 v15, v14;
	_ =	sdelay $0x1  }
0x2ae: {  	v15 =	vld [tilespmem:$0x13420];
	[tilespmem:$0x13410] =	vst v14  }
0x2af: {  	v14 =	vld.idx.msk [tilespmem:v29+s25+$0x0], $0xffff;
	_ =	sdelay $0x4  }
0x2b0: {  	v14 =	vmul.f32 v15, v14;
	_ =	sdelay $0x1  }
0x2b1: {  	v15 =	vld [tilespmem:$0x13430];
	[tilespmem:$0x13420] =	vst v14  }
0x2b2: {  	v14 =	vld.idx.msk [tilespmem:v30+s25+$0x0], $0xffff;
	_ =	sdelay $0x4  }
0x2b3: {  	v14 =	vmul.f32 v15, v14;
	_ =	sdelay $0x1  }
0x2b4: {  	v15 =	vld [tilespmem:$0x13440];
	[tilespmem:$0x13430] =	vst v14  }
0x2b5: {  	v14 =	vld.idx.msk [tilespmem:v31+s25+$0x0], $0xffff;
	_ =	sdelay $0x4  }
0x2b6: {  	v14 =	vmul.f32 v15, v14;
	_ =	sdelay $0x1  }
0x2b7: {  	v15 =	vld [tilespmem:$0x13450];
	[tilespmem:$0x13440] =	vst v14  }
0x2b8: {  	v14 =	vld.idx.msk [tilespmem:v35+s25+$0x0], $0xffff;
	_ =	sdelay $0x4  }
0x2b9: {  	v14 =	vmul.f32 v15, v14;
	_ =	sdelay $0x1  }
0x2ba: {  	v15 =	vld [tilespmem:$0x13460];
	[tilespmem:$0x13450] =	vst v14  }
0x2bb: {  	v14 =	vld.idx.msk [tilespmem:v36+s25+$0x0], $0xffff;
	_ =	sdelay $0x4  }
0x2bc: {  	v14 =	vmul.f32 v15, v14;
	_ =	sdelay $0x1  }
0x2bd: {  	v15 =	vld [tilespmem:$0x13470];
	[tilespmem:$0x13460] =	vst v14  }
0x2be: {  	v14 =	vld.idx.msk [tilespmem:v37+s25+$0x0], $0xffff;
	_ =	sdelay $0x4  }
0x2bf: {  	v14 =	vmul.f32 v15, v14;
	_ =	sdelay $0x1  }
0x2c0: {  	v15 =	vld [tilespmem:$0x13480];
	[tilespmem:$0x13470] =	vst v14  }
0x2c1: {  	v14 =	vld.idx.msk [tilespmem:v38+s25+$0x0], $0xffff;
	_ =	sdelay $0x4  }
0x2c2: {  	v14 =	vmul.f32 v15, v14;
	_ =	sdelay $0x1  }
0x2c3: {  	v15 =	vld [tilespmem:$0x13490];
	[tilespmem:$0x13480] =	vst v14  }
0x2c4: {  	v14 =	vld.idx.msk [tilespmem:v42+s25+$0x0], $0xffff;
	_ =	sdelay $0x4  }
0x2c5: {  	v14 =	vmul.f32 v15, v14;
	_ =	sdelay $0x1  }
0x2c6: {  	v15 =	vld [tilespmem:$0x134A0];
	[tilespmem:$0x13490] =	vst v14  }
0x2c7: {  	v14 =	vld.idx.msk [tilespmem:v43+s25+$0x0], $0xffff;
	_ =	sdelay $0x4  }
0x2c8: {  	v14 =	vmul.f32 v15, v14;
	_ =	sdelay $0x1  }
0x2c9: {  	v15 =	vld [tilespmem:$0x134B0];
	[tilespmem:$0x134A0] =	vst v14  }
0x2ca: {  	v14 =	vld.idx.msk [tilespmem:v44+s25+$0x0], $0xffff;
	_ =	sdelay $0x4  }
0x2cb: {  	v14 =	vmul.f32 v15, v14;
	_ =	sdelay $0x1  }
0x2cc: {  	v15 =	vld [tilespmem:$0x134C0];
	[tilespmem:$0x134B0] =	vst v14  }
0x2cd: {  	v14 =	vld.idx.msk [tilespmem:v45+s25+$0x0], $0xffff;
	_ =	sdelay $0x4  }
0x2ce: {  	v14 =	vmul.f32 v15, v14;
	_ =	sdelay $0x1  }
0x2cf: {  	v15 =	vld [tilespmem:$0x134D0];
	[tilespmem:$0x134C0] =	vst v14  }
0x2d0: {  	v14 =	vld.idx.msk [tilespmem:v49+s25+$0x0], $0xffff;
	_ =	sdelay $0x4  }
0x2d1: {  	v14 =	vmul.f32 v15, v14;
	_ =	sdelay $0x1  }
0x2d2: {  	v15 =	vld [tilespmem:$0x134E0];
	[tilespmem:$0x134D0] =	vst v14  }
0x2d3: {  	v14 =	vld.idx.msk [tilespmem:v50+s25+$0x0], $0xffff;
	_ =	sdelay $0x4  }
0x2d4: {  	v14 =	vmul.f32 v15, v14;
	_ =	sdelay $0x1  }
0x2d5: {  	v15 =	vld [tilespmem:$0x134F0];
	[tilespmem:$0x134E0] =	vst v14  }
0x2d6: {  	v14 =	vld.idx.msk [tilespmem:v51+s25+$0x0], $0xffff;
	_ =	sdelay $0x4  }
0x2d7: {  	v14 =	vmul.f32 v15, v14;
	_ =	sdelay $0x1  }
0x2d8: {  	v15 =	vld [tilespmem:$0x13500];
	[tilespmem:$0x134F0] =	vst v14  }
0x2d9: {  	v14 =	vld.idx.msk [tilespmem:v52+s25+$0x0], $0xffff;
	_ =	sdelay $0x4  }
0x2da: {  	v14 =	vmul.f32 v15, v14;
	_ =	sdelay $0x1  }
0x2db: {  	v15 =	vld [tilespmem:$0x13510];
	[tilespmem:$0x13500] =	vst v14  }
0x2dc: {  	v14 =	vld.idx.msk [tilespmem:v56+s25+$0x0], $0xffff;
	_ =	sdelay $0x4  }
0x2dd: {  	v14 =	vmul.f32 v15, v14;
	_ =	sdelay $0x1  }
0x2de: {  	v15 =	vld [tilespmem:$0x13520];
	[tilespmem:$0x13510] =	vst v14  }
0x2df: {  	v14 =	vld.idx.msk [tilespmem:v57+s25+$0x0], $0xffff;
	_ =	sdelay $0x4  }
0x2e0: {  	v14 =	vmul.f32 v15, v14;
	_ =	sdelay $0x1  }
0x2e1: {  	v15 =	vld [tilespmem:$0x13530];
	[tilespmem:$0x13520] =	vst v14  }
0x2e2: {  	v14 =	vld.idx.msk [tilespmem:v58+s25+$0x0], $0xffff;
	_ =	sdelay $0x4  }
0x2e3: {  	v14 =	vmul.f32 v15, v14;
	_ =	sdelay $0x1  }
0x2e4: {  	v15 =	vld [tilespmem:$0x13540];
	[tilespmem:$0x13530] =	vst v14  }
0x2e5: {  	v14 =	vld.idx.msk [tilespmem:v59+s25+$0x0], $0xffff;
	_ =	sdelay $0x4  }
0x2e6: {  	v14 =	vmul.f32 v15, v14;
	_ =	sdelay $0x1  }
0x2e7: {  	v15 =	vld [tilespmem:$0x13550];
	[tilespmem:$0x13540] =	vst v14  }
0x2e8: {  	v14 =	vld.idx.msk [tilespmem:v8+s25+$0x0], $0xffff;
	_ =	sdelay $0x4  }
0x2e9: {  	v14 =	vmul.f32 v15, v14;
	_ =	sdelay $0x1  }
0x2ea: {  	v15 =	vld [tilespmem:$0x13560];
	[tilespmem:$0x13550] =	vst v14  }
0x2eb: {  	v14 =	vld.idx.msk [tilespmem:v9+s25+$0x0], $0xffff;
	_ =	sdelay $0x4  }
0x2ec: {  	v14 =	vmul.f32 v15, v14;
	_ =	sdelay $0x1  }
0x2ed: {  	v15 =	vld [tilespmem:$0x13570];
	[tilespmem:$0x13560] =	vst v14  }
0x2ee: {  	v14 =	vld.idx.msk [tilespmem:v10+s25+$0x0], $0xffff;
	_ =	sdelay $0x4  }
0x2ef: {  	v14 =	vmul.f32 v15, v14;
	_ =	sdelay $0x1  }
0x2f0: {  	[tilespmem:$0x13570] =	vst v14  }
0x2f1: {  	[spmem:s0] =	stream.indirect.scatter.add.f32 [tilespmem:s16], [sflag:$0x1], $0x10, s24, s21, $0xb8;
	[tilespmem:$0x14200] =	vst v63  }
0x2f2: {  	_ =	swait.ge [sflag:s17], $0x800  }
0x2f3: {  	p0 =	sne.s32 s28, $0x30D0;
	[sflag:s17] =	ssyncset.done $0x0  }
.Ltmp1:
0x2f4: {  	[sflag:s17] =	ssyncadd.s32 $0xFFFFF800;
	(pc) =	sbr.rel @p0 .LBB2_4-.Ltmp1, $4  }
0x2f5: {  	[spmem:s2] =	stream.indirect.scatter.add.f32 [tilespmem:s18], [sflag:$0x1], $0x8, s24, s21, $0xb8;
	[tilespmem:$0x14200] =	vst v63  }
0x2f6: {  	_ =	swait.ge [sflag:s17], $0x400  }
0x2f7: {  	[sflag:s17] =	ssyncset.done $0x0  }
0x2f8: {  	s28 =	sadd.s32 $0x10, s28;
	[sflag:s17] =	ssyncadd.s32 $0xFFFFFC00  }
0x2f9: {  	[bflag:$0x0] =	sbarrier.arrive $0xFFFF  }
0x2fa: {  	[tilespmem:s16], [sflag:$0x1] =	stream.linear.gather [spmem:s12], $0x800, $0x38;
	[tilespmem:$0x14200] =	vst v63  }
0x2fb: {  	_ =	swait.ge [sflag:s17], $0x800  }
0x2fc: {  	[sflag:s17] =	ssyncset.done $0x0  }
0x2fd: {  	[sflag:s17] =	ssyncadd.s32 $0xFFFFF800  }
0x2fe: {  	[hbm4b:s15+s4] =	stream.linear.scatter [tilespmem:s16], [sflag:$0x1], $0x800, $0x38;
	[tilespmem:$0x14200] =	vst v63  }
0x2ff: {  	_ =	swait.ge [sflag:s17], $0x800  }
0x300: {  	[sflag:s17] =	ssyncset.done $0x0  }
0x301: {  	[sflag:s17] =	ssyncadd.s32 $0xFFFFF800  }
0x302: {  	[tilespmem:s18], [sflag:$0x1] =	stream.linear.gather [spmem:s9], $0x400, $0x38;
	[tilespmem:$0x14200] =	vst v63  }
0x303: {  	_ =	swait.ge [sflag:s17], $0x400  }
0x304: {  	[sflag:s17] =	ssyncset.done $0x0  }
0x305: {  	s1 =	sadd.s32 $0x0, s14;
	[sflag:s17] =	ssyncadd.s32 $0xFFFFFC00  }
0x306: {  	[hbm4b:s1+s4] =	stream.linear.scatter [tilespmem:s18], [sflag:$0x1], $0x400, $0x38;
	[tilespmem:$0x14200] =	vst v63  }
0x307: {  	s28 =	simm.s32 $0x80;
	s29 =	sadd.s32 $0x100, s15;
	_ =	swait.ge [sflag:s17], $0x400  }
0x308: {  	s30 =	smov.u32 s9;
	s31 =	smov.u32 s12;
	[sflag:s17] =	ssyncset.done $0x0  }
.LBB2_6:
0x309: {  	[sflag:s17] =	ssyncadd.s32 $0xFFFFFC00  }
0x30a: {  	s30 =	sadd.s32 $0x400, s30;
	s31 =	sadd.s32 $0x800, s31;
	s1 =	smov.u32 s28  }
0x30b: {  	[tilespmem:s16], [sflag:$0x1] =	stream.linear.gather [spmem:s31], $0x800, $0x38;
	[tilespmem:$0x14200] =	vst v63  }
0x30c: {  	p0 =	sne.s32 s28, $0xC00;
	s28 =	sadd.s32 $0x80, s28;
	_ =	swait.ge [sflag:s17], $0x800  }
0x30d: {  	[sflag:s17] =	ssyncset.done $0x0  }
0x30e: {  	[sflag:s17] =	ssyncadd.s32 $0xFFFFF800  }
0x30f: {  	[hbm4b:s29+s4] =	stream.linear.scatter [tilespmem:s16], [sflag:$0x1], $0x800, $0x38;
	[tilespmem:$0x14200] =	vst v63  }
0x310: {  	_ =	swait.ge [sflag:s17], $0x800  }
0x311: {  	[sflag:s17] =	ssyncset.done $0x0  }
0x312: {  	[sflag:s17] =	ssyncadd.s32 $0xFFFFF800  }
0x313: {  	[tilespmem:s18], [sflag:$0x1] =	stream.linear.gather [spmem:s30], $0x400, $0x38;
	[tilespmem:$0x14200] =	vst v63  }
0x314: {  	_ =	swait.ge [sflag:s17], $0x400  }
.Ltmp2:
0x315: {  	[sflag:s17] =	ssyncset.done $0x0;
	(pc) =	sbr.rel @p0 .LBB2_6-.Ltmp2, $4  }
0x316: {  	s1 =	sadd.s32 s1, s14;
	[sflag:s17] =	ssyncadd.s32 $0xFFFFFC00  }
0x317: {  	[hbm4b:s1+s4] =	stream.linear.scatter [tilespmem:s18], [sflag:$0x1], $0x400, $0x38;
	[tilespmem:$0x14200] =	vst v63  }
0x318: {  	_ =	swait.ge [sflag:s17], $0x400  }
0x319: {  	s29 =	sadd.s32 $0x100, s29;
	[sflag:s17] =	ssyncset.done $0x0  }
0x31a: {  	s26 =	sadd.s32 $0x1, s26  }
0x31b: {  	p0 =	sne.s32 s26, s7  }
.Ltmp3:
0x31c: {  	_ = 	snop;
	(pc) =	sbr.rel @p0 .LBB2_1-.Ltmp3, $2  }
0x31d: {  	_ =	sdelay $0x2  }
0x31e: {  	[sflag:s17] =	ssyncadd.s32 $0xFFFFFC00  }
0x31f: {  	_ =	sfence.sel $0x180000  }
0x320: {  	[bflag:$0x0] =	sbarrier.arrive $0xFFFF  }
0x321: {  	_ =	strace $0x9000004A  }
0x322: {  	[bflag:$0x2] =	sbarrier.arrive $0xFFFF  }
0x323: {  	p0 =	sne.s32 s3, $0x0;
	s0 =	rddreg [dreg:$0x3]  }
0x324: {  	s0 =	sadd.s32 @!p0 $0x100000, s0  }
0x325: {  	[sflag:s0] =	ssyncadd.tile.s32 @!p0 $0x1;
	_ =	shalt  }
.Lfunc_end2:
_tile_overlayer_lowered:
.L_overlay_start_2:
0x326: {  	(tag) =	ssettag $0x2  }
0x327: {  	s0 =	rddreg [dreg:$0x0];
	s2 =	stileid.u32  }
0x328: {  	s1 =	rddreg [dreg:$0x1];
	p0 =	sne.s32 s2, $0x0  }
0x329: {  	s3 =	rddreg [dreg:$0x2];
	[bflag:$0x3] =	sbarrier.arrive $0xFFFF;
	s2 =	simm.s32 @!p0 $0x1C01  }
0x32a: {  	[timem:s3], [sflag:s2] =	dma.local @!p0 [hbm:s0], s1  }
0x32b: {  	s0 =	simm.s32 @!p0 $0x1  }
0x32c: {  	_ =	swait.ge @!p0 [sflag:s0], s1  }
0x32d: {  	s1 =	ssub.s32 @!p0 $0x0, s1;
	[sflag:s0] =	ssyncset.done @!p0 $0x0  }
0x32e: {  	[sflag:s0] =	ssyncadd.s32 @!p0 s1  }
0x32f: {  	[bflag:$0x3] =	sbarrier.arrive $0xFFFF  }
0x330: {  	_ =	shalt  }

// kernel: kernel.7.cloned.1.call-start
scs
__scs_entry_jumppad:
0x0: {  	(pc) =	sbr.rel $0x88, $3  }
0x1: {  	(tag) =	ssettag $0x0;
	lr =	simm.s32 $0x1  }
0x2: {  	[smem:$0x3F95] =	sst lr;
	_ =	strace $0xD0000000  }
0x3: {  	_ = 	snop  }
0x4: {  	_ = 	snop  }
0x5: {  	_ = 	snop  }
0x6: {  	_ = 	snop  }
0x7: {  	_ = 	snop  }
__scs_overlays_trampoline_lowered:
0x8: {  	[smem:$0x3FA4] =	sst s0  }
0x9: {  	[smem:$0x3FA5] =	sst s1  }
0xa: {  	[smem:$0x3FA6] =	sst s2  }
0xb: {  	[smem:$0x3FA7] =	sst s3  }
0xc: {  	[smem:$0x3FA8] =	sst s4  }
0xd: {  	[smem:$0x3FA9] =	sst s5  }
0xe: {  	[smem:$0x3FAA] =	sst s6  }
0xf: {  	[smem:$0x3FAB] =	sst s7  }
0x10: {  	[smem:$0x3FAC] =	sst s8  }
0x11: {  	[smem:$0x3FAD] =	sst s9;
	s0 =	simm.s32 @!p0 $0x0  }
0x12: {  	s1 =	sld [smem:$0x3F93];
	s0 =	simm.s32 @p0 $0x1  }
0x13: {  	[smem:$0x3FAE] =	sst s0;
	s0 =	simm.s32 @!p1 $0x0  }
0x14: {  	s2 =	sld [smem:$0x3F92];
	s0 =	simm.s32 @p1 $0x1  }
0x15: {  	[smem:$0x3FAF] =	sst s0;
	s0 =	simm.s32 @!p2 $0x0  }
0x16: {  	s3 =	sld [smem:$0x3FDB];
	s0 =	simm.s32 @p2 $0x1  }
0x17: {  	s4 =	simm.s32 $0x1BF5;
	[smem:$0x3FB1] =	sst s0  }
0x18: {  	s0 =	sld [smem:$0x3F94];
	_ =	swait.ge [sflag:s4], $0x0  }
0x19: {  	s7 =	sld [smem:$0x3F95]  }
0x1a: {  	s8 =	sadd.s32 $0xFFFFE003, lr  }
0x1b: {  	s9 =	sadd.s32 $0xFFFFFEF7, lr;
	s5 =	simm.s32 $0xFFFFFFFF;
	p2 =	slt.u32 s8, $0xFFFFF086  }
0x1c: {  	p1 =	slt.u32 s9, $0xF7A;
	s5 =	simm.s32 @!p2 $0x0  }
0x1d: {  	s5 =	simm.s32 @p1 $0x1;
	p0 =	seq.s32 s7, s2  }
0x1e: {  	s7 =	smul.u32 @!p0 $0xF7A, s2;
	p2 =	seq.s32 @!p0 s5, $0x0  }
0x1f: {  	s9 =	smul.u32 $0xF7A, s1;
	s8 =	simm.s32 @!p0 $0x1BF5;
	p2 =	por !p2, p0  }
0x20: {  	[sflag:s8] =	ssyncset.s32 @!p0 $0xFFFFF086;
	s6 =	sadd.s32 @!p0 s3, s7;
	s7 =	simm.s32 @!p0 $0x108  }
0x21: {  	s3 =	sadd.s32 s3, s9;
	s6 =	sadd.s32 @!p0 $0x88, s6;
	s7 =	simm.s32 @p2 $0x1082  }
0x22: {  	[simem:s7], [sflag:s8] =	dma.local @!p0 [hbm:s6], $0xF7A  }
0x23: {  	s9 =	sor.u32 $0xD0000000, s2;
	s6 =	simm.s32 $0x108;
	_ =	swait.ge @!p0 [sflag:s8], $0x0  }
0x24: {  	s3 =	sadd.s32 $0x88, s3;
	s6 =	simm.s32 @!p1 $0x1082;
	[sflag:s4] =	ssyncset.s32 $0xFFFFF086  }
0x25: {  	[simem:s6], [sflag:s4] =	dma.local [hbm:s3], $0xF7A  }
0x26: {  	[smem:$0x3F95] =	sst s1;
	(tag) =	ssettag s2;
	_ =	strace s9  }
0x27: {  	s1 =	sld [smem:$0x3FA5]  }
0x28: {  	s2 =	sld [smem:$0x3FA6]  }
0x29: {  	s4 =	sld [smem:$0x3FA8]  }
0x2a: {  	p0 =	seq.s32 s5, $0x0;
	s5 =	sld [smem:$0x3FA9]  }
0x2b: {  	s6 =	sld [smem:$0x3FAA]  }
0x2c: {  	s7 =	sld [smem:$0x3FAB]  }
0x2d: {  	s3 =	simm.s32 $0x108;
	s8 =	sld [smem:$0x3FAC]  }
0x2e: {  	s3 =	simm.s32 @!p0 $0x1082;
	s9 =	sld [smem:$0x3FAD]  }
0x2f: {  	lr =	sadd.s32 s0, s3;
	s0 =	sld [smem:$0x3FA4]  }
0x30: {  	s3 =	sld [smem:$0x3FA7]  }
0x31: {  	[smem:$0x3FB0] =	sst s10  }
0x32: {  	s10 =	sld [smem:$0x3FAE];
	_ =	sdelay $0x3  }
0x33: {  	p0 =	seq.s32 s10, $0x1;
	s10 =	sld [smem:$0x3FB0];
	_ =	sdelay $0x3  }
0x34: {  	[smem:$0x3FB0] =	sst s10  }
0x35: {  	s10 =	sld [smem:$0x3FAF];
	_ =	sdelay $0x3  }
0x36: {  	p1 =	seq.s32 s10, $0x1;
	s10 =	sld [smem:$0x3FB0];
	_ =	sdelay $0x3  }
0x37: {  	[smem:$0x3FB0] =	sst s10  }
0x38: {  	s10 =	sld [smem:$0x3FB1]  }
0x39: {  	_ = 	snop;
	(pc) =	sbr.ind lr, $3  }
0x3a: {  	_ = 	snop  }
0x3b: {  	_ = 	snop  }
0x3c: {  	p2 =	seq.s32 s10, $0x1;
	s10 =	sld [smem:$0x3FB0]  }
0x3d: {  	_ =	shalt  }
0x3e: {  	_ =	shalt  }
0x3f: {  	_ =	shalt  }
0x40: {  	_ =	shalt  }
0x41: {  	_ =	shalt  }
0x42: {  	_ =	shalt  }
0x43: {  	_ =	shalt  }
0x44: {  	_ =	shalt  }
0x45: {  	_ =	shalt  }
0x46: {  	_ =	shalt  }
0x47: {  	_ =	shalt  }
0x48: {  	_ =	shalt  }
0x49: {  	_ =	shalt  }
0x4a: {  	_ =	shalt  }
0x4b: {  	_ =	shalt  }
0x4c: {  	_ =	shalt  }
0x4d: {  	_ =	shalt  }
0x4e: {  	_ =	shalt  }
0x4f: {  	_ =	shalt  }
0x50: {  	_ =	shalt  }
0x51: {  	_ =	shalt  }
0x52: {  	_ =	shalt  }
0x53: {  	_ =	shalt  }
0x54: {  	_ =	shalt  }
0x55: {  	_ =	shalt  }
0x56: {  	_ =	shalt  }
0x57: {  	_ =	shalt  }
0x58: {  	_ =	shalt  }
0x59: {  	_ =	shalt  }
0x5a: {  	_ =	shalt  }
0x5b: {  	_ =	shalt  }
0x5c: {  	_ =	shalt  }
0x5d: {  	_ =	shalt  }
0x5e: {  	_ =	shalt  }
0x5f: {  	_ =	shalt  }
0x60: {  	_ =	shalt  }
0x61: {  	_ =	shalt  }
0x62: {  	_ =	shalt  }
0x63: {  	_ =	shalt  }
0x64: {  	_ =	shalt  }
0x65: {  	_ =	shalt  }
0x66: {  	_ =	shalt  }
0x67: {  	_ =	shalt  }
0x68: {  	_ =	shalt  }
0x69: {  	_ =	shalt  }
0x6a: {  	_ =	shalt  }
0x6b: {  	_ =	shalt  }
0x6c: {  	_ =	shalt  }
0x6d: {  	_ =	shalt  }
0x6e: {  	_ =	shalt  }
0x6f: {  	_ =	shalt  }
0x70: {  	_ =	shalt  }
0x71: {  	_ =	shalt  }
0x72: {  	_ =	shalt  }
0x73: {  	_ =	shalt  }
0x74: {  	_ =	shalt  }
0x75: {  	_ =	shalt  }
0x76: {  	_ =	shalt  }
0x77: {  	_ =	shalt  }
0x78: {  	_ =	shalt  }
0x79: {  	_ =	shalt  }
0x7a: {  	_ =	shalt  }
0x7b: {  	_ =	shalt  }
0x7c: {  	_ =	shalt  }
0x7d: {  	_ =	shalt  }
0x7e: {  	_ =	shalt  }
0x7f: {  	_ =	shalt  }
0x80: {  	_ =	shalt  }
0x81: {  	_ =	shalt  }
0x82: {  	_ =	shalt  }
0x83: {  	_ =	shalt  }
0x84: {  	_ =	shalt  }
0x85: {  	_ =	shalt  }
0x86: {  	_ =	shalt  }
0x87: {  	_ =	shalt  }
.Lfunc_end0:
.L_simem_size_0:
called_computation_lowered:
.L_overlay_start_0:
0x88: {  	s2 =	sld [smem:$0x3FD9]  }
0x89: {  	s3 =	sld [smem:$0x3FFE];
	_ =	sdelay $0x1  }
0x8a: {  	s1 =	srdreg.scid  }
0x8b: {  	s0 =	sand.u32 $0x1, s1  }
0x8c: {  	s16 =	sshll.u32 s0, $0xA;
	s2 =	sadd.s32 s3, s2  }
0x8d: {  	s2 =	sadd.s32 s2, s16  }
0x8e: {  	[smem:$0x3FBC] =	sst s2  }
0x8f: {  	_ = 	snop  }
0x90: {  	(tm) =	ssettm $0x1  }
0x91: {  	s17 =	sld [smem:$0x3FFB];
	_ =	sdelay $0x3  }
0x92: {  	_ =	strace s17  }
0x93: {  	s2 =	sld [smem:$0x3FFC];
	_ =	sdelay $0x3  }
0x94: {  	_ =	strace s2  }
0x95: {  	s2 =	sld [smem:$0x3FFD];
	_ =	sdelay $0x3  }
0x96: {  	_ =	strace s2  }
0x97: {  	_ =	strace $0x8FFFFFFF  }
0x98: {  	s18 =	sld [smem:$0x3FDB];
	_ =	sdelay $0x1  }
0x99: {  	s19 =	simm.s32 $_scs_section_size  }
0x9a: {  	s4 =	simm.s32 $_size__tile_overlayer_lowered;
	s5 =	simm.s32 $_tile_overlayer_lowered  }
0x9b: {  	s22 =	simm.s32 $0x1BFF;
	s21 =	sshll.u32 s5, $0x1;
	s2 =	sadd.s32 s19, s18  }
0x9c: {  	s6 =	simm.s32 $0x0;
	s20 =	sshll.u32 s4, $0x1;
	s4 =	sadd.s32 s21, s2  }
0x9d: {  	[timem:s6], [sflag:s22] =	dma.local [hbm:s4], s20  }
0x9e: {  	_ =	swait.ge [sflag:s22], s20  }
0x9f: {  	s3 =	ssub.s32 $0x0, s20;
	[sflag:s22] =	ssyncset.done $0x0  }
0xa0: {  	[sflag:s22] =	ssyncadd.s32 s3;
	_ =	sdelay $0x1  }
0xa1: {  	s23 =	simm.s32 $0x1B8B  }
0xa2: {  	_ =	swait.ge [sflag:s23], $0x1  }
0xa3: {  	[sflag:s23] =	ssyncset.done $0x0  }
0xa4: {  	s25 =	simm.s32 $0x1B8E;
	s24 =	sld [smem:$0x3FFE];
	[sflag:s23] =	ssyncadd.s32 $0xFFFFFFFF  }
0xa5: {  	s26 =	simm.s32 $execute0_lowered;
	[smem:$0x3FD2] =	sst s25  }
0xa6: {  	s4 =	sshll.u32 s26, $0x1;
	_ =	strace $0x80000046;
	[dreg:$0x1] =	wrdreg $0xFFFFFFFF  }
0xa7: {  	s28 =	simm.s32 $_size_execute0_lowered;
	s2 =	sadd.s32 s2, s4;
	[dreg:$0x0] =	wrdreg $0x0  }
0xa8: {  	s4 =	sshll.u32 s28, $0x1;
	[dreg:$0x2] =	wrdreg s2  }
0xa9: {  	[dreg:$0x3] =	wrdreg s4  }
0xaa: {  	[dreg:$0x4] =	wrdreg $0xC0  }
0xab: {  	_ =	task [dreg:s6], $0x5FFFF  }
0xac: {  	[dreg:$0x1] =	wrdreg $0xFFFFFFFF  }
0xad: {  	[dreg:$0x0] =	wrdreg $0x60  }
0xae: {  	[dreg:$0x2] =	wrdreg s24  }
0xaf: {  	[dreg:$0x3] =	wrdreg $0x0  }
0xb0: {  	[dreg:$0x4] =	wrdreg $0x9  }
0xb1: {  	_ =	task.clear_ibuf [dreg:s6], $0x5FFFF;
	_ =	strace $0x90000046  }
0xb2: {  	s29 =	simm.s32 $0x9;
	_ =	strace $0x80000048  }
0xb3: {  	_ =	swait.ge [sflag:s29], $0x1  }
0xb4: {  	[sflag:s29] =	ssyncadd.s32 $0xFFFFFFFF  }
0xb5: {  	_ =	strace $0x90000048  }
0xb6: {  	_ =	sfence  }
0xb7: {  	s30 =	sld [smem:$0x0];
	_ =	sdelay $0x2  }
0xb8: {  	s31 =	sshll.u32 s1, $0xD;
	s1 =	sshrl.u32 s1, $0x2  }
0xb9: {  	s3 =	sand.u32 $0x4000, s31;
	s1 =	sadd.s32 s1, s30  }
0xba: {  	s0 =	sor.u32 s3, s0;
	s1 =	sshll.u32 s1, $0x11  }
0xbb: {  	s0 =	sor.u32 s1, s0  }
0xbc: {  	s0 =	sadd.s32 $0x8F2B, s0  }
0xbd: {  	[sflag:s0] =	ssyncadd.remote.s32 $0x1  }
0xbe: {  	_ =	sfence.sel $0xFFFF  }
0xbf: {  	[dreg:$0x0] =	wrdreg $0xFFFFFFFF;
	(pc) =	sbr.abs _section_cstart, $3  }
0xc0: {  	[dreg:$0x1] =	wrdreg $0xFFFFFFFF  }
0xc1: {  	_ =	task.clear_ibuf [dreg:s6], $0x2FFFF;
	_ =	strace $0x9FFFFFFF  }
0xc2: {  	(tm) =	ssettm $0x7FFFFFFF  }
0xc3: {  	_ =	shalt  }
tec
execute0_lowered:
.L_overlay_start_1:
0x0: {  	(tag) =	ssettag $0x1  }
0x1: {  	v33 =	vlaneseq.u32  }
0x2: {  	v0 =	vmul.u32 $0x10, v33;
	_ =	sdelay $0x1  }
0x3: {  	v2 =	vimm.f32 $0.0e+00;
	v33 =	vmul.u32 $0x8, v33;
	v1 =	vor.u32 $0xC, v0  }
0x4: {  	v13 =	vor.u32 $0x20F, v0;
	v14 =	vor.u32 $0x30C, v0;
	v15 =	vor.u32 $0x30D, v0  }
0x5: {  	v16 =	vor.u32 $0x30E, v0;
	v17 =	vor.u32 $0x30F, v0;
	v18 =	vor.u32 $0x40C, v0  }
0x6: {  	v19 =	vor.u32 $0x40D, v0;
	v20 =	vor.u32 $0x40E, v0;
	v21 =	vor.u32 $0x40F, v0  }
0x7: {  	v22 =	vor.u32 $0x50C, v0;
	v23 =	vor.u32 $0x50D, v0;
	v24 =	vor.u32 $0x50E, v0  }
0x8: {  	v25 =	vor.u32 $0x50F, v0;
	v26 =	vor.u32 $0x60C, v0;
	v27 =	vor.u32 $0x60D, v0  }
0x9: {  	s6 =	rddreg [dreg:$0x0];
	v28 =	vor.u32 $0x60E, v0;
	v29 =	vor.u32 $0x60F, v0;
	v30 =	vor.u32 $0x70C, v0  }
0xa: {  	s2 =	rddreg [dreg:$0x1];
	v31 =	vor.u32 $0x70D, v0;
	v32 =	vor.u32 $0x70E, v0;
	v34 =	vor.u32 $0x70F, v0  }
0xb: {  	s0 =	srdreg.scid;
	s1 =	rddreg [dreg:$0x2];
	v35 =	vor.u32 $0x8, v0;
	v36 =	vor.u32 $0x9, v0;
	v37 =	vor.u32 $0x4, v0  }
0xc: {  	s3 =	simm.s32 $0x0;
	s13 =	simm.s32 $0x1;
	s5 =	sand.u32 $0x1, s0;
	v38 =	vor.u32 $0x4, v33;
	v39 =	vor.u32 $0x1, v0;
	[tilespmem:$0x1FF50] =	vst v1;
	v1 =	vor.u32 $0xD, v0  }
0xd: {  	s14 =	simm.s32 $0x18800;
	s0 =	stileid.u32;
	s4 =	smul.u32 $0xC3800, s5;
	v40 =	vor.u32 $0x1, v33;
	v41 =	vor.u32 $0x5, v0;
	[tilespmem:$0x1FF60] =	vst v1;
	v1 =	vor.u32 $0xE, v0  }
0xe: {  	s15 =	simm.s32 $0x18880;
	s16 =	simm.s32 $0x80;
	s7 =	smul.u32 $0xC380, s0;
	v42 =	vor.u32 $0x5, v33;
	v43 =	vor.u32 $0x2, v0;
	[tilespmem:$0x1FF70] =	vst v1;
	v1 =	vor.u32 $0xF, v0  }
0xf: {  	s17 =	simm.s32 $0x18900;
	s18 =	simm.s32 $0x19100;
	s28 =	smul.u32 $0x188000, s5;
	v44 =	vor.u32 $0x2, v33;
	v45 =	vor.u32 $0x6, v0;
	[tilespmem:$0x1FF80] =	vst v1;
	v1 =	vor.u32 $0x10C, v0  }
0x10: {  	s19 =	simm.s32 $0x0;
	[smem:$0x7FF] =	sst s3;
	s8 =	smul.u32 $0x18800, s0;
	v46 =	vor.u32 $0x6, v33;
	v47 =	vor.u32 $0xA, v0;
	[tilespmem:$0x1FF90] =	vst v1;
	v1 =	vor.u32 $0x10D, v0  }
0x11: {  	s29 =	ssub.s32 $0x2, s5;
	s11 =	smul.u32 $0x62000, s0;
	s5 =	sadd.s32 $0x95C00, s6;
	v48 =	vor.u32 $0x3, v0;
	v52 =	vor.u32 $0xB, v0;
	[tilespmem:$0x1FFA0] =	vst v1;
	v1 =	vor.u32 $0x10E, v0  }
0x12: {  	s9 =	sshrl.u32 s29, $0x1;
	v53 =	vor.u32 $0x108, v0;
	v54 =	vor.u32 $0x109, v0;
	s4 =	sadd.s32 s7, s4;
	s7 =	sadd.s32 s8, s28;
	[tilespmem:$0x1FFB0] =	vst v1;
	v1 =	vor.u32 $0x10F, v0  }
0x13: {  	v55 =	vor.u32 $0x100, v0;
	v56 =	vor.u32 $0x80, v33;
	s30 =	ssub.s32 s29, s9;
	s31 =	sshrl.u32 s11, $0x2;
	s4 =	sshrl.u32 s4, $0x3;
	[tilespmem:$0x1FFC0] =	vst v1;
	v1 =	vor.u32 $0x20C, v0  }
0x14: {  	v57 =	vor.u32 $0x104, v0;
	v58 =	vor.u32 $0x84, v33;
	s7 =	sshrl.u32 s7, $0x3;
	s8 =	sadd.s32 s31, s2;
	s10 =	sadd.s32 s4, s6;
	[tilespmem:$0x1FFD0] =	vst v1;
	v1 =	vor.u32 $0x20D, v0  }
0x15: {  	v59 =	vor.u32 $0x101, v0;
	v60 =	vor.u32 $0x81, v33;
	s4 =	sadd.s32 $0x64C00, s6;
	s12 =	sadd.s32 s7, s6;
	s6 =	smax.u32 s30, $0x1;
	[tilespmem:$0x1FFE0] =	vst v1;
	v1 =	vor.u32 $0x20E, v0  }
0x16: {  	v49 =	vor.u32 $0x3, v33;
	v50 =	vor.u32 $0x7, v0;
	v61 =	vor.u32 $0x105, v0;
	s7 =	sadd.s32 $0x3BE400, s12;
	s9 =	sadd.s32 $0x33E00, s10;
	s10 =	sadd.s32 $0x3000, s10;
	[tilespmem:$0x1FFF0] =	vst v1  }
0x17: {  	v51 =	vor.u32 $0x7, v33;
	v62 =	vor.u32 $0x85, v33;
	v63 =	vor.u32 $0x102, v0;
	s11 =	sadd.s32 $0xAE400, s12;
	s12 =	simm.s32 $0x19500;
	_ =	strace $0x80000047  }
.LBB2_1:
0x18: {  	s20 =	sadd.s32 $0x0, s7  }
0x19: {  	[tilespmem:s12], [sflag:$0x1] =	stream.linear.gather [hbm4b:s20+s3], $0x800, $0x38;
	[tilespmem:$0x19D00] =	vst v63  }
0x1a: {  	_ =	swait.ge [sflag:s13], $0x800  }
0x1b: {  	[sflag:s13] =	ssyncset.done $0x0  }
0x1c: {  	[sflag:s13] =	ssyncadd.s32 $0xFFFFF800  }
0x1d: {  	[spmem:s8] =	stream.linear.scatter [tilespmem:s12], [sflag:$0x1], $0x800, $0x38;
	[tilespmem:$0x19D00] =	vst v63  }
0x1e: {  	s21 =	simm.s32 $0x100;
	_ =	swait.ge [sflag:s13], $0x800  }
0x1f: {  	s22 =	simm.s32 $0x200;
	s20 =	sadd.s32 $0x800, s8;
	[sflag:s13] =	ssyncset.done $0x0  }
.LBB2_2:
0x20: {  	s23 =	sadd.s32 s21, s7  }
0x21: {  	[sflag:s13] =	ssyncadd.s32 $0xFFFFF800;
	s21 =	smov.u32 s22;
	s24 =	sadd.s32 $0x100, s22  }
0x22: {  	[tilespmem:s12], [sflag:$0x1] =	stream.linear.gather [hbm4b:s23+s3], $0x800, $0x38;
	[tilespmem:$0x19D00] =	vst v63  }
0x23: {  	p0 =	sne.s32 s22, $0x3000;
	_ =	swait.ge [sflag:s13], $0x800  }
.Ltmp0:
0x24: {  	[sflag:s13] =	ssyncset.done $0x0;
	(pc) =	sbr.rel @p0 .LBB2_2-.Ltmp0, $4  }
0x25: {  	[sflag:s13] =	ssyncadd.s32 $0xFFFFF800  }
0x26: {  	[spmem:s20] =	stream.linear.scatter [tilespmem:s12], [sflag:$0x1], $0x800, $0x38;
	[tilespmem:$0x19D00] =	vst v63  }
0x27: {  	_ =	swait.ge [sflag:s13], $0x800  }
0x28: {  	s22 =	smov.u32 s24;
	s20 =	sadd.s32 $0x800, s20;
	[sflag:s13] =	ssyncset.done $0x0  }
0x29: {  	s21 =	sadd.s32 s21, s7;
	[sflag:s13] =	ssyncadd.s32 $0xFFFFF800  }
0x2a: {  	[tilespmem:s12], [sflag:$0x1] =	stream.linear.gather [hbm4b:s21+s3], $0x800, $0x38;
	[tilespmem:$0x19D00] =	vst v63  }
0x2b: {  	_ =	swait.ge [sflag:s13], $0x800  }
0x2c: {  	[sflag:s13] =	ssyncset.done $0x0  }
0x2d: {  	[sflag:s13] =	ssyncadd.s32 $0xFFFFF800  }
0x2e: {  	[spmem:s20] =	stream.linear.scatter [tilespmem:s12], [sflag:$0x1], $0x800, $0x38;
	[tilespmem:$0x19D00] =	vst v63  }
0x2f: {  	_ =	swait.ge [sflag:s13], $0x800  }
0x30: {  	[sflag:s13] =	ssyncset.done $0x0  }
0x31: {  	[sflag:s13] =	ssyncadd.s32 $0xFFFFF800  }
0x32: {  	[bflag:$0x0] =	sbarrier.arrive $0xFFFF  }
0x33: {  	v1 =	vld [tilespmem:$0x1FF50];
	_ =	sdelay $0x7  }
0x34: {  	[tilespmem:v1+s12+$0x0] =	vst.idx.msk $0xffff, v2;
	v1 =	vld [tilespmem:$0x1FF60];
	_ =	sdelay $0x7  }
0x35: {  	[tilespmem:v1+s12+$0x0] =	vst.idx.msk $0xffff, v2;
	v1 =	vld [tilespmem:$0x1FF70];
	_ =	sdelay $0x7  }
0x36: {  	[tilespmem:v1+s12+$0x0] =	vst.idx.msk $0xffff, v2;
	v1 =	vld [tilespmem:$0x1FF80];
	_ =	sdelay $0x7  }
0x37: {  	[tilespmem:v1+s12+$0x0] =	vst.idx.msk $0xffff, v2;
	v1 =	vld [tilespmem:$0x1FF90];
	_ =	sdelay $0x7  }
0x38: {  	[tilespmem:v1+s12+$0x0] =	vst.idx.msk $0xffff, v2;
	v1 =	vld [tilespmem:$0x1FFA0];
	_ =	sdelay $0x7  }
0x39: {  	[tilespmem:v1+s12+$0x0] =	vst.idx.msk $0xffff, v2;
	v1 =	vld [tilespmem:$0x1FFB0];
	_ =	sdelay $0x7  }
0x3a: {  	[tilespmem:v1+s12+$0x0] =	vst.idx.msk $0xffff, v2;
	v1 =	vld [tilespmem:$0x1FFC0];
	_ =	sdelay $0x7  }
0x3b: {  	[tilespmem:v1+s12+$0x0] =	vst.idx.msk $0xffff, v2;
	v1 =	vld [tilespmem:$0x1FFD0];
	_ =	sdelay $0x7  }
0x3c: {  	[tilespmem:v1+s12+$0x0] =	vst.idx.msk $0xffff, v2;
	v1 =	vld [tilespmem:$0x1FFE0];
	_ =	sdelay $0x7  }
0x3d: {  	[tilespmem:v1+s12+$0x0] =	vst.idx.msk $0xffff, v2;
	v1 =	vld [tilespmem:$0x1FFF0];
	_ =	sdelay $0x7  }
0x3e: {  	[tilespmem:v1+s12+$0x0] =	vst.idx.msk $0xffff, v2  }
0x3f: {  	[tilespmem:v13+s12+$0x0] =	vst.idx.msk $0xffff, v2  }
0x40: {  	[tilespmem:v14+s12+$0x0] =	vst.idx.msk $0xffff, v2  }
0x41: {  	[tilespmem:v15+s12+$0x0] =	vst.idx.msk $0xffff, v2  }
0x42: {  	[tilespmem:v16+s12+$0x0] =	vst.idx.msk $0xffff, v2  }
0x43: {  	[tilespmem:v17+s12+$0x0] =	vst.idx.msk $0xffff, v2  }
0x44: {  	[tilespmem:v18+s12+$0x0] =	vst.idx.msk $0xffff, v2  }
0x45: {  	[tilespmem:v19+s12+$0x0] =	vst.idx.msk $0xffff, v2  }
0x46: {  	[tilespmem:v20+s12+$0x0] =	vst.idx.msk $0xffff, v2  }
0x47: {  	[tilespmem:v21+s12+$0x0] =	vst.idx.msk $0xffff, v2  }
0x48: {  	[tilespmem:v22+s12+$0x0] =	vst.idx.msk $0xffff, v2  }
0x49: {  	[tilespmem:v23+s12+$0x0] =	vst.idx.msk $0xffff, v2  }
0x4a: {  	[tilespmem:v24+s12+$0x0] =	vst.idx.msk $0xffff, v2  }
0x4b: {  	[tilespmem:v25+s12+$0x0] =	vst.idx.msk $0xffff, v2  }
0x4c: {  	[tilespmem:v26+s12+$0x0] =	vst.idx.msk $0xffff, v2  }
0x4d: {  	[tilespmem:v27+s12+$0x0] =	vst.idx.msk $0xffff, v2  }
0x4e: {  	[tilespmem:v28+s12+$0x0] =	vst.idx.msk $0xffff, v2  }
0x4f: {  	[tilespmem:v29+s12+$0x0] =	vst.idx.msk $0xffff, v2  }
0x50: {  	[tilespmem:v30+s12+$0x0] =	vst.idx.msk $0xffff, v2  }
0x51: {  	[tilespmem:v31+s12+$0x0] =	vst.idx.msk $0xffff, v2  }
0x52: {  	[tilespmem:v32+s12+$0x0] =	vst.idx.msk $0xffff, v2  }
0x53: {  	s20 =	simm.s32 $0x0;
	[tilespmem:v34+s12+$0x0] =	vst.idx.msk $0xffff, v2  }
.LBB2_4:
0x54: {  	s21 =	sadd.s32 s20, s10  }
0x55: {  	[tilespmem:s14], [sflag:$0x1] =	stream.linear.gather [hbm4b:s21+s3], $0x80, $0x38;
	[tilespmem:$0x19D00] =	vst v63  }
0x56: {  	_ =	swait.ge [sflag:s13], $0x80  }
0x57: {  	[sflag:s13] =	ssyncset.done $0x0  }
0x58: {  	s31 =	sadd.s32 s20, s9;
	[sflag:s13] =	ssyncadd.s32 $0xFFFFFF80  }
0x59: {  	[tilespmem:s15], [sflag:$0x1] =	stream.linear.gather [hbm4b:s31+s3], $0x80, $0x38;
	[tilespmem:$0x19D00] =	vst v63  }
0x5a: {  	_ =	swait.ge [sflag:s13], $0x80  }
0x5b: {  	[sflag:s13] =	ssyncset.done $0x0  }
0x5c: {  	[sflag:s13] =	ssyncadd.s32 $0xFFFFFF80  }
0x5d: {  	[tilespmem:s17], [sflag:$0x1] =	stream.indirect.gather [hbm4b:s4+s16], $0x10, s14, s16, $0xb8;
	[tilespmem:$0x19D00] =	vst v63  }
0x5e: {  	_ =	swait.ge [sflag:s13], $0x800  }
0x5f: {  	[sflag:s13] =	ssyncset.done $0x0  }
0x60: {  	[sflag:s13] =	ssyncadd.s32 $0xFFFFF800  }
0x61: {  	[tilespmem:s18], [sflag:$0x1] =	stream.indirect.gather [hbm4b:s5+s16], $0x8, s15, s16, $0xb8;
	[tilespmem:$0x19D00] =	vst v63  }
0x62: {  	_ =	swait.ge [sflag:s13], $0x400  }
0x63: {  	[sflag:s13] =	ssyncset.done $0x0  }
0x64: {  	[sflag:s13] =	ssyncadd.s32 $0xFFFFFC00  }
0x65: {  	v1 =	vld.idx.msk [tilespmem:v0+s17+$0x0], $0xffff  }
0x66: {  	v3 =	vld.idx.msk [tilespmem:v33+s18+$0x0], $0xffff  }
0x67: {  	v4 =	vld.idx.msk [tilespmem:v37+s17+$0x0], $0xffff  }
0x68: {  	v5 =	vld.idx.msk [tilespmem:v38+s18+$0x0], $0xffff;
	_ =	sdelay $0x2  }
0x69: {  	v6 =	vld.idx.msk [tilespmem:v35+s17+$0x0], $0xffff  }
0x6a: {  	v7 =	vld.idx.msk [tilespmem:v36+s17+$0x0], $0xffff;
	v1 =	vmul.f32 v3, v1  }
0x6b: {  	v3 =	vmul.f32 v5, v4  }
0x6c: {  	vm0 =	vgt.f32 v1, $1.000000000e+00  }
0x6d: {  	v1 =	vsel vm0, v1, v3  }
0x6e: {  	v3 =	vmul.f32 v1, v6  }
0x6f: {  	v8 =	vmul.f32 v1, v7  }
0x70: {  	[tilespmem:v0+s12+$0x0] =	vst.idx.msk $0xffff, v3  }
0x71: {  	[tilespmem:v37+s12+$0x0] =	vst.idx.msk $0xffff, v8  }
0x72: {  	[tilespmem:v35+s12+$0x0] =	vst.idx.msk $0xffff, v1  }
0x73: {  	v1 =	vld.idx.msk [tilespmem:v39+s17+$0x0], $0xffff  }
0x74: {  	v3 =	vld.idx.msk [tilespmem:v40+s18+$0x0], $0xffff  }
0x75: {  	v4 =	vld.idx.msk [tilespmem:v41+s17+$0x0], $0xffff  }
0x76: {  	v9 =	vld.idx.msk [tilespmem:v42+s18+$0x0], $0xffff;
	_ =	sdelay $0x3  }
0x77: {  	v1 =	vmul.f32 v3, v1  }
0x78: {  	v3 =	vmul.f32 v9, v4  }
0x79: {  	vm9 =	vgt.f32 v1, $1.000000000e+00  }
0x7a: {  	v1 =	vsel vm9, v1, v3  }
0x7b: {  	v3 =	vmul.f32 v1, v6  }
0x7c: {  	v10 =	vmul.f32 v1, v7  }
0x7d: {  	[tilespmem:v39+s12+$0x0] =	vst.idx.msk $0xffff, v3  }
0x7e: {  	[tilespmem:v41+s12+$0x0] =	vst.idx.msk $0xffff, v10  }
0x7f: {  	[tilespmem:v36+s12+$0x0] =	vst.idx.msk $0xffff, v1  }
0x80: {  	v1 =	vld.idx.msk [tilespmem:v43+s17+$0x0], $0xffff  }
0x81: {  	v3 =	vld.idx.msk [tilespmem:v44+s18+$0x0], $0xffff  }
0x82: {  	v4 =	vld.idx.msk [tilespmem:v45+s17+$0x0], $0xffff  }
0x83: {  	v11 =	vld.idx.msk [tilespmem:v46+s18+$0x0], $0xffff;
	_ =	sdelay $0x3  }
0x84: {  	v1 =	vmul.f32 v3, v1  }
0x85: {  	v3 =	vmul.f32 v11, v4  }
0x86: {  	vm10 =	vgt.f32 v1, $1.000000000e+00  }
0x87: {  	v1 =	vsel vm10, v1, v3  }
0x88: {  	v3 =	vmul.f32 v1, v6  }
0x89: {  	v8 =	vmul.f32 v1, v7  }
0x8a: {  	[tilespmem:v43+s12+$0x0] =	vst.idx.msk $0xffff, v3  }
0x8b: {  	[tilespmem:v45+s12+$0x0] =	vst.idx.msk $0xffff, v8  }
0x8c: {  	[tilespmem:v47+s12+$0x0] =	vst.idx.msk $0xffff, v1  }
0x8d: {  	v1 =	vld.idx.msk [tilespmem:v48+s17+$0x0], $0xffff  }
0x8e: {  	v3 =	vld.idx.msk [tilespmem:v49+s18+$0x0], $0xffff  }
0x8f: {  	v4 =	vld.idx.msk [tilespmem:v50+s17+$0x0], $0xffff  }
0x90: {  	v9 =	vld.idx.msk [tilespmem:v51+s18+$0x0], $0xffff;
	_ =	sdelay $0x3  }
0x91: {  	v1 =	vmul.f32 v3, v1  }
0x92: {  	v3 =	vmul.f32 v9, v4  }
0x93: {  	vm11 =	vgt.f32 v1, $1.000000000e+00  }
0x94: {  	v1 =	vsel vm11, v1, v3  }
0x95: {  	v3 =	vmul.f32 v1, v6  }
0x96: {  	v10 =	vmul.f32 v1, v7  }
0x97: {  	[tilespmem:v48+s12+$0x0] =	vst.idx.msk $0xffff, v3  }
0x98: {  	[tilespmem:v50+s12+$0x0] =	vst.idx.msk $0xffff, v10  }
0x99: {  	[tilespmem:v52+s12+$0x0] =	vst.idx.msk $0xffff, v1  }
0x9a: {  	v1 =	vld.idx.msk [tilespmem:v55+s17+$0x0], $0xffff  }
0x9b: {  	v3 =	vld.idx.msk [tilespmem:v56+s18+$0x0], $0xffff  }
0x9c: {  	v4 =	vld.idx.msk [tilespmem:v57+s17+$0x0], $0xffff  }
0x9d: {  	v11 =	vld.idx.msk [tilespmem:v58+s18+$0x0], $0xffff;
	_ =	sdelay $0x2  }
0x9e: {  	v6 =	vld.idx.msk [tilespmem:v53+s17+$0x0], $0xffff  }
0x9f: {  	v7 =	vld.idx.msk [tilespmem:v54+s17+$0x0], $0xffff;
	v1 =	vmul.f32 v3, v1  }
0xa0: {  	v3 =	vmul.f32 v11, v4  }
0xa1: {  	vm12 =	vgt.f32 v1, $1.000000000e+00  }
0xa2: {  	v1 =	vsel vm12, v1, v3  }
0xa3: {  	v3 =	vmul.f32 v1, v6  }
0xa4: {  	v9 =	vmul.f32 v1, v7  }
0xa5: {  	[tilespmem:v55+s12+$0x0] =	vst.idx.msk $0xffff, v3  }
0xa6: {  	[tilespmem:v57+s12+$0x0] =	vst.idx.msk $0xffff, v9  }
0xa7: {  	[tilespmem:v53+s12+$0x0] =	vst.idx.msk $0xffff, v1  }
0xa8: {  	v1 =	vld.idx.msk [tilespmem:v59+s17+$0x0], $0xffff  }
0xa9: {  	v3 =	vld.idx.msk [tilespmem:v60+s18+$0x0], $0xffff  }
0xaa: {  	v4 =	vld.idx.msk [tilespmem:v61+s17+$0x0], $0xffff  }
0xab: {  	v10 =	vld.idx.msk [tilespmem:v62+s18+$0x0], $0xffff;
	_ =	sdelay $0x3  }
0xac: {  	v1 =	vmul.f32 v3, v1  }
0xad: {  	v3 =	vmul.f32 v10, v4  }
0xae: {  	vm13 =	vgt.f32 v1, $1.000000000e+00  }
0xaf: {  	v1 =	vsel vm13, v1, v3  }
0xb0: {  	v3 =	vmul.f32 v1, v6  }
0xb1: {  	v8 =	vor.u32 $0x82, v33;
	v11 =	vmul.f32 v1, v7  }
0xb2: {  	v4 =	vor.u32 $0x86, v33;
	[tilespmem:v59+s12+$0x0] =	vst.idx.msk $0xffff, v3  }
0xb3: {  	v3 =	vor.u32 $0x106, v0;
	[tilespmem:v61+s12+$0x0] =	vst.idx.msk $0xffff, v11  }
0xb4: {  	[tilespmem:v54+s12+$0x0] =	vst.idx.msk $0xffff, v1  }
0xb5: {  	v1 =	vld.idx.msk [tilespmem:v63+s17+$0x0], $0xffff  }
0xb6: {  	v5 =	vld.idx.msk [tilespmem:v8+s18+$0x0], $0xffff  }
0xb7: {  	v4 =	vld.idx.msk [tilespmem:v4+s18+$0x0], $0xffff  }
0xb8: {  	v8 =	vld.idx.msk [tilespmem:v3+s17+$0x0], $0xffff;
	_ =	sdelay $0x3  }
0xb9: {  	v1 =	vmul.f32 v5, v1  }
0xba: {  	v4 =	vmul.f32 v4, v8  }
0xbb: {  	vm14 =	vgt.f32 v1, $1.000000000e+00  }
0xbc: {  	v1 =	vsel vm14, v1, v4;
	v4 =	vor.u32 $0x10A, v0  }
0xbd: {  	v8 =	vor.u32 $0x103, v0;
	v5 =	vmul.f32 v1, v6  }
0xbe: {  	v10 =	vor.u32 $0x83, v33;
	v9 =	vmul.f32 v1, v7  }
0xbf: {  	[tilespmem:v63+s12+$0x0] =	vst.idx.msk $0xffff, v5;
	v5 =	vor.u32 $0x107, v0  }
0xc0: {  	[tilespmem:v3+s12+$0x0] =	vst.idx.msk $0xffff, v9;
	v3 =	vor.u32 $0x87, v33  }
0xc1: {  	[tilespmem:v4+s12+$0x0] =	vst.idx.msk $0xffff, v1  }
0xc2: {  	v1 =	vld.idx.msk [tilespmem:v8+s17+$0x0], $0xffff  }
0xc3: {  	v4 =	vld.idx.msk [tilespmem:v10+s18+$0x0], $0xffff  }
0xc4: {  	v9 =	vld.idx.msk [tilespmem:v5+s17+$0x0], $0xffff  }
0xc5: {  	v3 =	vld.idx.msk [tilespmem:v3+s18+$0x0], $0xffff;
	_ =	sdelay $0x3  }
0xc6: {  	v1 =	vmul.f32 v4, v1  }
0xc7: {  	v3 =	vmul.f32 v3, v9  }
0xc8: {  	vm15 =	vgt.f32 v1, $1.000000000e+00  }
0xc9: {  	v1 =	vsel vm15, v1, v3;
	v3 =	vor.u32 $0x10B, v0  }
0xca: {  	v4 =	vmul.f32 v1, v6;
	v6 =	vor.u32 $0x200, v0  }
0xcb: {  	v9 =	vor.u32 $0x100, v33;
	v7 =	vmul.f32 v1, v7  }
0xcc: {  	[tilespmem:v8+s12+$0x0] =	vst.idx.msk $0xffff, v4;
	v4 =	vor.u32 $0x204, v0  }
0xcd: {  	[tilespmem:v5+s12+$0x0] =	vst.idx.msk $0xffff, v7;
	v5 =	vor.u32 $0x104, v33  }
0xce: {  	[tilespmem:v3+s12+$0x0] =	vst.idx.msk $0xffff, v1  }
0xcf: {  	v1 =	vld.idx.msk [tilespmem:v6+s17+$0x0], $0xffff  }
0xd0: {  	v3 =	vor.u32 $0x208, v0;
	v7 =	vld.idx.msk [tilespmem:v9+s18+$0x0], $0xffff  }
0xd1: {  	v8 =	vor.u32 $0x209, v0;
	v9 =	vld.idx.msk [tilespmem:v4+s17+$0x0], $0xffff  }
0xd2: {  	v5 =	vld.idx.msk [tilespmem:v5+s18+$0x0], $0xffff;
	_ =	sdelay $0x2  }
0xd3: {  	v10 =	vld.idx.msk [tilespmem:v3+s17+$0x0], $0xffff  }
0xd4: {  	v11 =	vld.idx.msk [tilespmem:v8+s17+$0x0], $0xffff;
	v1 =	vmul.f32 v7, v1  }
0xd5: {  	v5 =	vmul.f32 v5, v9  }
0xd6: {  	vm4 =	vgt.f32 v1, $1.000000000e+00  }
0xd7: {  	v1 =	vsel vm4, v1, v5  }
0xd8: {  	v7 =	vor.u32 $0x201, v0;
	v5 =	vmul.f32 v1, v10  }
0xd9: {  	v12 =	vor.u32 $0x101, v33;
	v9 =	vmul.f32 v1, v11  }
0xda: {  	[tilespmem:v6+s12+$0x0] =	vst.idx.msk $0xffff, v5;
	v5 =	vor.u32 $0x205, v0  }
0xdb: {  	[tilespmem:v4+s12+$0x0] =	vst.idx.msk $0xffff, v9;
	v9 =	vor.u32 $0x105, v33  }
0xdc: {  	[tilespmem:v3+s12+$0x0] =	vst.idx.msk $0xffff, v1  }
0xdd: {  	v1 =	vld.idx.msk [tilespmem:v7+s17+$0x0], $0xffff  }
0xde: {  	v3 =	vld.idx.msk [tilespmem:v12+s18+$0x0], $0xffff  }
0xdf: {  	v6 =	vld.idx.msk [tilespmem:v5+s17+$0x0], $0xffff  }
0xe0: {  	v4 =	vld.idx.msk [tilespmem:v9+s18+$0x0], $0xffff;
	_ =	sdelay $0x3  }
0xe1: {  	v1 =	vmul.f32 v3, v1  }
0xe2: {  	v3 =	vmul.f32 v4, v6  }
0xe3: {  	vm5 =	vgt.f32 v1, $1.000000000e+00  }
0xe4: {  	v1 =	vsel vm5, v1, v3  }
0xe5: {  	v4 =	vor.u32 $0x202, v0;
	v3 =	vmul.f32 v1, v10  }
0xe6: {  	v9 =	vor.u32 $0x102, v33;
	v6 =	vmul.f32 v1, v11  }
0xe7: {  	[tilespmem:v7+s12+$0x0] =	vst.idx.msk $0xffff, v3;
	v3 =	vor.u32 $0x206, v0  }
0xe8: {  	[tilespmem:v5+s12+$0x0] =	vst.idx.msk $0xffff, v6;
	v5 =	vor.u32 $0x106, v33  }
0xe9: {  	[tilespmem:v8+s12+$0x0] =	vst.idx.msk $0xffff, v1  }
0xea: {  	v1 =	vld.idx.msk [tilespmem:v4+s17+$0x0], $0xffff  }
0xeb: {  	v6 =	vld.idx.msk [tilespmem:v9+s18+$0x0], $0xffff  }
0xec: {  	v7 =	vld.idx.msk [tilespmem:v3+s17+$0x0], $0xffff  }
0xed: {  	v5 =	vld.idx.msk [tilespmem:v5+s18+$0x0], $0xffff;
	_ =	sdelay $0x3  }
0xee: {  	v1 =	vmul.f32 v6, v1  }
0xef: {  	v5 =	vmul.f32 v5, v7  }
0xf0: {  	vm6 =	vgt.f32 v1, $1.000000000e+00  }
0xf1: {  	v1 =	vsel vm6, v1, v5;
	v5 =	vor.u32 $0x20A, v0  }
0xf2: {  	v7 =	vor.u32 $0x203, v0;
	v6 =	vmul.f32 v1, v10  }
0xf3: {  	v9 =	vor.u32 $0x103, v33;
	v8 =	vmul.f32 v1, v11  }
0xf4: {  	[tilespmem:v4+s12+$0x0] =	vst.idx.msk $0xffff, v6;
	v4 =	vor.u32 $0x207, v0  }
0xf5: {  	[tilespmem:v3+s12+$0x0] =	vst.idx.msk $0xffff, v8;
	v3 =	vor.u32 $0x107, v33  }
0xf6: {  	[tilespmem:v5+s12+$0x0] =	vst.idx.msk $0xffff, v1  }
0xf7: {  	v1 =	vld.idx.msk [tilespmem:v7+s17+$0x0], $0xffff  }
0xf8: {  	v5 =	vld.idx.msk [tilespmem:v9+s18+$0x0], $0xffff  }
0xf9: {  	v6 =	vld.idx.msk [tilespmem:v4+s17+$0x0], $0xffff  }
0xfa: {  	v3 =	vld.idx.msk [tilespmem:v3+s18+$0x0], $0xffff;
	_ =	sdelay $0x3  }
0xfb: {  	v1 =	vmul.f32 v5, v1  }
0xfc: {  	v3 =	vmul.f32 v3, v6  }
0xfd: {  	vm7 =	vgt.f32 v1, $1.000000000e+00  }
0xfe: {  	v1 =	vsel vm7, v1, v3;
	v3 =	vor.u32 $0x20B, v0  }
0xff: {  	v6 =	vor.u32 $0x300, v0;
	v5 =	vmul.f32 v1, v10  }
0x100: {  	v9 =	vor.u32 $0x180, v33;
	v8 =	vmul.f32 v1, v11  }
0x101: {  	[tilespmem:v7+s12+$0x0] =	vst.idx.msk $0xffff, v5;
	v5 =	vor.u32 $0x304, v0  }
0x102: {  	[tilespmem:v4+s12+$0x0] =	vst.idx.msk $0xffff, v8;
	v4 =	vor.u32 $0x184, v33  }
0x103: {  	[tilespmem:v3+s12+$0x0] =	vst.idx.msk $0xffff, v1  }
0x104: {  	v1 =	vld.idx.msk [tilespmem:v6+s17+$0x0], $0xffff  }
0x105: {  	v3 =	vor.u32 $0x308, v0;
	v7 =	vld.idx.msk [tilespmem:v9+s18+$0x0], $0xffff  }
0x106: {  	v8 =	vor.u32 $0x309, v0;
	v9 =	vld.idx.msk [tilespmem:v5+s17+$0x0], $0xffff  }
0x107: {  	v4 =	vld.idx.msk [tilespmem:v4+s18+$0x0], $0xffff;
	_ =	sdelay $0x2  }
0x108: {  	v10 =	vld.idx.msk [tilespmem:v3+s17+$0x0], $0xffff  }
0x109: {  	v11 =	vld.idx.msk [tilespmem:v8+s17+$0x0], $0xffff;
	v1 =	vmul.f32 v7, v1  }
0x10a: {  	v4 =	vmul.f32 v4, v9  }
0x10b: {  	vm8 =	vgt.f32 v1, $1.000000000e+00  }
0x10c: {  	v1 =	vsel vm8, v1, v4  }
0x10d: {  	v7 =	vor.u32 $0x301, v0;
	v4 =	vmul.f32 v1, v10  }
0x10e: {  	v12 =	vor.u32 $0x181, v33;
	v9 =	vmul.f32 v1, v11  }
0x10f: {  	[tilespmem:v6+s12+$0x0] =	vst.idx.msk $0xffff, v4;
	v4 =	vor.u32 $0x305, v0  }
0x110: {  	[tilespmem:v5+s12+$0x0] =	vst.idx.msk $0xffff, v9;
	v9 =	vor.u32 $0x185, v33  }
0x111: {  	[tilespmem:v3+s12+$0x0] =	vst.idx.msk $0xffff, v1  }
0x112: {  	v1 =	vld.idx.msk [tilespmem:v7+s17+$0x0], $0xffff  }
0x113: {  	v3 =	vld.idx.msk [tilespmem:v12+s18+$0x0], $0xffff  }
0x114: {  	v6 =	vld.idx.msk [tilespmem:v4+s17+$0x0], $0xffff  }
0x115: {  	v5 =	vld.idx.msk [tilespmem:v9+s18+$0x0], $0xffff;
	_ =	sdelay $0x3  }
0x116: {  	v1 =	vmul.f32 v3, v1  }
0x117: {  	v3 =	vmul.f32 v5, v6  }
0x118: {  	vm9 =	vgt.f32 v1, $1.000000000e+00  }
0x119: {  	v1 =	vsel vm9, v1, v3  }
0x11a: {  	v5 =	vor.u32 $0x302, v0;
	v3 =	vmul.f32 v1, v10  }
0x11b: {  	v9 =	vor.u32 $0x182, v33;
	v6 =	vmul.f32 v1, v11  }
0x11c: {  	[tilespmem:v7+s12+$0x0] =	vst.idx.msk $0xffff, v3;
	v3 =	vor.u32 $0x306, v0  }
0x11d: {  	[tilespmem:v4+s12+$0x0] =	vst.idx.msk $0xffff, v6;
	v4 =	vor.u32 $0x186, v33  }
0x11e: {  	[tilespmem:v8+s12+$0x0] =	vst.idx.msk $0xffff, v1  }
0x11f: {  	v1 =	vld.idx.msk [tilespmem:v5+s17+$0x0], $0xffff  }
0x120: {  	v6 =	vld.idx.msk [tilespmem:v9+s18+$0x0], $0xffff  }
0x121: {  	v7 =	vld.idx.msk [tilespmem:v3+s17+$0x0], $0xffff  }
0x122: {  	v4 =	vld.idx.msk [tilespmem:v4+s18+$0x0], $0xffff;
	_ =	sdelay $0x3  }
0x123: {  	v1 =	vmul.f32 v6, v1  }
0x124: {  	v4 =	vmul.f32 v4, v7  }
0x125: {  	vm10 =	vgt.f32 v1, $1.000000000e+00  }
0x126: {  	v1 =	vsel vm10, v1, v4;
	v4 =	vor.u32 $0x30A, v0  }
0x127: {  	v7 =	vor.u32 $0x303, v0;
	v6 =	vmul.f32 v1, v10  }
0x128: {  	v9 =	vor.u32 $0x183, v33;
	v8 =	vmul.f32 v1, v11  }
0x129: {  	[tilespmem:v5+s12+$0x0] =	vst.idx.msk $0xffff, v6;
	v5 =	vor.u32 $0x307, v0  }
0x12a: {  	[tilespmem:v3+s12+$0x0] =	vst.idx.msk $0xffff, v8;
	v3 =	vor.u32 $0x187, v33  }
0x12b: {  	[tilespmem:v4+s12+$0x0] =	vst.idx.msk $0xffff, v1  }
0x12c: {  	v1 =	vld.idx.msk [tilespmem:v7+s17+$0x0], $0xffff  }
0x12d: {  	v4 =	vld.idx.msk [tilespmem:v9+s18+$0x0], $0xffff  }
0x12e: {  	v6 =	vld.idx.msk [tilespmem:v5+s17+$0x0], $0xffff  }
0x12f: {  	v3 =	vld.idx.msk [tilespmem:v3+s18+$0x0], $0xffff;
	_ =	sdelay $0x3  }
0x130: {  	v1 =	vmul.f32 v4, v1  }
0x131: {  	v3 =	vmul.f32 v3, v6  }
0x132: {  	vm11 =	vgt.f32 v1, $1.000000000e+00  }
0x133: {  	v1 =	vsel vm11, v1, v3;
	v3 =	vor.u32 $0x30B, v0  }
0x134: {  	v6 =	vor.u32 $0x400, v0;
	v4 =	vmul.f32 v1, v10  }
0x135: {  	v9 =	vor.u32 $0x200, v33;
	v8 =	vmul.f32 v1, v11  }
0x136: {  	[tilespmem:v7+s12+$0x0] =	vst.idx.msk $0xffff, v4;
	v4 =	vor.u32 $0x404, v0  }
0x137: {  	[tilespmem:v5+s12+$0x0] =	vst.idx.msk $0xffff, v8;
	v5 =	vor.u32 $0x204, v33  }
0x138: {  	[tilespmem:v3+s12+$0x0] =	vst.idx.msk $0xffff, v1  }
0x139: {  	v1 =	vld.idx.msk [tilespmem:v6+s17+$0x0], $0xffff  }
0x13a: {  	v3 =	vor.u32 $0x408, v0;
	v7 =	vld.idx.msk [tilespmem:v9+s18+$0x0], $0xffff  }
0x13b: {  	v8 =	vor.u32 $0x409, v0;
	v9 =	vld.idx.msk [tilespmem:v4+s17+$0x0], $0xffff  }
0x13c: {  	v5 =	vld.idx.msk [tilespmem:v5+s18+$0x0], $0xffff;
	_ =	sdelay $0x2  }
0x13d: {  	v10 =	vld.idx.msk [tilespmem:v3+s17+$0x0], $0xffff  }
0x13e: {  	v11 =	vld.idx.msk [tilespmem:v8+s17+$0x0], $0xffff;
	v1 =	vmul.f32 v7, v1  }
0x13f: {  	v5 =	vmul.f32 v5, v9  }
0x140: {  	vm12 =	vgt.f32 v1, $1.000000000e+00  }
0x141: {  	v1 =	vsel vm12, v1, v5  }
0x142: {  	v7 =	vor.u32 $0x401, v0;
	v5 =	vmul.f32 v1, v10  }
0x143: {  	v12 =	vor.u32 $0x201, v33;
	v9 =	vmul.f32 v1, v11  }
0x144: {  	[tilespmem:v6+s12+$0x0] =	vst.idx.msk $0xffff, v5;
	v5 =	vor.u32 $0x405, v0  }
0x145: {  	[tilespmem:v4+s12+$0x0] =	vst.idx.msk $0xffff, v9;
	v9 =	vor.u32 $0x205, v33  }
0x146: {  	[tilespmem:v3+s12+$0x0] =	vst.idx.msk $0xffff, v1  }
0x147: {  	v1 =	vld.idx.msk [tilespmem:v7+s17+$0x0], $0xffff  }
0x148: {  	v3 =	vld.idx.msk [tilespmem:v12+s18+$0x0], $0xffff  }
0x149: {  	v6 =	vld.idx.msk [tilespmem:v5+s17+$0x0], $0xffff  }
0x14a: {  	v4 =	vld.idx.msk [tilespmem:v9+s18+$0x0], $0xffff;
	_ =	sdelay $0x3  }
0x14b: {  	v1 =	vmul.f32 v3, v1  }
0x14c: {  	v3 =	vmul.f32 v4, v6  }
0x14d: {  	vm13 =	vgt.f32 v1, $1.000000000e+00  }
0x14e: {  	v1 =	vsel vm13, v1, v3  }
0x14f: {  	v4 =	vor.u32 $0x402, v0;
	v3 =	vmul.f32 v1, v10  }
0x150: {  	v9 =	vor.u32 $0x202, v33;
	v6 =	vmul.f32 v1, v11  }
0x151: {  	[tilespmem:v7+s12+$0x0] =	vst.idx.msk $0xffff, v3;
	v3 =	vor.u32 $0x406, v0  }
0x152: {  	[tilespmem:v5+s12+$0x0] =	vst.idx.msk $0xffff, v6;
	v5 =	vor.u32 $0x206, v33  }
0x153: {  	[tilespmem:v8+s12+$0x0] =	vst.idx.msk $0xffff, v1  }
0x154: {  	v1 =	vld.idx.msk [tilespmem:v4+s17+$0x0], $0xffff  }
0x155: {  	v6 =	vld.idx.msk [tilespmem:v9+s18+$0x0], $0xffff  }
0x156: {  	v7 =	vld.idx.msk [tilespmem:v3+s17+$0x0], $0xffff  }
0x157: {  	v5 =	vld.idx.msk [tilespmem:v5+s18+$0x0], $0xffff;
	_ =	sdelay $0x3  }
0x158: {  	v1 =	vmul.f32 v6, v1  }
0x159: {  	v5 =	vmul.f32 v5, v7  }
0x15a: {  	vm14 =	vgt.f32 v1, $1.000000000e+00  }
0x15b: {  	v1 =	vsel vm14, v1, v5;
	v5 =	vor.u32 $0x40A, v0  }
0x15c: {  	v7 =	vor.u32 $0x403, v0;
	v6 =	vmul.f32 v1, v10  }
0x15d: {  	v9 =	vor.u32 $0x203, v33;
	v8 =	vmul.f32 v1, v11  }
0x15e: {  	[tilespmem:v4+s12+$0x0] =	vst.idx.msk $0xffff, v6;
	v4 =	vor.u32 $0x407, v0  }
0x15f: {  	[tilespmem:v3+s12+$0x0] =	vst.idx.msk $0xffff, v8;
	v3 =	vor.u32 $0x207, v33  }
0x160: {  	[tilespmem:v5+s12+$0x0] =	vst.idx.msk $0xffff, v1  }
0x161: {  	v1 =	vld.idx.msk [tilespmem:v7+s17+$0x0], $0xffff  }
0x162: {  	v5 =	vld.idx.msk [tilespmem:v9+s18+$0x0], $0xffff  }
0x163: {  	v6 =	vld.idx.msk [tilespmem:v4+s17+$0x0], $0xffff  }
0x164: {  	v3 =	vld.idx.msk [tilespmem:v3+s18+$0x0], $0xffff;
	_ =	sdelay $0x3  }
0x165: {  	v1 =	vmul.f32 v5, v1  }
0x166: {  	v3 =	vmul.f32 v3, v6  }
0x167: {  	vm15 =	vgt.f32 v1, $1.000000000e+00  }
0x168: {  	v1 =	vsel vm15, v1, v3;
	v3 =	vor.u32 $0x40B, v0  }
0x169: {  	v6 =	vor.u32 $0x500, v0;
	v5 =	vmul.f32 v1, v10  }
0x16a: {  	v9 =	vor.u32 $0x280, v33;
	v8 =	vmul.f32 v1, v11  }
0x16b: {  	[tilespmem:v7+s12+$0x0] =	vst.idx.msk $0xffff, v5;
	v5 =	vor.u32 $0x504, v0  }
0x16c: {  	[tilespmem:v4+s12+$0x0] =	vst.idx.msk $0xffff, v8;
	v4 =	vor.u32 $0x284, v33  }
0x16d: {  	[tilespmem:v3+s12+$0x0] =	vst.idx.msk $0xffff, v1  }
0x16e: {  	v1 =	vld.idx.msk [tilespmem:v6+s17+$0x0], $0xffff  }
0x16f: {  	v3 =	vor.u32 $0x508, v0;
	v7 =	vld.idx.msk [tilespmem:v9+s18+$0x0], $0xffff  }
0x170: {  	v8 =	vor.u32 $0x509, v0;
	v9 =	vld.idx.msk [tilespmem:v5+s17+$0x0], $0xffff  }
0x171: {  	v4 =	vld.idx.msk [tilespmem:v4+s18+$0x0], $0xffff;
	_ =	sdelay $0x2  }
0x172: {  	v10 =	vld.idx.msk [tilespmem:v3+s17+$0x0], $0xffff  }
0x173: {  	v11 =	vld.idx.msk [tilespmem:v8+s17+$0x0], $0xffff;
	v1 =	vmul.f32 v7, v1  }
0x174: {  	v4 =	vmul.f32 v4, v9  }
0x175: {  	vm4 =	vgt.f32 v1, $1.000000000e+00  }
0x176: {  	v1 =	vsel vm4, v1, v4  }
0x177: {  	v7 =	vor.u32 $0x501, v0;
	v4 =	vmul.f32 v1, v10  }
0x178: {  	v12 =	vor.u32 $0x281, v33;
	v9 =	vmul.f32 v1, v11  }
0x179: {  	[tilespmem:v6+s12+$0x0] =	vst.idx.msk $0xffff, v4;
	v4 =	vor.u32 $0x505, v0  }
0x17a: {  	[tilespmem:v5+s12+$0x0] =	vst.idx.msk $0xffff, v9;
	v9 =	vor.u32 $0x285, v33  }
0x17b: {  	[tilespmem:v3+s12+$0x0] =	vst.idx.msk $0xffff, v1  }
0x17c: {  	v1 =	vld.idx.msk [tilespmem:v7+s17+$0x0], $0xffff  }
0x17d: {  	v3 =	vld.idx.msk [tilespmem:v12+s18+$0x0], $0xffff  }
0x17e: {  	v6 =	vld.idx.msk [tilespmem:v4+s17+$0x0], $0xffff  }
0x17f: {  	v5 =	vld.idx.msk [tilespmem:v9+s18+$0x0], $0xffff;
	_ =	sdelay $0x3  }
0x180: {  	v1 =	vmul.f32 v3, v1  }
0x181: {  	v3 =	vmul.f32 v5, v6  }
0x182: {  	vm5 =	vgt.f32 v1, $1.000000000e+00  }
0x183: {  	v1 =	vsel vm5, v1, v3  }
0x184: {  	v5 =	vor.u32 $0x502, v0;
	v3 =	vmul.f32 v1, v10  }
0x185: {  	v9 =	vor.u32 $0x282, v33;
	v6 =	vmul.f32 v1, v11  }
0x186: {  	[tilespmem:v7+s12+$0x0] =	vst.idx.msk $0xffff, v3;
	v3 =	vor.u32 $0x506, v0  }
0x187: {  	[tilespmem:v4+s12+$0x0] =	vst.idx.msk $0xffff, v6;
	v4 =	vor.u32 $0x286, v33  }
0x188: {  	[tilespmem:v8+s12+$0x0] =	vst.idx.msk $0xffff, v1  }
0x189: {  	v1 =	vld.idx.msk [tilespmem:v5+s17+$0x0], $0xffff  }
0x18a: {  	v6 =	vld.idx.msk [tilespmem:v9+s18+$0x0], $0xffff  }
0x18b: {  	v7 =	vld.idx.msk [tilespmem:v3+s17+$0x0], $0xffff  }
0x18c: {  	v4 =	vld.idx.msk [tilespmem:v4+s18+$0x0], $0xffff;
	_ =	sdelay $0x3  }
0x18d: {  	v1 =	vmul.f32 v6, v1  }
0x18e: {  	v4 =	vmul.f32 v4, v7  }
0x18f: {  	vm6 =	vgt.f32 v1, $1.000000000e+00  }
0x190: {  	v1 =	vsel vm6, v1, v4;
	v4 =	vor.u32 $0x50A, v0  }
0x191: {  	v7 =	vor.u32 $0x503, v0;
	v6 =	vmul.f32 v1, v10  }
0x192: {  	v9 =	vor.u32 $0x283, v33;
	v8 =	vmul.f32 v1, v11  }
0x193: {  	[tilespmem:v5+s12+$0x0] =	vst.idx.msk $0xffff, v6;
	v5 =	vor.u32 $0x507, v0  }
0x194: {  	[tilespmem:v3+s12+$0x0] =	vst.idx.msk $0xffff, v8;
	v3 =	vor.u32 $0x287, v33  }
0x195: {  	[tilespmem:v4+s12+$0x0] =	vst.idx.msk $0xffff, v1  }
0x196: {  	v1 =	vld.idx.msk [tilespmem:v7+s17+$0x0], $0xffff  }
0x197: {  	v4 =	vld.idx.msk [tilespmem:v9+s18+$0x0], $0xffff  }
0x198: {  	v6 =	vld.idx.msk [tilespmem:v5+s17+$0x0], $0xffff  }
0x199: {  	v3 =	vld.idx.msk [tilespmem:v3+s18+$0x0], $0xffff;
	_ =	sdelay $0x3  }
0x19a: {  	v1 =	vmul.f32 v4, v1  }
0x19b: {  	v3 =	vmul.f32 v3, v6  }
0x19c: {  	vm7 =	vgt.f32 v1, $1.000000000e+00  }
0x19d: {  	v1 =	vsel vm7, v1, v3;
	v3 =	vor.u32 $0x50B, v0  }
0x19e: {  	v6 =	vor.u32 $0x600, v0;
	v4 =	vmul.f32 v1, v10  }
0x19f: {  	v9 =	vor.u32 $0x300, v33;
	v8 =	vmul.f32 v1, v11  }
0x1a0: {  	[tilespmem:v7+s12+$0x0] =	vst.idx.msk $0xffff, v4;
	v4 =	vor.u32 $0x604, v0  }
0x1a1: {  	[tilespmem:v5+s12+$0x0] =	vst.idx.msk $0xffff, v8;
	v5 =	vor.u32 $0x304, v33  }
0x1a2: {  	[tilespmem:v3+s12+$0x0] =	vst.idx.msk $0xffff, v1  }
0x1a3: {  	v1 =	vld.idx.msk [tilespmem:v6+s17+$0x0], $0xffff  }
0x1a4: {  	v3 =	vor.u32 $0x608, v0;
	v7 =	vld.idx.msk [tilespmem:v9+s18+$0x0], $0xffff  }
0x1a5: {  	v8 =	vor.u32 $0x609, v0;
	v9 =	vld.idx.msk [tilespmem:v4+s17+$0x0], $0xffff  }
0x1a6: {  	v5 =	vld.idx.msk [tilespmem:v5+s18+$0x0], $0xffff;
	_ =	sdelay $0x2  }
0x1a7: {  	v10 =	vld.idx.msk [tilespmem:v3+s17+$0x0], $0xffff  }
0x1a8: {  	v11 =	vld.idx.msk [tilespmem:v8+s17+$0x0], $0xffff;
	v1 =	vmul.f32 v7, v1  }
0x1a9: {  	v5 =	vmul.f32 v5, v9  }
0x1aa: {  	vm8 =	vgt.f32 v1, $1.000000000e+00  }
0x1ab: {  	v1 =	vsel vm8, v1, v5  }
0x1ac: {  	v7 =	vor.u32 $0x601, v0;
	v5 =	vmul.f32 v1, v10  }
0x1ad: {  	v12 =	vor.u32 $0x301, v33;
	v9 =	vmul.f32 v1, v11  }
0x1ae: {  	[tilespmem:v6+s12+$0x0] =	vst.idx.msk $0xffff, v5;
	v5 =	vor.u32 $0x605, v0  }
0x1af: {  	[tilespmem:v4+s12+$0x0] =	vst.idx.msk $0xffff, v9;
	v9 =	vor.u32 $0x305, v33  }
0x1b0: {  	[tilespmem:v3+s12+$0x0] =	vst.idx.msk $0xffff, v1  }
0x1b1: {  	v1 =	vld.idx.msk [tilespmem:v7+s17+$0x0], $0xffff  }
0x1b2: {  	v3 =	vld.idx.msk [tilespmem:v12+s18+$0x0], $0xffff  }
0x1b3: {  	v6 =	vld.idx.msk [tilespmem:v5+s17+$0x0], $0xffff  }
0x1b4: {  	v4 =	vld.idx.msk [tilespmem:v9+s18+$0x0], $0xffff;
	_ =	sdelay $0x3  }
0x1b5: {  	v1 =	vmul.f32 v3, v1  }
0x1b6: {  	v3 =	vmul.f32 v4, v6  }
0x1b7: {  	vm9 =	vgt.f32 v1, $1.000000000e+00  }
0x1b8: {  	v1 =	vsel vm9, v1, v3  }
0x1b9: {  	v4 =	vor.u32 $0x602, v0;
	v3 =	vmul.f32 v1, v10  }
0x1ba: {  	v9 =	vor.u32 $0x302, v33;
	v6 =	vmul.f32 v1, v11  }
0x1bb: {  	[tilespmem:v7+s12+$0x0] =	vst.idx.msk $0xffff, v3;
	v3 =	vor.u32 $0x606, v0  }
0x1bc: {  	[tilespmem:v5+s12+$0x0] =	vst.idx.msk $0xffff, v6;
	v5 =	vor.u32 $0x306, v33  }
0x1bd: {  	[tilespmem:v8+s12+$0x0] =	vst.idx.msk $0xffff, v1  }
0x1be: {  	v1 =	vld.idx.msk [tilespmem:v4+s17+$0x0], $0xffff  }
0x1bf: {  	v6 =	vld.idx.msk [tilespmem:v9+s18+$0x0], $0xffff  }
0x1c0: {  	v7 =	vld.idx.msk [tilespmem:v3+s17+$0x0], $0xffff  }
0x1c1: {  	v5 =	vld.idx.msk [tilespmem:v5+s18+$0x0], $0xffff;
	_ =	sdelay $0x3  }
0x1c2: {  	v1 =	vmul.f32 v6, v1  }
0x1c3: {  	v5 =	vmul.f32 v5, v7  }
0x1c4: {  	vm10 =	vgt.f32 v1, $1.000000000e+00  }
0x1c5: {  	v1 =	vsel vm10, v1, v5;
	v5 =	vor.u32 $0x60A, v0  }
0x1c6: {  	v7 =	vor.u32 $0x603, v0;
	v6 =	vmul.f32 v1, v10  }
0x1c7: {  	v9 =	vor.u32 $0x303, v33;
	v8 =	vmul.f32 v1, v11  }
0x1c8: {  	[tilespmem:v4+s12+$0x0] =	vst.idx.msk $0xffff, v6;
	v4 =	vor.u32 $0x607, v0  }
0x1c9: {  	[tilespmem:v3+s12+$0x0] =	vst.idx.msk $0xffff, v8;
	v3 =	vor.u32 $0x307, v33  }
0x1ca: {  	[tilespmem:v5+s12+$0x0] =	vst.idx.msk $0xffff, v1  }
0x1cb: {  	v1 =	vld.idx.msk [tilespmem:v7+s17+$0x0], $0xffff  }
0x1cc: {  	v5 =	vld.idx.msk [tilespmem:v9+s18+$0x0], $0xffff  }
0x1cd: {  	v6 =	vld.idx.msk [tilespmem:v4+s17+$0x0], $0xffff  }
0x1ce: {  	v3 =	vld.idx.msk [tilespmem:v3+s18+$0x0], $0xffff;
	_ =	sdelay $0x3  }
0x1cf: {  	v1 =	vmul.f32 v5, v1  }
0x1d0: {  	v3 =	vmul.f32 v3, v6  }
0x1d1: {  	vm11 =	vgt.f32 v1, $1.000000000e+00  }
0x1d2: {  	v1 =	vsel vm11, v1, v3;
	v3 =	vor.u32 $0x60B, v0  }
0x1d3: {  	v6 =	vor.u32 $0x700, v0;
	v5 =	vmul.f32 v1, v10  }
0x1d4: {  	v9 =	vor.u32 $0x380, v33;
	v8 =	vmul.f32 v1, v11  }
0x1d5: {  	[tilespmem:v7+s12+$0x0] =	vst.idx.msk $0xffff, v5;
	v5 =	vor.u32 $0x704, v0  }
0x1d6: {  	[tilespmem:v4+s12+$0x0] =	vst.idx.msk $0xffff, v8;
	v4 =	vor.u32 $0x384, v33  }
0x1d7: {  	[tilespmem:v3+s12+$0x0] =	vst.idx.msk $0xffff, v1  }
0x1d8: {  	v1 =	vld.idx.msk [tilespmem:v6+s17+$0x0], $0xffff  }
0x1d9: {  	v3 =	vor.u32 $0x708, v0;
	v7 =	vld.idx.msk [tilespmem:v9+s18+$0x0], $0xffff  }
0x1da: {  	v8 =	vor.u32 $0x709, v0;
	v9 =	vld.idx.msk [tilespmem:v5+s17+$0x0], $0xffff  }
0x1db: {  	v4 =	vld.idx.msk [tilespmem:v4+s18+$0x0], $0xffff;
	_ =	sdelay $0x2  }
0x1dc: {  	v10 =	vld.idx.msk [tilespmem:v3+s17+$0x0], $0xffff  }
0x1dd: {  	v11 =	vld.idx.msk [tilespmem:v8+s17+$0x0], $0xffff;
	v1 =	vmul.f32 v7, v1  }
0x1de: {  	v4 =	vmul.f32 v4, v9  }
0x1df: {  	vm12 =	vgt.f32 v1, $1.000000000e+00  }
0x1e0: {  	v1 =	vsel vm12, v1, v4  }
0x1e1: {  	v7 =	vor.u32 $0x701, v0;
	v4 =	vmul.f32 v1, v10  }
0x1e2: {  	v12 =	vor.u32 $0x381, v33;
	v9 =	vmul.f32 v1, v11  }
0x1e3: {  	[tilespmem:v6+s12+$0x0] =	vst.idx.msk $0xffff, v4;
	v4 =	vor.u32 $0x705, v0  }
0x1e4: {  	[tilespmem:v5+s12+$0x0] =	vst.idx.msk $0xffff, v9;
	v9 =	vor.u32 $0x385, v33  }
0x1e5: {  	[tilespmem:v3+s12+$0x0] =	vst.idx.msk $0xffff, v1  }
0x1e6: {  	v1 =	vld.idx.msk [tilespmem:v7+s17+$0x0], $0xffff  }
0x1e7: {  	v3 =	vld.idx.msk [tilespmem:v12+s18+$0x0], $0xffff  }
0x1e8: {  	v6 =	vld.idx.msk [tilespmem:v4+s17+$0x0], $0xffff  }
0x1e9: {  	v5 =	vld.idx.msk [tilespmem:v9+s18+$0x0], $0xffff;
	_ =	sdelay $0x3  }
0x1ea: {  	v1 =	vmul.f32 v3, v1  }
0x1eb: {  	v3 =	vmul.f32 v5, v6  }
0x1ec: {  	vm13 =	vgt.f32 v1, $1.000000000e+00  }
0x1ed: {  	v1 =	vsel vm13, v1, v3  }
0x1ee: {  	v5 =	vor.u32 $0x702, v0;
	v3 =	vmul.f32 v1, v10  }
0x1ef: {  	v9 =	vor.u32 $0x382, v33;
	v6 =	vmul.f32 v1, v11  }
0x1f0: {  	[tilespmem:v7+s12+$0x0] =	vst.idx.msk $0xffff, v3;
	v3 =	vor.u32 $0x706, v0  }
0x1f1: {  	[tilespmem:v4+s12+$0x0] =	vst.idx.msk $0xffff, v6;
	v4 =	vor.u32 $0x386, v33  }
0x1f2: {  	[tilespmem:v8+s12+$0x0] =	vst.idx.msk $0xffff, v1  }
0x1f3: {  	v1 =	vld.idx.msk [tilespmem:v5+s17+$0x0], $0xffff  }
0x1f4: {  	v6 =	vld.idx.msk [tilespmem:v9+s18+$0x0], $0xffff  }
0x1f5: {  	v7 =	vld.idx.msk [tilespmem:v3+s17+$0x0], $0xffff  }
0x1f6: {  	v4 =	vld.idx.msk [tilespmem:v4+s18+$0x0], $0xffff;
	_ =	sdelay $0x3  }
0x1f7: {  	v1 =	vmul.f32 v6, v1  }
0x1f8: {  	v4 =	vmul.f32 v4, v7  }
0x1f9: {  	vm14 =	vgt.f32 v1, $1.000000000e+00  }
0x1fa: {  	v1 =	vsel vm14, v1, v4;
	v4 =	vor.u32 $0x70A, v0  }
0x1fb: {  	v7 =	vor.u32 $0x703, v0;
	v6 =	vmul.f32 v1, v10  }
0x1fc: {  	v9 =	vor.u32 $0x383, v33;
	v8 =	vmul.f32 v1, v11  }
0x1fd: {  	[tilespmem:v5+s12+$0x0] =	vst.idx.msk $0xffff, v6;
	v5 =	vor.u32 $0x707, v0  }
0x1fe: {  	[tilespmem:v3+s12+$0x0] =	vst.idx.msk $0xffff, v8;
	v3 =	vor.u32 $0x387, v33  }
0x1ff: {  	[tilespmem:v4+s12+$0x0] =	vst.idx.msk $0xffff, v1  }
0x200: {  	v1 =	vld.idx.msk [tilespmem:v7+s17+$0x0], $0xffff  }
0x201: {  	v4 =	vld.idx.msk [tilespmem:v9+s18+$0x0], $0xffff  }
0x202: {  	v6 =	vld.idx.msk [tilespmem:v5+s17+$0x0], $0xffff  }
0x203: {  	v3 =	vld.idx.msk [tilespmem:v3+s18+$0x0], $0xffff;
	_ =	sdelay $0x3  }
0x204: {  	v1 =	vmul.f32 v4, v1  }
0x205: {  	v3 =	vmul.f32 v3, v6  }
0x206: {  	vm15 =	vgt.f32 v1, $1.000000000e+00  }
0x207: {  	v1 =	vsel vm15, v1, v3;
	v3 =	vor.u32 $0x70B, v0  }
0x208: {  	v10 =	vmul.f32 v1, v10  }
0x209: {  	v11 =	vmul.f32 v1, v11  }
0x20a: {  	[tilespmem:v7+s12+$0x0] =	vst.idx.msk $0xffff, v10  }
0x20b: {  	p0 =	sne.s32 s20, $0x1860;
	[tilespmem:v5+s12+$0x0] =	vst.idx.msk $0xffff, v11  }
.Ltmp1:
0x20c: {  	[tilespmem:v3+s12+$0x0] =	vst.idx.msk $0xffff, v1;
	(pc) =	sbr.rel @p0 .LBB2_4-.Ltmp1, $4  }
0x20d: {  	[spmem:s2] =	stream.indirect.scatter.add.f32 [tilespmem:s12], [sflag:$0x1], $0x10, s15, s16, $0xb8;
	[tilespmem:$0x19D00] =	vst v63  }
0x20e: {  	_ =	swait.ge [sflag:s13], $0x800  }
0x20f: {  	[sflag:s13] =	ssyncset.done $0x0  }
0x210: {  	s20 =	sadd.s32 $0x10, s20;
	[sflag:s13] =	ssyncadd.s32 $0xFFFFF800  }
0x211: {  	[bflag:$0x0] =	sbarrier.arrive $0xFFFF  }
0x212: {  	[tilespmem:s12], [sflag:$0x1] =	stream.linear.gather [spmem:s8], $0x800, $0x38;
	[tilespmem:$0x19D00] =	vst v63  }
0x213: {  	_ =	swait.ge [sflag:s13], $0x800  }
0x214: {  	[sflag:s13] =	ssyncset.done $0x0  }
0x215: {  	s20 =	sadd.s32 $0x0, s11;
	[sflag:s13] =	ssyncadd.s32 $0xFFFFF800  }
0x216: {  	[hbm4b:s20+s3] =	stream.linear.scatter [tilespmem:s12], [sflag:$0x1], $0x800, $0x38;
	[tilespmem:$0x19D00] =	vst v63  }
0x217: {  	_ =	swait.ge [sflag:s13], $0x800  }
0x218: {  	s21 =	smov.u32 s8;
	s20 =	simm.s32 $0x100;
	[sflag:s13] =	ssyncset.done $0x0  }
.LBB2_6:
0x219: {  	p0 =	sne.s32 s20, $0x3000;
	[sflag:s13] =	ssyncadd.s32 $0xFFFFF800;
	s21 =	sadd.s32 $0x800, s21  }
0x21a: {  	[tilespmem:s12], [sflag:$0x1] =	stream.linear.gather [spmem:s21], $0x800, $0x38;
	[tilespmem:$0x19D00] =	vst v63  }
0x21b: {  	s22 =	smov.u32 s20;
	s20 =	sadd.s32 $0x100, s20;
	_ =	swait.ge [sflag:s13], $0x800  }
.Ltmp2:
0x21c: {  	[sflag:s13] =	ssyncset.done $0x0;
	(pc) =	sbr.rel @p0 .LBB2_6-.Ltmp2, $4  }
0x21d: {  	s22 =	sadd.s32 s22, s11;
	[sflag:s13] =	ssyncadd.s32 $0xFFFFF800  }
0x21e: {  	[hbm4b:s22+s3] =	stream.linear.scatter [tilespmem:s12], [sflag:$0x1], $0x800, $0x38;
	[tilespmem:$0x19D00] =	vst v63  }
0x21f: {  	_ =	swait.ge [sflag:s13], $0x800  }
0x220: {  	[sflag:s13] =	ssyncset.done $0x0  }
0x221: {  	s19 =	sadd.s32 $0x1, s19  }
0x222: {  	p0 =	sne.s32 s19, s6  }
.Ltmp3:
0x223: {  	_ = 	snop;
	(pc) =	sbr.rel @p0 .LBB2_1-.Ltmp3, $2  }
0x224: {  	_ =	sdelay $0x2  }
0x225: {  	[sflag:s13] =	ssyncadd.s32 $0xFFFFF800  }
0x226: {  	_ =	sfence.sel $0x180000  }
0x227: {  	[bflag:$0x0] =	sbarrier.arrive $0xFFFF  }
0x228: {  	p0 =	sne.s32 s0, $0x0;
	_ =	strace $0x90000047  }
0x229: {  	s0 =	sadd.s32 @!p0 $0x100000, s1;
	[bflag:$0x2] =	sbarrier.arrive $0xFFFF  }
0x22a: {  	[sflag:s0] =	ssyncadd.tile.s32 @!p0 $0x1;
	_ =	shalt  }
.Lfunc_end2:
_tile_overlayer_lowered:
.L_overlay_start_2:
0x22b: {  	(tag) =	ssettag $0x2  }
0x22c: {  	s0 =	rddreg [dreg:$0x0];
	s2 =	stileid.u32  }
0x22d: {  	s1 =	rddreg [dreg:$0x1];
	p0 =	sne.s32 s2, $0x0  }
0x22e: {  	s3 =	rddreg [dreg:$0x2];
	[bflag:$0x3] =	sbarrier.arrive $0xFFFF;
	s2 =	simm.s32 @!p0 $0x1C01  }
0x22f: {  	[timem:s3], [sflag:s2] =	dma.local @!p0 [hbm:s0], s1  }
0x230: {  	s0 =	simm.s32 @!p0 $0x1  }
0x231: {  	_ =	swait.ge @!p0 [sflag:s0], s1  }
0x232: {  	s1 =	ssub.s32 @!p0 $0x0, s1;
	[sflag:s0] =	ssyncset.done @!p0 $0x0  }
0x233: {  	[sflag:s0] =	ssyncadd.s32 @!p0 s1  }
0x234: {  	[bflag:$0x3] =	sbarrier.arrive $0xFFFF  }
0x235: {  	_ =	shalt  }

</sc_bundles>
